<compile_context>
chip_gen: v7x
topology: tpu7x:2x2x1
jax: 0.10.2.dev20260603
libtpu: 0.0.44.dev20260713+nightly
codegen_flags: <defaults>
</compile_context>

<pallas_src>
import jax
import jax.numpy as jnp
from jax import lax
from jax.experimental import pallas as pl
from jax.experimental.pallas import tpu as pltpu
from jax.experimental.pallas import tpu_sc as plsc

N = 10000
E = 320000
G = 8
DN = 128
DE = 16
DG = 32
HE = 32
HN = 32

NC = 2
NS = 16
NW = NC * NS
EPW = E // NW
CH = 80
NCH = EPW // CH
NB = 1000
EB = 4000

_f32 = jnp.float32
_i32 = jnp.int32


def _k1_body(x_ref, b_ref, wst_ref, wdt_ref, wgt_ref, gf_ref, be1_ref,
             a_ref, bb_ref):
    x = x_ref[...]
    oh = (b_ref[...] == lax.broadcasted_iota(_i32, (1, G), 1)).astype(_f32)
    ga = jnp.dot(gf_ref[...], wgt_ref[...], preferred_element_type=_f32)
    a = jnp.dot(x, wst_ref[...], preferred_element_type=_f32)
    a = a + jnp.dot(oh, ga, preferred_element_type=_f32) + be1_ref[...]
    a_ref[...] = a
    bb_ref[...] = jnp.dot(x, wdt_ref[...], preferred_element_type=_f32)


def _make_tables(x, batch2d, WsT, WdT, WgT, gf, be1):
    nblk = N // NB
    return pl.pallas_call(
        _k1_body,
        grid=(nblk,),
        in_specs=[
            pl.BlockSpec((NB, DN), lambda i: (i, 0)),
            pl.BlockSpec((NB, 1), lambda i: (i, 0)),
            pl.BlockSpec((DN, HE), lambda i: (0, 0)),
            pl.BlockSpec((DN, HE), lambda i: (0, 0)),
            pl.BlockSpec((DG, HE), lambda i: (0, 0)),
            pl.BlockSpec((G, DG), lambda i: (0, 0)),
            pl.BlockSpec((1, HE), lambda i: (0, 0)),
        ],
        out_specs=[
            pl.BlockSpec((NB, HE), lambda i: (i, 0)),
            pl.BlockSpec((NB, HE), lambda i: (i, 0)),
        ],
        out_shape=[
            jax.ShapeDtypeStruct((N, HE), _f32),
            jax.ShapeDtypeStruct((N, HE), _f32),
        ],
    )(x, batch2d, WsT, WdT, WgT, gf, be1)


CPR = CH * HE // 128


def _sc_gather_body(a_hbm, b_hbm, src_hbm, dst_hbm, z16_hbm, ones_hbm,
                    s4_hbm, cd_hbm, cs_hbm,
                    idxs, idxd, ra0, ra1, rb0, rb1, ob0, ob1, ones_v,
                    cnt_d, cnt_s,
                    sga0, sga1, sgb0, sgb1, sst0, sst1,
                    scd0, scd1, scs0, scs1):
    cid = lax.axis_index("c")
    tid = lax.axis_index("s")
    wid = cid * NS + tid
    row0 = wid * NCH
    npt = N // NS
    slt = pl.ds(tid * npt, npt)
    pltpu.sync_copy(z16_hbm.at[slt], cnt_d.at[slt])
    pltpu.sync_copy(z16_hbm.at[slt], cnt_s.at[slt])
    pltpu.sync_copy(ones_hbm, ones_v)
    pltpu.sync_copy(src_hbm.at[pl.ds(row0, NCH)], idxs)
    pltpu.sync_copy(dst_hbm.at[pl.ds(row0, NCH)], idxd)
    plsc.subcore_barrier()

    ra = (ra0, ra1)
    rb = (rb0, rb1)
    ob = (ob0, ob1)
    sga = (sga0, sga1)
    sgb = (sgb0, sgb1)
    sst = (sst0, sst1)
    scd = (scd0, scd1)
    scs = (scs0, scs1)

    def issue_cnt(j, b):
        pltpu.async_copy(ones_v, cnt_d.at[idxd.at[j]], scd[b], add=True)
        pltpu.async_copy(ones_v, cnt_s.at[idxs.at[j]], scs[b], add=True)

    def wait_cnt(b):
        pltpu.make_async_copy(ones_v, cnt_d.at[idxd.at[0]], scd[b]).wait()
        pltpu.make_async_copy(ones_v, cnt_s.at[idxs.at[0]], scs[b]).wait()

    def issue_gather(j, b):
        pltpu.async_copy(a_hbm.at[idxs.at[j]], ra[b], sga[b])
        pltpu.async_copy(b_hbm.at[idxd.at[j]], rb[b], sgb[b])

    def wait_gather(b):
        pltpu.make_async_copy(a_hbm.at[idxs.at[0]], ra[b], sga[b]).wait()
        pltpu.make_async_copy(b_hbm.at[idxd.at[0]], rb[b], sgb[b]).wait()

    def add_repack(b):
        def rows(p, carry):
            for m in range(4):
                for h in range(2):
                    v = (ra[b][4 * p + m, pl.ds(16 * h, 16)]
                         + rb[b][4 * p + m, pl.ds(16 * h, 16)])
                    ob[b][p, pl.ds(32 * m + 16 * h, 16)] = v
            return carry
        lax.fori_loop(0, CPR, rows, 0)

    def issue_store(j, b):
        off = wid * (NCH * CPR) + j * CPR
        pltpu.async_copy(ob[b], s4_hbm.at[pl.ds(off, CPR)], sst[b])

    def wait_store(b):
        pltpu.make_async_copy(ob[b], s4_hbm.at[pl.ds(0, CPR)], sst[b]).wait()

    def step(j, b, first, last):
        wait_gather(b)
        if not first:
            wait_store(b)
            wait_cnt(b)
        add_repack(b)
        issue_store(j, b)
        issue_cnt(j, b)
        if not last:
            issue_gather(j + 2, b)

    issue_gather(0, 0)
    issue_gather(1, 1)
    step(0, 0, True, False)
    step(1, 1, True, False)

    def body(m, carry):
        step(2 * m + 2, 0, False, False)
        step(2 * m + 3, 1, False, False)
        return carry

    lax.fori_loop(0, (NCH - 5) // 2, body, 0)
    step(NCH - 3, 0, False, False)
    step(NCH - 2, 1, False, True)
    step(NCH - 1, 0, False, True)
    wait_store(1)
    wait_store(0)
    wait_cnt(1)
    wait_cnt(0)
    plsc.subcore_barrier()
    pltpu.sync_copy(cnt_d.at[slt], cd_hbm.at[cid].at[slt])
    pltpu.sync_copy(cnt_s.at[slt], cs_hbm.at[cid].at[slt])


def _gather_tables(A, B, src2d, dst2d, z16, ones16):
    mesh = plsc.VectorSubcoreMesh(core_axis_name="c", subcore_axis_name="s",
                                  num_cores=NC, num_subcores=NS)
    fn = pl.kernel(
        _sc_gather_body,
        out_type=[
            jax.ShapeDtypeStruct((E * HE // 128, 128), _f32),
            jax.ShapeDtypeStruct((NC, N, 16), _f32),
            jax.ShapeDtypeStruct((NC, N, 16), _f32),
        ],
        mesh=mesh,
        scratch_types=[
            pltpu.VMEM((NCH, CH), _i32),
            pltpu.VMEM((NCH, CH), _i32),
            pltpu.VMEM((CH, HE), _f32),
            pltpu.VMEM((CH, HE), _f32),
            pltpu.VMEM((CH, HE), _f32),
            pltpu.VMEM((CH, HE), _f32),
            pltpu.VMEM((CPR, 128), _f32),
            pltpu.VMEM((CPR, 128), _f32),
            pltpu.VMEM((CH, 16), _f32),
            pltpu.VMEM_SHARED((N, 16), _f32),
            pltpu.VMEM_SHARED((N, 16), _f32),
        ] + [pltpu.SemaphoreType.DMA] * 10,
        compiler_params=pltpu.CompilerParams(use_tc_tiling_on_sc=False),
    )
    return fn(A, B, src2d, dst2d, z16, ones16)


def _k3_body(s4_ref, ea_ref, wc_ref, w2_ref, b2_ref, w3_ref, b3_ref,
             he_ref):
    c = jnp.dot(ea_ref[...], wc_ref[...], preferred_element_type=_f32)
    h1 = jax.nn.softplus(s4_ref[...] + c)
    h2 = jax.nn.softplus(
        jnp.dot(h1, w2_ref[...], preferred_element_type=_f32) + b2_ref[...])
    he_ref[...] = (
        jnp.dot(h2, w3_ref[...], preferred_element_type=_f32) + b3_ref[...])


def _edge_mlp(s4, ea4, WC4, W24, b24, W34, b34):
    rows = E // 4
    nblk = rows // EB
    return pl.pallas_call(
        _k3_body,
        grid=(nblk,),
        in_specs=[
            pl.BlockSpec((EB, 128), lambda i: (i, 0)),
            pl.BlockSpec((EB, 64), lambda i: (i, 0)),
            pl.BlockSpec((64, 128), lambda i: (0, 0)),
            pl.BlockSpec((128, 128), lambda i: (0, 0)),
            pl.BlockSpec((1, 128), lambda i: (0, 0)),
            pl.BlockSpec((128, 128), lambda i: (0, 0)),
            pl.BlockSpec((1, 128), lambda i: (0, 0)),
        ],
        out_specs=pl.BlockSpec((EB, 128), lambda i: (i, 0)),
        out_shape=jax.ShapeDtypeStruct((rows, 128), _f32),
    )(s4, ea4, WC4, W24, b24, W34, b34)


def _block_diag4(w):
    a, b = w.shape
    out = jnp.zeros((4 * a, 4 * b), w.dtype)
    for k in range(4):
        out = out.at[k * a:(k + 1) * a, k * b:(k + 1) * b].set(w)
    return out


def _sc_scatter_body(he_hbm, src_hbm, dst_hbm, z32_hbm,
                     sum_d_hbm, sum_s_hbm,
                     idxs, idxd, hb0, hb1, r0, r1,
                     acc_d, acc_s,
                     sl0, sl1, sd0, sd1, ss0, ss1):
    cid = lax.axis_index("c")
    tid = lax.axis_index("s")
    wid = cid * NS + tid
    row0 = wid * NCH
    npt = N // NS

    sl = pl.ds(tid * npt, npt)
    pltpu.sync_copy(z32_hbm.at[sl], acc_d.at[sl])
    pltpu.sync_copy(z32_hbm.at[sl], acc_s.at[sl])
    pltpu.sync_copy(src_hbm.at[pl.ds(row0, NCH)], idxs)
    pltpu.sync_copy(dst_hbm.at[pl.ds(row0, NCH)], idxd)
    plsc.subcore_barrier()

    hb = (hb0, hb1)
    r = (r0, r1)
    slm = (sl0, sl1)
    sd = (sd0, sd1)
    ss = (ss0, ss1)

    def issue_load(j, b):
        off = wid * (NCH * CPR) + j * CPR
        pltpu.async_copy(he_hbm.at[pl.ds(off, CPR)], hb[b], slm[b])

    def wait_load(b):
        pltpu.make_async_copy(he_hbm.at[pl.ds(0, CPR)], hb[b], slm[b]).wait()

    def repack(b):
        def rows(p, carry):
            for m in range(4):
                for h in range(2):
                    r[b][4 * p + m, pl.ds(16 * h, 16)] = (
                        hb[b][p, pl.ds(32 * m + 16 * h, 16)])
            return carry
        lax.fori_loop(0, CPR, rows, 0)

    def issue_scatter(j, b):
        pltpu.async_copy(r[b], acc_d.at[idxd.at[j]], sd[b], add=True)
        pltpu.async_copy(r[b], acc_s.at[idxs.at[j]], ss[b], add=True)

    def wait_scatter(b):
        pltpu.make_async_copy(r[b], acc_d.at[idxd.at[0]], sd[b]).wait()
        pltpu.make_async_copy(r[b], acc_s.at[idxs.at[0]], ss[b]).wait()

    def step(j, b, first, last):
        wait_load(b)
        if not first:
            wait_scatter(b)
        repack(b)
        issue_scatter(j, b)
        if not last:
            issue_load(j + 2, b)

    issue_load(0, 0)
    issue_load(1, 1)
    step(0, 0, True, False)
    step(1, 1, True, False)

    def body(m, carry):
        step(2 * m + 2, 0, False, False)
        step(2 * m + 3, 1, False, False)
        return carry

    lax.fori_loop(0, (NCH - 5) // 2, body, 0)
    step(NCH - 3, 0, False, False)
    step(NCH - 2, 1, False, True)
    step(NCH - 1, 0, False, True)
    wait_scatter(1)
    wait_scatter(0)
    plsc.subcore_barrier()

    pltpu.sync_copy(acc_d.at[sl], sum_d_hbm.at[cid].at[sl])
    pltpu.sync_copy(acc_s.at[sl], sum_s_hbm.at[cid].at[sl])


def _scatter_edges(he, src2d, dst2d, z32):
    mesh = plsc.VectorSubcoreMesh(core_axis_name="c", subcore_axis_name="s",
                                  num_cores=NC, num_subcores=NS)
    fn = pl.kernel(
        _sc_scatter_body,
        out_type=[
            jax.ShapeDtypeStruct((NC, N, HE), _f32),
            jax.ShapeDtypeStruct((NC, N, HE), _f32),
        ],
        mesh=mesh,
        scratch_types=[
            pltpu.VMEM((NCH, CH), _i32),
            pltpu.VMEM((NCH, CH), _i32),
            pltpu.VMEM((CPR, 128), _f32),
            pltpu.VMEM((CPR, 128), _f32),
            pltpu.VMEM((CH, HE), _f32),
            pltpu.VMEM((CH, HE), _f32),
            pltpu.VMEM_SHARED((N, HE), _f32),
            pltpu.VMEM_SHARED((N, HE), _f32),
        ] + [pltpu.SemaphoreType.DMA] * 6,
        compiler_params=pltpu.CompilerParams(use_tc_tiling_on_sc=False),
    )
    return fn(he, src2d, dst2d, z32)


def _k5_body(x_ref, b_ref, sd_ref, cd_ref, ss_ref, cs_ref,
             wn1a_ref, wn1b_ref, wgt_ref, gf_ref, bn1_ref,
             wn2_ref, bn2_ref, wn3_ref, bn3_ref,
             wg1_ref, bg1_ref, wg2_ref, bg2_ref, wg3_ref, bg3_ref,
             hn_ref, hu_ref,
             acc_es, acc_ec, acc_ns, acc_nc):
    i = pl.program_id(0)

    @pl.when(i == 0)
    def _():
        acc_es[...] = jnp.zeros_like(acc_es)
        acc_ec[...] = jnp.zeros_like(acc_ec)
        acc_ns[...] = jnp.zeros_like(acc_ns)
        acc_nc[...] = jnp.zeros_like(acc_nc)

    x = x_ref[...]
    oh = (b_ref[...] == lax.broadcasted_iota(_i32, (1, G), 1)).astype(_f32)
    sd = sd_ref[0] + sd_ref[1]
    cd = cd_ref[0][:, 0:1] + cd_ref[1][:, 0:1]
    e_mean = sd / jnp.maximum(cd, 1.0)
    gn = jnp.dot(gf_ref[...], wgt_ref[...], preferred_element_type=_f32)
    h1 = jnp.dot(x, wn1a_ref[...], preferred_element_type=_f32)
    h1 = h1 + jnp.dot(e_mean, wn1b_ref[...], preferred_element_type=_f32)
    h1 = h1 + jnp.dot(oh, gn, preferred_element_type=_f32) + bn1_ref[...]
    h1 = jax.nn.softplus(h1)
    h2 = jax.nn.softplus(
        jnp.dot(h1, wn2_ref[...], preferred_element_type=_f32) + bn2_ref[...])
    hn = jnp.dot(h2, wn3_ref[...], preferred_element_type=_f32) + bn3_ref[...]
    hn_ref[...] = hn

    ss = ss_ref[0] + ss_ref[1]
    cs = cs_ref[0][:, 0:1] + cs_ref[1][:, 0:1]
    dn = (((0,), (0,)), ((), ()))
    acc_es[...] += lax.dot_general(oh, ss, dn, preferred_element_type=_f32)
    acc_ec[...] += lax.dot_general(oh, cs, dn, preferred_element_type=_f32)
    acc_ns[...] += lax.dot_general(oh, hn, dn, preferred_element_type=_f32)
    acc_nc[...] += lax.dot_general(oh, jnp.ones_like(cs), dn,
                                   preferred_element_type=_f32)

    e_mg = acc_es[...] / jnp.maximum(acc_ec[...], 1.0)
    n_mg = acc_ns[...] / jnp.maximum(acc_nc[...], 1.0)
    gin = jnp.concatenate([e_mg, n_mg, gf_ref[...]], axis=1)
    g1 = jax.nn.softplus(
        jnp.dot(gin, wg1_ref[...], preferred_element_type=_f32) + bg1_ref[...])
    g2 = jax.nn.softplus(
        jnp.dot(g1, wg2_ref[...], preferred_element_type=_f32) + bg2_ref[...])
    hu_ref[...] = (
        jnp.dot(g2, wg3_ref[...], preferred_element_type=_f32) + bg3_ref[...])


def _node_global(x, batch2d, sum_d, cnt_d, sum_s, cnt_s,
                 Wn1aT, Wn1bT, WgnT, gf, bn1, Wn2T, bn2, Wn3T, bn3,
                 Wg1T, bg1, Wg2T, bg2, Wg3T, bg3):
    nblk = N // NB
    const = lambda shape: pl.BlockSpec(shape, lambda i: tuple(0 for _ in shape))
    return pl.pallas_call(
        _k5_body,
        grid=(nblk,),
        in_specs=[
            pl.BlockSpec((NB, DN), lambda i: (i, 0)),
            pl.BlockSpec((NB, 1), lambda i: (i, 0)),
            pl.BlockSpec((NC, NB, HE), lambda i: (0, i, 0)),
            pl.BlockSpec((NC, NB, 16), lambda i: (0, i, 0)),
            pl.BlockSpec((NC, NB, HE), lambda i: (0, i, 0)),
            pl.BlockSpec((NC, NB, 16), lambda i: (0, i, 0)),
            const((DN, HN)),
            const((HE, HN)),
            const((DG, HN)),
            const((G, DG)),
            const((1, HN)),
            const((HN, HN)),
            const((1, HN)),
            const((HN, HN)),
            const((1, HN)),
            const((HN + HE + DG, DG)),
            const((1, DG)),
            const((DG, DG)),
            const((1, DG)),
            const((DG, DG)),
            const((1, DG)),
        ],
        out_specs=[
            pl.BlockSpec((NB, HN), lambda i: (i, 0)),
            pl.BlockSpec((G, DG), lambda i: (0, 0)),
        ],
        out_shape=[
            jax.ShapeDtypeStruct((N, HN), _f32),
            jax.ShapeDtypeStruct((G, DG), _f32),
        ],
        scratch_shapes=[
            pltpu.VMEM((G, DG), _f32),
            pltpu.VMEM((G, 1), _f32),
            pltpu.VMEM((G, HN), _f32),
            pltpu.VMEM((G, 1), _f32),
        ],
        compiler_params=pltpu.CompilerParams(
            dimension_semantics=("arbitrary",)),
    )(x, batch2d, sum_d, cnt_d, sum_s, cnt_s,
      Wn1aT, Wn1bT, WgnT, gf, bn1, Wn2T, bn2, Wn3T, bn3,
      Wg1T, bg1, Wg2T, bg2, Wg3T, bg3)


def kernel(edge_index, x, edge_attr, global_feats, batch,
           We1, be1, We2, be2, We3, be3,
           Wn1, bn1, Wn2, bn2, Wn3, bn3,
           Wg1, bg1, Wg2, bg2, Wg3, bg3):
    src = edge_index[0].astype(_i32)
    dst = edge_index[1].astype(_i32)
    src2d = src.reshape(E // CH, CH)
    dst2d = dst.reshape(E // CH, CH)
    batch2d = batch.astype(_i32).reshape(N, 1)

    WsT = We1[:, :DN].T
    WdT = We1[:, DN:2 * DN].T
    WcT = We1[:, 2 * DN:2 * DN + DE].T
    WgeT = We1[:, 2 * DN + DE:].T

    A, B = _make_tables(x, batch2d, WsT, WdT, WgeT, global_feats,
                        be1.reshape(1, HE))
    z16 = jnp.zeros((N, 16), _f32)
    ones16 = jnp.ones((CH, 16), _f32)
    s4, cnt_d, cnt_s = _gather_tables(A, B, src2d, dst2d, z16, ones16)
    he4 = _edge_mlp(s4, edge_attr.reshape(E // 4, 64),
                    _block_diag4(WcT), _block_diag4(We2.T),
                    jnp.tile(be2, 4).reshape(1, 128),
                    _block_diag4(We3.T), jnp.tile(be3, 4).reshape(1, 128))
    h_e = he4.reshape(E, HE)

    z32 = jnp.zeros((N, HE), _f32)
    sum_d, sum_s = _scatter_edges(he4, src2d, dst2d, z32)

    Wn1aT = Wn1[:, :DN].T
    Wn1bT = Wn1[:, DN:DN + HE].T
    WgnT = Wn1[:, DN + HE:].T
    h_n, h_u = _node_global(
        x, batch2d, sum_d, cnt_d, sum_s, cnt_s,
        Wn1aT, Wn1bT, WgnT, global_feats, bn1.reshape(1, HN),
        Wn2.T, bn2.reshape(1, HN), Wn3.T, bn3.reshape(1, HN),
        Wg1.T, bg1.reshape(1, DG), Wg2.T, bg2.reshape(1, DG),
        Wg3.T, bg3.reshape(1, DG))
    return (h_e, h_n, h_u)

# --- scband reference (transcript-rebuilt; emitter-appended) ---
"""Pipeline reference for scband-megnet-block-44641890075078 (READ-ONLY COPY).

The authoritative reference and input builder live on the scoring server;
editing this copy changes nothing except your own understanding.
"""

import jax, jax.numpy as jnp
import numpy as np

N = 10000
E = 320000
G = 8
DN = 128
DE = 16
DG = 32
HE = 32
HN = 32


def _lin(key, out_dim, in_dim):
    kw, kb = jax.random.split(key)
    W = jax.random.normal(kw, (out_dim, in_dim), jnp.float32) * 0.05
    b = jax.random.normal(kb, (out_dim,), jnp.float32) * 0.05
    return W, b


def setup_inputs(seed: int = 0):
    key = jax.random.key(seed)
    ks = jax.random.split(key, 16)
    inp = {}
    inp['edge_index'] = jax.random.randint(ks[0], (2, E), 0, N)
    inp['x'] = jax.random.normal(ks[1], (N, DN), jnp.float32)
    inp['edge_attr'] = jax.random.normal(ks[2], (E, DE), jnp.float32)
    inp['global_feats'] = jax.random.normal(ks[3], (G, DG), jnp.float32)
    inp['batch'] = jnp.sort(jax.random.randint(ks[4], (N,), 0, G))
    inp['We1'], inp['be1'] = _lin(ks[5], HE, 2 * DN + DE + DG)
    inp['We2'], inp['be2'] = _lin(ks[6], HE, HE)
    inp['We3'], inp['be3'] = _lin(ks[7], HE, HE)
    inp['Wn1'], inp['bn1'] = _lin(ks[8], HN, DN + HE + DG)
    inp['Wn2'], inp['bn2'] = _lin(ks[9], HN, HN)
    inp['Wn3'], inp['bn3'] = _lin(ks[10], HN, HN)
    inp['Wg1'], inp['bg1'] = _lin(ks[11], DG, HN + HE + DG)
    inp['Wg2'], inp['bg2'] = _lin(ks[12], DG, DG)
    inp['Wg3'], inp['bg3'] = _lin(ks[13], DG, DG)
    return inp


def _segment_mean(src, index, num_segments):
    s = jax.ops.segment_sum(src, index, num_segments=num_segments)
    cnt = jax.ops.segment_sum(jnp.ones((src.shape[0], 1), src.dtype), index, num_segments=num_segments)
    return s / jnp.clip(cnt, 1.0, None)


def _mlp3(h, W1, b1, W2, b2, W3, b3):
    h = jax.nn.softplus(h @ W1.T + b1)
    h = jax.nn.softplus(h @ W2.T + b2)
    return h @ W3.T + b3


def reference(edge_index, x, edge_attr, global_feats, batch,
              We1, be1, We2, be2, We3, be3,
              Wn1, bn1, Wn2, bn2, Wn3, bn3,
              Wg1, bg1, Wg2, bg2, Wg3, bg3):
    src = edge_index[0]
    dst = edge_index[1]
    edge_batch = batch[src]
    # edge update
    e_in = jnp.concatenate([x[src], x[dst], edge_attr, global_feats[edge_batch]], axis=1)
    h_e = _mlp3(e_in, We1, be1, We2, be2, We3, be3)
    # node update (scatter-mean edge features onto dst nodes)
    e_mean_node = _segment_mean(h_e, dst, x.shape[0])
    n_in = jnp.concatenate([x, e_mean_node, global_feats[batch]], axis=1)
    h_n = _mlp3(n_in, Wn1, bn1, Wn2, bn2, Wn3, bn3)
    # global update
    e_mean_g = _segment_mean(h_e, edge_batch, global_feats.shape[0])
    n_mean_g = _segment_mean(h_n, batch, global_feats.shape[0])
    g_in = jnp.concatenate([e_mean_g, n_mean_g, global_feats], axis=1)
    h_u = _mlp3(g_in, Wg1, bg1, Wg2, bg2, Wg3, bg3)
    return (h_e, h_n, h_u)

if __name__ == "__main__":
    import jax
    _d = setup_inputs()
    print(jax.jit(kernel)(*tuple(_d.values())))

</pallas_src>

<mosaic_0001>
#map = affine_map<(d0, d1) -> (0, 0)>
#map1 = affine_map<(d0, d1) -> (0, 0, 0)>
module attributes {stable_mosaic.version = 14 : i64} {
  func.func @_sc_scatter_body(%arg0: i32, %arg1: i32, %arg2: memref<80000x128xf32, #tpu.memory_space<hbm>>, %arg3: memref<4000x80xi32, #tpu.memory_space<hbm>>, %arg4: memref<4000x80xi32, #tpu.memory_space<hbm>>, %arg5: memref<10000x32xf32, #tpu.memory_space<hbm>>, %arg6: memref<2x10000x32xf32, #tpu.memory_space<hbm>>, %arg7: memref<2x10000x32xf32, #tpu.memory_space<hbm>>, %arg8: memref<125x80xi32, #tpu.memory_space<vmem>>, %arg9: memref<125x80xi32, #tpu.memory_space<vmem>>, %arg10: memref<20x128xf32, #tpu.memory_space<vmem>>, %arg11: memref<20x128xf32, #tpu.memory_space<vmem>>, %arg12: memref<80x32xf32, #tpu.memory_space<vmem>>, %arg13: memref<80x32xf32, #tpu.memory_space<vmem>>, %arg14: memref<10000x32xf32, #tpu.memory_space<vmem_shared>>, %arg15: memref<10000x32xf32, #tpu.memory_space<vmem_shared>>, %arg16: memref<!tpu.dma_semaphore, #tpu.memory_space<semaphore_mem>>, %arg17: memref<!tpu.dma_semaphore, #tpu.memory_space<semaphore_mem>>, %arg18: memref<!tpu.dma_semaphore, #tpu.memory_space<semaphore_mem>>, %arg19: memref<!tpu.dma_semaphore, #tpu.memory_space<semaphore_mem>>, %arg20: memref<!tpu.dma_semaphore, #tpu.memory_space<semaphore_mem>>, %arg21: memref<!tpu.dma_semaphore, #tpu.memory_space<semaphore_mem>>) attributes {dimension_semantics = [#tpu.dimension_semantics<core_parallel>, #tpu.dimension_semantics<subcore_parallel>], iteration_bounds = array<i64: 2, 16>, scalar_prefetch = 0 : i64, scratch_operands = 14 : i64, tpu.core_type = #tpu.core_type<sc_vector_subcore>, window_params = [{transform_indices = #map}, {transform_indices = #map}, {transform_indices = #map}, {transform_indices = #map}, {transform_indices = #map1}, {transform_indices = #map1}]} {
    %mul3A = arith.constant 16 : i32
    %mul3A_0 = arith.muli %arg0, %mul3A : i32
    %add3A = arith.addi %mul3A_0, %arg1 : i32
    %mul3A_1 = arith.constant 125 : i32
    %mul3A_2 = arith.muli %add3A, %mul3A_1 : i32
    %mul3A_3 = arith.constant 625 : i32
    %mul3A_4 = arith.muli %arg1, %mul3A_3 : i32
    "tpu.region"() ({
      %run_scoped3A = tpu.sem_alloc : memref<!tpu.dma_semaphore, #tpu.memory_space<semaphore_mem>>
      %dma_start3A_249 = arith.constant 0 : i32
      %dma_start3A_250 = tpu.memref_slice %arg14[%mul3A_4, %dma_start3A_249] : memref<10000x32xf32, #tpu.memory_space<vmem_shared>> -> memref<625x32xf32, #tpu.memory_space<vmem_shared>>
      %dma_start3A_251 = arith.constant 0 : i32
      %dma_start3A_252 = tpu.memref_slice %arg5[%mul3A_4, %dma_start3A_251] : memref<10000x32xf32, #tpu.memory_space<hbm>> -> memref<625x32xf32, #tpu.memory_space<hbm>>
      tpu.enqueue_dma source(%dma_start3A_252 : memref<625x32xf32, #tpu.memory_space<hbm>>) target(%dma_start3A_250 : memref<625x32xf32, #tpu.memory_space<vmem_shared>>) target_semaphore(%run_scoped3A : memref<!tpu.dma_semaphore, #tpu.memory_space<semaphore_mem>>)
      %dma_wait3A_253 = arith.constant 0 : i32
      %dma_wait3A_254 = tpu.memref_slice %arg14[%mul3A_4, %dma_wait3A_253] : memref<10000x32xf32, #tpu.memory_space<vmem_shared>> -> memref<625x32xf32, #tpu.memory_space<vmem_shared>>
      %dma_wait3A_255 = arith.constant 0 : i32
      %dma_wait3A_256 = tpu.memref_slice %arg5[%mul3A_4, %dma_wait3A_255] : memref<10000x32xf32, #tpu.memory_space<hbm>> -> memref<625x32xf32, #tpu.memory_space<hbm>>
      tpu.wait_dma2 semaphore(%run_scoped3A : memref<!tpu.dma_semaphore, #tpu.memory_space<semaphore_mem>>) src(%dma_wait3A_256 : memref<625x32xf32, #tpu.memory_space<hbm>>) dst(%dma_wait3A_254 : memref<625x32xf32, #tpu.memory_space<vmem_shared>>)
      tpu.yield
    }) : () -> ()
    "tpu.region"() ({
      %run_scoped3A = tpu.sem_alloc : memref<!tpu.dma_semaphore, #tpu.memory_space<semaphore_mem>>
      %dma_start3A_249 = arith.constant 0 : i32
      %dma_start3A_250 = tpu.memref_slice %arg15[%mul3A_4, %dma_start3A_249] : memref<10000x32xf32, #tpu.memory_space<vmem_shared>> -> memref<625x32xf32, #tpu.memory_space<vmem_shared>>
      %dma_start3A_251 = arith.constant 0 : i32
      %dma_start3A_252 = tpu.memref_slice %arg5[%mul3A_4, %dma_start3A_251] : memref<10000x32xf32, #tpu.memory_space<hbm>> -> memref<625x32xf32, #tpu.memory_space<hbm>>
      tpu.enqueue_dma source(%dma_start3A_252 : memref<625x32xf32, #tpu.memory_space<hbm>>) target(%dma_start3A_250 : memref<625x32xf32, #tpu.memory_space<vmem_shared>>) target_semaphore(%run_scoped3A : memref<!tpu.dma_semaphore, #tpu.memory_space<semaphore_mem>>)
      %dma_wait3A_253 = arith.constant 0 : i32
      %dma_wait3A_254 = tpu.memref_slice %arg15[%mul3A_4, %dma_wait3A_253] : memref<10000x32xf32, #tpu.memory_space<vmem_shared>> -> memref<625x32xf32, #tpu.memory_space<vmem_shared>>
      %dma_wait3A_255 = arith.constant 0 : i32
      %dma_wait3A_256 = tpu.memref_slice %arg5[%mul3A_4, %dma_wait3A_255] : memref<10000x32xf32, #tpu.memory_space<hbm>> -> memref<625x32xf32, #tpu.memory_space<hbm>>
      tpu.wait_dma2 semaphore(%run_scoped3A : memref<!tpu.dma_semaphore, #tpu.memory_space<semaphore_mem>>) src(%dma_wait3A_256 : memref<625x32xf32, #tpu.memory_space<hbm>>) dst(%dma_wait3A_254 : memref<625x32xf32, #tpu.memory_space<vmem_shared>>)
      tpu.yield
    }) : () -> ()
    "tpu.region"() ({
      %run_scoped3A = tpu.sem_alloc : memref<!tpu.dma_semaphore, #tpu.memory_space<semaphore_mem>>
      %dma_start3A_249 = arith.constant 0 : i32
      %dma_start3A_250 = tpu.memref_slice %arg3[%mul3A_2, %dma_start3A_249] : memref<4000x80xi32, #tpu.memory_space<hbm>> -> memref<125x80xi32, #tpu.memory_space<hbm>>
      %dma_start3A_251 = arith.constant 0 : i32
      %dma_start3A_252 = tpu.memref_slice %arg3[%mul3A_2, %dma_start3A_251] : memref<4000x80xi32, #tpu.memory_space<hbm>> -> memref<125x80xi32, #tpu.memory_space<hbm>>
      tpu.enqueue_dma source(%dma_start3A_252 : memref<125x80xi32, #tpu.memory_space<hbm>>) target(%arg8 : memref<125x80xi32, #tpu.memory_space<vmem>>) target_semaphore(%run_scoped3A : memref<!tpu.dma_semaphore, #tpu.memory_space<semaphore_mem>>)
      %dma_wait3A_253 = arith.constant 0 : i32
      %dma_wait3A_254 = tpu.memref_slice %arg3[%mul3A_2, %dma_wait3A_253] : memref<4000x80xi32, #tpu.memory_space<hbm>> -> memref<125x80xi32, #tpu.memory_space<hbm>>
      %dma_wait3A_255 = arith.constant 0 : i32
      %dma_wait3A_256 = tpu.memref_slice %arg3[%mul3A_2, %dma_wait3A_255] : memref<4000x80xi32, #tpu.memory_space<hbm>> -> memref<125x80xi32, #tpu.memory_space<hbm>>
      tpu.wait_dma2 semaphore(%run_scoped3A : memref<!tpu.dma_semaphore, #tpu.memory_space<semaphore_mem>>) src(%dma_wait3A_256 : memref<125x80xi32, #tpu.memory_space<hbm>>) dst(%arg8 : memref<125x80xi32, #tpu.memory_space<vmem>>)
      tpu.yield
    }) : () -> ()
    "tpu.region"() ({
      %run_scoped3A = tpu.sem_alloc : memref<!tpu.dma_semaphore, #tpu.memory_space<semaphore_mem>>
      %dma_start3A_249 = arith.constant 0 : i32
      %dma_start3A_250 = tpu.memref_slice %arg4[%mul3A_2, %dma_start3A_249] : memref<4000x80xi32, #tpu.memory_space<hbm>> -> memref<125x80xi32, #tpu.memory_space<hbm>>
      %dma_start3A_251 = arith.constant 0 : i32
      %dma_start3A_252 = tpu.memref_slice %arg4[%mul3A_2, %dma_start3A_251] : memref<4000x80xi32, #tpu.memory_space<hbm>> -> memref<125x80xi32, #tpu.memory_space<hbm>>
      tpu.enqueue_dma source(%dma_start3A_252 : memref<125x80xi32, #tpu.memory_space<hbm>>) target(%arg9 : memref<125x80xi32, #tpu.memory_space<vmem>>) target_semaphore(%run_scoped3A : memref<!tpu.dma_semaphore, #tpu.memory_space<semaphore_mem>>)
      %dma_wait3A_253 = arith.constant 0 : i32
      %dma_wait3A_254 = tpu.memref_slice %arg4[%mul3A_2, %dma_wait3A_253] : memref<4000x80xi32, #tpu.memory_space<hbm>> -> memref<125x80xi32, #tpu.memory_space<hbm>>
      %dma_wait3A_255 = arith.constant 0 : i32
      %dma_wait3A_256 = tpu.memref_slice %arg4[%mul3A_2, %dma_wait3A_255] : memref<4000x80xi32, #tpu.memory_space<hbm>> -> memref<125x80xi32, #tpu.memory_space<hbm>>
      tpu.wait_dma2 semaphore(%run_scoped3A : memref<!tpu.dma_semaphore, #tpu.memory_space<semaphore_mem>>) src(%dma_wait3A_256 : memref<125x80xi32, #tpu.memory_space<hbm>>) dst(%arg9 : memref<125x80xi32, #tpu.memory_space<vmem>>)
      tpu.yield
    }) : () -> ()
    %barrier3A = arith.constant 0 : index
    tpu.barrier barrier_id(%barrier3A)
    %mul3A_5 = arith.constant 2500 : i32
    %mul3A_6 = arith.muli %add3A, %mul3A_5 : i32
    %add3A_7 = arith.constant 0 : i32
    %add3A_8 = arith.addi %mul3A_6, %add3A_7 : i32
    %dma_start3A = arith.constant 0 : i32
    %dma_start3A_9 = tpu.memref_slice %arg2[%add3A_8, %dma_start3A] : memref<80000x128xf32, #tpu.memory_space<hbm>> -> memref<20x128xf32, #tpu.memory_space<hbm>>
    %dma_start3A_10 = arith.constant 0 : i32
    %dma_start3A_11 = tpu.memref_slice %arg2[%add3A_8, %dma_start3A_10] : memref<80000x128xf32, #tpu.memory_space<hbm>> -> memref<20x128xf32, #tpu.memory_space<hbm>>
    tpu.enqueue_dma source(%dma_start3A_11 : memref<20x128xf32, #tpu.memory_space<hbm>>) target(%arg10 : memref<20x128xf32, #tpu.memory_space<vmem>>) target_semaphore(%arg16 : memref<!tpu.dma_semaphore, #tpu.memory_space<semaphore_mem>>)
    %mul3A_12 = arith.constant 2500 : i32
    %mul3A_13 = arith.muli %add3A, %mul3A_12 : i32
    %add3A_14 = arith.constant 20 : i32
    %add3A_15 = arith.addi %mul3A_13, %add3A_14 : i32
    %dma_start3A_16 = arith.constant 0 : i32
    %dma_start3A_17 = tpu.memref_slice %arg2[%add3A_15, %dma_start3A_16] : memref<80000x128xf32, #tpu.memory_space<hbm>> -> memref<20x128xf32, #tpu.memory_space<hbm>>
    %dma_start3A_18 = arith.constant 0 : i32
    %dma_start3A_19 = tpu.memref_slice %arg2[%add3A_15, %dma_start3A_18] : memref<80000x128xf32, #tpu.memory_space<hbm>> -> memref<20x128xf32, #tpu.memory_space<hbm>>
    tpu.enqueue_dma source(%dma_start3A_19 : memref<20x128xf32, #tpu.memory_space<hbm>>) target(%arg11 : memref<20x128xf32, #tpu.memory_space<vmem>>) target_semaphore(%arg17 : memref<!tpu.dma_semaphore, #tpu.memory_space<semaphore_mem>>)
    %dma_wait3A = arith.constant 0 : i32
    %dma_wait3A_20 = arith.constant 0 : i32
    %dma_wait3A_21 = tpu.memref_slice %arg2[%dma_wait3A, %dma_wait3A_20] : memref<80000x128xf32, #tpu.memory_space<hbm>> -> memref<20x128xf32, #tpu.memory_space<hbm>>
    %dma_wait3A_22 = arith.constant 0 : i32
    %dma_wait3A_23 = arith.constant 0 : i32
    %dma_wait3A_24 = tpu.memref_slice %arg2[%dma_wait3A_22, %dma_wait3A_23] : memref<80000x128xf32, #tpu.memory_space<hbm>> -> memref<20x128xf32, #tpu.memory_space<hbm>>
    tpu.wait_dma2 semaphore(%arg16 : memref<!tpu.dma_semaphore, #tpu.memory_space<semaphore_mem>>) src(%dma_wait3A_24 : memref<20x128xf32, #tpu.memory_space<hbm>>) dst(%arg10 : memref<20x128xf32, #tpu.memory_space<vmem>>)
    %scan3A = arith.constant 0 : i32
    %scan3A_25 = arith.constant 0 : i32
    %scan3A_26 = arith.constant 20 : i32
    %scan3A_27 = arith.addi %scan3A_25, %scan3A_26 : i32
    %scan3A_28 = arith.constant 1 : i32
    scf.for %scan3A_249 = %scan3A_25 to %scan3A_27 step %scan3A_28  : i32 {
      %get3A = arith.index_cast %scan3A_249 : i32 to index
      %get3A_250 = arith.constant 0 : index
      %get3A_251 = tpu.vector_load %arg10[%get3A, %get3A_250] {strides = array<i32>} : memref<20x128xf32, #tpu.memory_space<vmem>>, vector<1x16xf32>,
      %get3A_252 = vector.shape_cast %get3A_251 : vector<1x16xf32> to vector<16xf32>
      %mul3A_253 = arith.constant 4 : i32
      %mul3A_254 = arith.muli %mul3A_253, %scan3A_249 : i32
      %add3A_255 = arith.constant 0 : i32
      %add3A_256 = arith.addi %mul3A_254, %add3A_255 : i32
      %swap3A = arith.index_cast %add3A_256 : i32 to index
      %swap3A_257 = arith.constant 0 : index
      %swap3A_258 = tpu.vector_load %arg12[%swap3A, %swap3A_257] {strides = array<i32>} : memref<80x32xf32, #tpu.memory_space<vmem>>, vector<1x16xf32>,
      %swap3A_259 = vector.shape_cast %swap3A_258 : vector<1x16xf32> to vector<16xf32>
      %swap3A_260 = vector.shape_cast %get3A_252 : vector<16xf32> to vector<1x16xf32>
      tpu.vector_store %arg12[%swap3A, %swap3A_257], %swap3A_260 {strides = array<i32>} : memref<80x32xf32, #tpu.memory_space<vmem>>, vector<1x16xf32>,
      %get3A_261 = arith.index_cast %scan3A_249 : i32 to index
      %get3A_262 = arith.constant 16 : index
      %get3A_263 = tpu.vector_load %arg10[%get3A_261, %get3A_262] {strides = array<i32>} : memref<20x128xf32, #tpu.memory_space<vmem>>, vector<1x16xf32>,
      %get3A_264 = vector.shape_cast %get3A_263 : vector<1x16xf32> to vector<16xf32>
      %mul3A_265 = arith.constant 4 : i32
      %mul3A_266 = arith.muli %mul3A_265, %scan3A_249 : i32
      %add3A_267 = arith.constant 0 : i32
      %add3A_268 = arith.addi %mul3A_266, %add3A_267 : i32
      %swap3A_269 = arith.index_cast %add3A_268 : i32 to index
      %swap3A_270 = arith.constant 16 : index
      %swap3A_271 = tpu.vector_load %arg12[%swap3A_269, %swap3A_270] {strides = array<i32>} : memref<80x32xf32, #tpu.memory_space<vmem>>, vector<1x16xf32>,
      %swap3A_272 = vector.shape_cast %swap3A_271 : vector<1x16xf32> to vector<16xf32>
      %swap3A_273 = vector.shape_cast %get3A_264 : vector<16xf32> to vector<1x16xf32>
      tpu.vector_store %arg12[%swap3A_269, %swap3A_270], %swap3A_273 {strides = array<i32>} : memref<80x32xf32, #tpu.memory_space<vmem>>, vector<1x16xf32>,
      %get3A_274 = arith.index_cast %scan3A_249 : i32 to index
      %get3A_275 = arith.constant 32 : index
      %get3A_276 = tpu.vector_load %arg10[%get3A_274, %get3A_275] {strides = array<i32>} : memref<20x128xf32, #tpu.memory_space<vmem>>, vector<1x16xf32>,
      %get3A_277 = vector.shape_cast %get3A_276 : vector<1x16xf32> to vector<16xf32>
      %mul3A_278 = arith.constant 4 : i32
      %mul3A_279 = arith.muli %mul3A_278, %scan3A_249 : i32
      %add3A_280 = arith.constant 1 : i32
      %add3A_281 = arith.addi %mul3A_279, %add3A_280 : i32
      %swap3A_282 = arith.index_cast %add3A_281 : i32 to index
      %swap3A_283 = arith.constant 0 : index
      %swap3A_284 = tpu.vector_load %arg12[%swap3A_282, %swap3A_283] {strides = array<i32>} : memref<80x32xf32, #tpu.memory_space<vmem>>, vector<1x16xf32>,
      %swap3A_285 = vector.shape_cast %swap3A_284 : vector<1x16xf32> to vector<16xf32>
      %swap3A_286 = vector.shape_cast %get3A_277 : vector<16xf32> to vector<1x16xf32>
      tpu.vector_store %arg12[%swap3A_282, %swap3A_283], %swap3A_286 {strides = array<i32>} : memref<80x32xf32, #tpu.memory_space<vmem>>, vector<1x16xf32>,
      %get3A_287 = arith.index_cast %scan3A_249 : i32 to index
      %get3A_288 = arith.constant 48 : index
      %get3A_289 = tpu.vector_load %arg10[%get3A_287, %get3A_288] {strides = array<i32>} : memref<20x128xf32, #tpu.memory_space<vmem>>, vector<1x16xf32>,
      %get3A_290 = vector.shape_cast %get3A_289 : vector<1x16xf32> to vector<16xf32>
      %mul3A_291 = arith.constant 4 : i32
      %mul3A_292 = arith.muli %mul3A_291, %scan3A_249 : i32
      %add3A_293 = arith.constant 1 : i32
      %add3A_294 = arith.addi %mul3A_292, %add3A_293 : i32
      %swap3A_295 = arith.index_cast %add3A_294 : i32 to index
      %swap3A_296 = arith.constant 16 : index
      %swap3A_297 = tpu.vector_load %arg12[%swap3A_295, %swap3A_296] {strides = array<i32>} : memref<80x32xf32, #tpu.memory_space<vmem>>, vector<1x16xf32>,
      %swap3A_298 = vector.shape_cast %swap3A_297 : vector<1x16xf32> to vector<16xf32>
      %swap3A_299 = vector.shape_cast %get3A_290 : vector<16xf32> to vector<1x16xf32>
      tpu.vector_store %arg12[%swap3A_295, %swap3A_296], %swap3A_299 {strides = array<i32>} : memref<80x32xf32, #tpu.memory_space<vmem>>, vector<1x16xf32>,
      %get3A_300 = arith.index_cast %scan3A_249 : i32 to index
      %get3A_301 = arith.constant 64 : index
      %get3A_302 = tpu.vector_load %arg10[%get3A_300, %get3A_301] {strides = array<i32>} : memref<20x128xf32, #tpu.memory_space<vmem>>, vector<1x16xf32>,
      %get3A_303 = vector.shape_cast %get3A_302 : vector<1x16xf32> to vector<16xf32>
      %mul3A_304 = arith.constant 4 : i32
      %mul3A_305 = arith.muli %mul3A_304, %scan3A_249 : i32
      %add3A_306 = arith.constant 2 : i32
      %add3A_307 = arith.addi %mul3A_305, %add3A_306 : i32
      %swap3A_308 = arith.index_cast %add3A_307 : i32 to index
      %swap3A_309 = arith.constant 0 : index
      %swap3A_310 = tpu.vector_load %arg12[%swap3A_308, %swap3A_309] {strides = array<i32>} : memref<80x32xf32, #tpu.memory_space<vmem>>, vector<1x16xf32>,
      %swap3A_311 = vector.shape_cast %swap3A_310 : vector<1x16xf32> to vector<16xf32>
      %swap3A_312 = vector.shape_cast %get3A_303 : vector<16xf32> to vector<1x16xf32>
      tpu.vector_store %arg12[%swap3A_308, %swap3A_309], %swap3A_312 {strides = array<i32>} : memref<80x32xf32, #tpu.memory_space<vmem>>, vector<1x16xf32>,
      %get3A_313 = arith.index_cast %scan3A_249 : i32 to index
      %get3A_314 = arith.constant 80 : index
      %get3A_315 = tpu.vector_load %arg10[%get3A_313, %get3A_314] {strides = array<i32>} : memref<20x128xf32, #tpu.memory_space<vmem>>, vector<1x16xf32>,
      %get3A_316 = vector.shape_cast %get3A_315 : vector<1x16xf32> to vector<16xf32>
      %mul3A_317 = arith.constant 4 : i32
      %mul3A_318 = arith.muli %mul3A_317, %scan3A_249 : i32
      %add3A_319 = arith.constant 2 : i32
      %add3A_320 = arith.addi %mul3A_318, %add3A_319 : i32
      %swap3A_321 = arith.index_cast %add3A_320 : i32 to index
      %swap3A_322 = arith.constant 16 : index
      %swap3A_323 = tpu.vector_load %arg12[%swap3A_321, %swap3A_322] {strides = array<i32>} : memref<80x32xf32, #tpu.memory_space<vmem>>, vector<1x16xf32>,
      %swap3A_324 = vector.shape_cast %swap3A_323 : vector<1x16xf32> to vector<16xf32>
      %swap3A_325 = vector.shape_cast %get3A_316 : vector<16xf32> to vector<1x16xf32>
      tpu.vector_store %arg12[%swap3A_321, %swap3A_322], %swap3A_325 {strides = array<i32>} : memref<80x32xf32, #tpu.memory_space<vmem>>, vector<1x16xf32>,
      %get3A_326 = arith.index_cast %scan3A_249 : i32 to index
      %get3A_327 = arith.constant 96 : index
      %get3A_328 = tpu.vector_load %arg10[%get3A_326, %get3A_327] {strides = array<i32>} : memref<20x128xf32, #tpu.memory_space<vmem>>, vector<1x16xf32>,
      %get3A_329 = vector.shape_cast %get3A_328 : vector<1x16xf32> to vector<16xf32>
      %mul3A_330 = arith.constant 4 : i32
      %mul3A_331 = arith.muli %mul3A_330, %scan3A_249 : i32
      %add3A_332 = arith.constant 3 : i32
      %add3A_333 = arith.addi %mul3A_331, %add3A_332 : i32
      %swap3A_334 = arith.index_cast %add3A_333 : i32 to index
      %swap3A_335 = arith.constant 0 : index
      %swap3A_336 = tpu.vector_load %arg12[%swap3A_334, %swap3A_335] {strides = array<i32>} : memref<80x32xf32, #tpu.memory_space<vmem>>, vector<1x16xf32>,
      %swap3A_337 = vector.shape_cast %swap3A_336 : vector<1x16xf32> to vector<16xf32>
      %swap3A_338 = vector.shape_cast %get3A_329 : vector<16xf32> to vector<1x16xf32>
      tpu.vector_store %arg12[%swap3A_334, %swap3A_335], %swap3A_338 {strides = array<i32>} : memref<80x32xf32, #tpu.memory_space<vmem>>, vector<1x16xf32>,
      %get3A_339 = arith.index_cast %scan3A_249 : i32 to index
      %get3A_340 = arith.constant 112 : index
      %get3A_341 = tpu.vector_load %arg10[%get3A_339, %get3A_340] {strides = array<i32>} : memref<20x128xf32, #tpu.memory_space<vmem>>, vector<1x16xf32>,
      %get3A_342 = vector.shape_cast %get3A_341 : vector<1x16xf32> to vector<16xf32>
      %mul3A_343 = arith.constant 4 : i32
      %mul3A_344 = arith.muli %mul3A_343, %scan3A_249 : i32
      %add3A_345 = arith.constant 3 : i32
      %add3A_346 = arith.addi %mul3A_344, %add3A_345 : i32
      %swap3A_347 = arith.index_cast %add3A_346 : i32 to index
      %swap3A_348 = arith.constant 16 : index
      %swap3A_349 = tpu.vector_load %arg12[%swap3A_347, %swap3A_348] {strides = array<i32>} : memref<80x32xf32, #tpu.memory_space<vmem>>, vector<1x16xf32>,
      %swap3A_350 = vector.shape_cast %swap3A_349 : vector<1x16xf32> to vector<16xf32>
      %swap3A_351 = vector.shape_cast %get3A_342 : vector<16xf32> to vector<1x16xf32>
      tpu.vector_store %arg12[%swap3A_347, %swap3A_348], %swap3A_351 {strides = array<i32>} : memref<80x32xf32, #tpu.memory_space<vmem>>, vector<1x16xf32>,
    }
    %scan3A_29 = arith.constant 20 : i32
    %dma_start3A_30 = arith.constant 0 : i32
    %dma_start3A_31 = arith.constant 0 : i32
    %dma_start3A_32 = tpu.memref_slice %arg9[%dma_start3A_30, %dma_start3A_31] : memref<125x80xi32, #tpu.memory_space<vmem>> -> memref<1x80xi32, #tpu.memory_space<vmem>>
    %dma_start3A_33 = tpu.memref_squeeze %dma_start3A_32 : memref<1x80xi32, #tpu.memory_space<vmem>> -> memref<80xi32, #tpu.memory_space<vmem>>
    %dma_start3A_34 = arith.constant 0 : i32
    %dma_start3A_35 = arith.constant 0 : i32
    %dma_start3A_36 = tpu.memref_slice %arg14[%dma_start3A_34, %dma_start3A_35] : memref<10000x32xf32, #tpu.memory_space<vmem_shared>> -> memref<10000x32xf32, #tpu.memory_space<vmem_shared>>
    tpu.enqueue_indirect_dma source(%arg12 : memref<80x32xf32, #tpu.memory_space<vmem>>) target(%dma_start3A_36 : memref<10000x32xf32, #tpu.memory_space<vmem_shared>>) offsets(%dma_start3A_33 : memref<80xi32, #tpu.memory_space<vmem>>) semaphore(%arg18 : memref<!tpu.dma_semaphore, #tpu.memory_space<semaphore_mem>>) {add = true}
    %dma_start3A_37 = arith.constant 0 : i32
    %dma_start3A_38 = arith.constant 0 : i32
    %dma_start3A_39 = tpu.memref_slice %arg8[%dma_start3A_37, %dma_start3A_38] : memref<125x80xi32, #tpu.memory_space<vmem>> -> memref<1x80xi32, #tpu.memory_space<vmem>>
    %dma_start3A_40 = tpu.memref_squeeze %dma_start3A_39 : memref<1x80xi32, #tpu.memory_space<vmem>> -> memref<80xi32, #tpu.memory_space<vmem>>
    %dma_start3A_41 = arith.constant 0 : i32
    %dma_start3A_42 = arith.constant 0 : i32
    %dma_start3A_43 = tpu.memref_slice %arg15[%dma_start3A_41, %dma_start3A_42] : memref<10000x32xf32, #tpu.memory_space<vmem_shared>> -> memref<10000x32xf32, #tpu.memory_space<vmem_shared>>
    tpu.enqueue_indirect_dma source(%arg12 : memref<80x32xf32, #tpu.memory_space<vmem>>) target(%dma_start3A_43 : memref<10000x32xf32, #tpu.memory_space<vmem_shared>>) offsets(%dma_start3A_40 : memref<80xi32, #tpu.memory_space<vmem>>) semaphore(%arg20 : memref<!tpu.dma_semaphore, #tpu.memory_space<semaphore_mem>>) {add = true}
    %mul3A_44 = arith.constant 2500 : i32
    %mul3A_45 = arith.muli %add3A, %mul3A_44 : i32
    %add3A_46 = arith.constant 40 : i32
    %add3A_47 = arith.addi %mul3A_45, %add3A_46 : i32
    %dma_start3A_48 = arith.constant 0 : i32
    %dma_start3A_49 = tpu.memref_slice %arg2[%add3A_47, %dma_start3A_48] : memref<80000x128xf32, #tpu.memory_space<hbm>> -> memref<20x128xf32, #tpu.memory_space<hbm>>
    %dma_start3A_50 = arith.constant 0 : i32
    %dma_start3A_51 = tpu.memref_slice %arg2[%add3A_47, %dma_start3A_50] : memref<80000x128xf32, #tpu.memory_space<hbm>> -> memref<20x128xf32, #tpu.memory_space<hbm>>
    tpu.enqueue_dma source(%dma_start3A_51 : memref<20x128xf32, #tpu.memory_space<hbm>>) target(%arg10 : memref<20x128xf32, #tpu.memory_space<vmem>>) target_semaphore(%arg16 : memref<!tpu.dma_semaphore, #tpu.memory_space<semaphore_mem>>)
    %dma_wait3A_52 = arith.constant 0 : i32
    %dma_wait3A_53 = arith.constant 0 : i32
    %dma_wait3A_54 = tpu.memref_slice %arg2[%dma_wait3A_52, %dma_wait3A_53] : memref<80000x128xf32, #tpu.memory_space<hbm>> -> memref<20x128xf32, #tpu.memory_space<hbm>>
    %dma_wait3A_55 = arith.constant 0 : i32
    %dma_wait3A_56 = arith.constant 0 : i32
    %dma_wait3A_57 = tpu.memref_slice %arg2[%dma_wait3A_55, %dma_wait3A_56] : memref<80000x128xf32, #tpu.memory_space<hbm>> -> memref<20x128xf32, #tpu.memory_space<hbm>>
    tpu.wait_dma2 semaphore(%arg17 : memref<!tpu.dma_semaphore, #tpu.memory_space<semaphore_mem>>) src(%dma_wait3A_57 : memref<20x128xf32, #tpu.memory_space<hbm>>) dst(%arg11 : memref<20x128xf32, #tpu.memory_space<vmem>>)
    %scan3A_58 = arith.constant 0 : i32
    %scan3A_59 = arith.constant 0 : i32
    %scan3A_60 = arith.constant 20 : i32
    %scan3A_61 = arith.addi %scan3A_59, %scan3A_60 : i32
    %scan3A_62 = arith.constant 1 : i32
    scf.for %scan3A_249 = %scan3A_59 to %scan3A_61 step %scan3A_62  : i32 {
      %get3A = arith.index_cast %scan3A_249 : i32 to index
      %get3A_250 = arith.constant 0 : index
      %get3A_251 = tpu.vector_load %arg11[%get3A, %get3A_250] {strides = array<i32>} : memref<20x128xf32, #tpu.memory_space<vmem>>, vector<1x16xf32>,
      %get3A_252 = vector.shape_cast %get3A_251 : vector<1x16xf32> to vector<16xf32>
      %mul3A_253 = arith.constant 4 : i32
      %mul3A_254 = arith.muli %mul3A_253, %scan3A_249 : i32
      %add3A_255 = arith.constant 0 : i32
      %add3A_256 = arith.addi %mul3A_254, %add3A_255 : i32
      %swap3A = arith.index_cast %add3A_256 : i32 to index
      %swap3A_257 = arith.constant 0 : index
      %swap3A_258 = tpu.vector_load %arg13[%swap3A, %swap3A_257] {strides = array<i32>} : memref<80x32xf32, #tpu.memory_space<vmem>>, vector<1x16xf32>,
      %swap3A_259 = vector.shape_cast %swap3A_258 : vector<1x16xf32> to vector<16xf32>
      %swap3A_260 = vector.shape_cast %get3A_252 : vector<16xf32> to vector<1x16xf32>
      tpu.vector_store %arg13[%swap3A, %swap3A_257], %swap3A_260 {strides = array<i32>} : memref<80x32xf32, #tpu.memory_space<vmem>>, vector<1x16xf32>,
      %get3A_261 = arith.index_cast %scan3A_249 : i32 to index
      %get3A_262 = arith.constant 16 : index
      %get3A_263 = tpu.vector_load %arg11[%get3A_261, %get3A_262] {strides = array<i32>} : memref<20x128xf32, #tpu.memory_space<vmem>>, vector<1x16xf32>,
      %get3A_264 = vector.shape_cast %get3A_263 : vector<1x16xf32> to vector<16xf32>
      %mul3A_265 = arith.constant 4 : i32
      %mul3A_266 = arith.muli %mul3A_265, %scan3A_249 : i32
      %add3A_267 = arith.constant 0 : i32
      %add3A_268 = arith.addi %mul3A_266, %add3A_267 : i32
      %swap3A_269 = arith.index_cast %add3A_268 : i32 to index
      %swap3A_270 = arith.constant 16 : index
      %swap3A_271 = tpu.vector_load %arg13[%swap3A_269, %swap3A_270] {strides = array<i32>} : memref<80x32xf32, #tpu.memory_space<vmem>>, vector<1x16xf32>,
      %swap3A_272 = vector.shape_cast %swap3A_271 : vector<1x16xf32> to vector<16xf32>
      %swap3A_273 = vector.shape_cast %get3A_264 : vector<16xf32> to vector<1x16xf32>
      tpu.vector_store %arg13[%swap3A_269, %swap3A_270], %swap3A_273 {strides = array<i32>} : memref<80x32xf32, #tpu.memory_space<vmem>>, vector<1x16xf32>,
      %get3A_274 = arith.index_cast %scan3A_249 : i32 to index
      %get3A_275 = arith.constant 32 : index
      %get3A_276 = tpu.vector_load %arg11[%get3A_274, %get3A_275] {strides = array<i32>} : memref<20x128xf32, #tpu.memory_space<vmem>>, vector<1x16xf32>,
      %get3A_277 = vector.shape_cast %get3A_276 : vector<1x16xf32> to vector<16xf32>
      %mul3A_278 = arith.constant 4 : i32
      %mul3A_279 = arith.muli %mul3A_278, %scan3A_249 : i32
      %add3A_280 = arith.constant 1 : i32
      %add3A_281 = arith.addi %mul3A_279, %add3A_280 : i32
      %swap3A_282 = arith.index_cast %add3A_281 : i32 to index
      %swap3A_283 = arith.constant 0 : index
      %swap3A_284 = tpu.vector_load %arg13[%swap3A_282, %swap3A_283] {strides = array<i32>} : memref<80x32xf32, #tpu.memory_space<vmem>>, vector<1x16xf32>,
      %swap3A_285 = vector.shape_cast %swap3A_284 : vector<1x16xf32> to vector<16xf32>
      %swap3A_286 = vector.shape_cast %get3A_277 : vector<16xf32> to vector<1x16xf32>
      tpu.vector_store %arg13[%swap3A_282, %swap3A_283], %swap3A_286 {strides = array<i32>} : memref<80x32xf32, #tpu.memory_space<vmem>>, vector<1x16xf32>,
      %get3A_287 = arith.index_cast %scan3A_249 : i32 to index
      %get3A_288 = arith.constant 48 : index
      %get3A_289 = tpu.vector_load %arg11[%get3A_287, %get3A_288] {strides = array<i32>} : memref<20x128xf32, #tpu.memory_space<vmem>>, vector<1x16xf32>,
      %get3A_290 = vector.shape_cast %get3A_289 : vector<1x16xf32> to vector<16xf32>
      %mul3A_291 = arith.constant 4 : i32
      %mul3A_292 = arith.muli %mul3A_291, %scan3A_249 : i32
      %add3A_293 = arith.constant 1 : i32
      %add3A_294 = arith.addi %mul3A_292, %add3A_293 : i32
      %swap3A_295 = arith.index_cast %add3A_294 : i32 to index
      %swap3A_296 = arith.constant 16 : index
      %swap3A_297 = tpu.vector_load %arg13[%swap3A_295, %swap3A_296] {strides = array<i32>} : memref<80x32xf32, #tpu.memory_space<vmem>>, vector<1x16xf32>,
      %swap3A_298 = vector.shape_cast %swap3A_297 : vector<1x16xf32> to vector<16xf32>
      %swap3A_299 = vector.shape_cast %get3A_290 : vector<16xf32> to vector<1x16xf32>
      tpu.vector_store %arg13[%swap3A_295, %swap3A_296], %swap3A_299 {strides = array<i32>} : memref<80x32xf32, #tpu.memory_space<vmem>>, vector<1x16xf32>,
      %get3A_300 = arith.index_cast %scan3A_249 : i32 to index
      %get3A_301 = arith.constant 64 : index
      %get3A_302 = tpu.vector_load %arg11[%get3A_300, %get3A_301] {strides = array<i32>} : memref<20x128xf32, #tpu.memory_space<vmem>>, vector<1x16xf32>,
      %get3A_303 = vector.shape_cast %get3A_302 : vector<1x16xf32> to vector<16xf32>
      %mul3A_304 = arith.constant 4 : i32
      %mul3A_305 = arith.muli %mul3A_304, %scan3A_249 : i32
      %add3A_306 = arith.constant 2 : i32
      %add3A_307 = arith.addi %mul3A_305, %add3A_306 : i32
      %swap3A_308 = arith.index_cast %add3A_307 : i32 to index
      %swap3A_309 = arith.constant 0 : index
      %swap3A_310 = tpu.vector_load %arg13[%swap3A_308, %swap3A_309] {strides = array<i32>} : memref<80x32xf32, #tpu.memory_space<vmem>>, vector<1x16xf32>,
      %swap3A_311 = vector.shape_cast %swap3A_310 : vector<1x16xf32> to vector<16xf32>
      %swap3A_312 = vector.shape_cast %get3A_303 : vector<16xf32> to vector<1x16xf32>
      tpu.vector_store %arg13[%swap3A_308, %swap3A_309], %swap3A_312 {strides = array<i32>} : memref<80x32xf32, #tpu.memory_space<vmem>>, vector<1x16xf32>,
      %get3A_313 = arith.index_cast %scan3A_249 : i32 to index
      %get3A_314 = arith.constant 80 : index
      %get3A_315 = tpu.vector_load %arg11[%get3A_313, %get3A_314] {strides = array<i32>} : memref<20x128xf32, #tpu.memory_space<vmem>>, vector<1x16xf32>,
      %get3A_316 = vector.shape_cast %get3A_315 : vector<1x16xf32> to vector<16xf32>
      %mul3A_317 = arith.constant 4 : i32
      %mul3A_318 = arith.muli %mul3A_317, %scan3A_249 : i32
      %add3A_319 = arith.constant 2 : i32
      %add3A_320 = arith.addi %mul3A_318, %add3A_319 : i32
      %swap3A_321 = arith.index_cast %add3A_320 : i32 to index
      %swap3A_322 = arith.constant 16 : index
      %swap3A_323 = tpu.vector_load %arg13[%swap3A_321, %swap3A_322] {strides = array<i32>} : memref<80x32xf32, #tpu.memory_space<vmem>>, vector<1x16xf32>,
      %swap3A_324 = vector.shape_cast %swap3A_323 : vector<1x16xf32> to vector<16xf32>
      %swap3A_325 = vector.shape_cast %get3A_316 : vector<16xf32> to vector<1x16xf32>
      tpu.vector_store %arg13[%swap3A_321, %swap3A_322], %swap3A_325 {strides = array<i32>} : memref<80x32xf32, #tpu.memory_space<vmem>>, vector<1x16xf32>,
      %get3A_326 = arith.index_cast %scan3A_249 : i32 to index
      %get3A_327 = arith.constant 96 : index
      %get3A_328 = tpu.vector_load %arg11[%get3A_326, %get3A_327] {strides = array<i32>} : memref<20x128xf32, #tpu.memory_space<vmem>>, vector<1x16xf32>,
      %get3A_329 = vector.shape_cast %get3A_328 : vector<1x16xf32> to vector<16xf32>
      %mul3A_330 = arith.constant 4 : i32
      %mul3A_331 = arith.muli %mul3A_330, %scan3A_249 : i32
      %add3A_332 = arith.constant 3 : i32
      %add3A_333 = arith.addi %mul3A_331, %add3A_332 : i32
      %swap3A_334 = arith.index_cast %add3A_333 : i32 to index
      %swap3A_335 = arith.constant 0 : index
      %swap3A_336 = tpu.vector_load %arg13[%swap3A_334, %swap3A_335] {strides = array<i32>} : memref<80x32xf32, #tpu.memory_space<vmem>>, vector<1x16xf32>,
      %swap3A_337 = vector.shape_cast %swap3A_336 : vector<1x16xf32> to vector<16xf32>
      %swap3A_338 = vector.shape_cast %get3A_329 : vector<16xf32> to vector<1x16xf32>
      tpu.vector_store %arg13[%swap3A_334, %swap3A_335], %swap3A_338 {strides = array<i32>} : memref<80x32xf32, #tpu.memory_space<vmem>>, vector<1x16xf32>,
      %get3A_339 = arith.index_cast %scan3A_249 : i32 to index
      %get3A_340 = arith.constant 112 : index
      %get3A_341 = tpu.vector_load %arg11[%get3A_339, %get3A_340] {strides = array<i32>} : memref<20x128xf32, #tpu.memory_space<vmem>>, vector<1x16xf32>,
      %get3A_342 = vector.shape_cast %get3A_341 : vector<1x16xf32> to vector<16xf32>
      %mul3A_343 = arith.constant 4 : i32
      %mul3A_344 = arith.muli %mul3A_343, %scan3A_249 : i32
      %add3A_345 = arith.constant 3 : i32
      %add3A_346 = arith.addi %mul3A_344, %add3A_345 : i32
      %swap3A_347 = arith.index_cast %add3A_346 : i32 to index
      %swap3A_348 = arith.constant 16 : index
      %swap3A_349 = tpu.vector_load %arg13[%swap3A_347, %swap3A_348] {strides = array<i32>} : memref<80x32xf32, #tpu.memory_space<vmem>>, vector<1x16xf32>,
      %swap3A_350 = vector.shape_cast %swap3A_349 : vector<1x16xf32> to vector<16xf32>
      %swap3A_351 = vector.shape_cast %get3A_342 : vector<16xf32> to vector<1x16xf32>
      tpu.vector_store %arg13[%swap3A_347, %swap3A_348], %swap3A_351 {strides = array<i32>} : memref<80x32xf32, #tpu.memory_space<vmem>>, vector<1x16xf32>,
    }
    %scan3A_63 = arith.constant 20 : i32
    %dma_start3A_64 = arith.constant 1 : i32
    %dma_start3A_65 = arith.constant 0 : i32
    %dma_start3A_66 = tpu.memref_slice %arg9[%dma_start3A_64, %dma_start3A_65] : memref<125x80xi32, #tpu.memory_space<vmem>> -> memref<1x80xi32, #tpu.memory_space<vmem>>
    %dma_start3A_67 = tpu.memref_squeeze %dma_start3A_66 : memref<1x80xi32, #tpu.memory_space<vmem>> -> memref<80xi32, #tpu.memory_space<vmem>>
    %dma_start3A_68 = arith.constant 0 : i32
    %dma_start3A_69 = arith.constant 0 : i32
    %dma_start3A_70 = tpu.memref_slice %arg14[%dma_start3A_68, %dma_start3A_69] : memref<10000x32xf32, #tpu.memory_space<vmem_shared>> -> memref<10000x32xf32, #tpu.memory_space<vmem_shared>>
    tpu.enqueue_indirect_dma source(%arg13 : memref<80x32xf32, #tpu.memory_space<vmem>>) target(%dma_start3A_70 : memref<10000x32xf32, #tpu.memory_space<vmem_shared>>) offsets(%dma_start3A_67 : memref<80xi32, #tpu.memory_space<vmem>>) semaphore(%arg19 : memref<!tpu.dma_semaphore, #tpu.memory_space<semaphore_mem>>) {add = true}
    %dma_start3A_71 = arith.constant 1 : i32
    %dma_start3A_72 = arith.constant 0 : i32
    %dma_start3A_73 = tpu.memref_slice %arg8[%dma_start3A_71, %dma_start3A_72] : memref<125x80xi32, #tpu.memory_space<vmem>> -> memref<1x80xi32, #tpu.memory_space<vmem>>
    %dma_start3A_74 = tpu.memref_squeeze %dma_start3A_73 : memref<1x80xi32, #tpu.memory_space<vmem>> -> memref<80xi32, #tpu.memory_space<vmem>>
    %dma_start3A_75 = arith.constant 0 : i32
    %dma_start3A_76 = arith.constant 0 : i32
    %dma_start3A_77 = tpu.memref_slice %arg15[%dma_start3A_75, %dma_start3A_76] : memref<10000x32xf32, #tpu.memory_space<vmem_shared>> -> memref<10000x32xf32, #tpu.memory_space<vmem_shared>>
    tpu.enqueue_indirect_dma source(%arg13 : memref<80x32xf32, #tpu.memory_space<vmem>>) target(%dma_start3A_77 : memref<10000x32xf32, #tpu.memory_space<vmem_shared>>) offsets(%dma_start3A_74 : memref<80xi32, #tpu.memory_space<vmem>>) semaphore(%arg21 : memref<!tpu.dma_semaphore, #tpu.memory_space<semaphore_mem>>) {add = true}
    %mul3A_78 = arith.constant 2500 : i32
    %mul3A_79 = arith.muli %add3A, %mul3A_78 : i32
    %add3A_80 = arith.constant 60 : i32
    %add3A_81 = arith.addi %mul3A_79, %add3A_80 : i32
    %dma_start3A_82 = arith.constant 0 : i32
    %dma_start3A_83 = tpu.memref_slice %arg2[%add3A_81, %dma_start3A_82] : memref<80000x128xf32, #tpu.memory_space<hbm>> -> memref<20x128xf32, #tpu.memory_space<hbm>>
    %dma_start3A_84 = arith.constant 0 : i32
    %dma_start3A_85 = tpu.memref_slice %arg2[%add3A_81, %dma_start3A_84] : memref<80000x128xf32, #tpu.memory_space<hbm>> -> memref<20x128xf32, #tpu.memory_space<hbm>>
    tpu.enqueue_dma source(%dma_start3A_85 : memref<20x128xf32, #tpu.memory_space<hbm>>) target(%arg11 : memref<20x128xf32, #tpu.memory_space<vmem>>) target_semaphore(%arg17 : memref<!tpu.dma_semaphore, #tpu.memory_space<semaphore_mem>>)
    %scan3A_86 = arith.constant 0 : i32
    %scan3A_87 = arith.constant 0 : i32
    %scan3A_88 = arith.constant 60 : i32
    %scan3A_89 = arith.addi %scan3A_87, %scan3A_88 : i32
    %scan3A_90 = arith.constant 1 : i32
    scf.for %scan3A_249 = %scan3A_87 to %scan3A_89 step %scan3A_90  : i32 {
      %mul3A_250 = arith.constant 2 : i32
      %mul3A_251 = arith.muli %mul3A_250, %scan3A_249 : i32
      %add3A_252 = arith.constant 2 : i32
      %add3A_253 = arith.addi %mul3A_251, %add3A_252 : i32
      %dma_wait3A_254 = arith.constant 0 : i32
      %dma_wait3A_255 = arith.constant 0 : i32
      %dma_wait3A_256 = tpu.memref_slice %arg2[%dma_wait3A_254, %dma_wait3A_255] : memref<80000x128xf32, #tpu.memory_space<hbm>> -> memref<20x128xf32, #tpu.memory_space<hbm>>
      %dma_wait3A_257 = arith.constant 0 : i32
      %dma_wait3A_258 = arith.constant 0 : i32
      %dma_wait3A_259 = tpu.memref_slice %arg2[%dma_wait3A_257, %dma_wait3A_258] : memref<80000x128xf32, #tpu.memory_space<hbm>> -> memref<20x128xf32, #tpu.memory_space<hbm>>
      tpu.wait_dma2 semaphore(%arg16 : memref<!tpu.dma_semaphore, #tpu.memory_space<semaphore_mem>>) src(%dma_wait3A_259 : memref<20x128xf32, #tpu.memory_space<hbm>>) dst(%arg10 : memref<20x128xf32, #tpu.memory_space<vmem>>)
      %dma_wait3A_260 = arith.constant 0 : i32
      %dma_wait3A_261 = arith.constant 0 : i32
      %dma_wait3A_262 = tpu.memref_slice %arg9[%dma_wait3A_260, %dma_wait3A_261] : memref<125x80xi32, #tpu.memory_space<vmem>> -> memref<1x80xi32, #tpu.memory_space<vmem>>
      %dma_wait3A_263 = tpu.memref_squeeze %dma_wait3A_262 : memref<1x80xi32, #tpu.memory_space<vmem>> -> memref<80xi32, #tpu.memory_space<vmem>>
      %dma_wait3A_264 = arith.constant 0 : i32
      %dma_wait3A_265 = arith.constant 0 : i32
      %dma_wait3A_266 = tpu.memref_slice %arg14[%dma_wait3A_264, %dma_wait3A_265] : memref<10000x32xf32, #tpu.memory_space<vmem_shared>> -> memref<10000x32xf32, #tpu.memory_space<vmem_shared>>
      tpu.wait_indirect_dma semaphore(%arg18 : memref<!tpu.dma_semaphore, #tpu.memory_space<semaphore_mem>>) src(%arg12 : memref<80x32xf32, #tpu.memory_space<vmem>>) dst(%dma_wait3A_266 : memref<10000x32xf32, #tpu.memory_space<vmem_shared>>)
      %dma_wait3A_267 = arith.constant 0 : i32
      %dma_wait3A_268 = arith.constant 0 : i32
      %dma_wait3A_269 = tpu.memref_slice %arg8[%dma_wait3A_267, %dma_wait3A_268] : memref<125x80xi32, #tpu.memory_space<vmem>> -> memref<1x80xi32, #tpu.memory_space<vmem>>
      %dma_wait3A_270 = tpu.memref_squeeze %dma_wait3A_269 : memref<1x80xi32, #tpu.memory_space<vmem>> -> memref<80xi32, #tpu.memory_space<vmem>>
      %dma_wait3A_271 = arith.constant 0 : i32
      %dma_wait3A_272 = arith.constant 0 : i32
      %dma_wait3A_273 = tpu.memref_slice %arg15[%dma_wait3A_271, %dma_wait3A_272] : memref<10000x32xf32, #tpu.memory_space<vmem_shared>> -> memref<10000x32xf32, #tpu.memory_space<vmem_shared>>
      tpu.wait_indirect_dma semaphore(%arg20 : memref<!tpu.dma_semaphore, #tpu.memory_space<semaphore_mem>>) src(%arg12 : memref<80x32xf32, #tpu.memory_space<vmem>>) dst(%dma_wait3A_273 : memref<10000x32xf32, #tpu.memory_space<vmem_shared>>)
      %scan3A_274 = arith.constant 0 : i32
      %scan3A_275 = arith.constant 0 : i32
      %scan3A_276 = arith.constant 20 : i32
      %scan3A_277 = arith.addi %scan3A_275, %scan3A_276 : i32
      %scan3A_278 = arith.constant 1 : i32
      scf.for %scan3A_356 = %scan3A_275 to %scan3A_277 step %scan3A_278  : i32 {
        %get3A = arith.index_cast %scan3A_356 : i32 to index
        %get3A_357 = arith.constant 0 : index
        %get3A_358 = tpu.vector_load %arg10[%get3A, %get3A_357] {strides = array<i32>} : memref<20x128xf32, #tpu.memory_space<vmem>>, vector<1x16xf32>,
        %get3A_359 = vector.shape_cast %get3A_358 : vector<1x16xf32> to vector<16xf32>
        %mul3A_360 = arith.constant 4 : i32
        %mul3A_361 = arith.muli %mul3A_360, %scan3A_356 : i32
        %add3A_362 = arith.constant 0 : i32
        %add3A_363 = arith.addi %mul3A_361, %add3A_362 : i32
        %swap3A = arith.index_cast %add3A_363 : i32 to index
        %swap3A_364 = arith.constant 0 : index
        %swap3A_365 = tpu.vector_load %arg12[%swap3A, %swap3A_364] {strides = array<i32>} : memref<80x32xf32, #tpu.memory_space<vmem>>, vector<1x16xf32>,
        %swap3A_366 = vector.shape_cast %swap3A_365 : vector<1x16xf32> to vector<16xf32>
        %swap3A_367 = vector.shape_cast %get3A_359 : vector<16xf32> to vector<1x16xf32>
        tpu.vector_store %arg12[%swap3A, %swap3A_364], %swap3A_367 {strides = array<i32>} : memref<80x32xf32, #tpu.memory_space<vmem>>, vector<1x16xf32>,
        %get3A_368 = arith.index_cast %scan3A_356 : i32 to index
        %get3A_369 = arith.constant 16 : index
        %get3A_370 = tpu.vector_load %arg10[%get3A_368, %get3A_369] {strides = array<i32>} : memref<20x128xf32, #tpu.memory_space<vmem>>, vector<1x16xf32>,
        %get3A_371 = vector.shape_cast %get3A_370 : vector<1x16xf32> to vector<16xf32>
        %mul3A_372 = arith.constant 4 : i32
        %mul3A_373 = arith.muli %mul3A_372, %scan3A_356 : i32
        %add3A_374 = arith.constant 0 : i32
        %add3A_375 = arith.addi %mul3A_373, %add3A_374 : i32
        %swap3A_376 = arith.index_cast %add3A_375 : i32 to index
        %swap3A_377 = arith.constant 16 : index
        %swap3A_378 = tpu.vector_load %arg12[%swap3A_376, %swap3A_377] {strides = array<i32>} : memref<80x32xf32, #tpu.memory_space<vmem>>, vector<1x16xf32>,
        %swap3A_379 = vector.shape_cast %swap3A_378 : vector<1x16xf32> to vector<16xf32>
        %swap3A_380 = vector.shape_cast %get3A_371 : vector<16xf32> to vector<1x16xf32>
        tpu.vector_store %arg12[%swap3A_376, %swap3A_377], %swap3A_380 {strides = array<i32>} : memref<80x32xf32, #tpu.memory_space<vmem>>, vector<1x16xf32>,
        %get3A_381 = arith.index_cast %scan3A_356 : i32 to index
        %get3A_382 = arith.constant 32 : index
        %get3A_383 = tpu.vector_load %arg10[%get3A_381, %get3A_382] {strides = array<i32>} : memref<20x128xf32, #tpu.memory_space<vmem>>, vector<1x16xf32>,
        %get3A_384 = vector.shape_cast %get3A_383 : vector<1x16xf32> to vector<16xf32>
        %mul3A_385 = arith.constant 4 : i32
        %mul3A_386 = arith.muli %mul3A_385, %scan3A_356 : i32
        %add3A_387 = arith.constant 1 : i32
        %add3A_388 = arith.addi %mul3A_386, %add3A_387 : i32
        %swap3A_389 = arith.index_cast %add3A_388 : i32 to index
        %swap3A_390 = arith.constant 0 : index
        %swap3A_391 = tpu.vector_load %arg12[%swap3A_389, %swap3A_390] {strides = array<i32>} : memref<80x32xf32, #tpu.memory_space<vmem>>, vector<1x16xf32>,
        %swap3A_392 = vector.shape_cast %swap3A_391 : vector<1x16xf32> to vector<16xf32>
        %swap3A_393 = vector.shape_cast %get3A_384 : vector<16xf32> to vector<1x16xf32>
        tpu.vector_store %arg12[%swap3A_389, %swap3A_390], %swap3A_393 {strides = array<i32>} : memref<80x32xf32, #tpu.memory_space<vmem>>, vector<1x16xf32>,
        %get3A_394 = arith.index_cast %scan3A_356 : i32 to index
        %get3A_395 = arith.constant 48 : index
        %get3A_396 = tpu.vector_load %arg10[%get3A_394, %get3A_395] {strides = array<i32>} : memref<20x128xf32, #tpu.memory_space<vmem>>, vector<1x16xf32>,
        %get3A_397 = vector.shape_cast %get3A_396 : vector<1x16xf32> to vector<16xf32>
        %mul3A_398 = arith.constant 4 : i32
        %mul3A_399 = arith.muli %mul3A_398, %scan3A_356 : i32
        %add3A_400 = arith.constant 1 : i32
        %add3A_401 = arith.addi %mul3A_399, %add3A_400 : i32
        %swap3A_402 = arith.index_cast %add3A_401 : i32 to index
        %swap3A_403 = arith.constant 16 : index
        %swap3A_404 = tpu.vector_load %arg12[%swap3A_402, %swap3A_403] {strides = array<i32>} : memref<80x32xf32, #tpu.memory_space<vmem>>, vector<1x16xf32>,
        %swap3A_405 = vector.shape_cast %swap3A_404 : vector<1x16xf32> to vector<16xf32>
        %swap3A_406 = vector.shape_cast %get3A_397 : vector<16xf32> to vector<1x16xf32>
        tpu.vector_store %arg12[%swap3A_402, %swap3A_403], %swap3A_406 {strides = array<i32>} : memref<80x32xf32, #tpu.memory_space<vmem>>, vector<1x16xf32>,
        %get3A_407 = arith.index_cast %scan3A_356 : i32 to index
        %get3A_408 = arith.constant 64 : index
        %get3A_409 = tpu.vector_load %arg10[%get3A_407, %get3A_408] {strides = array<i32>} : memref<20x128xf32, #tpu.memory_space<vmem>>, vector<1x16xf32>,
        %get3A_410 = vector.shape_cast %get3A_409 : vector<1x16xf32> to vector<16xf32>
        %mul3A_411 = arith.constant 4 : i32
        %mul3A_412 = arith.muli %mul3A_411, %scan3A_356 : i32
        %add3A_413 = arith.constant 2 : i32
        %add3A_414 = arith.addi %mul3A_412, %add3A_413 : i32
        %swap3A_415 = arith.index_cast %add3A_414 : i32 to index
        %swap3A_416 = arith.constant 0 : index
        %swap3A_417 = tpu.vector_load %arg12[%swap3A_415, %swap3A_416] {strides = array<i32>} : memref<80x32xf32, #tpu.memory_space<vmem>>, vector<1x16xf32>,
        %swap3A_418 = vector.shape_cast %swap3A_417 : vector<1x16xf32> to vector<16xf32>
        %swap3A_419 = vector.shape_cast %get3A_410 : vector<16xf32> to vector<1x16xf32>
        tpu.vector_store %arg12[%swap3A_415, %swap3A_416], %swap3A_419 {strides = array<i32>} : memref<80x32xf32, #tpu.memory_space<vmem>>, vector<1x16xf32>,
        %get3A_420 = arith.index_cast %scan3A_356 : i32 to index
        %get3A_421 = arith.constant 80 : index
        %get3A_422 = tpu.vector_load %arg10[%get3A_420, %get3A_421] {strides = array<i32>} : memref<20x128xf32, #tpu.memory_space<vmem>>, vector<1x16xf32>,
        %get3A_423 = vector.shape_cast %get3A_422 : vector<1x16xf32> to vector<16xf32>
        %mul3A_424 = arith.constant 4 : i32
        %mul3A_425 = arith.muli %mul3A_424, %scan3A_356 : i32
        %add3A_426 = arith.constant 2 : i32
        %add3A_427 = arith.addi %mul3A_425, %add3A_426 : i32
        %swap3A_428 = arith.index_cast %add3A_427 : i32 to index
        %swap3A_429 = arith.constant 16 : index
        %swap3A_430 = tpu.vector_load %arg12[%swap3A_428, %swap3A_429] {strides = array<i32>} : memref<80x32xf32, #tpu.memory_space<vmem>>, vector<1x16xf32>,
        %swap3A_431 = vector.shape_cast %swap3A_430 : vector<1x16xf32> to vector<16xf32>
        %swap3A_432 = vector.shape_cast %get3A_423 : vector<16xf32> to vector<1x16xf32>
        tpu.vector_store %arg12[%swap3A_428, %swap3A_429], %swap3A_432 {strides = array<i32>} : memref<80x32xf32, #tpu.memory_space<vmem>>, vector<1x16xf32>,
        %get3A_433 = arith.index_cast %scan3A_356 : i32 to index
        %get3A_434 = arith.constant 96 : index
        %get3A_435 = tpu.vector_load %arg10[%get3A_433, %get3A_434] {strides = array<i32>} : memref<20x128xf32, #tpu.memory_space<vmem>>, vector<1x16xf32>,
        %get3A_436 = vector.shape_cast %get3A_435 : vector<1x16xf32> to vector<16xf32>
        %mul3A_437 = arith.constant 4 : i32
        %mul3A_438 = arith.muli %mul3A_437, %scan3A_356 : i32
        %add3A_439 = arith.constant 3 : i32
        %add3A_440 = arith.addi %mul3A_438, %add3A_439 : i32
        %swap3A_441 = arith.index_cast %add3A_440 : i32 to index
        %swap3A_442 = arith.constant 0 : index
        %swap3A_443 = tpu.vector_load %arg12[%swap3A_441, %swap3A_442] {strides = array<i32>} : memref<80x32xf32, #tpu.memory_space<vmem>>, vector<1x16xf32>,
        %swap3A_444 = vector.shape_cast %swap3A_443 : vector<1x16xf32> to vector<16xf32>
        %swap3A_445 = vector.shape_cast %get3A_436 : vector<16xf32> to vector<1x16xf32>
        tpu.vector_store %arg12[%swap3A_441, %swap3A_442], %swap3A_445 {strides = array<i32>} : memref<80x32xf32, #tpu.memory_space<vmem>>, vector<1x16xf32>,
        %get3A_446 = arith.index_cast %scan3A_356 : i32 to index
        %get3A_447 = arith.constant 112 : index
        %get3A_448 = tpu.vector_load %arg10[%get3A_446, %get3A_447] {strides = array<i32>} : memref<20x128xf32, #tpu.memory_space<vmem>>, vector<1x16xf32>,
        %get3A_449 = vector.shape_cast %get3A_448 : vector<1x16xf32> to vector<16xf32>
        %mul3A_450 = arith.constant 4 : i32
        %mul3A_451 = arith.muli %mul3A_450, %scan3A_356 : i32
        %add3A_452 = arith.constant 3 : i32
        %add3A_453 = arith.addi %mul3A_451, %add3A_452 : i32
        %swap3A_454 = arith.index_cast %add3A_453 : i32 to index
        %swap3A_455 = arith.constant 16 : index
        %swap3A_456 = tpu.vector_load %arg12[%swap3A_454, %swap3A_455] {strides = array<i32>} : memref<80x32xf32, #tpu.memory_space<vmem>>, vector<1x16xf32>,
        %swap3A_457 = vector.shape_cast %swap3A_456 : vector<1x16xf32> to vector<16xf32>
        %swap3A_458 = vector.shape_cast %get3A_449 : vector<16xf32> to vector<1x16xf32>
        tpu.vector_store %arg12[%swap3A_454, %swap3A_455], %swap3A_458 {strides = array<i32>} : memref<80x32xf32, #tpu.memory_space<vmem>>, vector<1x16xf32>,
      }
      %scan3A_279 = arith.constant 20 : i32
      %dma_start3A_280 = arith.constant 0 : i32
      %dma_start3A_281 = tpu.memref_slice %arg9[%add3A_253, %dma_start3A_280] : memref<125x80xi32, #tpu.memory_space<vmem>> -> memref<1x80xi32, #tpu.memory_space<vmem>>
      %dma_start3A_282 = tpu.memref_squeeze %dma_start3A_281 : memref<1x80xi32, #tpu.memory_space<vmem>> -> memref<80xi32, #tpu.memory_space<vmem>>
      %dma_start3A_283 = arith.constant 0 : i32
      %dma_start3A_284 = arith.constant 0 : i32
      %dma_start3A_285 = tpu.memref_slice %arg14[%dma_start3A_283, %dma_start3A_284] : memref<10000x32xf32, #tpu.memory_space<vmem_shared>> -> memref<10000x32xf32, #tpu.memory_space<vmem_shared>>
      tpu.enqueue_indirect_dma source(%arg12 : memref<80x32xf32, #tpu.memory_space<vmem>>) target(%dma_start3A_285 : memref<10000x32xf32, #tpu.memory_space<vmem_shared>>) offsets(%dma_start3A_282 : memref<80xi32, #tpu.memory_space<vmem>>) semaphore(%arg18 : memref<!tpu.dma_semaphore, #tpu.memory_space<semaphore_mem>>) {add = true}
      %dma_start3A_286 = arith.constant 0 : i32
      %dma_start3A_287 = tpu.memref_slice %arg8[%add3A_253, %dma_start3A_286] : memref<125x80xi32, #tpu.memory_space<vmem>> -> memref<1x80xi32, #tpu.memory_space<vmem>>
      %dma_start3A_288 = tpu.memref_squeeze %dma_start3A_287 : memref<1x80xi32, #tpu.memory_space<vmem>> -> memref<80xi32, #tpu.memory_space<vmem>>
      %dma_start3A_289 = arith.constant 0 : i32
      %dma_start3A_290 = arith.constant 0 : i32
      %dma_start3A_291 = tpu.memref_slice %arg15[%dma_start3A_289, %dma_start3A_290] : memref<10000x32xf32, #tpu.memory_space<vmem_shared>> -> memref<10000x32xf32, #tpu.memory_space<vmem_shared>>
      tpu.enqueue_indirect_dma source(%arg12 : memref<80x32xf32, #tpu.memory_space<vmem>>) target(%dma_start3A_291 : memref<10000x32xf32, #tpu.memory_space<vmem_shared>>) offsets(%dma_start3A_288 : memref<80xi32, #tpu.memory_space<vmem>>) semaphore(%arg20 : memref<!tpu.dma_semaphore, #tpu.memory_space<semaphore_mem>>) {add = true}
      %add3A_292 = arith.constant 2 : i32
      %add3A_293 = arith.addi %add3A_253, %add3A_292 : i32
      %mul3A_294 = arith.constant 2500 : i32
      %mul3A_295 = arith.muli %add3A, %mul3A_294 : i32
      %mul3A_296 = arith.constant 20 : i32
      %mul3A_297 = arith.muli %add3A_293, %mul3A_296 : i32
      %add3A_298 = arith.addi %mul3A_295, %mul3A_297 : i32
      %dma_start3A_299 = arith.constant 0 : i32
      %dma_start3A_300 = tpu.memref_slice %arg2[%add3A_298, %dma_start3A_299] : memref<80000x128xf32, #tpu.memory_space<hbm>> -> memref<20x128xf32, #tpu.memory_space<hbm>>
      %dma_start3A_301 = arith.constant 0 : i32
      %dma_start3A_302 = tpu.memref_slice %arg2[%add3A_298, %dma_start3A_301] : memref<80000x128xf32, #tpu.memory_space<hbm>> -> memref<20x128xf32, #tpu.memory_space<hbm>>
      tpu.enqueue_dma source(%dma_start3A_302 : memref<20x128xf32, #tpu.memory_space<hbm>>) target(%arg10 : memref<20x128xf32, #tpu.memory_space<vmem>>) target_semaphore(%arg16 : memref<!tpu.dma_semaphore, #tpu.memory_space<semaphore_mem>>)
      %mul3A_303 = arith.constant 2 : i32
      %mul3A_304 = arith.muli %mul3A_303, %scan3A_249 : i32
      %add3A_305 = arith.constant 3 : i32
      %add3A_306 = arith.addi %mul3A_304, %add3A_305 : i32
      %dma_wait3A_307 = arith.constant 0 : i32
      %dma_wait3A_308 = arith.constant 0 : i32
      %dma_wait3A_309 = tpu.memref_slice %arg2[%dma_wait3A_307, %dma_wait3A_308] : memref<80000x128xf32, #tpu.memory_space<hbm>> -> memref<20x128xf32, #tpu.memory_space<hbm>>
      %dma_wait3A_310 = arith.constant 0 : i32
      %dma_wait3A_311 = arith.constant 0 : i32
      %dma_wait3A_312 = tpu.memref_slice %arg2[%dma_wait3A_310, %dma_wait3A_311] : memref<80000x128xf32, #tpu.memory_space<hbm>> -> memref<20x128xf32, #tpu.memory_space<hbm>>
      tpu.wait_dma2 semaphore(%arg17 : memref<!tpu.dma_semaphore, #tpu.memory_space<semaphore_mem>>) src(%dma_wait3A_312 : memref<20x128xf32, #tpu.memory_space<hbm>>) dst(%arg11 : memref<20x128xf32, #tpu.memory_space<vmem>>)
      %dma_wait3A_313 = arith.constant 0 : i32
      %dma_wait3A_314 = arith.constant 0 : i32
      %dma_wait3A_315 = tpu.memref_slice %arg9[%dma_wait3A_313, %dma_wait3A_314] : memref<125x80xi32, #tpu.memory_space<vmem>> -> memref<1x80xi32, #tpu.memory_space<vmem>>
      %dma_wait3A_316 = tpu.memref_squeeze %dma_wait3A_315 : memref<1x80xi32, #tpu.memory_space<vmem>> -> memref<80xi32, #tpu.memory_space<vmem>>
      %dma_wait3A_317 = arith.constant 0 : i32
      %dma_wait3A_318 = arith.constant 0 : i32
      %dma_wait3A_319 = tpu.memref_slice %arg14[%dma_wait3A_317, %dma_wait3A_318] : memref<10000x32xf32, #tpu.memory_space<vmem_shared>> -> memref<10000x32xf32, #tpu.memory_space<vmem_shared>>
      tpu.wait_indirect_dma semaphore(%arg19 : memref<!tpu.dma_semaphore, #tpu.memory_space<semaphore_mem>>) src(%arg13 : memref<80x32xf32, #tpu.memory_space<vmem>>) dst(%dma_wait3A_319 : memref<10000x32xf32, #tpu.memory_space<vmem_shared>>)
      %dma_wait3A_320 = arith.constant 0 : i32
      %dma_wait3A_321 = arith.constant 0 : i32
      %dma_wait3A_322 = tpu.memref_slice %arg8[%dma_wait3A_320, %dma_wait3A_321] : memref<125x80xi32, #tpu.memory_space<vmem>> -> memref<1x80xi32, #tpu.memory_space<vmem>>
      %dma_wait3A_323 = tpu.memref_squeeze %dma_wait3A_322 : memref<1x80xi32, #tpu.memory_space<vmem>> -> memref<80xi32, #tpu.memory_space<vmem>>
      %dma_wait3A_324 = arith.constant 0 : i32
      %dma_wait3A_325 = arith.constant 0 : i32
      %dma_wait3A_326 = tpu.memref_slice %arg15[%dma_wait3A_324, %dma_wait3A_325] : memref<10000x32xf32, #tpu.memory_space<vmem_shared>> -> memref<10000x32xf32, #tpu.memory_space<vmem_shared>>
      tpu.wait_indirect_dma semaphore(%arg21 : memref<!tpu.dma_semaphore, #tpu.memory_space<semaphore_mem>>) src(%arg13 : memref<80x32xf32, #tpu.memory_space<vmem>>) dst(%dma_wait3A_326 : memref<10000x32xf32, #tpu.memory_space<vmem_shared>>)
      %scan3A_327 = arith.constant 0 : i32
      %scan3A_328 = arith.constant 0 : i32
      %scan3A_329 = arith.constant 20 : i32
      %scan3A_330 = arith.addi %scan3A_328, %scan3A_329 : i32
      %scan3A_331 = arith.constant 1 : i32
      scf.for %scan3A_356 = %scan3A_328 to %scan3A_330 step %scan3A_331  : i32 {
        %get3A = arith.index_cast %scan3A_356 : i32 to index
        %get3A_357 = arith.constant 0 : index
        %get3A_358 = tpu.vector_load %arg11[%get3A, %get3A_357] {strides = array<i32>} : memref<20x128xf32, #tpu.memory_space<vmem>>, vector<1x16xf32>,
        %get3A_359 = vector.shape_cast %get3A_358 : vector<1x16xf32> to vector<16xf32>
        %mul3A_360 = arith.constant 4 : i32
        %mul3A_361 = arith.muli %mul3A_360, %scan3A_356 : i32
        %add3A_362 = arith.constant 0 : i32
        %add3A_363 = arith.addi %mul3A_361, %add3A_362 : i32
        %swap3A = arith.index_cast %add3A_363 : i32 to index
        %swap3A_364 = arith.constant 0 : index
        %swap3A_365 = tpu.vector_load %arg13[%swap3A, %swap3A_364] {strides = array<i32>} : memref<80x32xf32, #tpu.memory_space<vmem>>, vector<1x16xf32>,
        %swap3A_366 = vector.shape_cast %swap3A_365 : vector<1x16xf32> to vector<16xf32>
        %swap3A_367 = vector.shape_cast %get3A_359 : vector<16xf32> to vector<1x16xf32>
        tpu.vector_store %arg13[%swap3A, %swap3A_364], %swap3A_367 {strides = array<i32>} : memref<80x32xf32, #tpu.memory_space<vmem>>, vector<1x16xf32>,
        %get3A_368 = arith.index_cast %scan3A_356 : i32 to index
        %get3A_369 = arith.constant 16 : index
        %get3A_370 = tpu.vector_load %arg11[%get3A_368, %get3A_369] {strides = array<i32>} : memref<20x128xf32, #tpu.memory_space<vmem>>, vector<1x16xf32>,
        %get3A_371 = vector.shape_cast %get3A_370 : vector<1x16xf32> to vector<16xf32>
        %mul3A_372 = arith.constant 4 : i32
        %mul3A_373 = arith.muli %mul3A_372, %scan3A_356 : i32
        %add3A_374 = arith.constant 0 : i32
        %add3A_375 = arith.addi %mul3A_373, %add3A_374 : i32
        %swap3A_376 = arith.index_cast %add3A_375 : i32 to index
        %swap3A_377 = arith.constant 16 : index
        %swap3A_378 = tpu.vector_load %arg13[%swap3A_376, %swap3A_377] {strides = array<i32>} : memref<80x32xf32, #tpu.memory_space<vmem>>, vector<1x16xf32>,
        %swap3A_379 = vector.shape_cast %swap3A_378 : vector<1x16xf32> to vector<16xf32>
        %swap3A_380 = vector.shape_cast %get3A_371 : vector<16xf32> to vector<1x16xf32>
        tpu.vector_store %arg13[%swap3A_376, %swap3A_377], %swap3A_380 {strides = array<i32>} : memref<80x32xf32, #tpu.memory_space<vmem>>, vector<1x16xf32>,
        %get3A_381 = arith.index_cast %scan3A_356 : i32 to index
        %get3A_382 = arith.constant 32 : index
        %get3A_383 = tpu.vector_load %arg11[%get3A_381, %get3A_382] {strides = array<i32>} : memref<20x128xf32, #tpu.memory_space<vmem>>, vector<1x16xf32>,
        %get3A_384 = vector.shape_cast %get3A_383 : vector<1x16xf32> to vector<16xf32>
        %mul3A_385 = arith.constant 4 : i32
        %mul3A_386 = arith.muli %mul3A_385, %scan3A_356 : i32
        %add3A_387 = arith.constant 1 : i32
        %add3A_388 = arith.addi %mul3A_386, %add3A_387 : i32
        %swap3A_389 = arith.index_cast %add3A_388 : i32 to index
        %swap3A_390 = arith.constant 0 : index
        %swap3A_391 = tpu.vector_load %arg13[%swap3A_389, %swap3A_390] {strides = array<i32>} : memref<80x32xf32, #tpu.memory_space<vmem>>, vector<1x16xf32>,
        %swap3A_392 = vector.shape_cast %swap3A_391 : vector<1x16xf32> to vector<16xf32>
        %swap3A_393 = vector.shape_cast %get3A_384 : vector<16xf32> to vector<1x16xf32>
        tpu.vector_store %arg13[%swap3A_389, %swap3A_390], %swap3A_393 {strides = array<i32>} : memref<80x32xf32, #tpu.memory_space<vmem>>, vector<1x16xf32>,
        %get3A_394 = arith.index_cast %scan3A_356 : i32 to index
        %get3A_395 = arith.constant 48 : index
        %get3A_396 = tpu.vector_load %arg11[%get3A_394, %get3A_395] {strides = array<i32>} : memref<20x128xf32, #tpu.memory_space<vmem>>, vector<1x16xf32>,
        %get3A_397 = vector.shape_cast %get3A_396 : vector<1x16xf32> to vector<16xf32>
        %mul3A_398 = arith.constant 4 : i32
        %mul3A_399 = arith.muli %mul3A_398, %scan3A_356 : i32
        %add3A_400 = arith.constant 1 : i32
        %add3A_401 = arith.addi %mul3A_399, %add3A_400 : i32
        %swap3A_402 = arith.index_cast %add3A_401 : i32 to index
        %swap3A_403 = arith.constant 16 : index
        %swap3A_404 = tpu.vector_load %arg13[%swap3A_402, %swap3A_403] {strides = array<i32>} : memref<80x32xf32, #tpu.memory_space<vmem>>, vector<1x16xf32>,
        %swap3A_405 = vector.shape_cast %swap3A_404 : vector<1x16xf32> to vector<16xf32>
        %swap3A_406 = vector.shape_cast %get3A_397 : vector<16xf32> to vector<1x16xf32>
        tpu.vector_store %arg13[%swap3A_402, %swap3A_403], %swap3A_406 {strides = array<i32>} : memref<80x32xf32, #tpu.memory_space<vmem>>, vector<1x16xf32>,
        %get3A_407 = arith.index_cast %scan3A_356 : i32 to index
        %get3A_408 = arith.constant 64 : index
        %get3A_409 = tpu.vector_load %arg11[%get3A_407, %get3A_408] {strides = array<i32>} : memref<20x128xf32, #tpu.memory_space<vmem>>, vector<1x16xf32>,
        %get3A_410 = vector.shape_cast %get3A_409 : vector<1x16xf32> to vector<16xf32>
        %mul3A_411 = arith.constant 4 : i32
        %mul3A_412 = arith.muli %mul3A_411, %scan3A_356 : i32
        %add3A_413 = arith.constant 2 : i32
        %add3A_414 = arith.addi %mul3A_412, %add3A_413 : i32
        %swap3A_415 = arith.index_cast %add3A_414 : i32 to index
        %swap3A_416 = arith.constant 0 : index
        %swap3A_417 = tpu.vector_load %arg13[%swap3A_415, %swap3A_416] {strides = array<i32>} : memref<80x32xf32, #tpu.memory_space<vmem>>, vector<1x16xf32>,
        %swap3A_418 = vector.shape_cast %swap3A_417 : vector<1x16xf32> to vector<16xf32>
        %swap3A_419 = vector.shape_cast %get3A_410 : vector<16xf32> to vector<1x16xf32>
        tpu.vector_store %arg13[%swap3A_415, %swap3A_416], %swap3A_419 {strides = array<i32>} : memref<80x32xf32, #tpu.memory_space<vmem>>, vector<1x16xf32>,
        %get3A_420 = arith.index_cast %scan3A_356 : i32 to index
        %get3A_421 = arith.constant 80 : index
        %get3A_422 = tpu.vector_load %arg11[%get3A_420, %get3A_421] {strides = array<i32>} : memref<20x128xf32, #tpu.memory_space<vmem>>, vector<1x16xf32>,
        %get3A_423 = vector.shape_cast %get3A_422 : vector<1x16xf32> to vector<16xf32>
        %mul3A_424 = arith.constant 4 : i32
        %mul3A_425 = arith.muli %mul3A_424, %scan3A_356 : i32
        %add3A_426 = arith.constant 2 : i32
        %add3A_427 = arith.addi %mul3A_425, %add3A_426 : i32
        %swap3A_428 = arith.index_cast %add3A_427 : i32 to index
        %swap3A_429 = arith.constant 16 : index
        %swap3A_430 = tpu.vector_load %arg13[%swap3A_428, %swap3A_429] {strides = array<i32>} : memref<80x32xf32, #tpu.memory_space<vmem>>, vector<1x16xf32>,
        %swap3A_431 = vector.shape_cast %swap3A_430 : vector<1x16xf32> to vector<16xf32>
        %swap3A_432 = vector.shape_cast %get3A_423 : vector<16xf32> to vector<1x16xf32>
        tpu.vector_store %arg13[%swap3A_428, %swap3A_429], %swap3A_432 {strides = array<i32>} : memref<80x32xf32, #tpu.memory_space<vmem>>, vector<1x16xf32>,
        %get3A_433 = arith.index_cast %scan3A_356 : i32 to index
        %get3A_434 = arith.constant 96 : index
        %get3A_435 = tpu.vector_load %arg11[%get3A_433, %get3A_434] {strides = array<i32>} : memref<20x128xf32, #tpu.memory_space<vmem>>, vector<1x16xf32>,
        %get3A_436 = vector.shape_cast %get3A_435 : vector<1x16xf32> to vector<16xf32>
        %mul3A_437 = arith.constant 4 : i32
        %mul3A_438 = arith.muli %mul3A_437, %scan3A_356 : i32
        %add3A_439 = arith.constant 3 : i32
        %add3A_440 = arith.addi %mul3A_438, %add3A_439 : i32
        %swap3A_441 = arith.index_cast %add3A_440 : i32 to index
        %swap3A_442 = arith.constant 0 : index
        %swap3A_443 = tpu.vector_load %arg13[%swap3A_441, %swap3A_442] {strides = array<i32>} : memref<80x32xf32, #tpu.memory_space<vmem>>, vector<1x16xf32>,
        %swap3A_444 = vector.shape_cast %swap3A_443 : vector<1x16xf32> to vector<16xf32>
        %swap3A_445 = vector.shape_cast %get3A_436 : vector<16xf32> to vector<1x16xf32>
        tpu.vector_store %arg13[%swap3A_441, %swap3A_442], %swap3A_445 {strides = array<i32>} : memref<80x32xf32, #tpu.memory_space<vmem>>, vector<1x16xf32>,
        %get3A_446 = arith.index_cast %scan3A_356 : i32 to index
        %get3A_447 = arith.constant 112 : index
        %get3A_448 = tpu.vector_load %arg11[%get3A_446, %get3A_447] {strides = array<i32>} : memref<20x128xf32, #tpu.memory_space<vmem>>, vector<1x16xf32>,
        %get3A_449 = vector.shape_cast %get3A_448 : vector<1x16xf32> to vector<16xf32>
        %mul3A_450 = arith.constant 4 : i32
        %mul3A_451 = arith.muli %mul3A_450, %scan3A_356 : i32
        %add3A_452 = arith.constant 3 : i32
        %add3A_453 = arith.addi %mul3A_451, %add3A_452 : i32
        %swap3A_454 = arith.index_cast %add3A_453 : i32 to index
        %swap3A_455 = arith.constant 16 : index
        %swap3A_456 = tpu.vector_load %arg13[%swap3A_454, %swap3A_455] {strides = array<i32>} : memref<80x32xf32, #tpu.memory_space<vmem>>, vector<1x16xf32>,
        %swap3A_457 = vector.shape_cast %swap3A_456 : vector<1x16xf32> to vector<16xf32>
        %swap3A_458 = vector.shape_cast %get3A_449 : vector<16xf32> to vector<1x16xf32>
        tpu.vector_store %arg13[%swap3A_454, %swap3A_455], %swap3A_458 {strides = array<i32>} : memref<80x32xf32, #tpu.memory_space<vmem>>, vector<1x16xf32>,
      }
      %scan3A_332 = arith.constant 20 : i32
      %dma_start3A_333 = arith.constant 0 : i32
      %dma_start3A_334 = tpu.memref_slice %arg9[%add3A_306, %dma_start3A_333] : memref<125x80xi32, #tpu.memory_space<vmem>> -> memref<1x80xi32, #tpu.memory_space<vmem>>
      %dma_start3A_335 = tpu.memref_squeeze %dma_start3A_334 : memref<1x80xi32, #tpu.memory_space<vmem>> -> memref<80xi32, #tpu.memory_space<vmem>>
      %dma_start3A_336 = arith.constant 0 : i32
      %dma_start3A_337 = arith.constant 0 : i32
      %dma_start3A_338 = tpu.memref_slice %arg14[%dma_start3A_336, %dma_start3A_337] : memref<10000x32xf32, #tpu.memory_space<vmem_shared>> -> memref<10000x32xf32, #tpu.memory_space<vmem_shared>>
      tpu.enqueue_indirect_dma source(%arg13 : memref<80x32xf32, #tpu.memory_space<vmem>>) target(%dma_start3A_338 : memref<10000x32xf32, #tpu.memory_space<vmem_shared>>) offsets(%dma_start3A_335 : memref<80xi32, #tpu.memory_space<vmem>>) semaphore(%arg19 : memref<!tpu.dma_semaphore, #tpu.memory_space<semaphore_mem>>) {add = true}
      %dma_start3A_339 = arith.constant 0 : i32
      %dma_start3A_340 = tpu.memref_slice %arg8[%add3A_306, %dma_start3A_339] : memref<125x80xi32, #tpu.memory_space<vmem>> -> memref<1x80xi32, #tpu.memory_space<vmem>>
      %dma_start3A_341 = tpu.memref_squeeze %dma_start3A_340 : memref<1x80xi32, #tpu.memory_space<vmem>> -> memref<80xi32, #tpu.memory_space<vmem>>
      %dma_start3A_342 = arith.constant 0 : i32
      %dma_start3A_343 = arith.constant 0 : i32
      %dma_start3A_344 = tpu.memref_slice %arg15[%dma_start3A_342, %dma_start3A_343] : memref<10000x32xf32, #tpu.memory_space<vmem_shared>> -> memref<10000x32xf32, #tpu.memory_space<vmem_shared>>
      tpu.enqueue_indirect_dma source(%arg13 : memref<80x32xf32, #tpu.memory_space<vmem>>) target(%dma_start3A_344 : memref<10000x32xf32, #tpu.memory_space<vmem_shared>>) offsets(%dma_start3A_341 : memref<80xi32, #tpu.memory_space<vmem>>) semaphore(%arg21 : memref<!tpu.dma_semaphore, #tpu.memory_space<semaphore_mem>>) {add = true}
      %add3A_345 = arith.constant 2 : i32
      %add3A_346 = arith.addi %add3A_306, %add3A_345 : i32
      %mul3A_347 = arith.constant 2500 : i32
      %mul3A_348 = arith.muli %add3A, %mul3A_347 : i32
      %mul3A_349 = arith.constant 20 : i32
      %mul3A_350 = arith.muli %add3A_346, %mul3A_349 : i32
      %add3A_351 = arith.addi %mul3A_348, %mul3A_350 : i32
      %dma_start3A_352 = arith.constant 0 : i32
      %dma_start3A_353 = tpu.memref_slice %arg2[%add3A_351, %dma_start3A_352] : memref<80000x128xf32, #tpu.memory_space<hbm>> -> memref<20x128xf32, #tpu.memory_space<hbm>>
      %dma_start3A_354 = arith.constant 0 : i32
      %dma_start3A_355 = tpu.memref_slice %arg2[%add3A_351, %dma_start3A_354] : memref<80000x128xf32, #tpu.memory_space<hbm>> -> memref<20x128xf32, #tpu.memory_space<hbm>>
      tpu.enqueue_dma source(%dma_start3A_355 : memref<20x128xf32, #tpu.memory_space<hbm>>) target(%arg11 : memref<20x128xf32, #tpu.memory_space<vmem>>) target_semaphore(%arg17 : memref<!tpu.dma_semaphore, #tpu.memory_space<semaphore_mem>>)
    }
    %scan3A_91 = arith.constant 60 : i32
    %dma_wait3A_92 = arith.constant 0 : i32
    %dma_wait3A_93 = arith.constant 0 : i32
    %dma_wait3A_94 = tpu.memref_slice %arg2[%dma_wait3A_92, %dma_wait3A_93] : memref<80000x128xf32, #tpu.memory_space<hbm>> -> memref<20x128xf32, #tpu.memory_space<hbm>>
    %dma_wait3A_95 = arith.constant 0 : i32
    %dma_wait3A_96 = arith.constant 0 : i32
    %dma_wait3A_97 = tpu.memref_slice %arg2[%dma_wait3A_95, %dma_wait3A_96] : memref<80000x128xf32, #tpu.memory_space<hbm>> -> memref<20x128xf32, #tpu.memory_space<hbm>>
    tpu.wait_dma2 semaphore(%arg16 : memref<!tpu.dma_semaphore, #tpu.memory_space<semaphore_mem>>) src(%dma_wait3A_97 : memref<20x128xf32, #tpu.memory_space<hbm>>) dst(%arg10 : memref<20x128xf32, #tpu.memory_space<vmem>>)
    %dma_wait3A_98 = arith.constant 0 : i32
    %dma_wait3A_99 = arith.constant 0 : i32
    %dma_wait3A_100 = tpu.memref_slice %arg9[%dma_wait3A_98, %dma_wait3A_99] : memref<125x80xi32, #tpu.memory_space<vmem>> -> memref<1x80xi32, #tpu.memory_space<vmem>>
    %dma_wait3A_101 = tpu.memref_squeeze %dma_wait3A_100 : memref<1x80xi32, #tpu.memory_space<vmem>> -> memref<80xi32, #tpu.memory_space<vmem>>
    %dma_wait3A_102 = arith.constant 0 : i32
    %dma_wait3A_103 = arith.constant 0 : i32
    %dma_wait3A_104 = tpu.memref_slice %arg14[%dma_wait3A_102, %dma_wait3A_103] : memref<10000x32xf32, #tpu.memory_space<vmem_shared>> -> memref<10000x32xf32, #tpu.memory_space<vmem_shared>>
    tpu.wait_indirect_dma semaphore(%arg18 : memref<!tpu.dma_semaphore, #tpu.memory_space<semaphore_mem>>) src(%arg12 : memref<80x32xf32, #tpu.memory_space<vmem>>) dst(%dma_wait3A_104 : memref<10000x32xf32, #tpu.memory_space<vmem_shared>>)
    %dma_wait3A_105 = arith.constant 0 : i32
    %dma_wait3A_106 = arith.constant 0 : i32
    %dma_wait3A_107 = tpu.memref_slice %arg8[%dma_wait3A_105, %dma_wait3A_106] : memref<125x80xi32, #tpu.memory_space<vmem>> -> memref<1x80xi32, #tpu.memory_space<vmem>>
    %dma_wait3A_108 = tpu.memref_squeeze %dma_wait3A_107 : memref<1x80xi32, #tpu.memory_space<vmem>> -> memref<80xi32, #tpu.memory_space<vmem>>
    %dma_wait3A_109 = arith.constant 0 : i32
    %dma_wait3A_110 = arith.constant 0 : i32
    %dma_wait3A_111 = tpu.memref_slice %arg15[%dma_wait3A_109, %dma_wait3A_110] : memref<10000x32xf32, #tpu.memory_space<vmem_shared>> -> memref<10000x32xf32, #tpu.memory_space<vmem_shared>>
    tpu.wait_indirect_dma semaphore(%arg20 : memref<!tpu.dma_semaphore, #tpu.memory_space<semaphore_mem>>) src(%arg12 : memref<80x32xf32, #tpu.memory_space<vmem>>) dst(%dma_wait3A_111 : memref<10000x32xf32, #tpu.memory_space<vmem_shared>>)
    %scan3A_112 = arith.constant 0 : i32
    %scan3A_113 = arith.constant 0 : i32
    %scan3A_114 = arith.constant 20 : i32
    %scan3A_115 = arith.addi %scan3A_113, %scan3A_114 : i32
    %scan3A_116 = arith.constant 1 : i32
    scf.for %scan3A_249 = %scan3A_113 to %scan3A_115 step %scan3A_116  : i32 {
      %get3A = arith.index_cast %scan3A_249 : i32 to index
      %get3A_250 = arith.constant 0 : index
      %get3A_251 = tpu.vector_load %arg10[%get3A, %get3A_250] {strides = array<i32>} : memref<20x128xf32, #tpu.memory_space<vmem>>, vector<1x16xf32>,
      %get3A_252 = vector.shape_cast %get3A_251 : vector<1x16xf32> to vector<16xf32>
      %mul3A_253 = arith.constant 4 : i32
      %mul3A_254 = arith.muli %mul3A_253, %scan3A_249 : i32
      %add3A_255 = arith.constant 0 : i32
      %add3A_256 = arith.addi %mul3A_254, %add3A_255 : i32
      %swap3A = arith.index_cast %add3A_256 : i32 to index
      %swap3A_257 = arith.constant 0 : index
      %swap3A_258 = tpu.vector_load %arg12[%swap3A, %swap3A_257] {strides = array<i32>} : memref<80x32xf32, #tpu.memory_space<vmem>>, vector<1x16xf32>,
      %swap3A_259 = vector.shape_cast %swap3A_258 : vector<1x16xf32> to vector<16xf32>
      %swap3A_260 = vector.shape_cast %get3A_252 : vector<16xf32> to vector<1x16xf32>
      tpu.vector_store %arg12[%swap3A, %swap3A_257], %swap3A_260 {strides = array<i32>} : memref<80x32xf32, #tpu.memory_space<vmem>>, vector<1x16xf32>,
      %get3A_261 = arith.index_cast %scan3A_249 : i32 to index
      %get3A_262 = arith.constant 16 : index
      %get3A_263 = tpu.vector_load %arg10[%get3A_261, %get3A_262] {strides = array<i32>} : memref<20x128xf32, #tpu.memory_space<vmem>>, vector<1x16xf32>,
      %get3A_264 = vector.shape_cast %get3A_263 : vector<1x16xf32> to vector<16xf32>
      %mul3A_265 = arith.constant 4 : i32
      %mul3A_266 = arith.muli %mul3A_265, %scan3A_249 : i32
      %add3A_267 = arith.constant 0 : i32
      %add3A_268 = arith.addi %mul3A_266, %add3A_267 : i32
      %swap3A_269 = arith.index_cast %add3A_268 : i32 to index
      %swap3A_270 = arith.constant 16 : index
      %swap3A_271 = tpu.vector_load %arg12[%swap3A_269, %swap3A_270] {strides = array<i32>} : memref<80x32xf32, #tpu.memory_space<vmem>>, vector<1x16xf32>,
      %swap3A_272 = vector.shape_cast %swap3A_271 : vector<1x16xf32> to vector<16xf32>
      %swap3A_273 = vector.shape_cast %get3A_264 : vector<16xf32> to vector<1x16xf32>
      tpu.vector_store %arg12[%swap3A_269, %swap3A_270], %swap3A_273 {strides = array<i32>} : memref<80x32xf32, #tpu.memory_space<vmem>>, vector<1x16xf32>,
      %get3A_274 = arith.index_cast %scan3A_249 : i32 to index
      %get3A_275 = arith.constant 32 : index
      %get3A_276 = tpu.vector_load %arg10[%get3A_274, %get3A_275] {strides = array<i32>} : memref<20x128xf32, #tpu.memory_space<vmem>>, vector<1x16xf32>,
      %get3A_277 = vector.shape_cast %get3A_276 : vector<1x16xf32> to vector<16xf32>
      %mul3A_278 = arith.constant 4 : i32
      %mul3A_279 = arith.muli %mul3A_278, %scan3A_249 : i32
      %add3A_280 = arith.constant 1 : i32
      %add3A_281 = arith.addi %mul3A_279, %add3A_280 : i32
      %swap3A_282 = arith.index_cast %add3A_281 : i32 to index
      %swap3A_283 = arith.constant 0 : index
      %swap3A_284 = tpu.vector_load %arg12[%swap3A_282, %swap3A_283] {strides = array<i32>} : memref<80x32xf32, #tpu.memory_space<vmem>>, vector<1x16xf32>,
      %swap3A_285 = vector.shape_cast %swap3A_284 : vector<1x16xf32> to vector<16xf32>
      %swap3A_286 = vector.shape_cast %get3A_277 : vector<16xf32> to vector<1x16xf32>
      tpu.vector_store %arg12[%swap3A_282, %swap3A_283], %swap3A_286 {strides = array<i32>} : memref<80x32xf32, #tpu.memory_space<vmem>>, vector<1x16xf32>,
      %get3A_287 = arith.index_cast %scan3A_249 : i32 to index
      %get3A_288 = arith.constant 48 : index
      %get3A_289 = tpu.vector_load %arg10[%get3A_287, %get3A_288] {strides = array<i32>} : memref<20x128xf32, #tpu.memory_space<vmem>>, vector<1x16xf32>,
      %get3A_290 = vector.shape_cast %get3A_289 : vector<1x16xf32> to vector<16xf32>
      %mul3A_291 = arith.constant 4 : i32
      %mul3A_292 = arith.muli %mul3A_291, %scan3A_249 : i32
      %add3A_293 = arith.constant 1 : i32
      %add3A_294 = arith.addi %mul3A_292, %add3A_293 : i32
      %swap3A_295 = arith.index_cast %add3A_294 : i32 to index
      %swap3A_296 = arith.constant 16 : index
      %swap3A_297 = tpu.vector_load %arg12[%swap3A_295, %swap3A_296] {strides = array<i32>} : memref<80x32xf32, #tpu.memory_space<vmem>>, vector<1x16xf32>,
      %swap3A_298 = vector.shape_cast %swap3A_297 : vector<1x16xf32> to vector<16xf32>
      %swap3A_299 = vector.shape_cast %get3A_290 : vector<16xf32> to vector<1x16xf32>
      tpu.vector_store %arg12[%swap3A_295, %swap3A_296], %swap3A_299 {strides = array<i32>} : memref<80x32xf32, #tpu.memory_space<vmem>>, vector<1x16xf32>,
      %get3A_300 = arith.index_cast %scan3A_249 : i32 to index
      %get3A_301 = arith.constant 64 : index
      %get3A_302 = tpu.vector_load %arg10[%get3A_300, %get3A_301] {strides = array<i32>} : memref<20x128xf32, #tpu.memory_space<vmem>>, vector<1x16xf32>,
      %get3A_303 = vector.shape_cast %get3A_302 : vector<1x16xf32> to vector<16xf32>
      %mul3A_304 = arith.constant 4 : i32
      %mul3A_305 = arith.muli %mul3A_304, %scan3A_249 : i32
      %add3A_306 = arith.constant 2 : i32
      %add3A_307 = arith.addi %mul3A_305, %add3A_306 : i32
      %swap3A_308 = arith.index_cast %add3A_307 : i32 to index
      %swap3A_309 = arith.constant 0 : index
      %swap3A_310 = tpu.vector_load %arg12[%swap3A_308, %swap3A_309] {strides = array<i32>} : memref<80x32xf32, #tpu.memory_space<vmem>>, vector<1x16xf32>,
      %swap3A_311 = vector.shape_cast %swap3A_310 : vector<1x16xf32> to vector<16xf32>
      %swap3A_312 = vector.shape_cast %get3A_303 : vector<16xf32> to vector<1x16xf32>
      tpu.vector_store %arg12[%swap3A_308, %swap3A_309], %swap3A_312 {strides = array<i32>} : memref<80x32xf32, #tpu.memory_space<vmem>>, vector<1x16xf32>,
      %get3A_313 = arith.index_cast %scan3A_249 : i32 to index
      %get3A_314 = arith.constant 80 : index
      %get3A_315 = tpu.vector_load %arg10[%get3A_313, %get3A_314] {strides = array<i32>} : memref<20x128xf32, #tpu.memory_space<vmem>>, vector<1x16xf32>,
      %get3A_316 = vector.shape_cast %get3A_315 : vector<1x16xf32> to vector<16xf32>
      %mul3A_317 = arith.constant 4 : i32
      %mul3A_318 = arith.muli %mul3A_317, %scan3A_249 : i32
      %add3A_319 = arith.constant 2 : i32
      %add3A_320 = arith.addi %mul3A_318, %add3A_319 : i32
      %swap3A_321 = arith.index_cast %add3A_320 : i32 to index
      %swap3A_322 = arith.constant 16 : index
      %swap3A_323 = tpu.vector_load %arg12[%swap3A_321, %swap3A_322] {strides = array<i32>} : memref<80x32xf32, #tpu.memory_space<vmem>>, vector<1x16xf32>,
      %swap3A_324 = vector.shape_cast %swap3A_323 : vector<1x16xf32> to vector<16xf32>
      %swap3A_325 = vector.shape_cast %get3A_316 : vector<16xf32> to vector<1x16xf32>
      tpu.vector_store %arg12[%swap3A_321, %swap3A_322], %swap3A_325 {strides = array<i32>} : memref<80x32xf32, #tpu.memory_space<vmem>>, vector<1x16xf32>,
      %get3A_326 = arith.index_cast %scan3A_249 : i32 to index
      %get3A_327 = arith.constant 96 : index
      %get3A_328 = tpu.vector_load %arg10[%get3A_326, %get3A_327] {strides = array<i32>} : memref<20x128xf32, #tpu.memory_space<vmem>>, vector<1x16xf32>,
      %get3A_329 = vector.shape_cast %get3A_328 : vector<1x16xf32> to vector<16xf32>
      %mul3A_330 = arith.constant 4 : i32
      %mul3A_331 = arith.muli %mul3A_330, %scan3A_249 : i32
      %add3A_332 = arith.constant 3 : i32
      %add3A_333 = arith.addi %mul3A_331, %add3A_332 : i32
      %swap3A_334 = arith.index_cast %add3A_333 : i32 to index
      %swap3A_335 = arith.constant 0 : index
      %swap3A_336 = tpu.vector_load %arg12[%swap3A_334, %swap3A_335] {strides = array<i32>} : memref<80x32xf32, #tpu.memory_space<vmem>>, vector<1x16xf32>,
      %swap3A_337 = vector.shape_cast %swap3A_336 : vector<1x16xf32> to vector<16xf32>
      %swap3A_338 = vector.shape_cast %get3A_329 : vector<16xf32> to vector<1x16xf32>
      tpu.vector_store %arg12[%swap3A_334, %swap3A_335], %swap3A_338 {strides = array<i32>} : memref<80x32xf32, #tpu.memory_space<vmem>>, vector<1x16xf32>,
      %get3A_339 = arith.index_cast %scan3A_249 : i32 to index
      %get3A_340 = arith.constant 112 : index
      %get3A_341 = tpu.vector_load %arg10[%get3A_339, %get3A_340] {strides = array<i32>} : memref<20x128xf32, #tpu.memory_space<vmem>>, vector<1x16xf32>,
      %get3A_342 = vector.shape_cast %get3A_341 : vector<1x16xf32> to vector<16xf32>
      %mul3A_343 = arith.constant 4 : i32
      %mul3A_344 = arith.muli %mul3A_343, %scan3A_249 : i32
      %add3A_345 = arith.constant 3 : i32
      %add3A_346 = arith.addi %mul3A_344, %add3A_345 : i32
      %swap3A_347 = arith.index_cast %add3A_346 : i32 to index
      %swap3A_348 = arith.constant 16 : index
      %swap3A_349 = tpu.vector_load %arg12[%swap3A_347, %swap3A_348] {strides = array<i32>} : memref<80x32xf32, #tpu.memory_space<vmem>>, vector<1x16xf32>,
      %swap3A_350 = vector.shape_cast %swap3A_349 : vector<1x16xf32> to vector<16xf32>
      %swap3A_351 = vector.shape_cast %get3A_342 : vector<16xf32> to vector<1x16xf32>
      tpu.vector_store %arg12[%swap3A_347, %swap3A_348], %swap3A_351 {strides = array<i32>} : memref<80x32xf32, #tpu.memory_space<vmem>>, vector<1x16xf32>,
    }
    %scan3A_117 = arith.constant 20 : i32
    %dma_start3A_118 = arith.constant 122 : i32
    %dma_start3A_119 = arith.constant 0 : i32
    %dma_start3A_120 = tpu.memref_slice %arg9[%dma_start3A_118, %dma_start3A_119] : memref<125x80xi32, #tpu.memory_space<vmem>> -> memref<1x80xi32, #tpu.memory_space<vmem>>
    %dma_start3A_121 = tpu.memref_squeeze %dma_start3A_120 : memref<1x80xi32, #tpu.memory_space<vmem>> -> memref<80xi32, #tpu.memory_space<vmem>>
    %dma_start3A_122 = arith.constant 0 : i32
    %dma_start3A_123 = arith.constant 0 : i32
    %dma_start3A_124 = tpu.memref_slice %arg14[%dma_start3A_122, %dma_start3A_123] : memref<10000x32xf32, #tpu.memory_space<vmem_shared>> -> memref<10000x32xf32, #tpu.memory_space<vmem_shared>>
    tpu.enqueue_indirect_dma source(%arg12 : memref<80x32xf32, #tpu.memory_space<vmem>>) target(%dma_start3A_124 : memref<10000x32xf32, #tpu.memory_space<vmem_shared>>) offsets(%dma_start3A_121 : memref<80xi32, #tpu.memory_space<vmem>>) semaphore(%arg18 : memref<!tpu.dma_semaphore, #tpu.memory_space<semaphore_mem>>) {add = true}
    %dma_start3A_125 = arith.constant 122 : i32
    %dma_start3A_126 = arith.constant 0 : i32
    %dma_start3A_127 = tpu.memref_slice %arg8[%dma_start3A_125, %dma_start3A_126] : memref<125x80xi32, #tpu.memory_space<vmem>> -> memref<1x80xi32, #tpu.memory_space<vmem>>
    %dma_start3A_128 = tpu.memref_squeeze %dma_start3A_127 : memref<1x80xi32, #tpu.memory_space<vmem>> -> memref<80xi32, #tpu.memory_space<vmem>>
    %dma_start3A_129 = arith.constant 0 : i32
    %dma_start3A_130 = arith.constant 0 : i32
    %dma_start3A_131 = tpu.memref_slice %arg15[%dma_start3A_129, %dma_start3A_130] : memref<10000x32xf32, #tpu.memory_space<vmem_shared>> -> memref<10000x32xf32, #tpu.memory_space<vmem_shared>>
    tpu.enqueue_indirect_dma source(%arg12 : memref<80x32xf32, #tpu.memory_space<vmem>>) target(%dma_start3A_131 : memref<10000x32xf32, #tpu.memory_space<vmem_shared>>) offsets(%dma_start3A_128 : memref<80xi32, #tpu.memory_space<vmem>>) semaphore(%arg20 : memref<!tpu.dma_semaphore, #tpu.memory_space<semaphore_mem>>) {add = true}
    %mul3A_132 = arith.constant 2500 : i32
    %mul3A_133 = arith.muli %add3A, %mul3A_132 : i32
    %add3A_134 = arith.constant 2480 : i32
    %add3A_135 = arith.addi %mul3A_133, %add3A_134 : i32
    %dma_start3A_136 = arith.constant 0 : i32
    %dma_start3A_137 = tpu.memref_slice %arg2[%add3A_135, %dma_start3A_136] : memref<80000x128xf32, #tpu.memory_space<hbm>> -> memref<20x128xf32, #tpu.memory_space<hbm>>
    %dma_start3A_138 = arith.constant 0 : i32
    %dma_start3A_139 = tpu.memref_slice %arg2[%add3A_135, %dma_start3A_138] : memref<80000x128xf32, #tpu.memory_space<hbm>> -> memref<20x128xf32, #tpu.memory_space<hbm>>
    tpu.enqueue_dma source(%dma_start3A_139 : memref<20x128xf32, #tpu.memory_space<hbm>>) target(%arg10 : memref<20x128xf32, #tpu.memory_space<vmem>>) target_semaphore(%arg16 : memref<!tpu.dma_semaphore, #tpu.memory_space<semaphore_mem>>)
    %dma_wait3A_140 = arith.constant 0 : i32
    %dma_wait3A_141 = arith.constant 0 : i32
    %dma_wait3A_142 = tpu.memref_slice %arg2[%dma_wait3A_140, %dma_wait3A_141] : memref<80000x128xf32, #tpu.memory_space<hbm>> -> memref<20x128xf32, #tpu.memory_space<hbm>>
    %dma_wait3A_143 = arith.constant 0 : i32
    %dma_wait3A_144 = arith.constant 0 : i32
    %dma_wait3A_145 = tpu.memref_slice %arg2[%dma_wait3A_143, %dma_wait3A_144] : memref<80000x128xf32, #tpu.memory_space<hbm>> -> memref<20x128xf32, #tpu.memory_space<hbm>>
    tpu.wait_dma2 semaphore(%arg17 : memref<!tpu.dma_semaphore, #tpu.memory_space<semaphore_mem>>) src(%dma_wait3A_145 : memref<20x128xf32, #tpu.memory_space<hbm>>) dst(%arg11 : memref<20x128xf32, #tpu.memory_space<vmem>>)
    %dma_wait3A_146 = arith.constant 0 : i32
    %dma_wait3A_147 = arith.constant 0 : i32
    %dma_wait3A_148 = tpu.memref_slice %arg9[%dma_wait3A_146, %dma_wait3A_147] : memref<125x80xi32, #tpu.memory_space<vmem>> -> memref<1x80xi32, #tpu.memory_space<vmem>>
    %dma_wait3A_149 = tpu.memref_squeeze %dma_wait3A_148 : memref<1x80xi32, #tpu.memory_space<vmem>> -> memref<80xi32, #tpu.memory_space<vmem>>
    %dma_wait3A_150 = arith.constant 0 : i32
    %dma_wait3A_151 = arith.constant 0 : i32
    %dma_wait3A_152 = tpu.memref_slice %arg14[%dma_wait3A_150, %dma_wait3A_151] : memref<10000x32xf32, #tpu.memory_space<vmem_shared>> -> memref<10000x32xf32, #tpu.memory_space<vmem_shared>>
    tpu.wait_indirect_dma semaphore(%arg19 : memref<!tpu.dma_semaphore, #tpu.memory_space<semaphore_mem>>) src(%arg13 : memref<80x32xf32, #tpu.memory_space<vmem>>) dst(%dma_wait3A_152 : memref<10000x32xf32, #tpu.memory_space<vmem_shared>>)
    %dma_wait3A_153 = arith.constant 0 : i32
    %dma_wait3A_154 = arith.constant 0 : i32
    %dma_wait3A_155 = tpu.memref_slice %arg8[%dma_wait3A_153, %dma_wait3A_154] : memref<125x80xi32, #tpu.memory_space<vmem>> -> memref<1x80xi32, #tpu.memory_space<vmem>>
    %dma_wait3A_156 = tpu.memref_squeeze %dma_wait3A_155 : memref<1x80xi32, #tpu.memory_space<vmem>> -> memref<80xi32, #tpu.memory_space<vmem>>
    %dma_wait3A_157 = arith.constant 0 : i32
    %dma_wait3A_158 = arith.constant 0 : i32
    %dma_wait3A_159 = tpu.memref_slice %arg15[%dma_wait3A_157, %dma_wait3A_158] : memref<10000x32xf32, #tpu.memory_space<vmem_shared>> -> memref<10000x32xf32, #tpu.memory_space<vmem_shared>>
    tpu.wait_indirect_dma semaphore(%arg21 : memref<!tpu.dma_semaphore, #tpu.memory_space<semaphore_mem>>) src(%arg13 : memref<80x32xf32, #tpu.memory_space<vmem>>) dst(%dma_wait3A_159 : memref<10000x32xf32, #tpu.memory_space<vmem_shared>>)
    %scan3A_160 = arith.constant 0 : i32
    %scan3A_161 = arith.constant 0 : i32
    %scan3A_162 = arith.constant 20 : i32
    %scan3A_163 = arith.addi %scan3A_161, %scan3A_162 : i32
    %scan3A_164 = arith.constant 1 : i32
    scf.for %scan3A_249 = %scan3A_161 to %scan3A_163 step %scan3A_164  : i32 {
      %get3A = arith.index_cast %scan3A_249 : i32 to index
      %get3A_250 = arith.constant 0 : index
      %get3A_251 = tpu.vector_load %arg11[%get3A, %get3A_250] {strides = array<i32>} : memref<20x128xf32, #tpu.memory_space<vmem>>, vector<1x16xf32>,
      %get3A_252 = vector.shape_cast %get3A_251 : vector<1x16xf32> to vector<16xf32>
      %mul3A_253 = arith.constant 4 : i32
      %mul3A_254 = arith.muli %mul3A_253, %scan3A_249 : i32
      %add3A_255 = arith.constant 0 : i32
      %add3A_256 = arith.addi %mul3A_254, %add3A_255 : i32
      %swap3A = arith.index_cast %add3A_256 : i32 to index
      %swap3A_257 = arith.constant 0 : index
      %swap3A_258 = tpu.vector_load %arg13[%swap3A, %swap3A_257] {strides = array<i32>} : memref<80x32xf32, #tpu.memory_space<vmem>>, vector<1x16xf32>,
      %swap3A_259 = vector.shape_cast %swap3A_258 : vector<1x16xf32> to vector<16xf32>
      %swap3A_260 = vector.shape_cast %get3A_252 : vector<16xf32> to vector<1x16xf32>
      tpu.vector_store %arg13[%swap3A, %swap3A_257], %swap3A_260 {strides = array<i32>} : memref<80x32xf32, #tpu.memory_space<vmem>>, vector<1x16xf32>,
      %get3A_261 = arith.index_cast %scan3A_249 : i32 to index
      %get3A_262 = arith.constant 16 : index
      %get3A_263 = tpu.vector_load %arg11[%get3A_261, %get3A_262] {strides = array<i32>} : memref<20x128xf32, #tpu.memory_space<vmem>>, vector<1x16xf32>,
      %get3A_264 = vector.shape_cast %get3A_263 : vector<1x16xf32> to vector<16xf32>
      %mul3A_265 = arith.constant 4 : i32
      %mul3A_266 = arith.muli %mul3A_265, %scan3A_249 : i32
      %add3A_267 = arith.constant 0 : i32
      %add3A_268 = arith.addi %mul3A_266, %add3A_267 : i32
      %swap3A_269 = arith.index_cast %add3A_268 : i32 to index
      %swap3A_270 = arith.constant 16 : index
      %swap3A_271 = tpu.vector_load %arg13[%swap3A_269, %swap3A_270] {strides = array<i32>} : memref<80x32xf32, #tpu.memory_space<vmem>>, vector<1x16xf32>,
      %swap3A_272 = vector.shape_cast %swap3A_271 : vector<1x16xf32> to vector<16xf32>
      %swap3A_273 = vector.shape_cast %get3A_264 : vector<16xf32> to vector<1x16xf32>
      tpu.vector_store %arg13[%swap3A_269, %swap3A_270], %swap3A_273 {strides = array<i32>} : memref<80x32xf32, #tpu.memory_space<vmem>>, vector<1x16xf32>,
      %get3A_274 = arith.index_cast %scan3A_249 : i32 to index
      %get3A_275 = arith.constant 32 : index
      %get3A_276 = tpu.vector_load %arg11[%get3A_274, %get3A_275] {strides = array<i32>} : memref<20x128xf32, #tpu.memory_space<vmem>>, vector<1x16xf32>,
      %get3A_277 = vector.shape_cast %get3A_276 : vector<1x16xf32> to vector<16xf32>
      %mul3A_278 = arith.constant 4 : i32
      %mul3A_279 = arith.muli %mul3A_278, %scan3A_249 : i32
      %add3A_280 = arith.constant 1 : i32
      %add3A_281 = arith.addi %mul3A_279, %add3A_280 : i32
      %swap3A_282 = arith.index_cast %add3A_281 : i32 to index
      %swap3A_283 = arith.constant 0 : index
      %swap3A_284 = tpu.vector_load %arg13[%swap3A_282, %swap3A_283] {strides = array<i32>} : memref<80x32xf32, #tpu.memory_space<vmem>>, vector<1x16xf32>,
      %swap3A_285 = vector.shape_cast %swap3A_284 : vector<1x16xf32> to vector<16xf32>
      %swap3A_286 = vector.shape_cast %get3A_277 : vector<16xf32> to vector<1x16xf32>
      tpu.vector_store %arg13[%swap3A_282, %swap3A_283], %swap3A_286 {strides = array<i32>} : memref<80x32xf32, #tpu.memory_space<vmem>>, vector<1x16xf32>,
      %get3A_287 = arith.index_cast %scan3A_249 : i32 to index
      %get3A_288 = arith.constant 48 : index
      %get3A_289 = tpu.vector_load %arg11[%get3A_287, %get3A_288] {strides = array<i32>} : memref<20x128xf32, #tpu.memory_space<vmem>>, vector<1x16xf32>,
      %get3A_290 = vector.shape_cast %get3A_289 : vector<1x16xf32> to vector<16xf32>
      %mul3A_291 = arith.constant 4 : i32
      %mul3A_292 = arith.muli %mul3A_291, %scan3A_249 : i32
      %add3A_293 = arith.constant 1 : i32
      %add3A_294 = arith.addi %mul3A_292, %add3A_293 : i32
      %swap3A_295 = arith.index_cast %add3A_294 : i32 to index
      %swap3A_296 = arith.constant 16 : index
      %swap3A_297 = tpu.vector_load %arg13[%swap3A_295, %swap3A_296] {strides = array<i32>} : memref<80x32xf32, #tpu.memory_space<vmem>>, vector<1x16xf32>,
      %swap3A_298 = vector.shape_cast %swap3A_297 : vector<1x16xf32> to vector<16xf32>
      %swap3A_299 = vector.shape_cast %get3A_290 : vector<16xf32> to vector<1x16xf32>
      tpu.vector_store %arg13[%swap3A_295, %swap3A_296], %swap3A_299 {strides = array<i32>} : memref<80x32xf32, #tpu.memory_space<vmem>>, vector<1x16xf32>,
      %get3A_300 = arith.index_cast %scan3A_249 : i32 to index
      %get3A_301 = arith.constant 64 : index
      %get3A_302 = tpu.vector_load %arg11[%get3A_300, %get3A_301] {strides = array<i32>} : memref<20x128xf32, #tpu.memory_space<vmem>>, vector<1x16xf32>,
      %get3A_303 = vector.shape_cast %get3A_302 : vector<1x16xf32> to vector<16xf32>
      %mul3A_304 = arith.constant 4 : i32
      %mul3A_305 = arith.muli %mul3A_304, %scan3A_249 : i32
      %add3A_306 = arith.constant 2 : i32
      %add3A_307 = arith.addi %mul3A_305, %add3A_306 : i32
      %swap3A_308 = arith.index_cast %add3A_307 : i32 to index
      %swap3A_309 = arith.constant 0 : index
      %swap3A_310 = tpu.vector_load %arg13[%swap3A_308, %swap3A_309] {strides = array<i32>} : memref<80x32xf32, #tpu.memory_space<vmem>>, vector<1x16xf32>,
      %swap3A_311 = vector.shape_cast %swap3A_310 : vector<1x16xf32> to vector<16xf32>
      %swap3A_312 = vector.shape_cast %get3A_303 : vector<16xf32> to vector<1x16xf32>
      tpu.vector_store %arg13[%swap3A_308, %swap3A_309], %swap3A_312 {strides = array<i32>} : memref<80x32xf32, #tpu.memory_space<vmem>>, vector<1x16xf32>,
      %get3A_313 = arith.index_cast %scan3A_249 : i32 to index
      %get3A_314 = arith.constant 80 : index
      %get3A_315 = tpu.vector_load %arg11[%get3A_313, %get3A_314] {strides = array<i32>} : memref<20x128xf32, #tpu.memory_space<vmem>>, vector<1x16xf32>,
      %get3A_316 = vector.shape_cast %get3A_315 : vector<1x16xf32> to vector<16xf32>
      %mul3A_317 = arith.constant 4 : i32
      %mul3A_318 = arith.muli %mul3A_317, %scan3A_249 : i32
      %add3A_319 = arith.constant 2 : i32
      %add3A_320 = arith.addi %mul3A_318, %add3A_319 : i32
      %swap3A_321 = arith.index_cast %add3A_320 : i32 to index
      %swap3A_322 = arith.constant 16 : index
      %swap3A_323 = tpu.vector_load %arg13[%swap3A_321, %swap3A_322] {strides = array<i32>} : memref<80x32xf32, #tpu.memory_space<vmem>>, vector<1x16xf32>,
      %swap3A_324 = vector.shape_cast %swap3A_323 : vector<1x16xf32> to vector<16xf32>
      %swap3A_325 = vector.shape_cast %get3A_316 : vector<16xf32> to vector<1x16xf32>
      tpu.vector_store %arg13[%swap3A_321, %swap3A_322], %swap3A_325 {strides = array<i32>} : memref<80x32xf32, #tpu.memory_space<vmem>>, vector<1x16xf32>,
      %get3A_326 = arith.index_cast %scan3A_249 : i32 to index
      %get3A_327 = arith.constant 96 : index
      %get3A_328 = tpu.vector_load %arg11[%get3A_326, %get3A_327] {strides = array<i32>} : memref<20x128xf32, #tpu.memory_space<vmem>>, vector<1x16xf32>,
      %get3A_329 = vector.shape_cast %get3A_328 : vector<1x16xf32> to vector<16xf32>
      %mul3A_330 = arith.constant 4 : i32
      %mul3A_331 = arith.muli %mul3A_330, %scan3A_249 : i32
      %add3A_332 = arith.constant 3 : i32
      %add3A_333 = arith.addi %mul3A_331, %add3A_332 : i32
      %swap3A_334 = arith.index_cast %add3A_333 : i32 to index
      %swap3A_335 = arith.constant 0 : index
      %swap3A_336 = tpu.vector_load %arg13[%swap3A_334, %swap3A_335] {strides = array<i32>} : memref<80x32xf32, #tpu.memory_space<vmem>>, vector<1x16xf32>,
      %swap3A_337 = vector.shape_cast %swap3A_336 : vector<1x16xf32> to vector<16xf32>
      %swap3A_338 = vector.shape_cast %get3A_329 : vector<16xf32> to vector<1x16xf32>
      tpu.vector_store %arg13[%swap3A_334, %swap3A_335], %swap3A_338 {strides = array<i32>} : memref<80x32xf32, #tpu.memory_space<vmem>>, vector<1x16xf32>,
      %get3A_339 = arith.index_cast %scan3A_249 : i32 to index
      %get3A_340 = arith.constant 112 : index
      %get3A_341 = tpu.vector_load %arg11[%get3A_339, %get3A_340] {strides = array<i32>} : memref<20x128xf32, #tpu.memory_space<vmem>>, vector<1x16xf32>,
      %get3A_342 = vector.shape_cast %get3A_341 : vector<1x16xf32> to vector<16xf32>
      %mul3A_343 = arith.constant 4 : i32
      %mul3A_344 = arith.muli %mul3A_343, %scan3A_249 : i32
      %add3A_345 = arith.constant 3 : i32
      %add3A_346 = arith.addi %mul3A_344, %add3A_345 : i32
      %swap3A_347 = arith.index_cast %add3A_346 : i32 to index
      %swap3A_348 = arith.constant 16 : index
      %swap3A_349 = tpu.vector_load %arg13[%swap3A_347, %swap3A_348] {strides = array<i32>} : memref<80x32xf32, #tpu.memory_space<vmem>>, vector<1x16xf32>,
      %swap3A_350 = vector.shape_cast %swap3A_349 : vector<1x16xf32> to vector<16xf32>
      %swap3A_351 = vector.shape_cast %get3A_342 : vector<16xf32> to vector<1x16xf32>
      tpu.vector_store %arg13[%swap3A_347, %swap3A_348], %swap3A_351 {strides = array<i32>} : memref<80x32xf32, #tpu.memory_space<vmem>>, vector<1x16xf32>,
    }
    %scan3A_165 = arith.constant 20 : i32
    %dma_start3A_166 = arith.constant 123 : i32
    %dma_start3A_167 = arith.constant 0 : i32
    %dma_start3A_168 = tpu.memref_slice %arg9[%dma_start3A_166, %dma_start3A_167] : memref<125x80xi32, #tpu.memory_space<vmem>> -> memref<1x80xi32, #tpu.memory_space<vmem>>
    %dma_start3A_169 = tpu.memref_squeeze %dma_start3A_168 : memref<1x80xi32, #tpu.memory_space<vmem>> -> memref<80xi32, #tpu.memory_space<vmem>>
    %dma_start3A_170 = arith.constant 0 : i32
    %dma_start3A_171 = arith.constant 0 : i32
    %dma_start3A_172 = tpu.memref_slice %arg14[%dma_start3A_170, %dma_start3A_171] : memref<10000x32xf32, #tpu.memory_space<vmem_shared>> -> memref<10000x32xf32, #tpu.memory_space<vmem_shared>>
    tpu.enqueue_indirect_dma source(%arg13 : memref<80x32xf32, #tpu.memory_space<vmem>>) target(%dma_start3A_172 : memref<10000x32xf32, #tpu.memory_space<vmem_shared>>) offsets(%dma_start3A_169 : memref<80xi32, #tpu.memory_space<vmem>>) semaphore(%arg19 : memref<!tpu.dma_semaphore, #tpu.memory_space<semaphore_mem>>) {add = true}
    %dma_start3A_173 = arith.constant 123 : i32
    %dma_start3A_174 = arith.constant 0 : i32
    %dma_start3A_175 = tpu.memref_slice %arg8[%dma_start3A_173, %dma_start3A_174] : memref<125x80xi32, #tpu.memory_space<vmem>> -> memref<1x80xi32, #tpu.memory_space<vmem>>
    %dma_start3A_176 = tpu.memref_squeeze %dma_start3A_175 : memref<1x80xi32, #tpu.memory_space<vmem>> -> memref<80xi32, #tpu.memory_space<vmem>>
    %dma_start3A_177 = arith.constant 0 : i32
    %dma_start3A_178 = arith.constant 0 : i32
    %dma_start3A_179 = tpu.memref_slice %arg15[%dma_start3A_177, %dma_start3A_178] : memref<10000x32xf32, #tpu.memory_space<vmem_shared>> -> memref<10000x32xf32, #tpu.memory_space<vmem_shared>>
    tpu.enqueue_indirect_dma source(%arg13 : memref<80x32xf32, #tpu.memory_space<vmem>>) target(%dma_start3A_179 : memref<10000x32xf32, #tpu.memory_space<vmem_shared>>) offsets(%dma_start3A_176 : memref<80xi32, #tpu.memory_space<vmem>>) semaphore(%arg21 : memref<!tpu.dma_semaphore, #tpu.memory_space<semaphore_mem>>) {add = true}
    %dma_wait3A_180 = arith.constant 0 : i32
    %dma_wait3A_181 = arith.constant 0 : i32
    %dma_wait3A_182 = tpu.memref_slice %arg2[%dma_wait3A_180, %dma_wait3A_181] : memref<80000x128xf32, #tpu.memory_space<hbm>> -> memref<20x128xf32, #tpu.memory_space<hbm>>
    %dma_wait3A_183 = arith.constant 0 : i32
    %dma_wait3A_184 = arith.constant 0 : i32
    %dma_wait3A_185 = tpu.memref_slice %arg2[%dma_wait3A_183, %dma_wait3A_184] : memref<80000x128xf32, #tpu.memory_space<hbm>> -> memref<20x128xf32, #tpu.memory_space<hbm>>
    tpu.wait_dma2 semaphore(%arg16 : memref<!tpu.dma_semaphore, #tpu.memory_space<semaphore_mem>>) src(%dma_wait3A_185 : memref<20x128xf32, #tpu.memory_space<hbm>>) dst(%arg10 : memref<20x128xf32, #tpu.memory_space<vmem>>)
    %dma_wait3A_186 = arith.constant 0 : i32
    %dma_wait3A_187 = arith.constant 0 : i32
    %dma_wait3A_188 = tpu.memref_slice %arg9[%dma_wait3A_186, %dma_wait3A_187] : memref<125x80xi32, #tpu.memory_space<vmem>> -> memref<1x80xi32, #tpu.memory_space<vmem>>
    %dma_wait3A_189 = tpu.memref_squeeze %dma_wait3A_188 : memref<1x80xi32, #tpu.memory_space<vmem>> -> memref<80xi32, #tpu.memory_space<vmem>>
    %dma_wait3A_190 = arith.constant 0 : i32
    %dma_wait3A_191 = arith.constant 0 : i32
    %dma_wait3A_192 = tpu.memref_slice %arg14[%dma_wait3A_190, %dma_wait3A_191] : memref<10000x32xf32, #tpu.memory_space<vmem_shared>> -> memref<10000x32xf32, #tpu.memory_space<vmem_shared>>
    tpu.wait_indirect_dma semaphore(%arg18 : memref<!tpu.dma_semaphore, #tpu.memory_space<semaphore_mem>>) src(%arg12 : memref<80x32xf32, #tpu.memory_space<vmem>>) dst(%dma_wait3A_192 : memref<10000x32xf32, #tpu.memory_space<vmem_shared>>)
    %dma_wait3A_193 = arith.constant 0 : i32
    %dma_wait3A_194 = arith.constant 0 : i32
    %dma_wait3A_195 = tpu.memref_slice %arg8[%dma_wait3A_193, %dma_wait3A_194] : memref<125x80xi32, #tpu.memory_space<vmem>> -> memref<1x80xi32, #tpu.memory_space<vmem>>
    %dma_wait3A_196 = tpu.memref_squeeze %dma_wait3A_195 : memref<1x80xi32, #tpu.memory_space<vmem>> -> memref<80xi32, #tpu.memory_space<vmem>>
    %dma_wait3A_197 = arith.constant 0 : i32
    %dma_wait3A_198 = arith.constant 0 : i32
    %dma_wait3A_199 = tpu.memref_slice %arg15[%dma_wait3A_197, %dma_wait3A_198] : memref<10000x32xf32, #tpu.memory_space<vmem_shared>> -> memref<10000x32xf32, #tpu.memory_space<vmem_shared>>
    tpu.wait_indirect_dma semaphore(%arg20 : memref<!tpu.dma_semaphore, #tpu.memory_space<semaphore_mem>>) src(%arg12 : memref<80x32xf32, #tpu.memory_space<vmem>>) dst(%dma_wait3A_199 : memref<10000x32xf32, #tpu.memory_space<vmem_shared>>)
    %scan3A_200 = arith.constant 0 : i32
    %scan3A_201 = arith.constant 0 : i32
    %scan3A_202 = arith.constant 20 : i32
    %scan3A_203 = arith.addi %scan3A_201, %scan3A_202 : i32
    %scan3A_204 = arith.constant 1 : i32
    scf.for %scan3A_249 = %scan3A_201 to %scan3A_203 step %scan3A_204  : i32 {
      %get3A = arith.index_cast %scan3A_249 : i32 to index
      %get3A_250 = arith.constant 0 : index
      %get3A_251 = tpu.vector_load %arg10[%get3A, %get3A_250] {strides = array<i32>} : memref<20x128xf32, #tpu.memory_space<vmem>>, vector<1x16xf32>,
      %get3A_252 = vector.shape_cast %get3A_251 : vector<1x16xf32> to vector<16xf32>
      %mul3A_253 = arith.constant 4 : i32
      %mul3A_254 = arith.muli %mul3A_253, %scan3A_249 : i32
      %add3A_255 = arith.constant 0 : i32
      %add3A_256 = arith.addi %mul3A_254, %add3A_255 : i32
      %swap3A = arith.index_cast %add3A_256 : i32 to index
      %swap3A_257 = arith.constant 0 : index
      %swap3A_258 = tpu.vector_load %arg12[%swap3A, %swap3A_257] {strides = array<i32>} : memref<80x32xf32, #tpu.memory_space<vmem>>, vector<1x16xf32>,
      %swap3A_259 = vector.shape_cast %swap3A_258 : vector<1x16xf32> to vector<16xf32>
      %swap3A_260 = vector.shape_cast %get3A_252 : vector<16xf32> to vector<1x16xf32>
      tpu.vector_store %arg12[%swap3A, %swap3A_257], %swap3A_260 {strides = array<i32>} : memref<80x32xf32, #tpu.memory_space<vmem>>, vector<1x16xf32>,
      %get3A_261 = arith.index_cast %scan3A_249 : i32 to index
      %get3A_262 = arith.constant 16 : index
      %get3A_263 = tpu.vector_load %arg10[%get3A_261, %get3A_262] {strides = array<i32>} : memref<20x128xf32, #tpu.memory_space<vmem>>, vector<1x16xf32>,
      %get3A_264 = vector.shape_cast %get3A_263 : vector<1x16xf32> to vector<16xf32>
      %mul3A_265 = arith.constant 4 : i32
      %mul3A_266 = arith.muli %mul3A_265, %scan3A_249 : i32
      %add3A_267 = arith.constant 0 : i32
      %add3A_268 = arith.addi %mul3A_266, %add3A_267 : i32
      %swap3A_269 = arith.index_cast %add3A_268 : i32 to index
      %swap3A_270 = arith.constant 16 : index
      %swap3A_271 = tpu.vector_load %arg12[%swap3A_269, %swap3A_270] {strides = array<i32>} : memref<80x32xf32, #tpu.memory_space<vmem>>, vector<1x16xf32>,
      %swap3A_272 = vector.shape_cast %swap3A_271 : vector<1x16xf32> to vector<16xf32>
      %swap3A_273 = vector.shape_cast %get3A_264 : vector<16xf32> to vector<1x16xf32>
      tpu.vector_store %arg12[%swap3A_269, %swap3A_270], %swap3A_273 {strides = array<i32>} : memref<80x32xf32, #tpu.memory_space<vmem>>, vector<1x16xf32>,
      %get3A_274 = arith.index_cast %scan3A_249 : i32 to index
      %get3A_275 = arith.constant 32 : index
      %get3A_276 = tpu.vector_load %arg10[%get3A_274, %get3A_275] {strides = array<i32>} : memref<20x128xf32, #tpu.memory_space<vmem>>, vector<1x16xf32>,
      %get3A_277 = vector.shape_cast %get3A_276 : vector<1x16xf32> to vector<16xf32>
      %mul3A_278 = arith.constant 4 : i32
      %mul3A_279 = arith.muli %mul3A_278, %scan3A_249 : i32
      %add3A_280 = arith.constant 1 : i32
      %add3A_281 = arith.addi %mul3A_279, %add3A_280 : i32
      %swap3A_282 = arith.index_cast %add3A_281 : i32 to index
      %swap3A_283 = arith.constant 0 : index
      %swap3A_284 = tpu.vector_load %arg12[%swap3A_282, %swap3A_283] {strides = array<i32>} : memref<80x32xf32, #tpu.memory_space<vmem>>, vector<1x16xf32>,
      %swap3A_285 = vector.shape_cast %swap3A_284 : vector<1x16xf32> to vector<16xf32>
      %swap3A_286 = vector.shape_cast %get3A_277 : vector<16xf32> to vector<1x16xf32>
      tpu.vector_store %arg12[%swap3A_282, %swap3A_283], %swap3A_286 {strides = array<i32>} : memref<80x32xf32, #tpu.memory_space<vmem>>, vector<1x16xf32>,
      %get3A_287 = arith.index_cast %scan3A_249 : i32 to index
      %get3A_288 = arith.constant 48 : index
      %get3A_289 = tpu.vector_load %arg10[%get3A_287, %get3A_288] {strides = array<i32>} : memref<20x128xf32, #tpu.memory_space<vmem>>, vector<1x16xf32>,
      %get3A_290 = vector.shape_cast %get3A_289 : vector<1x16xf32> to vector<16xf32>
      %mul3A_291 = arith.constant 4 : i32
      %mul3A_292 = arith.muli %mul3A_291, %scan3A_249 : i32
      %add3A_293 = arith.constant 1 : i32
      %add3A_294 = arith.addi %mul3A_292, %add3A_293 : i32
      %swap3A_295 = arith.index_cast %add3A_294 : i32 to index
      %swap3A_296 = arith.constant 16 : index
      %swap3A_297 = tpu.vector_load %arg12[%swap3A_295, %swap3A_296] {strides = array<i32>} : memref<80x32xf32, #tpu.memory_space<vmem>>, vector<1x16xf32>,
      %swap3A_298 = vector.shape_cast %swap3A_297 : vector<1x16xf32> to vector<16xf32>
      %swap3A_299 = vector.shape_cast %get3A_290 : vector<16xf32> to vector<1x16xf32>
      tpu.vector_store %arg12[%swap3A_295, %swap3A_296], %swap3A_299 {strides = array<i32>} : memref<80x32xf32, #tpu.memory_space<vmem>>, vector<1x16xf32>,
      %get3A_300 = arith.index_cast %scan3A_249 : i32 to index
      %get3A_301 = arith.constant 64 : index
      %get3A_302 = tpu.vector_load %arg10[%get3A_300, %get3A_301] {strides = array<i32>} : memref<20x128xf32, #tpu.memory_space<vmem>>, vector<1x16xf32>,
      %get3A_303 = vector.shape_cast %get3A_302 : vector<1x16xf32> to vector<16xf32>
      %mul3A_304 = arith.constant 4 : i32
      %mul3A_305 = arith.muli %mul3A_304, %scan3A_249 : i32
      %add3A_306 = arith.constant 2 : i32
      %add3A_307 = arith.addi %mul3A_305, %add3A_306 : i32
      %swap3A_308 = arith.index_cast %add3A_307 : i32 to index
      %swap3A_309 = arith.constant 0 : index
      %swap3A_310 = tpu.vector_load %arg12[%swap3A_308, %swap3A_309] {strides = array<i32>} : memref<80x32xf32, #tpu.memory_space<vmem>>, vector<1x16xf32>,
      %swap3A_311 = vector.shape_cast %swap3A_310 : vector<1x16xf32> to vector<16xf32>
      %swap3A_312 = vector.shape_cast %get3A_303 : vector<16xf32> to vector<1x16xf32>
      tpu.vector_store %arg12[%swap3A_308, %swap3A_309], %swap3A_312 {strides = array<i32>} : memref<80x32xf32, #tpu.memory_space<vmem>>, vector<1x16xf32>,
      %get3A_313 = arith.index_cast %scan3A_249 : i32 to index
      %get3A_314 = arith.constant 80 : index
      %get3A_315 = tpu.vector_load %arg10[%get3A_313, %get3A_314] {strides = array<i32>} : memref<20x128xf32, #tpu.memory_space<vmem>>, vector<1x16xf32>,
      %get3A_316 = vector.shape_cast %get3A_315 : vector<1x16xf32> to vector<16xf32>
      %mul3A_317 = arith.constant 4 : i32
      %mul3A_318 = arith.muli %mul3A_317, %scan3A_249 : i32
      %add3A_319 = arith.constant 2 : i32
      %add3A_320 = arith.addi %mul3A_318, %add3A_319 : i32
      %swap3A_321 = arith.index_cast %add3A_320 : i32 to index
      %swap3A_322 = arith.constant 16 : index
      %swap3A_323 = tpu.vector_load %arg12[%swap3A_321, %swap3A_322] {strides = array<i32>} : memref<80x32xf32, #tpu.memory_space<vmem>>, vector<1x16xf32>,
      %swap3A_324 = vector.shape_cast %swap3A_323 : vector<1x16xf32> to vector<16xf32>
      %swap3A_325 = vector.shape_cast %get3A_316 : vector<16xf32> to vector<1x16xf32>
      tpu.vector_store %arg12[%swap3A_321, %swap3A_322], %swap3A_325 {strides = array<i32>} : memref<80x32xf32, #tpu.memory_space<vmem>>, vector<1x16xf32>,
      %get3A_326 = arith.index_cast %scan3A_249 : i32 to index
      %get3A_327 = arith.constant 96 : index
      %get3A_328 = tpu.vector_load %arg10[%get3A_326, %get3A_327] {strides = array<i32>} : memref<20x128xf32, #tpu.memory_space<vmem>>, vector<1x16xf32>,
      %get3A_329 = vector.shape_cast %get3A_328 : vector<1x16xf32> to vector<16xf32>
      %mul3A_330 = arith.constant 4 : i32
      %mul3A_331 = arith.muli %mul3A_330, %scan3A_249 : i32
      %add3A_332 = arith.constant 3 : i32
      %add3A_333 = arith.addi %mul3A_331, %add3A_332 : i32
      %swap3A_334 = arith.index_cast %add3A_333 : i32 to index
      %swap3A_335 = arith.constant 0 : index
      %swap3A_336 = tpu.vector_load %arg12[%swap3A_334, %swap3A_335] {strides = array<i32>} : memref<80x32xf32, #tpu.memory_space<vmem>>, vector<1x16xf32>,
      %swap3A_337 = vector.shape_cast %swap3A_336 : vector<1x16xf32> to vector<16xf32>
      %swap3A_338 = vector.shape_cast %get3A_329 : vector<16xf32> to vector<1x16xf32>
      tpu.vector_store %arg12[%swap3A_334, %swap3A_335], %swap3A_338 {strides = array<i32>} : memref<80x32xf32, #tpu.memory_space<vmem>>, vector<1x16xf32>,
      %get3A_339 = arith.index_cast %scan3A_249 : i32 to index
      %get3A_340 = arith.constant 112 : index
      %get3A_341 = tpu.vector_load %arg10[%get3A_339, %get3A_340] {strides = array<i32>} : memref<20x128xf32, #tpu.memory_space<vmem>>, vector<1x16xf32>,
      %get3A_342 = vector.shape_cast %get3A_341 : vector<1x16xf32> to vector<16xf32>
      %mul3A_343 = arith.constant 4 : i32
      %mul3A_344 = arith.muli %mul3A_343, %scan3A_249 : i32
      %add3A_345 = arith.constant 3 : i32
      %add3A_346 = arith.addi %mul3A_344, %add3A_345 : i32
      %swap3A_347 = arith.index_cast %add3A_346 : i32 to index
      %swap3A_348 = arith.constant 16 : index
      %swap3A_349 = tpu.vector_load %arg12[%swap3A_347, %swap3A_348] {strides = array<i32>} : memref<80x32xf32, #tpu.memory_space<vmem>>, vector<1x16xf32>,
      %swap3A_350 = vector.shape_cast %swap3A_349 : vector<1x16xf32> to vector<16xf32>
      %swap3A_351 = vector.shape_cast %get3A_342 : vector<16xf32> to vector<1x16xf32>
      tpu.vector_store %arg12[%swap3A_347, %swap3A_348], %swap3A_351 {strides = array<i32>} : memref<80x32xf32, #tpu.memory_space<vmem>>, vector<1x16xf32>,
    }
    %scan3A_205 = arith.constant 20 : i32
    %dma_start3A_206 = arith.constant 124 : i32
    %dma_start3A_207 = arith.constant 0 : i32
    %dma_start3A_208 = tpu.memref_slice %arg9[%dma_start3A_206, %dma_start3A_207] : memref<125x80xi32, #tpu.memory_space<vmem>> -> memref<1x80xi32, #tpu.memory_space<vmem>>
    %dma_start3A_209 = tpu.memref_squeeze %dma_start3A_208 : memref<1x80xi32, #tpu.memory_space<vmem>> -> memref<80xi32, #tpu.memory_space<vmem>>
    %dma_start3A_210 = arith.constant 0 : i32
    %dma_start3A_211 = arith.constant 0 : i32
    %dma_start3A_212 = tpu.memref_slice %arg14[%dma_start3A_210, %dma_start3A_211] : memref<10000x32xf32, #tpu.memory_space<vmem_shared>> -> memref<10000x32xf32, #tpu.memory_space<vmem_shared>>
    tpu.enqueue_indirect_dma source(%arg12 : memref<80x32xf32, #tpu.memory_space<vmem>>) target(%dma_start3A_212 : memref<10000x32xf32, #tpu.memory_space<vmem_shared>>) offsets(%dma_start3A_209 : memref<80xi32, #tpu.memory_space<vmem>>) semaphore(%arg18 : memref<!tpu.dma_semaphore, #tpu.memory_space<semaphore_mem>>) {add = true}
    %dma_start3A_213 = arith.constant 124 : i32
    %dma_start3A_214 = arith.constant 0 : i32
    %dma_start3A_215 = tpu.memref_slice %arg8[%dma_start3A_213, %dma_start3A_214] : memref<125x80xi32, #tpu.memory_space<vmem>> -> memref<1x80xi32, #tpu.memory_space<vmem>>
    %dma_start3A_216 = tpu.memref_squeeze %dma_start3A_215 : memref<1x80xi32, #tpu.memory_space<vmem>> -> memref<80xi32, #tpu.memory_space<vmem>>
    %dma_start3A_217 = arith.constant 0 : i32
    %dma_start3A_218 = arith.constant 0 : i32
    %dma_start3A_219 = tpu.memref_slice %arg15[%dma_start3A_217, %dma_start3A_218] : memref<10000x32xf32, #tpu.memory_space<vmem_shared>> -> memref<10000x32xf32, #tpu.memory_space<vmem_shared>>
    tpu.enqueue_indirect_dma source(%arg12 : memref<80x32xf32, #tpu.memory_space<vmem>>) target(%dma_start3A_219 : memref<10000x32xf32, #tpu.memory_space<vmem_shared>>) offsets(%dma_start3A_216 : memref<80xi32, #tpu.memory_space<vmem>>) semaphore(%arg20 : memref<!tpu.dma_semaphore, #tpu.memory_space<semaphore_mem>>) {add = true}
    %dma_wait3A_220 = arith.constant 0 : i32
    %dma_wait3A_221 = arith.constant 0 : i32
    %dma_wait3A_222 = tpu.memref_slice %arg9[%dma_wait3A_220, %dma_wait3A_221] : memref<125x80xi32, #tpu.memory_space<vmem>> -> memref<1x80xi32, #tpu.memory_space<vmem>>
    %dma_wait3A_223 = tpu.memref_squeeze %dma_wait3A_222 : memref<1x80xi32, #tpu.memory_space<vmem>> -> memref<80xi32, #tpu.memory_space<vmem>>
    %dma_wait3A_224 = arith.constant 0 : i32
    %dma_wait3A_225 = arith.constant 0 : i32
    %dma_wait3A_226 = tpu.memref_slice %arg14[%dma_wait3A_224, %dma_wait3A_225] : memref<10000x32xf32, #tpu.memory_space<vmem_shared>> -> memref<10000x32xf32, #tpu.memory_space<vmem_shared>>
    tpu.wait_indirect_dma semaphore(%arg19 : memref<!tpu.dma_semaphore, #tpu.memory_space<semaphore_mem>>) src(%arg13 : memref<80x32xf32, #tpu.memory_space<vmem>>) dst(%dma_wait3A_226 : memref<10000x32xf32, #tpu.memory_space<vmem_shared>>)
    %dma_wait3A_227 = arith.constant 0 : i32
    %dma_wait3A_228 = arith.constant 0 : i32
    %dma_wait3A_229 = tpu.memref_slice %arg8[%dma_wait3A_227, %dma_wait3A_228] : memref<125x80xi32, #tpu.memory_space<vmem>> -> memref<1x80xi32, #tpu.memory_space<vmem>>
    %dma_wait3A_230 = tpu.memref_squeeze %dma_wait3A_229 : memref<1x80xi32, #tpu.memory_space<vmem>> -> memref<80xi32, #tpu.memory_space<vmem>>
    %dma_wait3A_231 = arith.constant 0 : i32
    %dma_wait3A_232 = arith.constant 0 : i32
    %dma_wait3A_233 = tpu.memref_slice %arg15[%dma_wait3A_231, %dma_wait3A_232] : memref<10000x32xf32, #tpu.memory_space<vmem_shared>> -> memref<10000x32xf32, #tpu.memory_space<vmem_shared>>
    tpu.wait_indirect_dma semaphore(%arg21 : memref<!tpu.dma_semaphore, #tpu.memory_space<semaphore_mem>>) src(%arg13 : memref<80x32xf32, #tpu.memory_space<vmem>>) dst(%dma_wait3A_233 : memref<10000x32xf32, #tpu.memory_space<vmem_shared>>)
    %dma_wait3A_234 = arith.constant 0 : i32
    %dma_wait3A_235 = arith.constant 0 : i32
    %dma_wait3A_236 = tpu.memref_slice %arg9[%dma_wait3A_234, %dma_wait3A_235] : memref<125x80xi32, #tpu.memory_space<vmem>> -> memref<1x80xi32, #tpu.memory_space<vmem>>
    %dma_wait3A_237 = tpu.memref_squeeze %dma_wait3A_236 : memref<1x80xi32, #tpu.memory_space<vmem>> -> memref<80xi32, #tpu.memory_space<vmem>>
    %dma_wait3A_238 = arith.constant 0 : i32
    %dma_wait3A_239 = arith.constant 0 : i32
    %dma_wait3A_240 = tpu.memref_slice %arg14[%dma_wait3A_238, %dma_wait3A_239] : memref<10000x32xf32, #tpu.memory_space<vmem_shared>> -> memref<10000x32xf32, #tpu.memory_space<vmem_shared>>
    tpu.wait_indirect_dma semaphore(%arg18 : memref<!tpu.dma_semaphore, #tpu.memory_space<semaphore_mem>>) src(%arg12 : memref<80x32xf32, #tpu.memory_space<vmem>>) dst(%dma_wait3A_240 : memref<10000x32xf32, #tpu.memory_space<vmem_shared>>)
    %dma_wait3A_241 = arith.constant 0 : i32
    %dma_wait3A_242 = arith.constant 0 : i32
    %dma_wait3A_243 = tpu.memref_slice %arg8[%dma_wait3A_241, %dma_wait3A_242] : memref<125x80xi32, #tpu.memory_space<vmem>> -> memref<1x80xi32, #tpu.memory_space<vmem>>
    %dma_wait3A_244 = tpu.memref_squeeze %dma_wait3A_243 : memref<1x80xi32, #tpu.memory_space<vmem>> -> memref<80xi32, #tpu.memory_space<vmem>>
    %dma_wait3A_245 = arith.constant 0 : i32
    %dma_wait3A_246 = arith.constant 0 : i32
    %dma_wait3A_247 = tpu.memref_slice %arg15[%dma_wait3A_245, %dma_wait3A_246] : memref<10000x32xf32, #tpu.memory_space<vmem_shared>> -> memref<10000x32xf32, #tpu.memory_space<vmem_shared>>
    tpu.wait_indirect_dma semaphore(%arg20 : memref<!tpu.dma_semaphore, #tpu.memory_space<semaphore_mem>>) src(%arg12 : memref<80x32xf32, #tpu.memory_space<vmem>>) dst(%dma_wait3A_247 : memref<10000x32xf32, #tpu.memory_space<vmem_shared>>)
    %barrier3A_248 = arith.constant 0 : index
    tpu.barrier barrier_id(%barrier3A_248)
    "tpu.region"() ({
      %run_scoped3A = tpu.sem_alloc : memref<!tpu.dma_semaphore, #tpu.memory_space<semaphore_mem>>
      %dma_start3A_249 = arith.constant 0 : i32
      %dma_start3A_250 = arith.constant 0 : i32
      %dma_start3A_251 = tpu.memref_slice %arg6[%arg0, %dma_start3A_249, %dma_start3A_250] : memref<2x10000x32xf32, #tpu.memory_space<hbm>> -> memref<1x10000x32xf32, #tpu.memory_space<hbm>>
      %dma_start3A_252 = tpu.memref_squeeze %dma_start3A_251 : memref<1x10000x32xf32, #tpu.memory_space<hbm>> -> memref<10000x32xf32, #tpu.memory_space<hbm>>
      %dma_start3A_253 = arith.constant 0 : i32
      %dma_start3A_254 = tpu.memref_slice %dma_start3A_252[%mul3A_4, %dma_start3A_253] : memref<10000x32xf32, #tpu.memory_space<hbm>> -> memref<625x32xf32, #tpu.memory_space<hbm>>
      %dma_start3A_255 = arith.constant 0 : i32
      %dma_start3A_256 = tpu.memref_slice %arg14[%mul3A_4, %dma_start3A_255] : memref<10000x32xf32, #tpu.memory_space<vmem_shared>> -> memref<625x32xf32, #tpu.memory_space<vmem_shared>>
      tpu.enqueue_dma source(%dma_start3A_256 : memref<625x32xf32, #tpu.memory_space<vmem_shared>>) target(%dma_start3A_254 : memref<625x32xf32, #tpu.memory_space<hbm>>) target_semaphore(%run_scoped3A : memref<!tpu.dma_semaphore, #tpu.memory_space<semaphore_mem>>)
      %dma_wait3A_257 = arith.constant 0 : i32
      %dma_wait3A_258 = arith.constant 0 : i32
      %dma_wait3A_259 = tpu.memref_slice %arg6[%arg0, %dma_wait3A_257, %dma_wait3A_258] : memref<2x10000x32xf32, #tpu.memory_space<hbm>> -> memref<1x10000x32xf32, #tpu.memory_space<hbm>>
      %dma_wait3A_260 = tpu.memref_squeeze %dma_wait3A_259 : memref<1x10000x32xf32, #tpu.memory_space<hbm>> -> memref<10000x32xf32, #tpu.memory_space<hbm>>
      %dma_wait3A_261 = arith.constant 0 : i32
      %dma_wait3A_262 = tpu.memref_slice %dma_wait3A_260[%mul3A_4, %dma_wait3A_261] : memref<10000x32xf32, #tpu.memory_space<hbm>> -> memref<625x32xf32, #tpu.memory_space<hbm>>
      %dma_wait3A_263 = arith.constant 0 : i32
      %dma_wait3A_264 = tpu.memref_slice %arg14[%mul3A_4, %dma_wait3A_263] : memref<10000x32xf32, #tpu.memory_space<vmem_shared>> -> memref<625x32xf32, #tpu.memory_space<vmem_shared>>
      tpu.wait_dma2 semaphore(%run_scoped3A : memref<!tpu.dma_semaphore, #tpu.memory_space<semaphore_mem>>) src(%dma_wait3A_264 : memref<625x32xf32, #tpu.memory_space<vmem_shared>>) dst(%dma_wait3A_262 : memref<625x32xf32, #tpu.memory_space<hbm>>)
      tpu.yield
    }) : () -> ()
    "tpu.region"() ({
      %run_scoped3A = tpu.sem_alloc : memref<!tpu.dma_semaphore, #tpu.memory_space<semaphore_mem>>
      %dma_start3A_249 = arith.constant 0 : i32
      %dma_start3A_250 = arith.constant 0 : i32
      %dma_start3A_251 = tpu.memref_slice %arg7[%arg0, %dma_start3A_249, %dma_start3A_250] : memref<2x10000x32xf32, #tpu.memory_space<hbm>> -> memref<1x10000x32xf32, #tpu.memory_space<hbm>>
      %dma_start3A_252 = tpu.memref_squeeze %dma_start3A_251 : memref<1x10000x32xf32, #tpu.memory_space<hbm>> -> memref<10000x32xf32, #tpu.memory_space<hbm>>
      %dma_start3A_253 = arith.constant 0 : i32
      %dma_start3A_254 = tpu.memref_slice %dma_start3A_252[%mul3A_4, %dma_start3A_253] : memref<10000x32xf32, #tpu.memory_space<hbm>> -> memref<625x32xf32, #tpu.memory_space<hbm>>
      %dma_start3A_255 = arith.constant 0 : i32
      %dma_start3A_256 = tpu.memref_slice %arg15[%mul3A_4, %dma_start3A_255] : memref<10000x32xf32, #tpu.memory_space<vmem_shared>> -> memref<625x32xf32, #tpu.memory_space<vmem_shared>>
      tpu.enqueue_dma source(%dma_start3A_256 : memref<625x32xf32, #tpu.memory_space<vmem_shared>>) target(%dma_start3A_254 : memref<625x32xf32, #tpu.memory_space<hbm>>) target_semaphore(%run_scoped3A : memref<!tpu.dma_semaphore, #tpu.memory_space<semaphore_mem>>)
      %dma_wait3A_257 = arith.constant 0 : i32
      %dma_wait3A_258 = arith.constant 0 : i32
      %dma_wait3A_259 = tpu.memref_slice %arg7[%arg0, %dma_wait3A_257, %dma_wait3A_258] : memref<2x10000x32xf32, #tpu.memory_space<hbm>> -> memref<1x10000x32xf32, #tpu.memory_space<hbm>>
      %dma_wait3A_260 = tpu.memref_squeeze %dma_wait3A_259 : memref<1x10000x32xf32, #tpu.memory_space<hbm>> -> memref<10000x32xf32, #tpu.memory_space<hbm>>
      %dma_wait3A_261 = arith.constant 0 : i32
      %dma_wait3A_262 = tpu.memref_slice %dma_wait3A_260[%mul3A_4, %dma_wait3A_261] : memref<10000x32xf32, #tpu.memory_space<hbm>> -> memref<625x32xf32, #tpu.memory_space<hbm>>
      %dma_wait3A_263 = arith.constant 0 : i32
      %dma_wait3A_264 = tpu.memref_slice %arg15[%mul3A_4, %dma_wait3A_263] : memref<10000x32xf32, #tpu.memory_space<vmem_shared>> -> memref<625x32xf32, #tpu.memory_space<vmem_shared>>
      tpu.wait_dma2 semaphore(%run_scoped3A : memref<!tpu.dma_semaphore, #tpu.memory_space<semaphore_mem>>) src(%dma_wait3A_264 : memref<625x32xf32, #tpu.memory_space<vmem_shared>>) dst(%dma_wait3A_262 : memref<625x32xf32, #tpu.memory_space<hbm>>)
      tpu.yield
    }) : () -> ()
    return
  }
}

#map = affine_map<(d0, d1) -> (0, 0)>
#map1 = affine_map<(d0, d1) -> (0, 0, 0)>
module attributes {stable_mosaic.version = 14 : i64} {
  func.func @_sc_gather_body(%arg0: i32, %arg1: i32, %arg2: memref<10000x32xf32, #tpu.memory_space<hbm>>, %arg3: memref<10000x32xf32, #tpu.memory_space<hbm>>, %arg4: memref<4000x80xi32, #tpu.memory_space<hbm>>, %arg5: memref<4000x80xi32, #tpu.memory_space<hbm>>, %arg6: memref<10000x16xf32, #tpu.memory_space<hbm>>, %arg7: memref<80x16xf32, #tpu.memory_space<hbm>>, %arg8: memref<80000x128xf32, #tpu.memory_space<hbm>>, %arg9: memref<2x10000x16xf32, #tpu.memory_space<hbm>>, %arg10: memref<2x10000x16xf32, #tpu.memory_space<hbm>>, %arg11: memref<125x80xi32, #tpu.memory_space<vmem>>, %arg12: memref<125x80xi32, #tpu.memory_space<vmem>>, %arg13: memref<80x32xf32, #tpu.memory_space<vmem>>, %arg14: memref<80x32xf32, #tpu.memory_space<vmem>>, %arg15: memref<80x32xf32, #tpu.memory_space<vmem>>, %arg16: memref<80x32xf32, #tpu.memory_space<vmem>>, %arg17: memref<20x128xf32, #tpu.memory_space<vmem>>, %arg18: memref<20x128xf32, #tpu.memory_space<vmem>>, %arg19: memref<80x16xf32, #tpu.memory_space<vmem>>, %arg20: memref<10000x16xf32, #tpu.memory_space<vmem_shared>>, %arg21: memref<10000x16xf32, #tpu.memory_space<vmem_shared>>, %arg22: memref<!tpu.dma_semaphore, #tpu.memory_space<semaphore_mem>>, %arg23: memref<!tpu.dma_semaphore, #tpu.memory_space<semaphore_mem>>, %arg24: memref<!tpu.dma_semaphore, #tpu.memory_space<semaphore_mem>>, %arg25: memref<!tpu.dma_semaphore, #tpu.memory_space<semaphore_mem>>, %arg26: memref<!tpu.dma_semaphore, #tpu.memory_space<semaphore_mem>>, %arg27: memref<!tpu.dma_semaphore, #tpu.memory_space<semaphore_mem>>, %arg28: memref<!tpu.dma_semaphore, #tpu.memory_space<semaphore_mem>>, %arg29: memref<!tpu.dma_semaphore, #tpu.memory_space<semaphore_mem>>, %arg30: memref<!tpu.dma_semaphore, #tpu.memory_space<semaphore_mem>>, %arg31: memref<!tpu.dma_semaphore, #tpu.memory_space<semaphore_mem>>) attributes {dimension_semantics = [#tpu.dimension_semantics<core_parallel>, #tpu.dimension_semantics<subcore_parallel>], iteration_bounds = array<i64: 2, 16>, scalar_prefetch = 0 : i64, scratch_operands = 21 : i64, tpu.core_type = #tpu.core_type<sc_vector_subcore>, window_params = [{transform_indices = #map}, {transform_indices = #map}, {transform_indices = #map}, {transform_indices = #map}, {transform_indices = #map}, {transform_indices = #map}, {transform_indices = #map}, {transform_indices = #map1}, {transform_indices = #map1}]} {
    %mul3A = arith.constant 16 : i32
    %mul3A_0 = arith.muli %arg0, %mul3A : i32
    %add3A = arith.addi %mul3A_0, %arg1 : i32
    %mul3A_1 = arith.constant 125 : i32
    %mul3A_2 = arith.muli %add3A, %mul3A_1 : i32
    %mul3A_3 = arith.constant 625 : i32
    %mul3A_4 = arith.muli %arg1, %mul3A_3 : i32
    "tpu.region"() ({
      %run_scoped3A = tpu.sem_alloc : memref<!tpu.dma_semaphore, #tpu.memory_space<semaphore_mem>>
      %dma_start3A_389 = arith.constant 0 : i32
      %dma_start3A_390 = tpu.memref_slice %arg20[%mul3A_4, %dma_start3A_389] : memref<10000x16xf32, #tpu.memory_space<vmem_shared>> -> memref<625x16xf32, #tpu.memory_space<vmem_shared>>
      %dma_start3A_391 = arith.constant 0 : i32
      %dma_start3A_392 = tpu.memref_slice %arg6[%mul3A_4, %dma_start3A_391] : memref<10000x16xf32, #tpu.memory_space<hbm>> -> memref<625x16xf32, #tpu.memory_space<hbm>>
      tpu.enqueue_dma source(%dma_start3A_392 : memref<625x16xf32, #tpu.memory_space<hbm>>) target(%dma_start3A_390 : memref<625x16xf32, #tpu.memory_space<vmem_shared>>) target_semaphore(%run_scoped3A : memref<!tpu.dma_semaphore, #tpu.memory_space<semaphore_mem>>)
      %dma_wait3A_393 = arith.constant 0 : i32
      %dma_wait3A_394 = tpu.memref_slice %arg20[%mul3A_4, %dma_wait3A_393] : memref<10000x16xf32, #tpu.memory_space<vmem_shared>> -> memref<625x16xf32, #tpu.memory_space<vmem_shared>>
      %dma_wait3A_395 = arith.constant 0 : i32
      %dma_wait3A_396 = tpu.memref_slice %arg6[%mul3A_4, %dma_wait3A_395] : memref<10000x16xf32, #tpu.memory_space<hbm>> -> memref<625x16xf32, #tpu.memory_space<hbm>>
      tpu.wait_dma2 semaphore(%run_scoped3A : memref<!tpu.dma_semaphore, #tpu.memory_space<semaphore_mem>>) src(%dma_wait3A_396 : memref<625x16xf32, #tpu.memory_space<hbm>>) dst(%dma_wait3A_394 : memref<625x16xf32, #tpu.memory_space<vmem_shared>>)
      tpu.yield
    }) : () -> ()
    "tpu.region"() ({
      %run_scoped3A = tpu.sem_alloc : memref<!tpu.dma_semaphore, #tpu.memory_space<semaphore_mem>>
      %dma_start3A_389 = arith.constant 0 : i32
      %dma_start3A_390 = tpu.memref_slice %arg21[%mul3A_4, %dma_start3A_389] : memref<10000x16xf32, #tpu.memory_space<vmem_shared>> -> memref<625x16xf32, #tpu.memory_space<vmem_shared>>
      %dma_start3A_391 = arith.constant 0 : i32
      %dma_start3A_392 = tpu.memref_slice %arg6[%mul3A_4, %dma_start3A_391] : memref<10000x16xf32, #tpu.memory_space<hbm>> -> memref<625x16xf32, #tpu.memory_space<hbm>>
      tpu.enqueue_dma source(%dma_start3A_392 : memref<625x16xf32, #tpu.memory_space<hbm>>) target(%dma_start3A_390 : memref<625x16xf32, #tpu.memory_space<vmem_shared>>) target_semaphore(%run_scoped3A : memref<!tpu.dma_semaphore, #tpu.memory_space<semaphore_mem>>)
      %dma_wait3A_393 = arith.constant 0 : i32
      %dma_wait3A_394 = tpu.memref_slice %arg21[%mul3A_4, %dma_wait3A_393] : memref<10000x16xf32, #tpu.memory_space<vmem_shared>> -> memref<625x16xf32, #tpu.memory_space<vmem_shared>>
      %dma_wait3A_395 = arith.constant 0 : i32
      %dma_wait3A_396 = tpu.memref_slice %arg6[%mul3A_4, %dma_wait3A_395] : memref<10000x16xf32, #tpu.memory_space<hbm>> -> memref<625x16xf32, #tpu.memory_space<hbm>>
      tpu.wait_dma2 semaphore(%run_scoped3A : memref<!tpu.dma_semaphore, #tpu.memory_space<semaphore_mem>>) src(%dma_wait3A_396 : memref<625x16xf32, #tpu.memory_space<hbm>>) dst(%dma_wait3A_394 : memref<625x16xf32, #tpu.memory_space<vmem_shared>>)
      tpu.yield
    }) : () -> ()
    "tpu.region"() ({
      %run_scoped3A = tpu.sem_alloc : memref<!tpu.dma_semaphore, #tpu.memory_space<semaphore_mem>>
      tpu.enqueue_dma source(%arg7 : memref<80x16xf32, #tpu.memory_space<hbm>>) target(%arg19 : memref<80x16xf32, #tpu.memory_space<vmem>>) target_semaphore(%run_scoped3A : memref<!tpu.dma_semaphore, #tpu.memory_space<semaphore_mem>>)
      tpu.wait_dma2 semaphore(%run_scoped3A : memref<!tpu.dma_semaphore, #tpu.memory_space<semaphore_mem>>) src(%arg7 : memref<80x16xf32, #tpu.memory_space<hbm>>) dst(%arg19 : memref<80x16xf32, #tpu.memory_space<vmem>>)
      tpu.yield
    }) : () -> ()
    "tpu.region"() ({
      %run_scoped3A = tpu.sem_alloc : memref<!tpu.dma_semaphore, #tpu.memory_space<semaphore_mem>>
      %dma_start3A_389 = arith.constant 0 : i32
      %dma_start3A_390 = tpu.memref_slice %arg4[%mul3A_2, %dma_start3A_389] : memref<4000x80xi32, #tpu.memory_space<hbm>> -> memref<125x80xi32, #tpu.memory_space<hbm>>
      %dma_start3A_391 = arith.constant 0 : i32
      %dma_start3A_392 = tpu.memref_slice %arg4[%mul3A_2, %dma_start3A_391] : memref<4000x80xi32, #tpu.memory_space<hbm>> -> memref<125x80xi32, #tpu.memory_space<hbm>>
      tpu.enqueue_dma source(%dma_start3A_392 : memref<125x80xi32, #tpu.memory_space<hbm>>) target(%arg11 : memref<125x80xi32, #tpu.memory_space<vmem>>) target_semaphore(%run_scoped3A : memref<!tpu.dma_semaphore, #tpu.memory_space<semaphore_mem>>)
      %dma_wait3A_393 = arith.constant 0 : i32
      %dma_wait3A_394 = tpu.memref_slice %arg4[%mul3A_2, %dma_wait3A_393] : memref<4000x80xi32, #tpu.memory_space<hbm>> -> memref<125x80xi32, #tpu.memory_space<hbm>>
      %dma_wait3A_395 = arith.constant 0 : i32
      %dma_wait3A_396 = tpu.memref_slice %arg4[%mul3A_2, %dma_wait3A_395] : memref<4000x80xi32, #tpu.memory_space<hbm>> -> memref<125x80xi32, #tpu.memory_space<hbm>>
      tpu.wait_dma2 semaphore(%run_scoped3A : memref<!tpu.dma_semaphore, #tpu.memory_space<semaphore_mem>>) src(%dma_wait3A_396 : memref<125x80xi32, #tpu.memory_space<hbm>>) dst(%arg11 : memref<125x80xi32, #tpu.memory_space<vmem>>)
      tpu.yield
    }) : () -> ()
    "tpu.region"() ({
      %run_scoped3A = tpu.sem_alloc : memref<!tpu.dma_semaphore, #tpu.memory_space<semaphore_mem>>
      %dma_start3A_389 = arith.constant 0 : i32
      %dma_start3A_390 = tpu.memref_slice %arg5[%mul3A_2, %dma_start3A_389] : memref<4000x80xi32, #tpu.memory_space<hbm>> -> memref<125x80xi32, #tpu.memory_space<hbm>>
      %dma_start3A_391 = arith.constant 0 : i32
      %dma_start3A_392 = tpu.memref_slice %arg5[%mul3A_2, %dma_start3A_391] : memref<4000x80xi32, #tpu.memory_space<hbm>> -> memref<125x80xi32, #tpu.memory_space<hbm>>
      tpu.enqueue_dma source(%dma_start3A_392 : memref<125x80xi32, #tpu.memory_space<hbm>>) target(%arg12 : memref<125x80xi32, #tpu.memory_space<vmem>>) target_semaphore(%run_scoped3A : memref<!tpu.dma_semaphore, #tpu.memory_space<semaphore_mem>>)
      %dma_wait3A_393 = arith.constant 0 : i32
      %dma_wait3A_394 = tpu.memref_slice %arg5[%mul3A_2, %dma_wait3A_393] : memref<4000x80xi32, #tpu.memory_space<hbm>> -> memref<125x80xi32, #tpu.memory_space<hbm>>
      %dma_wait3A_395 = arith.constant 0 : i32
      %dma_wait3A_396 = tpu.memref_slice %arg5[%mul3A_2, %dma_wait3A_395] : memref<4000x80xi32, #tpu.memory_space<hbm>> -> memref<125x80xi32, #tpu.memory_space<hbm>>
      tpu.wait_dma2 semaphore(%run_scoped3A : memref<!tpu.dma_semaphore, #tpu.memory_space<semaphore_mem>>) src(%dma_wait3A_396 : memref<125x80xi32, #tpu.memory_space<hbm>>) dst(%arg12 : memref<125x80xi32, #tpu.memory_space<vmem>>)
      tpu.yield
    }) : () -> ()
    %barrier3A = arith.constant 0 : index
    tpu.barrier barrier_id(%barrier3A)
    %dma_start3A = arith.constant 0 : i32
    %dma_start3A_5 = arith.constant 0 : i32
    %dma_start3A_6 = tpu.memref_slice %arg11[%dma_start3A, %dma_start3A_5] : memref<125x80xi32, #tpu.memory_space<vmem>> -> memref<1x80xi32, #tpu.memory_space<vmem>>
    %dma_start3A_7 = tpu.memref_squeeze %dma_start3A_6 : memref<1x80xi32, #tpu.memory_space<vmem>> -> memref<80xi32, #tpu.memory_space<vmem>>
    %dma_start3A_8 = arith.constant 0 : i32
    %dma_start3A_9 = arith.constant 0 : i32
    %dma_start3A_10 = tpu.memref_slice %arg2[%dma_start3A_8, %dma_start3A_9] : memref<10000x32xf32, #tpu.memory_space<hbm>> -> memref<10000x32xf32, #tpu.memory_space<hbm>>
    tpu.enqueue_indirect_dma source(%dma_start3A_10 : memref<10000x32xf32, #tpu.memory_space<hbm>>) target(%arg13 : memref<80x32xf32, #tpu.memory_space<vmem>>) offsets(%dma_start3A_7 : memref<80xi32, #tpu.memory_space<vmem>>) semaphore(%arg22 : memref<!tpu.dma_semaphore, #tpu.memory_space<semaphore_mem>>)
    %dma_start3A_11 = arith.constant 0 : i32
    %dma_start3A_12 = arith.constant 0 : i32
    %dma_start3A_13 = tpu.memref_slice %arg12[%dma_start3A_11, %dma_start3A_12] : memref<125x80xi32, #tpu.memory_space<vmem>> -> memref<1x80xi32, #tpu.memory_space<vmem>>
    %dma_start3A_14 = tpu.memref_squeeze %dma_start3A_13 : memref<1x80xi32, #tpu.memory_space<vmem>> -> memref<80xi32, #tpu.memory_space<vmem>>
    %dma_start3A_15 = arith.constant 0 : i32
    %dma_start3A_16 = arith.constant 0 : i32
    %dma_start3A_17 = tpu.memref_slice %arg3[%dma_start3A_15, %dma_start3A_16] : memref<10000x32xf32, #tpu.memory_space<hbm>> -> memref<10000x32xf32, #tpu.memory_space<hbm>>
    tpu.enqueue_indirect_dma source(%dma_start3A_17 : memref<10000x32xf32, #tpu.memory_space<hbm>>) target(%arg15 : memref<80x32xf32, #tpu.memory_space<vmem>>) offsets(%dma_start3A_14 : memref<80xi32, #tpu.memory_space<vmem>>) semaphore(%arg24 : memref<!tpu.dma_semaphore, #tpu.memory_space<semaphore_mem>>)
    %dma_start3A_18 = arith.constant 1 : i32
    %dma_start3A_19 = arith.constant 0 : i32
    %dma_start3A_20 = tpu.memref_slice %arg11[%dma_start3A_18, %dma_start3A_19] : memref<125x80xi32, #tpu.memory_space<vmem>> -> memref<1x80xi32, #tpu.memory_space<vmem>>
    %dma_start3A_21 = tpu.memref_squeeze %dma_start3A_20 : memref<1x80xi32, #tpu.memory_space<vmem>> -> memref<80xi32, #tpu.memory_space<vmem>>
    %dma_start3A_22 = arith.constant 0 : i32
    %dma_start3A_23 = arith.constant 0 : i32
    %dma_start3A_24 = tpu.memref_slice %arg2[%dma_start3A_22, %dma_start3A_23] : memref<10000x32xf32, #tpu.memory_space<hbm>> -> memref<10000x32xf32, #tpu.memory_space<hbm>>
    tpu.enqueue_indirect_dma source(%dma_start3A_24 : memref<10000x32xf32, #tpu.memory_space<hbm>>) target(%arg14 : memref<80x32xf32, #tpu.memory_space<vmem>>) offsets(%dma_start3A_21 : memref<80xi32, #tpu.memory_space<vmem>>) semaphore(%arg23 : memref<!tpu.dma_semaphore, #tpu.memory_space<semaphore_mem>>)
    %dma_start3A_25 = arith.constant 1 : i32
    %dma_start3A_26 = arith.constant 0 : i32
    %dma_start3A_27 = tpu.memref_slice %arg12[%dma_start3A_25, %dma_start3A_26] : memref<125x80xi32, #tpu.memory_space<vmem>> -> memref<1x80xi32, #tpu.memory_space<vmem>>
    %dma_start3A_28 = tpu.memref_squeeze %dma_start3A_27 : memref<1x80xi32, #tpu.memory_space<vmem>> -> memref<80xi32, #tpu.memory_space<vmem>>
    %dma_start3A_29 = arith.constant 0 : i32
    %dma_start3A_30 = arith.constant 0 : i32
    %dma_start3A_31 = tpu.memref_slice %arg3[%dma_start3A_29, %dma_start3A_30] : memref<10000x32xf32, #tpu.memory_space<hbm>> -> memref<10000x32xf32, #tpu.memory_space<hbm>>
    tpu.enqueue_indirect_dma source(%dma_start3A_31 : memref<10000x32xf32, #tpu.memory_space<hbm>>) target(%arg16 : memref<80x32xf32, #tpu.memory_space<vmem>>) offsets(%dma_start3A_28 : memref<80xi32, #tpu.memory_space<vmem>>) semaphore(%arg25 : memref<!tpu.dma_semaphore, #tpu.memory_space<semaphore_mem>>)
    %dma_wait3A = arith.constant 0 : i32
    %dma_wait3A_32 = arith.constant 0 : i32
    %dma_wait3A_33 = tpu.memref_slice %arg11[%dma_wait3A, %dma_wait3A_32] : memref<125x80xi32, #tpu.memory_space<vmem>> -> memref<1x80xi32, #tpu.memory_space<vmem>>
    %dma_wait3A_34 = tpu.memref_squeeze %dma_wait3A_33 : memref<1x80xi32, #tpu.memory_space<vmem>> -> memref<80xi32, #tpu.memory_space<vmem>>
    %dma_wait3A_35 = arith.constant 0 : i32
    %dma_wait3A_36 = arith.constant 0 : i32
    %dma_wait3A_37 = tpu.memref_slice %arg2[%dma_wait3A_35, %dma_wait3A_36] : memref<10000x32xf32, #tpu.memory_space<hbm>> -> memref<10000x32xf32, #tpu.memory_space<hbm>>
    tpu.wait_indirect_dma semaphore(%arg22 : memref<!tpu.dma_semaphore, #tpu.memory_space<semaphore_mem>>) src(%dma_wait3A_37 : memref<10000x32xf32, #tpu.memory_space<hbm>>) dst(%arg13 : memref<80x32xf32, #tpu.memory_space<vmem>>)
    %dma_wait3A_38 = arith.constant 0 : i32
    %dma_wait3A_39 = arith.constant 0 : i32
    %dma_wait3A_40 = tpu.memref_slice %arg12[%dma_wait3A_38, %dma_wait3A_39] : memref<125x80xi32, #tpu.memory_space<vmem>> -> memref<1x80xi32, #tpu.memory_space<vmem>>
    %dma_wait3A_41 = tpu.memref_squeeze %dma_wait3A_40 : memref<1x80xi32, #tpu.memory_space<vmem>> -> memref<80xi32, #tpu.memory_space<vmem>>
    %dma_wait3A_42 = arith.constant 0 : i32
    %dma_wait3A_43 = arith.constant 0 : i32
    %dma_wait3A_44 = tpu.memref_slice %arg3[%dma_wait3A_42, %dma_wait3A_43] : memref<10000x32xf32, #tpu.memory_space<hbm>> -> memref<10000x32xf32, #tpu.memory_space<hbm>>
    tpu.wait_indirect_dma semaphore(%arg24 : memref<!tpu.dma_semaphore, #tpu.memory_space<semaphore_mem>>) src(%dma_wait3A_44 : memref<10000x32xf32, #tpu.memory_space<hbm>>) dst(%arg15 : memref<80x32xf32, #tpu.memory_space<vmem>>)
    %scan3A = arith.constant 0 : i32
    %scan3A_45 = arith.constant 0 : i32
    %scan3A_46 = arith.constant 20 : i32
    %scan3A_47 = arith.addi %scan3A_45, %scan3A_46 : i32
    %scan3A_48 = arith.constant 1 : i32
    scf.for %scan3A_389 = %scan3A_45 to %scan3A_47 step %scan3A_48  : i32 {
      %mul3A_390 = arith.constant 4 : i32
      %mul3A_391 = arith.muli %mul3A_390, %scan3A_389 : i32
      %add3A_392 = arith.constant 0 : i32
      %add3A_393 = arith.addi %mul3A_391, %add3A_392 : i32
      %get3A = arith.index_cast %add3A_393 : i32 to index
      %get3A_394 = arith.constant 0 : index
      %get3A_395 = tpu.vector_load %arg13[%get3A, %get3A_394] {strides = array<i32>} : memref<80x32xf32, #tpu.memory_space<vmem>>, vector<1x16xf32>,
      %get3A_396 = vector.shape_cast %get3A_395 : vector<1x16xf32> to vector<16xf32>
      %mul3A_397 = arith.constant 4 : i32
      %mul3A_398 = arith.muli %mul3A_397, %scan3A_389 : i32
      %add3A_399 = arith.constant 0 : i32
      %add3A_400 = arith.addi %mul3A_398, %add3A_399 : i32
      %get3A_401 = arith.index_cast %add3A_400 : i32 to index
      %get3A_402 = arith.constant 0 : index
      %get3A_403 = tpu.vector_load %arg15[%get3A_401, %get3A_402] {strides = array<i32>} : memref<80x32xf32, #tpu.memory_space<vmem>>, vector<1x16xf32>,
      %get3A_404 = vector.shape_cast %get3A_403 : vector<1x16xf32> to vector<16xf32>
      %add3A_405 = arith.addf %get3A_396, %get3A_404 : vector<16xf32>
      %swap3A = arith.index_cast %scan3A_389 : i32 to index
      %swap3A_406 = arith.constant 0 : index
      %swap3A_407 = tpu.vector_load %arg17[%swap3A, %swap3A_406] {strides = array<i32>} : memref<20x128xf32, #tpu.memory_space<vmem>>, vector<1x16xf32>,
      %swap3A_408 = vector.shape_cast %swap3A_407 : vector<1x16xf32> to vector<16xf32>
      %swap3A_409 = vector.shape_cast %add3A_405 : vector<16xf32> to vector<1x16xf32>
      tpu.vector_store %arg17[%swap3A, %swap3A_406], %swap3A_409 {strides = array<i32>} : memref<20x128xf32, #tpu.memory_space<vmem>>, vector<1x16xf32>,
      %mul3A_410 = arith.constant 4 : i32
      %mul3A_411 = arith.muli %mul3A_410, %scan3A_389 : i32
      %add3A_412 = arith.constant 0 : i32
      %add3A_413 = arith.addi %mul3A_411, %add3A_412 : i32
      %get3A_414 = arith.index_cast %add3A_413 : i32 to index
      %get3A_415 = arith.constant 16 : index
      %get3A_416 = tpu.vector_load %arg13[%get3A_414, %get3A_415] {strides = array<i32>} : memref<80x32xf32, #tpu.memory_space<vmem>>, vector<1x16xf32>,
      %get3A_417 = vector.shape_cast %get3A_416 : vector<1x16xf32> to vector<16xf32>
      %mul3A_418 = arith.constant 4 : i32
      %mul3A_419 = arith.muli %mul3A_418, %scan3A_389 : i32
      %add3A_420 = arith.constant 0 : i32
      %add3A_421 = arith.addi %mul3A_419, %add3A_420 : i32
      %get3A_422 = arith.index_cast %add3A_421 : i32 to index
      %get3A_423 = arith.constant 16 : index
      %get3A_424 = tpu.vector_load %arg15[%get3A_422, %get3A_423] {strides = array<i32>} : memref<80x32xf32, #tpu.memory_space<vmem>>, vector<1x16xf32>,
      %get3A_425 = vector.shape_cast %get3A_424 : vector<1x16xf32> to vector<16xf32>
      %add3A_426 = arith.addf %get3A_417, %get3A_425 : vector<16xf32>
      %swap3A_427 = arith.index_cast %scan3A_389 : i32 to index
      %swap3A_428 = arith.constant 16 : index
      %swap3A_429 = tpu.vector_load %arg17[%swap3A_427, %swap3A_428] {strides = array<i32>} : memref<20x128xf32, #tpu.memory_space<vmem>>, vector<1x16xf32>,
      %swap3A_430 = vector.shape_cast %swap3A_429 : vector<1x16xf32> to vector<16xf32>
      %swap3A_431 = vector.shape_cast %add3A_426 : vector<16xf32> to vector<1x16xf32>
      tpu.vector_store %arg17[%swap3A_427, %swap3A_428], %swap3A_431 {strides = array<i32>} : memref<20x128xf32, #tpu.memory_space<vmem>>, vector<1x16xf32>,
      %mul3A_432 = arith.constant 4 : i32
      %mul3A_433 = arith.muli %mul3A_432, %scan3A_389 : i32
      %add3A_434 = arith.constant 1 : i32
      %add3A_435 = arith.addi %mul3A_433, %add3A_434 : i32
      %get3A_436 = arith.index_cast %add3A_435 : i32 to index
      %get3A_437 = arith.constant 0 : index
      %get3A_438 = tpu.vector_load %arg13[%get3A_436, %get3A_437] {strides = array<i32>} : memref<80x32xf32, #tpu.memory_space<vmem>>, vector<1x16xf32>,
      %get3A_439 = vector.shape_cast %get3A_438 : vector<1x16xf32> to vector<16xf32>
      %mul3A_440 = arith.constant 4 : i32
      %mul3A_441 = arith.muli %mul3A_440, %scan3A_389 : i32
      %add3A_442 = arith.constant 1 : i32
      %add3A_443 = arith.addi %mul3A_441, %add3A_442 : i32
      %get3A_444 = arith.index_cast %add3A_443 : i32 to index
      %get3A_445 = arith.constant 0 : index
      %get3A_446 = tpu.vector_load %arg15[%get3A_444, %get3A_445] {strides = array<i32>} : memref<80x32xf32, #tpu.memory_space<vmem>>, vector<1x16xf32>,
      %get3A_447 = vector.shape_cast %get3A_446 : vector<1x16xf32> to vector<16xf32>
      %add3A_448 = arith.addf %get3A_439, %get3A_447 : vector<16xf32>
      %swap3A_449 = arith.index_cast %scan3A_389 : i32 to index
      %swap3A_450 = arith.constant 32 : index
      %swap3A_451 = tpu.vector_load %arg17[%swap3A_449, %swap3A_450] {strides = array<i32>} : memref<20x128xf32, #tpu.memory_space<vmem>>, vector<1x16xf32>,
      %swap3A_452 = vector.shape_cast %swap3A_451 : vector<1x16xf32> to vector<16xf32>
      %swap3A_453 = vector.shape_cast %add3A_448 : vector<16xf32> to vector<1x16xf32>
      tpu.vector_store %arg17[%swap3A_449, %swap3A_450], %swap3A_453 {strides = array<i32>} : memref<20x128xf32, #tpu.memory_space<vmem>>, vector<1x16xf32>,
      %mul3A_454 = arith.constant 4 : i32
      %mul3A_455 = arith.muli %mul3A_454, %scan3A_389 : i32
      %add3A_456 = arith.constant 1 : i32
      %add3A_457 = arith.addi %mul3A_455, %add3A_456 : i32
      %get3A_458 = arith.index_cast %add3A_457 : i32 to index
      %get3A_459 = arith.constant 16 : index
      %get3A_460 = tpu.vector_load %arg13[%get3A_458, %get3A_459] {strides = array<i32>} : memref<80x32xf32, #tpu.memory_space<vmem>>, vector<1x16xf32>,
      %get3A_461 = vector.shape_cast %get3A_460 : vector<1x16xf32> to vector<16xf32>
      %mul3A_462 = arith.constant 4 : i32
      %mul3A_463 = arith.muli %mul3A_462, %scan3A_389 : i32
      %add3A_464 = arith.constant 1 : i32
      %add3A_465 = arith.addi %mul3A_463, %add3A_464 : i32
      %get3A_466 = arith.index_cast %add3A_465 : i32 to index
      %get3A_467 = arith.constant 16 : index
      %get3A_468 = tpu.vector_load %arg15[%get3A_466, %get3A_467] {strides = array<i32>} : memref<80x32xf32, #tpu.memory_space<vmem>>, vector<1x16xf32>,
      %get3A_469 = vector.shape_cast %get3A_468 : vector<1x16xf32> to vector<16xf32>
      %add3A_470 = arith.addf %get3A_461, %get3A_469 : vector<16xf32>
      %swap3A_471 = arith.index_cast %scan3A_389 : i32 to index
      %swap3A_472 = arith.constant 48 : index
      %swap3A_473 = tpu.vector_load %arg17[%swap3A_471, %swap3A_472] {strides = array<i32>} : memref<20x128xf32, #tpu.memory_space<vmem>>, vector<1x16xf32>,
      %swap3A_474 = vector.shape_cast %swap3A_473 : vector<1x16xf32> to vector<16xf32>
      %swap3A_475 = vector.shape_cast %add3A_470 : vector<16xf32> to vector<1x16xf32>
      tpu.vector_store %arg17[%swap3A_471, %swap3A_472], %swap3A_475 {strides = array<i32>} : memref<20x128xf32, #tpu.memory_space<vmem>>, vector<1x16xf32>,
      %mul3A_476 = arith.constant 4 : i32
      %mul3A_477 = arith.muli %mul3A_476, %scan3A_389 : i32
      %add3A_478 = arith.constant 2 : i32
      %add3A_479 = arith.addi %mul3A_477, %add3A_478 : i32
      %get3A_480 = arith.index_cast %add3A_479 : i32 to index
      %get3A_481 = arith.constant 0 : index
      %get3A_482 = tpu.vector_load %arg13[%get3A_480, %get3A_481] {strides = array<i32>} : memref<80x32xf32, #tpu.memory_space<vmem>>, vector<1x16xf32>,
      %get3A_483 = vector.shape_cast %get3A_482 : vector<1x16xf32> to vector<16xf32>
      %mul3A_484 = arith.constant 4 : i32
      %mul3A_485 = arith.muli %mul3A_484, %scan3A_389 : i32
      %add3A_486 = arith.constant 2 : i32
      %add3A_487 = arith.addi %mul3A_485, %add3A_486 : i32
      %get3A_488 = arith.index_cast %add3A_487 : i32 to index
      %get3A_489 = arith.constant 0 : index
      %get3A_490 = tpu.vector_load %arg15[%get3A_488, %get3A_489] {strides = array<i32>} : memref<80x32xf32, #tpu.memory_space<vmem>>, vector<1x16xf32>,
      %get3A_491 = vector.shape_cast %get3A_490 : vector<1x16xf32> to vector<16xf32>
      %add3A_492 = arith.addf %get3A_483, %get3A_491 : vector<16xf32>
      %swap3A_493 = arith.index_cast %scan3A_389 : i32 to index
      %swap3A_494 = arith.constant 64 : index
      %swap3A_495 = tpu.vector_load %arg17[%swap3A_493, %swap3A_494] {strides = array<i32>} : memref<20x128xf32, #tpu.memory_space<vmem>>, vector<1x16xf32>,
      %swap3A_496 = vector.shape_cast %swap3A_495 : vector<1x16xf32> to vector<16xf32>
      %swap3A_497 = vector.shape_cast %add3A_492 : vector<16xf32> to vector<1x16xf32>
      tpu.vector_store %arg17[%swap3A_493, %swap3A_494], %swap3A_497 {strides = array<i32>} : memref<20x128xf32, #tpu.memory_space<vmem>>, vector<1x16xf32>,
      %mul3A_498 = arith.constant 4 : i32
      %mul3A_499 = arith.muli %mul3A_498, %scan3A_389 : i32
      %add3A_500 = arith.constant 2 : i32
      %add3A_501 = arith.addi %mul3A_499, %add3A_500 : i32
      %get3A_502 = arith.index_cast %add3A_501 : i32 to index
      %get3A_503 = arith.constant 16 : index
      %get3A_504 = tpu.vector_load %arg13[%get3A_502, %get3A_503] {strides = array<i32>} : memref<80x32xf32, #tpu.memory_space<vmem>>, vector<1x16xf32>,
      %get3A_505 = vector.shape_cast %get3A_504 : vector<1x16xf32> to vector<16xf32>
      %mul3A_506 = arith.constant 4 : i32
      %mul3A_507 = arith.muli %mul3A_506, %scan3A_389 : i32
      %add3A_508 = arith.constant 2 : i32
      %add3A_509 = arith.addi %mul3A_507, %add3A_508 : i32
      %get3A_510 = arith.index_cast %add3A_509 : i32 to index
      %get3A_511 = arith.constant 16 : index
      %get3A_512 = tpu.vector_load %arg15[%get3A_510, %get3A_511] {strides = array<i32>} : memref<80x32xf32, #tpu.memory_space<vmem>>, vector<1x16xf32>,
      %get3A_513 = vector.shape_cast %get3A_512 : vector<1x16xf32> to vector<16xf32>
      %add3A_514 = arith.addf %get3A_505, %get3A_513 : vector<16xf32>
      %swap3A_515 = arith.index_cast %scan3A_389 : i32 to index
      %swap3A_516 = arith.constant 80 : index
      %swap3A_517 = tpu.vector_load %arg17[%swap3A_515, %swap3A_516] {strides = array<i32>} : memref<20x128xf32, #tpu.memory_space<vmem>>, vector<1x16xf32>,
      %swap3A_518 = vector.shape_cast %swap3A_517 : vector<1x16xf32> to vector<16xf32>
      %swap3A_519 = vector.shape_cast %add3A_514 : vector<16xf32> to vector<1x16xf32>
      tpu.vector_store %arg17[%swap3A_515, %swap3A_516], %swap3A_519 {strides = array<i32>} : memref<20x128xf32, #tpu.memory_space<vmem>>, vector<1x16xf32>,
      %mul3A_520 = arith.constant 4 : i32
      %mul3A_521 = arith.muli %mul3A_520, %scan3A_389 : i32
      %add3A_522 = arith.constant 3 : i32
      %add3A_523 = arith.addi %mul3A_521, %add3A_522 : i32
      %get3A_524 = arith.index_cast %add3A_523 : i32 to index
      %get3A_525 = arith.constant 0 : index
      %get3A_526 = tpu.vector_load %arg13[%get3A_524, %get3A_525] {strides = array<i32>} : memref<80x32xf32, #tpu.memory_space<vmem>>, vector<1x16xf32>,
      %get3A_527 = vector.shape_cast %get3A_526 : vector<1x16xf32> to vector<16xf32>
      %mul3A_528 = arith.constant 4 : i32
      %mul3A_529 = arith.muli %mul3A_528, %scan3A_389 : i32
      %add3A_530 = arith.constant 3 : i32
      %add3A_531 = arith.addi %mul3A_529, %add3A_530 : i32
      %get3A_532 = arith.index_cast %add3A_531 : i32 to index
      %get3A_533 = arith.constant 0 : index
      %get3A_534 = tpu.vector_load %arg15[%get3A_532, %get3A_533] {strides = array<i32>} : memref<80x32xf32, #tpu.memory_space<vmem>>, vector<1x16xf32>,
      %get3A_535 = vector.shape_cast %get3A_534 : vector<1x16xf32> to vector<16xf32>
      %add3A_536 = arith.addf %get3A_527, %get3A_535 : vector<16xf32>
      %swap3A_537 = arith.index_cast %scan3A_389 : i32 to index
      %swap3A_538 = arith.constant 96 : index
      %swap3A_539 = tpu.vector_load %arg17[%swap3A_537, %swap3A_538] {strides = array<i32>} : memref<20x128xf32, #tpu.memory_space<vmem>>, vector<1x16xf32>,
      %swap3A_540 = vector.shape_cast %swap3A_539 : vector<1x16xf32> to vector<16xf32>
      %swap3A_541 = vector.shape_cast %add3A_536 : vector<16xf32> to vector<1x16xf32>
      tpu.vector_store %arg17[%swap3A_537, %swap3A_538], %swap3A_541 {strides = array<i32>} : memref<20x128xf32, #tpu.memory_space<vmem>>, vector<1x16xf32>,
      %mul3A_542 = arith.constant 4 : i32
      %mul3A_543 = arith.muli %mul3A_542, %scan3A_389 : i32
      %add3A_544 = arith.constant 3 : i32
      %add3A_545 = arith.addi %mul3A_543, %add3A_544 : i32
      %get3A_546 = arith.index_cast %add3A_545 : i32 to index
      %get3A_547 = arith.constant 16 : index
      %get3A_548 = tpu.vector_load %arg13[%get3A_546, %get3A_547] {strides = array<i32>} : memref<80x32xf32, #tpu.memory_space<vmem>>, vector<1x16xf32>,
      %get3A_549 = vector.shape_cast %get3A_548 : vector<1x16xf32> to vector<16xf32>
      %mul3A_550 = arith.constant 4 : i32
      %mul3A_551 = arith.muli %mul3A_550, %scan3A_389 : i32
      %add3A_552 = arith.constant 3 : i32
      %add3A_553 = arith.addi %mul3A_551, %add3A_552 : i32
      %get3A_554 = arith.index_cast %add3A_553 : i32 to index
      %get3A_555 = arith.constant 16 : index
      %get3A_556 = tpu.vector_load %arg15[%get3A_554, %get3A_555] {strides = array<i32>} : memref<80x32xf32, #tpu.memory_space<vmem>>, vector<1x16xf32>,
      %get3A_557 = vector.shape_cast %get3A_556 : vector<1x16xf32> to vector<16xf32>
      %add3A_558 = arith.addf %get3A_549, %get3A_557 : vector<16xf32>
      %swap3A_559 = arith.index_cast %scan3A_389 : i32 to index
      %swap3A_560 = arith.constant 112 : index
      %swap3A_561 = tpu.vector_load %arg17[%swap3A_559, %swap3A_560] {strides = array<i32>} : memref<20x128xf32, #tpu.memory_space<vmem>>, vector<1x16xf32>,
      %swap3A_562 = vector.shape_cast %swap3A_561 : vector<1x16xf32> to vector<16xf32>
      %swap3A_563 = vector.shape_cast %add3A_558 : vector<16xf32> to vector<1x16xf32>
      tpu.vector_store %arg17[%swap3A_559, %swap3A_560], %swap3A_563 {strides = array<i32>} : memref<20x128xf32, #tpu.memory_space<vmem>>, vector<1x16xf32>,
    }
    %scan3A_49 = arith.constant 20 : i32
    %mul3A_50 = arith.constant 2500 : i32
    %mul3A_51 = arith.muli %add3A, %mul3A_50 : i32
    %add3A_52 = arith.constant 0 : i32
    %add3A_53 = arith.addi %mul3A_51, %add3A_52 : i32
    %dma_start3A_54 = arith.constant 0 : i32
    %dma_start3A_55 = tpu.memref_slice %arg8[%add3A_53, %dma_start3A_54] : memref<80000x128xf32, #tpu.memory_space<hbm>> -> memref<20x128xf32, #tpu.memory_space<hbm>>
    %dma_start3A_56 = arith.constant 0 : i32
    %dma_start3A_57 = tpu.memref_slice %arg8[%add3A_53, %dma_start3A_56] : memref<80000x128xf32, #tpu.memory_space<hbm>> -> memref<20x128xf32, #tpu.memory_space<hbm>>
    tpu.enqueue_dma source(%arg17 : memref<20x128xf32, #tpu.memory_space<vmem>>) target(%dma_start3A_57 : memref<20x128xf32, #tpu.memory_space<hbm>>) target_semaphore(%arg26 : memref<!tpu.dma_semaphore, #tpu.memory_space<semaphore_mem>>)
    %dma_start3A_58 = arith.constant 0 : i32
    %dma_start3A_59 = arith.constant 0 : i32
    %dma_start3A_60 = tpu.memref_slice %arg12[%dma_start3A_58, %dma_start3A_59] : memref<125x80xi32, #tpu.memory_space<vmem>> -> memref<1x80xi32, #tpu.memory_space<vmem>>
    %dma_start3A_61 = tpu.memref_squeeze %dma_start3A_60 : memref<1x80xi32, #tpu.memory_space<vmem>> -> memref<80xi32, #tpu.memory_space<vmem>>
    %dma_start3A_62 = arith.constant 0 : i32
    %dma_start3A_63 = arith.constant 0 : i32
    %dma_start3A_64 = tpu.memref_slice %arg20[%dma_start3A_62, %dma_start3A_63] : memref<10000x16xf32, #tpu.memory_space<vmem_shared>> -> memref<10000x16xf32, #tpu.memory_space<vmem_shared>>
    tpu.enqueue_indirect_dma source(%arg19 : memref<80x16xf32, #tpu.memory_space<vmem>>) target(%dma_start3A_64 : memref<10000x16xf32, #tpu.memory_space<vmem_shared>>) offsets(%dma_start3A_61 : memref<80xi32, #tpu.memory_space<vmem>>) semaphore(%arg28 : memref<!tpu.dma_semaphore, #tpu.memory_space<semaphore_mem>>) {add = true}
    %dma_start3A_65 = arith.constant 0 : i32
    %dma_start3A_66 = arith.constant 0 : i32
    %dma_start3A_67 = tpu.memref_slice %arg11[%dma_start3A_65, %dma_start3A_66] : memref<125x80xi32, #tpu.memory_space<vmem>> -> memref<1x80xi32, #tpu.memory_space<vmem>>
    %dma_start3A_68 = tpu.memref_squeeze %dma_start3A_67 : memref<1x80xi32, #tpu.memory_space<vmem>> -> memref<80xi32, #tpu.memory_space<vmem>>
    %dma_start3A_69 = arith.constant 0 : i32
    %dma_start3A_70 = arith.constant 0 : i32
    %dma_start3A_71 = tpu.memref_slice %arg21[%dma_start3A_69, %dma_start3A_70] : memref<10000x16xf32, #tpu.memory_space<vmem_shared>> -> memref<10000x16xf32, #tpu.memory_space<vmem_shared>>
    tpu.enqueue_indirect_dma source(%arg19 : memref<80x16xf32, #tpu.memory_space<vmem>>) target(%dma_start3A_71 : memref<10000x16xf32, #tpu.memory_space<vmem_shared>>) offsets(%dma_start3A_68 : memref<80xi32, #tpu.memory_space<vmem>>) semaphore(%arg30 : memref<!tpu.dma_semaphore, #tpu.memory_space<semaphore_mem>>) {add = true}
    %dma_start3A_72 = arith.constant 2 : i32
    %dma_start3A_73 = arith.constant 0 : i32
    %dma_start3A_74 = tpu.memref_slice %arg11[%dma_start3A_72, %dma_start3A_73] : memref<125x80xi32, #tpu.memory_space<vmem>> -> memref<1x80xi32, #tpu.memory_space<vmem>>
    %dma_start3A_75 = tpu.memref_squeeze %dma_start3A_74 : memref<1x80xi32, #tpu.memory_space<vmem>> -> memref<80xi32, #tpu.memory_space<vmem>>
    %dma_start3A_76 = arith.constant 0 : i32
    %dma_start3A_77 = arith.constant 0 : i32
    %dma_start3A_78 = tpu.memref_slice %arg2[%dma_start3A_76, %dma_start3A_77] : memref<10000x32xf32, #tpu.memory_space<hbm>> -> memref<10000x32xf32, #tpu.memory_space<hbm>>
    tpu.enqueue_indirect_dma source(%dma_start3A_78 : memref<10000x32xf32, #tpu.memory_space<hbm>>) target(%arg13 : memref<80x32xf32, #tpu.memory_space<vmem>>) offsets(%dma_start3A_75 : memref<80xi32, #tpu.memory_space<vmem>>) semaphore(%arg22 : memref<!tpu.dma_semaphore, #tpu.memory_space<semaphore_mem>>)
    %dma_start3A_79 = arith.constant 2 : i32
    %dma_start3A_80 = arith.constant 0 : i32
    %dma_start3A_81 = tpu.memref_slice %arg12[%dma_start3A_79, %dma_start3A_80] : memref<125x80xi32, #tpu.memory_space<vmem>> -> memref<1x80xi32, #tpu.memory_space<vmem>>
    %dma_start3A_82 = tpu.memref_squeeze %dma_start3A_81 : memref<1x80xi32, #tpu.memory_space<vmem>> -> memref<80xi32, #tpu.memory_space<vmem>>
    %dma_start3A_83 = arith.constant 0 : i32
    %dma_start3A_84 = arith.constant 0 : i32
    %dma_start3A_85 = tpu.memref_slice %arg3[%dma_start3A_83, %dma_start3A_84] : memref<10000x32xf32, #tpu.memory_space<hbm>> -> memref<10000x32xf32, #tpu.memory_space<hbm>>
    tpu.enqueue_indirect_dma source(%dma_start3A_85 : memref<10000x32xf32, #tpu.memory_space<hbm>>) target(%arg15 : memref<80x32xf32, #tpu.memory_space<vmem>>) offsets(%dma_start3A_82 : memref<80xi32, #tpu.memory_space<vmem>>) semaphore(%arg24 : memref<!tpu.dma_semaphore, #tpu.memory_space<semaphore_mem>>)
    %dma_wait3A_86 = arith.constant 0 : i32
    %dma_wait3A_87 = arith.constant 0 : i32
    %dma_wait3A_88 = tpu.memref_slice %arg11[%dma_wait3A_86, %dma_wait3A_87] : memref<125x80xi32, #tpu.memory_space<vmem>> -> memref<1x80xi32, #tpu.memory_space<vmem>>
    %dma_wait3A_89 = tpu.memref_squeeze %dma_wait3A_88 : memref<1x80xi32, #tpu.memory_space<vmem>> -> memref<80xi32, #tpu.memory_space<vmem>>
    %dma_wait3A_90 = arith.constant 0 : i32
    %dma_wait3A_91 = arith.constant 0 : i32
    %dma_wait3A_92 = tpu.memref_slice %arg2[%dma_wait3A_90, %dma_wait3A_91] : memref<10000x32xf32, #tpu.memory_space<hbm>> -> memref<10000x32xf32, #tpu.memory_space<hbm>>
    tpu.wait_indirect_dma semaphore(%arg23 : memref<!tpu.dma_semaphore, #tpu.memory_space<semaphore_mem>>) src(%dma_wait3A_92 : memref<10000x32xf32, #tpu.memory_space<hbm>>) dst(%arg14 : memref<80x32xf32, #tpu.memory_space<vmem>>)
    %dma_wait3A_93 = arith.constant 0 : i32
    %dma_wait3A_94 = arith.constant 0 : i32
    %dma_wait3A_95 = tpu.memref_slice %arg12[%dma_wait3A_93, %dma_wait3A_94] : memref<125x80xi32, #tpu.memory_space<vmem>> -> memref<1x80xi32, #tpu.memory_space<vmem>>
    %dma_wait3A_96 = tpu.memref_squeeze %dma_wait3A_95 : memref<1x80xi32, #tpu.memory_space<vmem>> -> memref<80xi32, #tpu.memory_space<vmem>>
    %dma_wait3A_97 = arith.constant 0 : i32
    %dma_wait3A_98 = arith.constant 0 : i32
    %dma_wait3A_99 = tpu.memref_slice %arg3[%dma_wait3A_97, %dma_wait3A_98] : memref<10000x32xf32, #tpu.memory_space<hbm>> -> memref<10000x32xf32, #tpu.memory_space<hbm>>
    tpu.wait_indirect_dma semaphore(%arg25 : memref<!tpu.dma_semaphore, #tpu.memory_space<semaphore_mem>>) src(%dma_wait3A_99 : memref<10000x32xf32, #tpu.memory_space<hbm>>) dst(%arg16 : memref<80x32xf32, #tpu.memory_space<vmem>>)
    %scan3A_100 = arith.constant 0 : i32
    %scan3A_101 = arith.constant 0 : i32
    %scan3A_102 = arith.constant 20 : i32
    %scan3A_103 = arith.addi %scan3A_101, %scan3A_102 : i32
    %scan3A_104 = arith.constant 1 : i32
    scf.for %scan3A_389 = %scan3A_101 to %scan3A_103 step %scan3A_104  : i32 {
      %mul3A_390 = arith.constant 4 : i32
      %mul3A_391 = arith.muli %mul3A_390, %scan3A_389 : i32
      %add3A_392 = arith.constant 0 : i32
      %add3A_393 = arith.addi %mul3A_391, %add3A_392 : i32
      %get3A = arith.index_cast %add3A_393 : i32 to index
      %get3A_394 = arith.constant 0 : index
      %get3A_395 = tpu.vector_load %arg14[%get3A, %get3A_394] {strides = array<i32>} : memref<80x32xf32, #tpu.memory_space<vmem>>, vector<1x16xf32>,
      %get3A_396 = vector.shape_cast %get3A_395 : vector<1x16xf32> to vector<16xf32>
      %mul3A_397 = arith.constant 4 : i32
      %mul3A_398 = arith.muli %mul3A_397, %scan3A_389 : i32
      %add3A_399 = arith.constant 0 : i32
      %add3A_400 = arith.addi %mul3A_398, %add3A_399 : i32
      %get3A_401 = arith.index_cast %add3A_400 : i32 to index
      %get3A_402 = arith.constant 0 : index
      %get3A_403 = tpu.vector_load %arg16[%get3A_401, %get3A_402] {strides = array<i32>} : memref<80x32xf32, #tpu.memory_space<vmem>>, vector<1x16xf32>,
      %get3A_404 = vector.shape_cast %get3A_403 : vector<1x16xf32> to vector<16xf32>
      %add3A_405 = arith.addf %get3A_396, %get3A_404 : vector<16xf32>
      %swap3A = arith.index_cast %scan3A_389 : i32 to index
      %swap3A_406 = arith.constant 0 : index
      %swap3A_407 = tpu.vector_load %arg18[%swap3A, %swap3A_406] {strides = array<i32>} : memref<20x128xf32, #tpu.memory_space<vmem>>, vector<1x16xf32>,
      %swap3A_408 = vector.shape_cast %swap3A_407 : vector<1x16xf32> to vector<16xf32>
      %swap3A_409 = vector.shape_cast %add3A_405 : vector<16xf32> to vector<1x16xf32>
      tpu.vector_store %arg18[%swap3A, %swap3A_406], %swap3A_409 {strides = array<i32>} : memref<20x128xf32, #tpu.memory_space<vmem>>, vector<1x16xf32>,
      %mul3A_410 = arith.constant 4 : i32
      %mul3A_411 = arith.muli %mul3A_410, %scan3A_389 : i32
      %add3A_412 = arith.constant 0 : i32
      %add3A_413 = arith.addi %mul3A_411, %add3A_412 : i32
      %get3A_414 = arith.index_cast %add3A_413 : i32 to index
      %get3A_415 = arith.constant 16 : index
      %get3A_416 = tpu.vector_load %arg14[%get3A_414, %get3A_415] {strides = array<i32>} : memref<80x32xf32, #tpu.memory_space<vmem>>, vector<1x16xf32>,
      %get3A_417 = vector.shape_cast %get3A_416 : vector<1x16xf32> to vector<16xf32>
      %mul3A_418 = arith.constant 4 : i32
      %mul3A_419 = arith.muli %mul3A_418, %scan3A_389 : i32
      %add3A_420 = arith.constant 0 : i32
      %add3A_421 = arith.addi %mul3A_419, %add3A_420 : i32
      %get3A_422 = arith.index_cast %add3A_421 : i32 to index
      %get3A_423 = arith.constant 16 : index
      %get3A_424 = tpu.vector_load %arg16[%get3A_422, %get3A_423] {strides = array<i32>} : memref<80x32xf32, #tpu.memory_space<vmem>>, vector<1x16xf32>,
      %get3A_425 = vector.shape_cast %get3A_424 : vector<1x16xf32> to vector<16xf32>
      %add3A_426 = arith.addf %get3A_417, %get3A_425 : vector<16xf32>
      %swap3A_427 = arith.index_cast %scan3A_389 : i32 to index
      %swap3A_428 = arith.constant 16 : index
      %swap3A_429 = tpu.vector_load %arg18[%swap3A_427, %swap3A_428] {strides = array<i32>} : memref<20x128xf32, #tpu.memory_space<vmem>>, vector<1x16xf32>,
      %swap3A_430 = vector.shape_cast %swap3A_429 : vector<1x16xf32> to vector<16xf32>
      %swap3A_431 = vector.shape_cast %add3A_426 : vector<16xf32> to vector<1x16xf32>
      tpu.vector_store %arg18[%swap3A_427, %swap3A_428], %swap3A_431 {strides = array<i32>} : memref<20x128xf32, #tpu.memory_space<vmem>>, vector<1x16xf32>,
      %mul3A_432 = arith.constant 4 : i32
      %mul3A_433 = arith.muli %mul3A_432, %scan3A_389 : i32
      %add3A_434 = arith.constant 1 : i32
      %add3A_435 = arith.addi %mul3A_433, %add3A_434 : i32
      %get3A_436 = arith.index_cast %add3A_435 : i32 to index
      %get3A_437 = arith.constant 0 : index
      %get3A_438 = tpu.vector_load %arg14[%get3A_436, %get3A_437] {strides = array<i32>} : memref<80x32xf32, #tpu.memory_space<vmem>>, vector<1x16xf32>,
      %get3A_439 = vector.shape_cast %get3A_438 : vector<1x16xf32> to vector<16xf32>
      %mul3A_440 = arith.constant 4 : i32
      %mul3A_441 = arith.muli %mul3A_440, %scan3A_389 : i32
      %add3A_442 = arith.constant 1 : i32
      %add3A_443 = arith.addi %mul3A_441, %add3A_442 : i32
      %get3A_444 = arith.index_cast %add3A_443 : i32 to index
      %get3A_445 = arith.constant 0 : index
      %get3A_446 = tpu.vector_load %arg16[%get3A_444, %get3A_445] {strides = array<i32>} : memref<80x32xf32, #tpu.memory_space<vmem>>, vector<1x16xf32>,
      %get3A_447 = vector.shape_cast %get3A_446 : vector<1x16xf32> to vector<16xf32>
      %add3A_448 = arith.addf %get3A_439, %get3A_447 : vector<16xf32>
      %swap3A_449 = arith.index_cast %scan3A_389 : i32 to index
      %swap3A_450 = arith.constant 32 : index
      %swap3A_451 = tpu.vector_load %arg18[%swap3A_449, %swap3A_450] {strides = array<i32>} : memref<20x128xf32, #tpu.memory_space<vmem>>, vector<1x16xf32>,
      %swap3A_452 = vector.shape_cast %swap3A_451 : vector<1x16xf32> to vector<16xf32>
      %swap3A_453 = vector.shape_cast %add3A_448 : vector<16xf32> to vector<1x16xf32>
      tpu.vector_store %arg18[%swap3A_449, %swap3A_450], %swap3A_453 {strides = array<i32>} : memref<20x128xf32, #tpu.memory_space<vmem>>, vector<1x16xf32>,
      %mul3A_454 = arith.constant 4 : i32
      %mul3A_455 = arith.muli %mul3A_454, %scan3A_389 : i32
      %add3A_456 = arith.constant 1 : i32
      %add3A_457 = arith.addi %mul3A_455, %add3A_456 : i32
      %get3A_458 = arith.index_cast %add3A_457 : i32 to index
      %get3A_459 = arith.constant 16 : index
      %get3A_460 = tpu.vector_load %arg14[%get3A_458, %get3A_459] {strides = array<i32>} : memref<80x32xf32, #tpu.memory_space<vmem>>, vector<1x16xf32>,
      %get3A_461 = vector.shape_cast %get3A_460 : vector<1x16xf32> to vector<16xf32>
      %mul3A_462 = arith.constant 4 : i32
      %mul3A_463 = arith.muli %mul3A_462, %scan3A_389 : i32
      %add3A_464 = arith.constant 1 : i32
      %add3A_465 = arith.addi %mul3A_463, %add3A_464 : i32
      %get3A_466 = arith.index_cast %add3A_465 : i32 to index
      %get3A_467 = arith.constant 16 : index
      %get3A_468 = tpu.vector_load %arg16[%get3A_466, %get3A_467] {strides = array<i32>} : memref<80x32xf32, #tpu.memory_space<vmem>>, vector<1x16xf32>,
      %get3A_469 = vector.shape_cast %get3A_468 : vector<1x16xf32> to vector<16xf32>
      %add3A_470 = arith.addf %get3A_461, %get3A_469 : vector<16xf32>
      %swap3A_471 = arith.index_cast %scan3A_389 : i32 to index
      %swap3A_472 = arith.constant 48 : index
      %swap3A_473 = tpu.vector_load %arg18[%swap3A_471, %swap3A_472] {strides = array<i32>} : memref<20x128xf32, #tpu.memory_space<vmem>>, vector<1x16xf32>,
      %swap3A_474 = vector.shape_cast %swap3A_473 : vector<1x16xf32> to vector<16xf32>
      %swap3A_475 = vector.shape_cast %add3A_470 : vector<16xf32> to vector<1x16xf32>
      tpu.vector_store %arg18[%swap3A_471, %swap3A_472], %swap3A_475 {strides = array<i32>} : memref<20x128xf32, #tpu.memory_space<vmem>>, vector<1x16xf32>,
      %mul3A_476 = arith.constant 4 : i32
      %mul3A_477 = arith.muli %mul3A_476, %scan3A_389 : i32
      %add3A_478 = arith.constant 2 : i32
      %add3A_479 = arith.addi %mul3A_477, %add3A_478 : i32
      %get3A_480 = arith.index_cast %add3A_479 : i32 to index
      %get3A_481 = arith.constant 0 : index
      %get3A_482 = tpu.vector_load %arg14[%get3A_480, %get3A_481] {strides = array<i32>} : memref<80x32xf32, #tpu.memory_space<vmem>>, vector<1x16xf32>,
      %get3A_483 = vector.shape_cast %get3A_482 : vector<1x16xf32> to vector<16xf32>
      %mul3A_484 = arith.constant 4 : i32
      %mul3A_485 = arith.muli %mul3A_484, %scan3A_389 : i32
      %add3A_486 = arith.constant 2 : i32
      %add3A_487 = arith.addi %mul3A_485, %add3A_486 : i32
      %get3A_488 = arith.index_cast %add3A_487 : i32 to index
      %get3A_489 = arith.constant 0 : index
      %get3A_490 = tpu.vector_load %arg16[%get3A_488, %get3A_489] {strides = array<i32>} : memref<80x32xf32, #tpu.memory_space<vmem>>, vector<1x16xf32>,
      %get3A_491 = vector.shape_cast %get3A_490 : vector<1x16xf32> to vector<16xf32>
      %add3A_492 = arith.addf %get3A_483, %get3A_491 : vector<16xf32>
      %swap3A_493 = arith.index_cast %scan3A_389 : i32 to index
      %swap3A_494 = arith.constant 64 : index
      %swap3A_495 = tpu.vector_load %arg18[%swap3A_493, %swap3A_494] {strides = array<i32>} : memref<20x128xf32, #tpu.memory_space<vmem>>, vector<1x16xf32>,
      %swap3A_496 = vector.shape_cast %swap3A_495 : vector<1x16xf32> to vector<16xf32>
      %swap3A_497 = vector.shape_cast %add3A_492 : vector<16xf32> to vector<1x16xf32>
      tpu.vector_store %arg18[%swap3A_493, %swap3A_494], %swap3A_497 {strides = array<i32>} : memref<20x128xf32, #tpu.memory_space<vmem>>, vector<1x16xf32>,
      %mul3A_498 = arith.constant 4 : i32
      %mul3A_499 = arith.muli %mul3A_498, %scan3A_389 : i32
      %add3A_500 = arith.constant 2 : i32
      %add3A_501 = arith.addi %mul3A_499, %add3A_500 : i32
      %get3A_502 = arith.index_cast %add3A_501 : i32 to index
      %get3A_503 = arith.constant 16 : index
      %get3A_504 = tpu.vector_load %arg14[%get3A_502, %get3A_503] {strides = array<i32>} : memref<80x32xf32, #tpu.memory_space<vmem>>, vector<1x16xf32>,
      %get3A_505 = vector.shape_cast %get3A_504 : vector<1x16xf32> to vector<16xf32>
      %mul3A_506 = arith.constant 4 : i32
      %mul3A_507 = arith.muli %mul3A_506, %scan3A_389 : i32
      %add3A_508 = arith.constant 2 : i32
      %add3A_509 = arith.addi %mul3A_507, %add3A_508 : i32
      %get3A_510 = arith.index_cast %add3A_509 : i32 to index
      %get3A_511 = arith.constant 16 : index
      %get3A_512 = tpu.vector_load %arg16[%get3A_510, %get3A_511] {strides = array<i32>} : memref<80x32xf32, #tpu.memory_space<vmem>>, vector<1x16xf32>,
      %get3A_513 = vector.shape_cast %get3A_512 : vector<1x16xf32> to vector<16xf32>
      %add3A_514 = arith.addf %get3A_505, %get3A_513 : vector<16xf32>
      %swap3A_515 = arith.index_cast %scan3A_389 : i32 to index
      %swap3A_516 = arith.constant 80 : index
      %swap3A_517 = tpu.vector_load %arg18[%swap3A_515, %swap3A_516] {strides = array<i32>} : memref<20x128xf32, #tpu.memory_space<vmem>>, vector<1x16xf32>,
      %swap3A_518 = vector.shape_cast %swap3A_517 : vector<1x16xf32> to vector<16xf32>
      %swap3A_519 = vector.shape_cast %add3A_514 : vector<16xf32> to vector<1x16xf32>
      tpu.vector_store %arg18[%swap3A_515, %swap3A_516], %swap3A_519 {strides = array<i32>} : memref<20x128xf32, #tpu.memory_space<vmem>>, vector<1x16xf32>,
      %mul3A_520 = arith.constant 4 : i32
      %mul3A_521 = arith.muli %mul3A_520, %scan3A_389 : i32
      %add3A_522 = arith.constant 3 : i32
      %add3A_523 = arith.addi %mul3A_521, %add3A_522 : i32
      %get3A_524 = arith.index_cast %add3A_523 : i32 to index
      %get3A_525 = arith.constant 0 : index
      %get3A_526 = tpu.vector_load %arg14[%get3A_524, %get3A_525] {strides = array<i32>} : memref<80x32xf32, #tpu.memory_space<vmem>>, vector<1x16xf32>,
      %get3A_527 = vector.shape_cast %get3A_526 : vector<1x16xf32> to vector<16xf32>
      %mul3A_528 = arith.constant 4 : i32
      %mul3A_529 = arith.muli %mul3A_528, %scan3A_389 : i32
      %add3A_530 = arith.constant 3 : i32
      %add3A_531 = arith.addi %mul3A_529, %add3A_530 : i32
      %get3A_532 = arith.index_cast %add3A_531 : i32 to index
      %get3A_533 = arith.constant 0 : index
      %get3A_534 = tpu.vector_load %arg16[%get3A_532, %get3A_533] {strides = array<i32>} : memref<80x32xf32, #tpu.memory_space<vmem>>, vector<1x16xf32>,
      %get3A_535 = vector.shape_cast %get3A_534 : vector<1x16xf32> to vector<16xf32>
      %add3A_536 = arith.addf %get3A_527, %get3A_535 : vector<16xf32>
      %swap3A_537 = arith.index_cast %scan3A_389 : i32 to index
      %swap3A_538 = arith.constant 96 : index
      %swap3A_539 = tpu.vector_load %arg18[%swap3A_537, %swap3A_538] {strides = array<i32>} : memref<20x128xf32, #tpu.memory_space<vmem>>, vector<1x16xf32>,
      %swap3A_540 = vector.shape_cast %swap3A_539 : vector<1x16xf32> to vector<16xf32>
      %swap3A_541 = vector.shape_cast %add3A_536 : vector<16xf32> to vector<1x16xf32>
      tpu.vector_store %arg18[%swap3A_537, %swap3A_538], %swap3A_541 {strides = array<i32>} : memref<20x128xf32, #tpu.memory_space<vmem>>, vector<1x16xf32>,
      %mul3A_542 = arith.constant 4 : i32
      %mul3A_543 = arith.muli %mul3A_542, %scan3A_389 : i32
      %add3A_544 = arith.constant 3 : i32
      %add3A_545 = arith.addi %mul3A_543, %add3A_544 : i32
      %get3A_546 = arith.index_cast %add3A_545 : i32 to index
      %get3A_547 = arith.constant 16 : index
      %get3A_548 = tpu.vector_load %arg14[%get3A_546, %get3A_547] {strides = array<i32>} : memref<80x32xf32, #tpu.memory_space<vmem>>, vector<1x16xf32>,
      %get3A_549 = vector.shape_cast %get3A_548 : vector<1x16xf32> to vector<16xf32>
      %mul3A_550 = arith.constant 4 : i32
      %mul3A_551 = arith.muli %mul3A_550, %scan3A_389 : i32
      %add3A_552 = arith.constant 3 : i32
      %add3A_553 = arith.addi %mul3A_551, %add3A_552 : i32
      %get3A_554 = arith.index_cast %add3A_553 : i32 to index
      %get3A_555 = arith.constant 16 : index
      %get3A_556 = tpu.vector_load %arg16[%get3A_554, %get3A_555] {strides = array<i32>} : memref<80x32xf32, #tpu.memory_space<vmem>>, vector<1x16xf32>,
      %get3A_557 = vector.shape_cast %get3A_556 : vector<1x16xf32> to vector<16xf32>
      %add3A_558 = arith.addf %get3A_549, %get3A_557 : vector<16xf32>
      %swap3A_559 = arith.index_cast %scan3A_389 : i32 to index
      %swap3A_560 = arith.constant 112 : index
      %swap3A_561 = tpu.vector_load %arg18[%swap3A_559, %swap3A_560] {strides = array<i32>} : memref<20x128xf32, #tpu.memory_space<vmem>>, vector<1x16xf32>,
      %swap3A_562 = vector.shape_cast %swap3A_561 : vector<1x16xf32> to vector<16xf32>
      %swap3A_563 = vector.shape_cast %add3A_558 : vector<16xf32> to vector<1x16xf32>
      tpu.vector_store %arg18[%swap3A_559, %swap3A_560], %swap3A_563 {strides = array<i32>} : memref<20x128xf32, #tpu.memory_space<vmem>>, vector<1x16xf32>,
    }
    %scan3A_105 = arith.constant 20 : i32
    %mul3A_106 = arith.constant 2500 : i32
    %mul3A_107 = arith.muli %add3A, %mul3A_106 : i32
    %add3A_108 = arith.constant 20 : i32
    %add3A_109 = arith.addi %mul3A_107, %add3A_108 : i32
    %dma_start3A_110 = arith.constant 0 : i32
    %dma_start3A_111 = tpu.memref_slice %arg8[%add3A_109, %dma_start3A_110] : memref<80000x128xf32, #tpu.memory_space<hbm>> -> memref<20x128xf32, #tpu.memory_space<hbm>>
    %dma_start3A_112 = arith.constant 0 : i32
    %dma_start3A_113 = tpu.memref_slice %arg8[%add3A_109, %dma_start3A_112] : memref<80000x128xf32, #tpu.memory_space<hbm>> -> memref<20x128xf32, #tpu.memory_space<hbm>>
    tpu.enqueue_dma source(%arg18 : memref<20x128xf32, #tpu.memory_space<vmem>>) target(%dma_start3A_113 : memref<20x128xf32, #tpu.memory_space<hbm>>) target_semaphore(%arg27 : memref<!tpu.dma_semaphore, #tpu.memory_space<semaphore_mem>>)
    %dma_start3A_114 = arith.constant 1 : i32
    %dma_start3A_115 = arith.constant 0 : i32
    %dma_start3A_116 = tpu.memref_slice %arg12[%dma_start3A_114, %dma_start3A_115] : memref<125x80xi32, #tpu.memory_space<vmem>> -> memref<1x80xi32, #tpu.memory_space<vmem>>
    %dma_start3A_117 = tpu.memref_squeeze %dma_start3A_116 : memref<1x80xi32, #tpu.memory_space<vmem>> -> memref<80xi32, #tpu.memory_space<vmem>>
    %dma_start3A_118 = arith.constant 0 : i32
    %dma_start3A_119 = arith.constant 0 : i32
    %dma_start3A_120 = tpu.memref_slice %arg20[%dma_start3A_118, %dma_start3A_119] : memref<10000x16xf32, #tpu.memory_space<vmem_shared>> -> memref<10000x16xf32, #tpu.memory_space<vmem_shared>>
    tpu.enqueue_indirect_dma source(%arg19 : memref<80x16xf32, #tpu.memory_space<vmem>>) target(%dma_start3A_120 : memref<10000x16xf32, #tpu.memory_space<vmem_shared>>) offsets(%dma_start3A_117 : memref<80xi32, #tpu.memory_space<vmem>>) semaphore(%arg29 : memref<!tpu.dma_semaphore, #tpu.memory_space<semaphore_mem>>) {add = true}
    %dma_start3A_121 = arith.constant 1 : i32
    %dma_start3A_122 = arith.constant 0 : i32
    %dma_start3A_123 = tpu.memref_slice %arg11[%dma_start3A_121, %dma_start3A_122] : memref<125x80xi32, #tpu.memory_space<vmem>> -> memref<1x80xi32, #tpu.memory_space<vmem>>
    %dma_start3A_124 = tpu.memref_squeeze %dma_start3A_123 : memref<1x80xi32, #tpu.memory_space<vmem>> -> memref<80xi32, #tpu.memory_space<vmem>>
    %dma_start3A_125 = arith.constant 0 : i32
    %dma_start3A_126 = arith.constant 0 : i32
    %dma_start3A_127 = tpu.memref_slice %arg21[%dma_start3A_125, %dma_start3A_126] : memref<10000x16xf32, #tpu.memory_space<vmem_shared>> -> memref<10000x16xf32, #tpu.memory_space<vmem_shared>>
    tpu.enqueue_indirect_dma source(%arg19 : memref<80x16xf32, #tpu.memory_space<vmem>>) target(%dma_start3A_127 : memref<10000x16xf32, #tpu.memory_space<vmem_shared>>) offsets(%dma_start3A_124 : memref<80xi32, #tpu.memory_space<vmem>>) semaphore(%arg31 : memref<!tpu.dma_semaphore, #tpu.memory_space<semaphore_mem>>) {add = true}
    %dma_start3A_128 = arith.constant 3 : i32
    %dma_start3A_129 = arith.constant 0 : i32
    %dma_start3A_130 = tpu.memref_slice %arg11[%dma_start3A_128, %dma_start3A_129] : memref<125x80xi32, #tpu.memory_space<vmem>> -> memref<1x80xi32, #tpu.memory_space<vmem>>
    %dma_start3A_131 = tpu.memref_squeeze %dma_start3A_130 : memref<1x80xi32, #tpu.memory_space<vmem>> -> memref<80xi32, #tpu.memory_space<vmem>>
    %dma_start3A_132 = arith.constant 0 : i32
    %dma_start3A_133 = arith.constant 0 : i32
    %dma_start3A_134 = tpu.memref_slice %arg2[%dma_start3A_132, %dma_start3A_133] : memref<10000x32xf32, #tpu.memory_space<hbm>> -> memref<10000x32xf32, #tpu.memory_space<hbm>>
    tpu.enqueue_indirect_dma source(%dma_start3A_134 : memref<10000x32xf32, #tpu.memory_space<hbm>>) target(%arg14 : memref<80x32xf32, #tpu.memory_space<vmem>>) offsets(%dma_start3A_131 : memref<80xi32, #tpu.memory_space<vmem>>) semaphore(%arg23 : memref<!tpu.dma_semaphore, #tpu.memory_space<semaphore_mem>>)
    %dma_start3A_135 = arith.constant 3 : i32
    %dma_start3A_136 = arith.constant 0 : i32
    %dma_start3A_137 = tpu.memref_slice %arg12[%dma_start3A_135, %dma_start3A_136] : memref<125x80xi32, #tpu.memory_space<vmem>> -> memref<1x80xi32, #tpu.memory_space<vmem>>
    %dma_start3A_138 = tpu.memref_squeeze %dma_start3A_137 : memref<1x80xi32, #tpu.memory_space<vmem>> -> memref<80xi32, #tpu.memory_space<vmem>>
    %dma_start3A_139 = arith.constant 0 : i32
    %dma_start3A_140 = arith.constant 0 : i32
    %dma_start3A_141 = tpu.memref_slice %arg3[%dma_start3A_139, %dma_start3A_140] : memref<10000x32xf32, #tpu.memory_space<hbm>> -> memref<10000x32xf32, #tpu.memory_space<hbm>>
    tpu.enqueue_indirect_dma source(%dma_start3A_141 : memref<10000x32xf32, #tpu.memory_space<hbm>>) target(%arg16 : memref<80x32xf32, #tpu.memory_space<vmem>>) offsets(%dma_start3A_138 : memref<80xi32, #tpu.memory_space<vmem>>) semaphore(%arg25 : memref<!tpu.dma_semaphore, #tpu.memory_space<semaphore_mem>>)
    %scan3A_142 = arith.constant 0 : i32
    %scan3A_143 = arith.constant 0 : i32
    %scan3A_144 = arith.constant 60 : i32
    %scan3A_145 = arith.addi %scan3A_143, %scan3A_144 : i32
    %scan3A_146 = arith.constant 1 : i32
    scf.for %scan3A_389 = %scan3A_143 to %scan3A_145 step %scan3A_146  : i32 {
      %mul3A_390 = arith.constant 2 : i32
      %mul3A_391 = arith.muli %mul3A_390, %scan3A_389 : i32
      %add3A_392 = arith.constant 2 : i32
      %add3A_393 = arith.addi %mul3A_391, %add3A_392 : i32
      %dma_wait3A_394 = arith.constant 0 : i32
      %dma_wait3A_395 = arith.constant 0 : i32
      %dma_wait3A_396 = tpu.memref_slice %arg11[%dma_wait3A_394, %dma_wait3A_395] : memref<125x80xi32, #tpu.memory_space<vmem>> -> memref<1x80xi32, #tpu.memory_space<vmem>>
      %dma_wait3A_397 = tpu.memref_squeeze %dma_wait3A_396 : memref<1x80xi32, #tpu.memory_space<vmem>> -> memref<80xi32, #tpu.memory_space<vmem>>
      %dma_wait3A_398 = arith.constant 0 : i32
      %dma_wait3A_399 = arith.constant 0 : i32
      %dma_wait3A_400 = tpu.memref_slice %arg2[%dma_wait3A_398, %dma_wait3A_399] : memref<10000x32xf32, #tpu.memory_space<hbm>> -> memref<10000x32xf32, #tpu.memory_space<hbm>>
      tpu.wait_indirect_dma semaphore(%arg22 : memref<!tpu.dma_semaphore, #tpu.memory_space<semaphore_mem>>) src(%dma_wait3A_400 : memref<10000x32xf32, #tpu.memory_space<hbm>>) dst(%arg13 : memref<80x32xf32, #tpu.memory_space<vmem>>)
      %dma_wait3A_401 = arith.constant 0 : i32
      %dma_wait3A_402 = arith.constant 0 : i32
      %dma_wait3A_403 = tpu.memref_slice %arg12[%dma_wait3A_401, %dma_wait3A_402] : memref<125x80xi32, #tpu.memory_space<vmem>> -> memref<1x80xi32, #tpu.memory_space<vmem>>
      %dma_wait3A_404 = tpu.memref_squeeze %dma_wait3A_403 : memref<1x80xi32, #tpu.memory_space<vmem>> -> memref<80xi32, #tpu.memory_space<vmem>>
      %dma_wait3A_405 = arith.constant 0 : i32
      %dma_wait3A_406 = arith.constant 0 : i32
      %dma_wait3A_407 = tpu.memref_slice %arg3[%dma_wait3A_405, %dma_wait3A_406] : memref<10000x32xf32, #tpu.memory_space<hbm>> -> memref<10000x32xf32, #tpu.memory_space<hbm>>
      tpu.wait_indirect_dma semaphore(%arg24 : memref<!tpu.dma_semaphore, #tpu.memory_space<semaphore_mem>>) src(%dma_wait3A_407 : memref<10000x32xf32, #tpu.memory_space<hbm>>) dst(%arg15 : memref<80x32xf32, #tpu.memory_space<vmem>>)
      %dma_wait3A_408 = arith.constant 0 : i32
      %dma_wait3A_409 = arith.constant 0 : i32
      %dma_wait3A_410 = tpu.memref_slice %arg8[%dma_wait3A_408, %dma_wait3A_409] : memref<80000x128xf32, #tpu.memory_space<hbm>> -> memref<20x128xf32, #tpu.memory_space<hbm>>
      %dma_wait3A_411 = arith.constant 0 : i32
      %dma_wait3A_412 = arith.constant 0 : i32
      %dma_wait3A_413 = tpu.memref_slice %arg8[%dma_wait3A_411, %dma_wait3A_412] : memref<80000x128xf32, #tpu.memory_space<hbm>> -> memref<20x128xf32, #tpu.memory_space<hbm>>
      tpu.wait_dma2 semaphore(%arg26 : memref<!tpu.dma_semaphore, #tpu.memory_space<semaphore_mem>>) src(%arg17 : memref<20x128xf32, #tpu.memory_space<vmem>>) dst(%dma_wait3A_413 : memref<20x128xf32, #tpu.memory_space<hbm>>)
      %dma_wait3A_414 = arith.constant 0 : i32
      %dma_wait3A_415 = arith.constant 0 : i32
      %dma_wait3A_416 = tpu.memref_slice %arg12[%dma_wait3A_414, %dma_wait3A_415] : memref<125x80xi32, #tpu.memory_space<vmem>> -> memref<1x80xi32, #tpu.memory_space<vmem>>
      %dma_wait3A_417 = tpu.memref_squeeze %dma_wait3A_416 : memref<1x80xi32, #tpu.memory_space<vmem>> -> memref<80xi32, #tpu.memory_space<vmem>>
      %dma_wait3A_418 = arith.constant 0 : i32
      %dma_wait3A_419 = arith.constant 0 : i32
      %dma_wait3A_420 = tpu.memref_slice %arg20[%dma_wait3A_418, %dma_wait3A_419] : memref<10000x16xf32, #tpu.memory_space<vmem_shared>> -> memref<10000x16xf32, #tpu.memory_space<vmem_shared>>
      tpu.wait_indirect_dma semaphore(%arg28 : memref<!tpu.dma_semaphore, #tpu.memory_space<semaphore_mem>>) src(%arg19 : memref<80x16xf32, #tpu.memory_space<vmem>>) dst(%dma_wait3A_420 : memref<10000x16xf32, #tpu.memory_space<vmem_shared>>)
      %dma_wait3A_421 = arith.constant 0 : i32
      %dma_wait3A_422 = arith.constant 0 : i32
      %dma_wait3A_423 = tpu.memref_slice %arg11[%dma_wait3A_421, %dma_wait3A_422] : memref<125x80xi32, #tpu.memory_space<vmem>> -> memref<1x80xi32, #tpu.memory_space<vmem>>
      %dma_wait3A_424 = tpu.memref_squeeze %dma_wait3A_423 : memref<1x80xi32, #tpu.memory_space<vmem>> -> memref<80xi32, #tpu.memory_space<vmem>>
      %dma_wait3A_425 = arith.constant 0 : i32
      %dma_wait3A_426 = arith.constant 0 : i32
      %dma_wait3A_427 = tpu.memref_slice %arg21[%dma_wait3A_425, %dma_wait3A_426] : memref<10000x16xf32, #tpu.memory_space<vmem_shared>> -> memref<10000x16xf32, #tpu.memory_space<vmem_shared>>
      tpu.wait_indirect_dma semaphore(%arg30 : memref<!tpu.dma_semaphore, #tpu.memory_space<semaphore_mem>>) src(%arg19 : memref<80x16xf32, #tpu.memory_space<vmem>>) dst(%dma_wait3A_427 : memref<10000x16xf32, #tpu.memory_space<vmem_shared>>)
      %scan3A_428 = arith.constant 0 : i32
      %scan3A_429 = arith.constant 0 : i32
      %scan3A_430 = arith.constant 20 : i32
      %scan3A_431 = arith.addi %scan3A_429, %scan3A_430 : i32
      %scan3A_432 = arith.constant 1 : i32
      scf.for %scan3A_548 = %scan3A_429 to %scan3A_431 step %scan3A_432  : i32 {
        %mul3A_549 = arith.constant 4 : i32
        %mul3A_550 = arith.muli %mul3A_549, %scan3A_548 : i32
        %add3A_551 = arith.constant 0 : i32
        %add3A_552 = arith.addi %mul3A_550, %add3A_551 : i32
        %get3A = arith.index_cast %add3A_552 : i32 to index
        %get3A_553 = arith.constant 0 : index
        %get3A_554 = tpu.vector_load %arg13[%get3A, %get3A_553] {strides = array<i32>} : memref<80x32xf32, #tpu.memory_space<vmem>>, vector<1x16xf32>,
        %get3A_555 = vector.shape_cast %get3A_554 : vector<1x16xf32> to vector<16xf32>
        %mul3A_556 = arith.constant 4 : i32
        %mul3A_557 = arith.muli %mul3A_556, %scan3A_548 : i32
        %add3A_558 = arith.constant 0 : i32
        %add3A_559 = arith.addi %mul3A_557, %add3A_558 : i32
        %get3A_560 = arith.index_cast %add3A_559 : i32 to index
        %get3A_561 = arith.constant 0 : index
        %get3A_562 = tpu.vector_load %arg15[%get3A_560, %get3A_561] {strides = array<i32>} : memref<80x32xf32, #tpu.memory_space<vmem>>, vector<1x16xf32>,
        %get3A_563 = vector.shape_cast %get3A_562 : vector<1x16xf32> to vector<16xf32>
        %add3A_564 = arith.addf %get3A_555, %get3A_563 : vector<16xf32>
        %swap3A = arith.index_cast %scan3A_548 : i32 to index
        %swap3A_565 = arith.constant 0 : index
        %swap3A_566 = tpu.vector_load %arg17[%swap3A, %swap3A_565] {strides = array<i32>} : memref<20x128xf32, #tpu.memory_space<vmem>>, vector<1x16xf32>,
        %swap3A_567 = vector.shape_cast %swap3A_566 : vector<1x16xf32> to vector<16xf32>
        %swap3A_568 = vector.shape_cast %add3A_564 : vector<16xf32> to vector<1x16xf32>
        tpu.vector_store %arg17[%swap3A, %swap3A_565], %swap3A_568 {strides = array<i32>} : memref<20x128xf32, #tpu.memory_space<vmem>>, vector<1x16xf32>,
        %mul3A_569 = arith.constant 4 : i32
        %mul3A_570 = arith.muli %mul3A_569, %scan3A_548 : i32
        %add3A_571 = arith.constant 0 : i32
        %add3A_572 = arith.addi %mul3A_570, %add3A_571 : i32
        %get3A_573 = arith.index_cast %add3A_572 : i32 to index
        %get3A_574 = arith.constant 16 : index
        %get3A_575 = tpu.vector_load %arg13[%get3A_573, %get3A_574] {strides = array<i32>} : memref<80x32xf32, #tpu.memory_space<vmem>>, vector<1x16xf32>,
        %get3A_576 = vector.shape_cast %get3A_575 : vector<1x16xf32> to vector<16xf32>
        %mul3A_577 = arith.constant 4 : i32
        %mul3A_578 = arith.muli %mul3A_577, %scan3A_548 : i32
        %add3A_579 = arith.constant 0 : i32
        %add3A_580 = arith.addi %mul3A_578, %add3A_579 : i32
        %get3A_581 = arith.index_cast %add3A_580 : i32 to index
        %get3A_582 = arith.constant 16 : index
        %get3A_583 = tpu.vector_load %arg15[%get3A_581, %get3A_582] {strides = array<i32>} : memref<80x32xf32, #tpu.memory_space<vmem>>, vector<1x16xf32>,
        %get3A_584 = vector.shape_cast %get3A_583 : vector<1x16xf32> to vector<16xf32>
        %add3A_585 = arith.addf %get3A_576, %get3A_584 : vector<16xf32>
        %swap3A_586 = arith.index_cast %scan3A_548 : i32 to index
        %swap3A_587 = arith.constant 16 : index
        %swap3A_588 = tpu.vector_load %arg17[%swap3A_586, %swap3A_587] {strides = array<i32>} : memref<20x128xf32, #tpu.memory_space<vmem>>, vector<1x16xf32>,
        %swap3A_589 = vector.shape_cast %swap3A_588 : vector<1x16xf32> to vector<16xf32>
        %swap3A_590 = vector.shape_cast %add3A_585 : vector<16xf32> to vector<1x16xf32>
        tpu.vector_store %arg17[%swap3A_586, %swap3A_587], %swap3A_590 {strides = array<i32>} : memref<20x128xf32, #tpu.memory_space<vmem>>, vector<1x16xf32>,
        %mul3A_591 = arith.constant 4 : i32
        %mul3A_592 = arith.muli %mul3A_591, %scan3A_548 : i32
        %add3A_593 = arith.constant 1 : i32
        %add3A_594 = arith.addi %mul3A_592, %add3A_593 : i32
        %get3A_595 = arith.index_cast %add3A_594 : i32 to index
        %get3A_596 = arith.constant 0 : index
        %get3A_597 = tpu.vector_load %arg13[%get3A_595, %get3A_596] {strides = array<i32>} : memref<80x32xf32, #tpu.memory_space<vmem>>, vector<1x16xf32>,
        %get3A_598 = vector.shape_cast %get3A_597 : vector<1x16xf32> to vector<16xf32>
        %mul3A_599 = arith.constant 4 : i32
        %mul3A_600 = arith.muli %mul3A_599, %scan3A_548 : i32
        %add3A_601 = arith.constant 1 : i32
        %add3A_602 = arith.addi %mul3A_600, %add3A_601 : i32
        %get3A_603 = arith.index_cast %add3A_602 : i32 to index
        %get3A_604 = arith.constant 0 : index
        %get3A_605 = tpu.vector_load %arg15[%get3A_603, %get3A_604] {strides = array<i32>} : memref<80x32xf32, #tpu.memory_space<vmem>>, vector<1x16xf32>,
        %get3A_606 = vector.shape_cast %get3A_605 : vector<1x16xf32> to vector<16xf32>
        %add3A_607 = arith.addf %get3A_598, %get3A_606 : vector<16xf32>
        %swap3A_608 = arith.index_cast %scan3A_548 : i32 to index
        %swap3A_609 = arith.constant 32 : index
        %swap3A_610 = tpu.vector_load %arg17[%swap3A_608, %swap3A_609] {strides = array<i32>} : memref<20x128xf32, #tpu.memory_space<vmem>>, vector<1x16xf32>,
        %swap3A_611 = vector.shape_cast %swap3A_610 : vector<1x16xf32> to vector<16xf32>
        %swap3A_612 = vector.shape_cast %add3A_607 : vector<16xf32> to vector<1x16xf32>
        tpu.vector_store %arg17[%swap3A_608, %swap3A_609], %swap3A_612 {strides = array<i32>} : memref<20x128xf32, #tpu.memory_space<vmem>>, vector<1x16xf32>,
        %mul3A_613 = arith.constant 4 : i32
        %mul3A_614 = arith.muli %mul3A_613, %scan3A_548 : i32
        %add3A_615 = arith.constant 1 : i32
        %add3A_616 = arith.addi %mul3A_614, %add3A_615 : i32
        %get3A_617 = arith.index_cast %add3A_616 : i32 to index
        %get3A_618 = arith.constant 16 : index
        %get3A_619 = tpu.vector_load %arg13[%get3A_617, %get3A_618] {strides = array<i32>} : memref<80x32xf32, #tpu.memory_space<vmem>>, vector<1x16xf32>,
        %get3A_620 = vector.shape_cast %get3A_619 : vector<1x16xf32> to vector<16xf32>
        %mul3A_621 = arith.constant 4 : i32
        %mul3A_622 = arith.muli %mul3A_621, %scan3A_548 : i32
        %add3A_623 = arith.constant 1 : i32
        %add3A_624 = arith.addi %mul3A_622, %add3A_623 : i32
        %get3A_625 = arith.index_cast %add3A_624 : i32 to index
        %get3A_626 = arith.constant 16 : index
        %get3A_627 = tpu.vector_load %arg15[%get3A_625, %get3A_626] {strides = array<i32>} : memref<80x32xf32, #tpu.memory_space<vmem>>, vector<1x16xf32>,
        %get3A_628 = vector.shape_cast %get3A_627 : vector<1x16xf32> to vector<16xf32>
        %add3A_629 = arith.addf %get3A_620, %get3A_628 : vector<16xf32>
        %swap3A_630 = arith.index_cast %scan3A_548 : i32 to index
        %swap3A_631 = arith.constant 48 : index
        %swap3A_632 = tpu.vector_load %arg17[%swap3A_630, %swap3A_631] {strides = array<i32>} : memref<20x128xf32, #tpu.memory_space<vmem>>, vector<1x16xf32>,
        %swap3A_633 = vector.shape_cast %swap3A_632 : vector<1x16xf32> to vector<16xf32>
        %swap3A_634 = vector.shape_cast %add3A_629 : vector<16xf32> to vector<1x16xf32>
        tpu.vector_store %arg17[%swap3A_630, %swap3A_631], %swap3A_634 {strides = array<i32>} : memref<20x128xf32, #tpu.memory_space<vmem>>, vector<1x16xf32>,
        %mul3A_635 = arith.constant 4 : i32
        %mul3A_636 = arith.muli %mul3A_635, %scan3A_548 : i32
        %add3A_637 = arith.constant 2 : i32
        %add3A_638 = arith.addi %mul3A_636, %add3A_637 : i32
        %get3A_639 = arith.index_cast %add3A_638 : i32 to index
        %get3A_640 = arith.constant 0 : index
        %get3A_641 = tpu.vector_load %arg13[%get3A_639, %get3A_640] {strides = array<i32>} : memref<80x32xf32, #tpu.memory_space<vmem>>, vector<1x16xf32>,
        %get3A_642 = vector.shape_cast %get3A_641 : vector<1x16xf32> to vector<16xf32>
        %mul3A_643 = arith.constant 4 : i32
        %mul3A_644 = arith.muli %mul3A_643, %scan3A_548 : i32
        %add3A_645 = arith.constant 2 : i32
        %add3A_646 = arith.addi %mul3A_644, %add3A_645 : i32
        %get3A_647 = arith.index_cast %add3A_646 : i32 to index
        %get3A_648 = arith.constant 0 : index
        %get3A_649 = tpu.vector_load %arg15[%get3A_647, %get3A_648] {strides = array<i32>} : memref<80x32xf32, #tpu.memory_space<vmem>>, vector<1x16xf32>,
        %get3A_650 = vector.shape_cast %get3A_649 : vector<1x16xf32> to vector<16xf32>
        %add3A_651 = arith.addf %get3A_642, %get3A_650 : vector<16xf32>
        %swap3A_652 = arith.index_cast %scan3A_548 : i32 to index
        %swap3A_653 = arith.constant 64 : index
        %swap3A_654 = tpu.vector_load %arg17[%swap3A_652, %swap3A_653] {strides = array<i32>} : memref<20x128xf32, #tpu.memory_space<vmem>>, vector<1x16xf32>,
        %swap3A_655 = vector.shape_cast %swap3A_654 : vector<1x16xf32> to vector<16xf32>
        %swap3A_656 = vector.shape_cast %add3A_651 : vector<16xf32> to vector<1x16xf32>
        tpu.vector_store %arg17[%swap3A_652, %swap3A_653], %swap3A_656 {strides = array<i32>} : memref<20x128xf32, #tpu.memory_space<vmem>>, vector<1x16xf32>,
        %mul3A_657 = arith.constant 4 : i32
        %mul3A_658 = arith.muli %mul3A_657, %scan3A_548 : i32
        %add3A_659 = arith.constant 2 : i32
        %add3A_660 = arith.addi %mul3A_658, %add3A_659 : i32
        %get3A_661 = arith.index_cast %add3A_660 : i32 to index
        %get3A_662 = arith.constant 16 : index
        %get3A_663 = tpu.vector_load %arg13[%get3A_661, %get3A_662] {strides = array<i32>} : memref<80x32xf32, #tpu.memory_space<vmem>>, vector<1x16xf32>,
        %get3A_664 = vector.shape_cast %get3A_663 : vector<1x16xf32> to vector<16xf32>
        %mul3A_665 = arith.constant 4 : i32
        %mul3A_666 = arith.muli %mul3A_665, %scan3A_548 : i32
        %add3A_667 = arith.constant 2 : i32
        %add3A_668 = arith.addi %mul3A_666, %add3A_667 : i32
        %get3A_669 = arith.index_cast %add3A_668 : i32 to index
        %get3A_670 = arith.constant 16 : index
        %get3A_671 = tpu.vector_load %arg15[%get3A_669, %get3A_670] {strides = array<i32>} : memref<80x32xf32, #tpu.memory_space<vmem>>, vector<1x16xf32>,
        %get3A_672 = vector.shape_cast %get3A_671 : vector<1x16xf32> to vector<16xf32>
        %add3A_673 = arith.addf %get3A_664, %get3A_672 : vector<16xf32>
        %swap3A_674 = arith.index_cast %scan3A_548 : i32 to index
        %swap3A_675 = arith.constant 80 : index
        %swap3A_676 = tpu.vector_load %arg17[%swap3A_674, %swap3A_675] {strides = array<i32>} : memref<20x128xf32, #tpu.memory_space<vmem>>, vector<1x16xf32>,
        %swap3A_677 = vector.shape_cast %swap3A_676 : vector<1x16xf32> to vector<16xf32>
        %swap3A_678 = vector.shape_cast %add3A_673 : vector<16xf32> to vector<1x16xf32>
        tpu.vector_store %arg17[%swap3A_674, %swap3A_675], %swap3A_678 {strides = array<i32>} : memref<20x128xf32, #tpu.memory_space<vmem>>, vector<1x16xf32>,
        %mul3A_679 = arith.constant 4 : i32
        %mul3A_680 = arith.muli %mul3A_679, %scan3A_548 : i32
        %add3A_681 = arith.constant 3 : i32
        %add3A_682 = arith.addi %mul3A_680, %add3A_681 : i32
        %get3A_683 = arith.index_cast %add3A_682 : i32 to index
        %get3A_684 = arith.constant 0 : index
        %get3A_685 = tpu.vector_load %arg13[%get3A_683, %get3A_684] {strides = array<i32>} : memref<80x32xf32, #tpu.memory_space<vmem>>, vector<1x16xf32>,
        %get3A_686 = vector.shape_cast %get3A_685 : vector<1x16xf32> to vector<16xf32>
        %mul3A_687 = arith.constant 4 : i32
        %mul3A_688 = arith.muli %mul3A_687, %scan3A_548 : i32
        %add3A_689 = arith.constant 3 : i32
        %add3A_690 = arith.addi %mul3A_688, %add3A_689 : i32
        %get3A_691 = arith.index_cast %add3A_690 : i32 to index
        %get3A_692 = arith.constant 0 : index
        %get3A_693 = tpu.vector_load %arg15[%get3A_691, %get3A_692] {strides = array<i32>} : memref<80x32xf32, #tpu.memory_space<vmem>>, vector<1x16xf32>,
        %get3A_694 = vector.shape_cast %get3A_693 : vector<1x16xf32> to vector<16xf32>
        %add3A_695 = arith.addf %get3A_686, %get3A_694 : vector<16xf32>
        %swap3A_696 = arith.index_cast %scan3A_548 : i32 to index
        %swap3A_697 = arith.constant 96 : index
        %swap3A_698 = tpu.vector_load %arg17[%swap3A_696, %swap3A_697] {strides = array<i32>} : memref<20x128xf32, #tpu.memory_space<vmem>>, vector<1x16xf32>,
        %swap3A_699 = vector.shape_cast %swap3A_698 : vector<1x16xf32> to vector<16xf32>
        %swap3A_700 = vector.shape_cast %add3A_695 : vector<16xf32> to vector<1x16xf32>
        tpu.vector_store %arg17[%swap3A_696, %swap3A_697], %swap3A_700 {strides = array<i32>} : memref<20x128xf32, #tpu.memory_space<vmem>>, vector<1x16xf32>,
        %mul3A_701 = arith.constant 4 : i32
        %mul3A_702 = arith.muli %mul3A_701, %scan3A_548 : i32
        %add3A_703 = arith.constant 3 : i32
        %add3A_704 = arith.addi %mul3A_702, %add3A_703 : i32
        %get3A_705 = arith.index_cast %add3A_704 : i32 to index
        %get3A_706 = arith.constant 16 : index
        %get3A_707 = tpu.vector_load %arg13[%get3A_705, %get3A_706] {strides = array<i32>} : memref<80x32xf32, #tpu.memory_space<vmem>>, vector<1x16xf32>,
        %get3A_708 = vector.shape_cast %get3A_707 : vector<1x16xf32> to vector<16xf32>
        %mul3A_709 = arith.constant 4 : i32
        %mul3A_710 = arith.muli %mul3A_709, %scan3A_548 : i32
        %add3A_711 = arith.constant 3 : i32
        %add3A_712 = arith.addi %mul3A_710, %add3A_711 : i32
        %get3A_713 = arith.index_cast %add3A_712 : i32 to index
        %get3A_714 = arith.constant 16 : index
        %get3A_715 = tpu.vector_load %arg15[%get3A_713, %get3A_714] {strides = array<i32>} : memref<80x32xf32, #tpu.memory_space<vmem>>, vector<1x16xf32>,
        %get3A_716 = vector.shape_cast %get3A_715 : vector<1x16xf32> to vector<16xf32>
        %add3A_717 = arith.addf %get3A_708, %get3A_716 : vector<16xf32>
        %swap3A_718 = arith.index_cast %scan3A_548 : i32 to index
        %swap3A_719 = arith.constant 112 : index
        %swap3A_720 = tpu.vector_load %arg17[%swap3A_718, %swap3A_719] {strides = array<i32>} : memref<20x128xf32, #tpu.memory_space<vmem>>, vector<1x16xf32>,
        %swap3A_721 = vector.shape_cast %swap3A_720 : vector<1x16xf32> to vector<16xf32>
        %swap3A_722 = vector.shape_cast %add3A_717 : vector<16xf32> to vector<1x16xf32>
        tpu.vector_store %arg17[%swap3A_718, %swap3A_719], %swap3A_722 {strides = array<i32>} : memref<20x128xf32, #tpu.memory_space<vmem>>, vector<1x16xf32>,
      }
      %scan3A_433 = arith.constant 20 : i32
      %mul3A_434 = arith.constant 2500 : i32
      %mul3A_435 = arith.muli %add3A, %mul3A_434 : i32
      %mul3A_436 = arith.constant 20 : i32
      %mul3A_437 = arith.muli %add3A_393, %mul3A_436 : i32
      %add3A_438 = arith.addi %mul3A_435, %mul3A_437 : i32
      %dma_start3A_439 = arith.constant 0 : i32
      %dma_start3A_440 = tpu.memref_slice %arg8[%add3A_438, %dma_start3A_439] : memref<80000x128xf32, #tpu.memory_space<hbm>> -> memref<20x128xf32, #tpu.memory_space<hbm>>
      %dma_start3A_441 = arith.constant 0 : i32
      %dma_start3A_442 = tpu.memref_slice %arg8[%add3A_438, %dma_start3A_441] : memref<80000x128xf32, #tpu.memory_space<hbm>> -> memref<20x128xf32, #tpu.memory_space<hbm>>
      tpu.enqueue_dma source(%arg17 : memref<20x128xf32, #tpu.memory_space<vmem>>) target(%dma_start3A_442 : memref<20x128xf32, #tpu.memory_space<hbm>>) target_semaphore(%arg26 : memref<!tpu.dma_semaphore, #tpu.memory_space<semaphore_mem>>)
      %dma_start3A_443 = arith.constant 0 : i32
      %dma_start3A_444 = tpu.memref_slice %arg12[%add3A_393, %dma_start3A_443] : memref<125x80xi32, #tpu.memory_space<vmem>> -> memref<1x80xi32, #tpu.memory_space<vmem>>
      %dma_start3A_445 = tpu.memref_squeeze %dma_start3A_444 : memref<1x80xi32, #tpu.memory_space<vmem>> -> memref<80xi32, #tpu.memory_space<vmem>>
      %dma_start3A_446 = arith.constant 0 : i32
      %dma_start3A_447 = arith.constant 0 : i32
      %dma_start3A_448 = tpu.memref_slice %arg20[%dma_start3A_446, %dma_start3A_447] : memref<10000x16xf32, #tpu.memory_space<vmem_shared>> -> memref<10000x16xf32, #tpu.memory_space<vmem_shared>>
      tpu.enqueue_indirect_dma source(%arg19 : memref<80x16xf32, #tpu.memory_space<vmem>>) target(%dma_start3A_448 : memref<10000x16xf32, #tpu.memory_space<vmem_shared>>) offsets(%dma_start3A_445 : memref<80xi32, #tpu.memory_space<vmem>>) semaphore(%arg28 : memref<!tpu.dma_semaphore, #tpu.memory_space<semaphore_mem>>) {add = true}
      %dma_start3A_449 = arith.constant 0 : i32
      %dma_start3A_450 = tpu.memref_slice %arg11[%add3A_393, %dma_start3A_449] : memref<125x80xi32, #tpu.memory_space<vmem>> -> memref<1x80xi32, #tpu.memory_space<vmem>>
      %dma_start3A_451 = tpu.memref_squeeze %dma_start3A_450 : memref<1x80xi32, #tpu.memory_space<vmem>> -> memref<80xi32, #tpu.memory_space<vmem>>
      %dma_start3A_452 = arith.constant 0 : i32
      %dma_start3A_453 = arith.constant 0 : i32
      %dma_start3A_454 = tpu.memref_slice %arg21[%dma_start3A_452, %dma_start3A_453] : memref<10000x16xf32, #tpu.memory_space<vmem_shared>> -> memref<10000x16xf32, #tpu.memory_space<vmem_shared>>
      tpu.enqueue_indirect_dma source(%arg19 : memref<80x16xf32, #tpu.memory_space<vmem>>) target(%dma_start3A_454 : memref<10000x16xf32, #tpu.memory_space<vmem_shared>>) offsets(%dma_start3A_451 : memref<80xi32, #tpu.memory_space<vmem>>) semaphore(%arg30 : memref<!tpu.dma_semaphore, #tpu.memory_space<semaphore_mem>>) {add = true}
      %add3A_455 = arith.constant 2 : i32
      %add3A_456 = arith.addi %add3A_393, %add3A_455 : i32
      %dma_start3A_457 = arith.constant 0 : i32
      %dma_start3A_458 = tpu.memref_slice %arg11[%add3A_456, %dma_start3A_457] : memref<125x80xi32, #tpu.memory_space<vmem>> -> memref<1x80xi32, #tpu.memory_space<vmem>>
      %dma_start3A_459 = tpu.memref_squeeze %dma_start3A_458 : memref<1x80xi32, #tpu.memory_space<vmem>> -> memref<80xi32, #tpu.memory_space<vmem>>
      %dma_start3A_460 = arith.constant 0 : i32
      %dma_start3A_461 = arith.constant 0 : i32
      %dma_start3A_462 = tpu.memref_slice %arg2[%dma_start3A_460, %dma_start3A_461] : memref<10000x32xf32, #tpu.memory_space<hbm>> -> memref<10000x32xf32, #tpu.memory_space<hbm>>
      tpu.enqueue_indirect_dma source(%dma_start3A_462 : memref<10000x32xf32, #tpu.memory_space<hbm>>) target(%arg13 : memref<80x32xf32, #tpu.memory_space<vmem>>) offsets(%dma_start3A_459 : memref<80xi32, #tpu.memory_space<vmem>>) semaphore(%arg22 : memref<!tpu.dma_semaphore, #tpu.memory_space<semaphore_mem>>)
      %dma_start3A_463 = arith.constant 0 : i32
      %dma_start3A_464 = tpu.memref_slice %arg12[%add3A_456, %dma_start3A_463] : memref<125x80xi32, #tpu.memory_space<vmem>> -> memref<1x80xi32, #tpu.memory_space<vmem>>
      %dma_start3A_465 = tpu.memref_squeeze %dma_start3A_464 : memref<1x80xi32, #tpu.memory_space<vmem>> -> memref<80xi32, #tpu.memory_space<vmem>>
      %dma_start3A_466 = arith.constant 0 : i32
      %dma_start3A_467 = arith.constant 0 : i32
      %dma_start3A_468 = tpu.memref_slice %arg3[%dma_start3A_466, %dma_start3A_467] : memref<10000x32xf32, #tpu.memory_space<hbm>> -> memref<10000x32xf32, #tpu.memory_space<hbm>>
      tpu.enqueue_indirect_dma source(%dma_start3A_468 : memref<10000x32xf32, #tpu.memory_space<hbm>>) target(%arg15 : memref<80x32xf32, #tpu.memory_space<vmem>>) offsets(%dma_start3A_465 : memref<80xi32, #tpu.memory_space<vmem>>) semaphore(%arg24 : memref<!tpu.dma_semaphore, #tpu.memory_space<semaphore_mem>>)
      %mul3A_469 = arith.constant 2 : i32
      %mul3A_470 = arith.muli %mul3A_469, %scan3A_389 : i32
      %add3A_471 = arith.constant 3 : i32
      %add3A_472 = arith.addi %mul3A_470, %add3A_471 : i32
      %dma_wait3A_473 = arith.constant 0 : i32
      %dma_wait3A_474 = arith.constant 0 : i32
      %dma_wait3A_475 = tpu.memref_slice %arg11[%dma_wait3A_473, %dma_wait3A_474] : memref<125x80xi32, #tpu.memory_space<vmem>> -> memref<1x80xi32, #tpu.memory_space<vmem>>
      %dma_wait3A_476 = tpu.memref_squeeze %dma_wait3A_475 : memref<1x80xi32, #tpu.memory_space<vmem>> -> memref<80xi32, #tpu.memory_space<vmem>>
      %dma_wait3A_477 = arith.constant 0 : i32
      %dma_wait3A_478 = arith.constant 0 : i32
      %dma_wait3A_479 = tpu.memref_slice %arg2[%dma_wait3A_477, %dma_wait3A_478] : memref<10000x32xf32, #tpu.memory_space<hbm>> -> memref<10000x32xf32, #tpu.memory_space<hbm>>
      tpu.wait_indirect_dma semaphore(%arg23 : memref<!tpu.dma_semaphore, #tpu.memory_space<semaphore_mem>>) src(%dma_wait3A_479 : memref<10000x32xf32, #tpu.memory_space<hbm>>) dst(%arg14 : memref<80x32xf32, #tpu.memory_space<vmem>>)
      %dma_wait3A_480 = arith.constant 0 : i32
      %dma_wait3A_481 = arith.constant 0 : i32
      %dma_wait3A_482 = tpu.memref_slice %arg12[%dma_wait3A_480, %dma_wait3A_481] : memref<125x80xi32, #tpu.memory_space<vmem>> -> memref<1x80xi32, #tpu.memory_space<vmem>>
      %dma_wait3A_483 = tpu.memref_squeeze %dma_wait3A_482 : memref<1x80xi32, #tpu.memory_space<vmem>> -> memref<80xi32, #tpu.memory_space<vmem>>
      %dma_wait3A_484 = arith.constant 0 : i32
      %dma_wait3A_485 = arith.constant 0 : i32
      %dma_wait3A_486 = tpu.memref_slice %arg3[%dma_wait3A_484, %dma_wait3A_485] : memref<10000x32xf32, #tpu.memory_space<hbm>> -> memref<10000x32xf32, #tpu.memory_space<hbm>>
      tpu.wait_indirect_dma semaphore(%arg25 : memref<!tpu.dma_semaphore, #tpu.memory_space<semaphore_mem>>) src(%dma_wait3A_486 : memref<10000x32xf32, #tpu.memory_space<hbm>>) dst(%arg16 : memref<80x32xf32, #tpu.memory_space<vmem>>)
      %dma_wait3A_487 = arith.constant 0 : i32
      %dma_wait3A_488 = arith.constant 0 : i32
      %dma_wait3A_489 = tpu.memref_slice %arg8[%dma_wait3A_487, %dma_wait3A_488] : memref<80000x128xf32, #tpu.memory_space<hbm>> -> memref<20x128xf32, #tpu.memory_space<hbm>>
      %dma_wait3A_490 = arith.constant 0 : i32
      %dma_wait3A_491 = arith.constant 0 : i32
      %dma_wait3A_492 = tpu.memref_slice %arg8[%dma_wait3A_490, %dma_wait3A_491] : memref<80000x128xf32, #tpu.memory_space<hbm>> -> memref<20x128xf32, #tpu.memory_space<hbm>>
      tpu.wait_dma2 semaphore(%arg27 : memref<!tpu.dma_semaphore, #tpu.memory_space<semaphore_mem>>) src(%arg18 : memref<20x128xf32, #tpu.memory_space<vmem>>) dst(%dma_wait3A_492 : memref<20x128xf32, #tpu.memory_space<hbm>>)
      %dma_wait3A_493 = arith.constant 0 : i32
      %dma_wait3A_494 = arith.constant 0 : i32
      %dma_wait3A_495 = tpu.memref_slice %arg12[%dma_wait3A_493, %dma_wait3A_494] : memref<125x80xi32, #tpu.memory_space<vmem>> -> memref<1x80xi32, #tpu.memory_space<vmem>>
      %dma_wait3A_496 = tpu.memref_squeeze %dma_wait3A_495 : memref<1x80xi32, #tpu.memory_space<vmem>> -> memref<80xi32, #tpu.memory_space<vmem>>
      %dma_wait3A_497 = arith.constant 0 : i32
      %dma_wait3A_498 = arith.constant 0 : i32
      %dma_wait3A_499 = tpu.memref_slice %arg20[%dma_wait3A_497, %dma_wait3A_498] : memref<10000x16xf32, #tpu.memory_space<vmem_shared>> -> memref<10000x16xf32, #tpu.memory_space<vmem_shared>>
      tpu.wait_indirect_dma semaphore(%arg29 : memref<!tpu.dma_semaphore, #tpu.memory_space<semaphore_mem>>) src(%arg19 : memref<80x16xf32, #tpu.memory_space<vmem>>) dst(%dma_wait3A_499 : memref<10000x16xf32, #tpu.memory_space<vmem_shared>>)
      %dma_wait3A_500 = arith.constant 0 : i32
      %dma_wait3A_501 = arith.constant 0 : i32
      %dma_wait3A_502 = tpu.memref_slice %arg11[%dma_wait3A_500, %dma_wait3A_501] : memref<125x80xi32, #tpu.memory_space<vmem>> -> memref<1x80xi32, #tpu.memory_space<vmem>>
      %dma_wait3A_503 = tpu.memref_squeeze %dma_wait3A_502 : memref<1x80xi32, #tpu.memory_space<vmem>> -> memref<80xi32, #tpu.memory_space<vmem>>
      %dma_wait3A_504 = arith.constant 0 : i32
      %dma_wait3A_505 = arith.constant 0 : i32
      %dma_wait3A_506 = tpu.memref_slice %arg21[%dma_wait3A_504, %dma_wait3A_505] : memref<10000x16xf32, #tpu.memory_space<vmem_shared>> -> memref<10000x16xf32, #tpu.memory_space<vmem_shared>>
      tpu.wait_indirect_dma semaphore(%arg31 : memref<!tpu.dma_semaphore, #tpu.memory_space<semaphore_mem>>) src(%arg19 : memref<80x16xf32, #tpu.memory_space<vmem>>) dst(%dma_wait3A_506 : memref<10000x16xf32, #tpu.memory_space<vmem_shared>>)
      %scan3A_507 = arith.constant 0 : i32
      %scan3A_508 = arith.constant 0 : i32
      %scan3A_509 = arith.constant 20 : i32
      %scan3A_510 = arith.addi %scan3A_508, %scan3A_509 : i32
      %scan3A_511 = arith.constant 1 : i32
      scf.for %scan3A_548 = %scan3A_508 to %scan3A_510 step %scan3A_511  : i32 {
        %mul3A_549 = arith.constant 4 : i32
        %mul3A_550 = arith.muli %mul3A_549, %scan3A_548 : i32
        %add3A_551 = arith.constant 0 : i32
        %add3A_552 = arith.addi %mul3A_550, %add3A_551 : i32
        %get3A = arith.index_cast %add3A_552 : i32 to index
        %get3A_553 = arith.constant 0 : index
        %get3A_554 = tpu.vector_load %arg14[%get3A, %get3A_553] {strides = array<i32>} : memref<80x32xf32, #tpu.memory_space<vmem>>, vector<1x16xf32>,
        %get3A_555 = vector.shape_cast %get3A_554 : vector<1x16xf32> to vector<16xf32>
        %mul3A_556 = arith.constant 4 : i32
        %mul3A_557 = arith.muli %mul3A_556, %scan3A_548 : i32
        %add3A_558 = arith.constant 0 : i32
        %add3A_559 = arith.addi %mul3A_557, %add3A_558 : i32
        %get3A_560 = arith.index_cast %add3A_559 : i32 to index
        %get3A_561 = arith.constant 0 : index
        %get3A_562 = tpu.vector_load %arg16[%get3A_560, %get3A_561] {strides = array<i32>} : memref<80x32xf32, #tpu.memory_space<vmem>>, vector<1x16xf32>,
        %get3A_563 = vector.shape_cast %get3A_562 : vector<1x16xf32> to vector<16xf32>
        %add3A_564 = arith.addf %get3A_555, %get3A_563 : vector<16xf32>
        %swap3A = arith.index_cast %scan3A_548 : i32 to index
        %swap3A_565 = arith.constant 0 : index
        %swap3A_566 = tpu.vector_load %arg18[%swap3A, %swap3A_565] {strides = array<i32>} : memref<20x128xf32, #tpu.memory_space<vmem>>, vector<1x16xf32>,
        %swap3A_567 = vector.shape_cast %swap3A_566 : vector<1x16xf32> to vector<16xf32>
        %swap3A_568 = vector.shape_cast %add3A_564 : vector<16xf32> to vector<1x16xf32>
        tpu.vector_store %arg18[%swap3A, %swap3A_565], %swap3A_568 {strides = array<i32>} : memref<20x128xf32, #tpu.memory_space<vmem>>, vector<1x16xf32>,
        %mul3A_569 = arith.constant 4 : i32
        %mul3A_570 = arith.muli %mul3A_569, %scan3A_548 : i32
        %add3A_571 = arith.constant 0 : i32
        %add3A_572 = arith.addi %mul3A_570, %add3A_571 : i32
        %get3A_573 = arith.index_cast %add3A_572 : i32 to index
        %get3A_574 = arith.constant 16 : index
        %get3A_575 = tpu.vector_load %arg14[%get3A_573, %get3A_574] {strides = array<i32>} : memref<80x32xf32, #tpu.memory_space<vmem>>, vector<1x16xf32>,
        %get3A_576 = vector.shape_cast %get3A_575 : vector<1x16xf32> to vector<16xf32>
        %mul3A_577 = arith.constant 4 : i32
        %mul3A_578 = arith.muli %mul3A_577, %scan3A_548 : i32
        %add3A_579 = arith.constant 0 : i32
        %add3A_580 = arith.addi %mul3A_578, %add3A_579 : i32
        %get3A_581 = arith.index_cast %add3A_580 : i32 to index
        %get3A_582 = arith.constant 16 : index
        %get3A_583 = tpu.vector_load %arg16[%get3A_581, %get3A_582] {strides = array<i32>} : memref<80x32xf32, #tpu.memory_space<vmem>>, vector<1x16xf32>,
        %get3A_584 = vector.shape_cast %get3A_583 : vector<1x16xf32> to vector<16xf32>
        %add3A_585 = arith.addf %get3A_576, %get3A_584 : vector<16xf32>
        %swap3A_586 = arith.index_cast %scan3A_548 : i32 to index
        %swap3A_587 = arith.constant 16 : index
        %swap3A_588 = tpu.vector_load %arg18[%swap3A_586, %swap3A_587] {strides = array<i32>} : memref<20x128xf32, #tpu.memory_space<vmem>>, vector<1x16xf32>,
        %swap3A_589 = vector.shape_cast %swap3A_588 : vector<1x16xf32> to vector<16xf32>
        %swap3A_590 = vector.shape_cast %add3A_585 : vector<16xf32> to vector<1x16xf32>
        tpu.vector_store %arg18[%swap3A_586, %swap3A_587], %swap3A_590 {strides = array<i32>} : memref<20x128xf32, #tpu.memory_space<vmem>>, vector<1x16xf32>,
        %mul3A_591 = arith.constant 4 : i32
        %mul3A_592 = arith.muli %mul3A_591, %scan3A_548 : i32
        %add3A_593 = arith.constant 1 : i32
        %add3A_594 = arith.addi %mul3A_592, %add3A_593 : i32
        %get3A_595 = arith.index_cast %add3A_594 : i32 to index
        %get3A_596 = arith.constant 0 : index
        %get3A_597 = tpu.vector_load %arg14[%get3A_595, %get3A_596] {strides = array<i32>} : memref<80x32xf32, #tpu.memory_space<vmem>>, vector<1x16xf32>,
        %get3A_598 = vector.shape_cast %get3A_597 : vector<1x16xf32> to vector<16xf32>
        %mul3A_599 = arith.constant 4 : i32
        %mul3A_600 = arith.muli %mul3A_599, %scan3A_548 : i32
        %add3A_601 = arith.constant 1 : i32
        %add3A_602 = arith.addi %mul3A_600, %add3A_601 : i32
        %get3A_603 = arith.index_cast %add3A_602 : i32 to index
        %get3A_604 = arith.constant 0 : index
        %get3A_605 = tpu.vector_load %arg16[%get3A_603, %get3A_604] {strides = array<i32>} : memref<80x32xf32, #tpu.memory_space<vmem>>, vector<1x16xf32>,
        %get3A_606 = vector.shape_cast %get3A_605 : vector<1x16xf32> to vector<16xf32>
        %add3A_607 = arith.addf %get3A_598, %get3A_606 : vector<16xf32>
        %swap3A_608 = arith.index_cast %scan3A_548 : i32 to index
        %swap3A_609 = arith.constant 32 : index
        %swap3A_610 = tpu.vector_load %arg18[%swap3A_608, %swap3A_609] {strides = array<i32>} : memref<20x128xf32, #tpu.memory_space<vmem>>, vector<1x16xf32>,
        %swap3A_611 = vector.shape_cast %swap3A_610 : vector<1x16xf32> to vector<16xf32>
        %swap3A_612 = vector.shape_cast %add3A_607 : vector<16xf32> to vector<1x16xf32>
        tpu.vector_store %arg18[%swap3A_608, %swap3A_609], %swap3A_612 {strides = array<i32>} : memref<20x128xf32, #tpu.memory_space<vmem>>, vector<1x16xf32>,
        %mul3A_613 = arith.constant 4 : i32
        %mul3A_614 = arith.muli %mul3A_613, %scan3A_548 : i32
        %add3A_615 = arith.constant 1 : i32
        %add3A_616 = arith.addi %mul3A_614, %add3A_615 : i32
        %get3A_617 = arith.index_cast %add3A_616 : i32 to index
        %get3A_618 = arith.constant 16 : index
        %get3A_619 = tpu.vector_load %arg14[%get3A_617, %get3A_618] {strides = array<i32>} : memref<80x32xf32, #tpu.memory_space<vmem>>, vector<1x16xf32>,
        %get3A_620 = vector.shape_cast %get3A_619 : vector<1x16xf32> to vector<16xf32>
        %mul3A_621 = arith.constant 4 : i32
        %mul3A_622 = arith.muli %mul3A_621, %scan3A_548 : i32
        %add3A_623 = arith.constant 1 : i32
        %add3A_624 = arith.addi %mul3A_622, %add3A_623 : i32
        %get3A_625 = arith.index_cast %add3A_624 : i32 to index
        %get3A_626 = arith.constant 16 : index
        %get3A_627 = tpu.vector_load %arg16[%get3A_625, %get3A_626] {strides = array<i32>} : memref<80x32xf32, #tpu.memory_space<vmem>>, vector<1x16xf32>,
        %get3A_628 = vector.shape_cast %get3A_627 : vector<1x16xf32> to vector<16xf32>
        %add3A_629 = arith.addf %get3A_620, %get3A_628 : vector<16xf32>
        %swap3A_630 = arith.index_cast %scan3A_548 : i32 to index
        %swap3A_631 = arith.constant 48 : index
        %swap3A_632 = tpu.vector_load %arg18[%swap3A_630, %swap3A_631] {strides = array<i32>} : memref<20x128xf32, #tpu.memory_space<vmem>>, vector<1x16xf32>,
        %swap3A_633 = vector.shape_cast %swap3A_632 : vector<1x16xf32> to vector<16xf32>
        %swap3A_634 = vector.shape_cast %add3A_629 : vector<16xf32> to vector<1x16xf32>
        tpu.vector_store %arg18[%swap3A_630, %swap3A_631], %swap3A_634 {strides = array<i32>} : memref<20x128xf32, #tpu.memory_space<vmem>>, vector<1x16xf32>,
        %mul3A_635 = arith.constant 4 : i32
        %mul3A_636 = arith.muli %mul3A_635, %scan3A_548 : i32
        %add3A_637 = arith.constant 2 : i32
        %add3A_638 = arith.addi %mul3A_636, %add3A_637 : i32
        %get3A_639 = arith.index_cast %add3A_638 : i32 to index
        %get3A_640 = arith.constant 0 : index
        %get3A_641 = tpu.vector_load %arg14[%get3A_639, %get3A_640] {strides = array<i32>} : memref<80x32xf32, #tpu.memory_space<vmem>>, vector<1x16xf32>,
        %get3A_642 = vector.shape_cast %get3A_641 : vector<1x16xf32> to vector<16xf32>
        %mul3A_643 = arith.constant 4 : i32
        %mul3A_644 = arith.muli %mul3A_643, %scan3A_548 : i32
        %add3A_645 = arith.constant 2 : i32
        %add3A_646 = arith.addi %mul3A_644, %add3A_645 : i32
        %get3A_647 = arith.index_cast %add3A_646 : i32 to index
        %get3A_648 = arith.constant 0 : index
        %get3A_649 = tpu.vector_load %arg16[%get3A_647, %get3A_648] {strides = array<i32>} : memref<80x32xf32, #tpu.memory_space<vmem>>, vector<1x16xf32>,
        %get3A_650 = vector.shape_cast %get3A_649 : vector<1x16xf32> to vector<16xf32>
        %add3A_651 = arith.addf %get3A_642, %get3A_650 : vector<16xf32>
        %swap3A_652 = arith.index_cast %scan3A_548 : i32 to index
        %swap3A_653 = arith.constant 64 : index
        %swap3A_654 = tpu.vector_load %arg18[%swap3A_652, %swap3A_653] {strides = array<i32>} : memref<20x128xf32, #tpu.memory_space<vmem>>, vector<1x16xf32>,
        %swap3A_655 = vector.shape_cast %swap3A_654 : vector<1x16xf32> to vector<16xf32>
        %swap3A_656 = vector.shape_cast %add3A_651 : vector<16xf32> to vector<1x16xf32>
        tpu.vector_store %arg18[%swap3A_652, %swap3A_653], %swap3A_656 {strides = array<i32>} : memref<20x128xf32, #tpu.memory_space<vmem>>, vector<1x16xf32>,
        %mul3A_657 = arith.constant 4 : i32
        %mul3A_658 = arith.muli %mul3A_657, %scan3A_548 : i32
        %add3A_659 = arith.constant 2 : i32
        %add3A_660 = arith.addi %mul3A_658, %add3A_659 : i32
        %get3A_661 = arith.index_cast %add3A_660 : i32 to index
        %get3A_662 = arith.constant 16 : index
        %get3A_663 = tpu.vector_load %arg14[%get3A_661, %get3A_662] {strides = array<i32>} : memref<80x32xf32, #tpu.memory_space<vmem>>, vector<1x16xf32>,
        %get3A_664 = vector.shape_cast %get3A_663 : vector<1x16xf32> to vector<16xf32>
        %mul3A_665 = arith.constant 4 : i32
        %mul3A_666 = arith.muli %mul3A_665, %scan3A_548 : i32
        %add3A_667 = arith.constant 2 : i32
        %add3A_668 = arith.addi %mul3A_666, %add3A_667 : i32
        %get3A_669 = arith.index_cast %add3A_668 : i32 to index
        %get3A_670 = arith.constant 16 : index
        %get3A_671 = tpu.vector_load %arg16[%get3A_669, %get3A_670] {strides = array<i32>} : memref<80x32xf32, #tpu.memory_space<vmem>>, vector<1x16xf32>,
        %get3A_672 = vector.shape_cast %get3A_671 : vector<1x16xf32> to vector<16xf32>
        %add3A_673 = arith.addf %get3A_664, %get3A_672 : vector<16xf32>
        %swap3A_674 = arith.index_cast %scan3A_548 : i32 to index
        %swap3A_675 = arith.constant 80 : index
        %swap3A_676 = tpu.vector_load %arg18[%swap3A_674, %swap3A_675] {strides = array<i32>} : memref<20x128xf32, #tpu.memory_space<vmem>>, vector<1x16xf32>,
        %swap3A_677 = vector.shape_cast %swap3A_676 : vector<1x16xf32> to vector<16xf32>
        %swap3A_678 = vector.shape_cast %add3A_673 : vector<16xf32> to vector<1x16xf32>
        tpu.vector_store %arg18[%swap3A_674, %swap3A_675], %swap3A_678 {strides = array<i32>} : memref<20x128xf32, #tpu.memory_space<vmem>>, vector<1x16xf32>,
        %mul3A_679 = arith.constant 4 : i32
        %mul3A_680 = arith.muli %mul3A_679, %scan3A_548 : i32
        %add3A_681 = arith.constant 3 : i32
        %add3A_682 = arith.addi %mul3A_680, %add3A_681 : i32
        %get3A_683 = arith.index_cast %add3A_682 : i32 to index
        %get3A_684 = arith.constant 0 : index
        %get3A_685 = tpu.vector_load %arg14[%get3A_683, %get3A_684] {strides = array<i32>} : memref<80x32xf32, #tpu.memory_space<vmem>>, vector<1x16xf32>,
        %get3A_686 = vector.shape_cast %get3A_685 : vector<1x16xf32> to vector<16xf32>
        %mul3A_687 = arith.constant 4 : i32
        %mul3A_688 = arith.muli %mul3A_687, %scan3A_548 : i32
        %add3A_689 = arith.constant 3 : i32
        %add3A_690 = arith.addi %mul3A_688, %add3A_689 : i32
        %get3A_691 = arith.index_cast %add3A_690 : i32 to index
        %get3A_692 = arith.constant 0 : index
        %get3A_693 = tpu.vector_load %arg16[%get3A_691, %get3A_692] {strides = array<i32>} : memref<80x32xf32, #tpu.memory_space<vmem>>, vector<1x16xf32>,
        %get3A_694 = vector.shape_cast %get3A_693 : vector<1x16xf32> to vector<16xf32>
        %add3A_695 = arith.addf %get3A_686, %get3A_694 : vector<16xf32>
        %swap3A_696 = arith.index_cast %scan3A_548 : i32 to index
        %swap3A_697 = arith.constant 96 : index
        %swap3A_698 = tpu.vector_load %arg18[%swap3A_696, %swap3A_697] {strides = array<i32>} : memref<20x128xf32, #tpu.memory_space<vmem>>, vector<1x16xf32>,
        %swap3A_699 = vector.shape_cast %swap3A_698 : vector<1x16xf32> to vector<16xf32>
        %swap3A_700 = vector.shape_cast %add3A_695 : vector<16xf32> to vector<1x16xf32>
        tpu.vector_store %arg18[%swap3A_696, %swap3A_697], %swap3A_700 {strides = array<i32>} : memref<20x128xf32, #tpu.memory_space<vmem>>, vector<1x16xf32>,
        %mul3A_701 = arith.constant 4 : i32
        %mul3A_702 = arith.muli %mul3A_701, %scan3A_548 : i32
        %add3A_703 = arith.constant 3 : i32
        %add3A_704 = arith.addi %mul3A_702, %add3A_703 : i32
        %get3A_705 = arith.index_cast %add3A_704 : i32 to index
        %get3A_706 = arith.constant 16 : index
        %get3A_707 = tpu.vector_load %arg14[%get3A_705, %get3A_706] {strides = array<i32>} : memref<80x32xf32, #tpu.memory_space<vmem>>, vector<1x16xf32>,
        %get3A_708 = vector.shape_cast %get3A_707 : vector<1x16xf32> to vector<16xf32>
        %mul3A_709 = arith.constant 4 : i32
        %mul3A_710 = arith.muli %mul3A_709, %scan3A_548 : i32
        %add3A_711 = arith.constant 3 : i32
        %add3A_712 = arith.addi %mul3A_710, %add3A_711 : i32
        %get3A_713 = arith.index_cast %add3A_712 : i32 to index
        %get3A_714 = arith.constant 16 : index
        %get3A_715 = tpu.vector_load %arg16[%get3A_713, %get3A_714] {strides = array<i32>} : memref<80x32xf32, #tpu.memory_space<vmem>>, vector<1x16xf32>,
        %get3A_716 = vector.shape_cast %get3A_715 : vector<1x16xf32> to vector<16xf32>
        %add3A_717 = arith.addf %get3A_708, %get3A_716 : vector<16xf32>
        %swap3A_718 = arith.index_cast %scan3A_548 : i32 to index
        %swap3A_719 = arith.constant 112 : index
        %swap3A_720 = tpu.vector_load %arg18[%swap3A_718, %swap3A_719] {strides = array<i32>} : memref<20x128xf32, #tpu.memory_space<vmem>>, vector<1x16xf32>,
        %swap3A_721 = vector.shape_cast %swap3A_720 : vector<1x16xf32> to vector<16xf32>
        %swap3A_722 = vector.shape_cast %add3A_717 : vector<16xf32> to vector<1x16xf32>
        tpu.vector_store %arg18[%swap3A_718, %swap3A_719], %swap3A_722 {strides = array<i32>} : memref<20x128xf32, #tpu.memory_space<vmem>>, vector<1x16xf32>,
      }
      %scan3A_512 = arith.constant 20 : i32
      %mul3A_513 = arith.constant 2500 : i32
      %mul3A_514 = arith.muli %add3A, %mul3A_513 : i32
      %mul3A_515 = arith.constant 20 : i32
      %mul3A_516 = arith.muli %add3A_472, %mul3A_515 : i32
      %add3A_517 = arith.addi %mul3A_514, %mul3A_516 : i32
      %dma_start3A_518 = arith.constant 0 : i32
      %dma_start3A_519 = tpu.memref_slice %arg8[%add3A_517, %dma_start3A_518] : memref<80000x128xf32, #tpu.memory_space<hbm>> -> memref<20x128xf32, #tpu.memory_space<hbm>>
      %dma_start3A_520 = arith.constant 0 : i32
      %dma_start3A_521 = tpu.memref_slice %arg8[%add3A_517, %dma_start3A_520] : memref<80000x128xf32, #tpu.memory_space<hbm>> -> memref<20x128xf32, #tpu.memory_space<hbm>>
      tpu.enqueue_dma source(%arg18 : memref<20x128xf32, #tpu.memory_space<vmem>>) target(%dma_start3A_521 : memref<20x128xf32, #tpu.memory_space<hbm>>) target_semaphore(%arg27 : memref<!tpu.dma_semaphore, #tpu.memory_space<semaphore_mem>>)
      %dma_start3A_522 = arith.constant 0 : i32
      %dma_start3A_523 = tpu.memref_slice %arg12[%add3A_472, %dma_start3A_522] : memref<125x80xi32, #tpu.memory_space<vmem>> -> memref<1x80xi32, #tpu.memory_space<vmem>>
      %dma_start3A_524 = tpu.memref_squeeze %dma_start3A_523 : memref<1x80xi32, #tpu.memory_space<vmem>> -> memref<80xi32, #tpu.memory_space<vmem>>
      %dma_start3A_525 = arith.constant 0 : i32
      %dma_start3A_526 = arith.constant 0 : i32
      %dma_start3A_527 = tpu.memref_slice %arg20[%dma_start3A_525, %dma_start3A_526] : memref<10000x16xf32, #tpu.memory_space<vmem_shared>> -> memref<10000x16xf32, #tpu.memory_space<vmem_shared>>
      tpu.enqueue_indirect_dma source(%arg19 : memref<80x16xf32, #tpu.memory_space<vmem>>) target(%dma_start3A_527 : memref<10000x16xf32, #tpu.memory_space<vmem_shared>>) offsets(%dma_start3A_524 : memref<80xi32, #tpu.memory_space<vmem>>) semaphore(%arg29 : memref<!tpu.dma_semaphore, #tpu.memory_space<semaphore_mem>>) {add = true}
      %dma_start3A_528 = arith.constant 0 : i32
      %dma_start3A_529 = tpu.memref_slice %arg11[%add3A_472, %dma_start3A_528] : memref<125x80xi32, #tpu.memory_space<vmem>> -> memref<1x80xi32, #tpu.memory_space<vmem>>
      %dma_start3A_530 = tpu.memref_squeeze %dma_start3A_529 : memref<1x80xi32, #tpu.memory_space<vmem>> -> memref<80xi32, #tpu.memory_space<vmem>>
      %dma_start3A_531 = arith.constant 0 : i32
      %dma_start3A_532 = arith.constant 0 : i32
      %dma_start3A_533 = tpu.memref_slice %arg21[%dma_start3A_531, %dma_start3A_532] : memref<10000x16xf32, #tpu.memory_space<vmem_shared>> -> memref<10000x16xf32, #tpu.memory_space<vmem_shared>>
      tpu.enqueue_indirect_dma source(%arg19 : memref<80x16xf32, #tpu.memory_space<vmem>>) target(%dma_start3A_533 : memref<10000x16xf32, #tpu.memory_space<vmem_shared>>) offsets(%dma_start3A_530 : memref<80xi32, #tpu.memory_space<vmem>>) semaphore(%arg31 : memref<!tpu.dma_semaphore, #tpu.memory_space<semaphore_mem>>) {add = true}
      %add3A_534 = arith.constant 2 : i32
      %add3A_535 = arith.addi %add3A_472, %add3A_534 : i32
      %dma_start3A_536 = arith.constant 0 : i32
      %dma_start3A_537 = tpu.memref_slice %arg11[%add3A_535, %dma_start3A_536] : memref<125x80xi32, #tpu.memory_space<vmem>> -> memref<1x80xi32, #tpu.memory_space<vmem>>
      %dma_start3A_538 = tpu.memref_squeeze %dma_start3A_537 : memref<1x80xi32, #tpu.memory_space<vmem>> -> memref<80xi32, #tpu.memory_space<vmem>>
      %dma_start3A_539 = arith.constant 0 : i32
      %dma_start3A_540 = arith.constant 0 : i32
      %dma_start3A_541 = tpu.memref_slice %arg2[%dma_start3A_539, %dma_start3A_540] : memref<10000x32xf32, #tpu.memory_space<hbm>> -> memref<10000x32xf32, #tpu.memory_space<hbm>>
      tpu.enqueue_indirect_dma source(%dma_start3A_541 : memref<10000x32xf32, #tpu.memory_space<hbm>>) target(%arg14 : memref<80x32xf32, #tpu.memory_space<vmem>>) offsets(%dma_start3A_538 : memref<80xi32, #tpu.memory_space<vmem>>) semaphore(%arg23 : memref<!tpu.dma_semaphore, #tpu.memory_space<semaphore_mem>>)
      %dma_start3A_542 = arith.constant 0 : i32
      %dma_start3A_543 = tpu.memref_slice %arg12[%add3A_535, %dma_start3A_542] : memref<125x80xi32, #tpu.memory_space<vmem>> -> memref<1x80xi32, #tpu.memory_space<vmem>>
      %dma_start3A_544 = tpu.memref_squeeze %dma_start3A_543 : memref<1x80xi32, #tpu.memory_space<vmem>> -> memref<80xi32, #tpu.memory_space<vmem>>
      %dma_start3A_545 = arith.constant 0 : i32
      %dma_start3A_546 = arith.constant 0 : i32
      %dma_start3A_547 = tpu.memref_slice %arg3[%dma_start3A_545, %dma_start3A_546] : memref<10000x32xf32, #tpu.memory_space<hbm>> -> memref<10000x32xf32, #tpu.memory_space<hbm>>
      tpu.enqueue_indirect_dma source(%dma_start3A_547 : memref<10000x32xf32, #tpu.memory_space<hbm>>) target(%arg16 : memref<80x32xf32, #tpu.memory_space<vmem>>) offsets(%dma_start3A_544 : memref<80xi32, #tpu.memory_space<vmem>>) semaphore(%arg25 : memref<!tpu.dma_semaphore, #tpu.memory_space<semaphore_mem>>)
    }
    %scan3A_147 = arith.constant 60 : i32
    %dma_wait3A_148 = arith.constant 0 : i32
    %dma_wait3A_149 = arith.constant 0 : i32
    %dma_wait3A_150 = tpu.memref_slice %arg11[%dma_wait3A_148, %dma_wait3A_149] : memref<125x80xi32, #tpu.memory_space<vmem>> -> memref<1x80xi32, #tpu.memory_space<vmem>>
    %dma_wait3A_151 = tpu.memref_squeeze %dma_wait3A_150 : memref<1x80xi32, #tpu.memory_space<vmem>> -> memref<80xi32, #tpu.memory_space<vmem>>
    %dma_wait3A_152 = arith.constant 0 : i32
    %dma_wait3A_153 = arith.constant 0 : i32
    %dma_wait3A_154 = tpu.memref_slice %arg2[%dma_wait3A_152, %dma_wait3A_153] : memref<10000x32xf32, #tpu.memory_space<hbm>> -> memref<10000x32xf32, #tpu.memory_space<hbm>>
    tpu.wait_indirect_dma semaphore(%arg22 : memref<!tpu.dma_semaphore, #tpu.memory_space<semaphore_mem>>) src(%dma_wait3A_154 : memref<10000x32xf32, #tpu.memory_space<hbm>>) dst(%arg13 : memref<80x32xf32, #tpu.memory_space<vmem>>)
    %dma_wait3A_155 = arith.constant 0 : i32
    %dma_wait3A_156 = arith.constant 0 : i32
    %dma_wait3A_157 = tpu.memref_slice %arg12[%dma_wait3A_155, %dma_wait3A_156] : memref<125x80xi32, #tpu.memory_space<vmem>> -> memref<1x80xi32, #tpu.memory_space<vmem>>
    %dma_wait3A_158 = tpu.memref_squeeze %dma_wait3A_157 : memref<1x80xi32, #tpu.memory_space<vmem>> -> memref<80xi32, #tpu.memory_space<vmem>>
    %dma_wait3A_159 = arith.constant 0 : i32
    %dma_wait3A_160 = arith.constant 0 : i32
    %dma_wait3A_161 = tpu.memref_slice %arg3[%dma_wait3A_159, %dma_wait3A_160] : memref<10000x32xf32, #tpu.memory_space<hbm>> -> memref<10000x32xf32, #tpu.memory_space<hbm>>
    tpu.wait_indirect_dma semaphore(%arg24 : memref<!tpu.dma_semaphore, #tpu.memory_space<semaphore_mem>>) src(%dma_wait3A_161 : memref<10000x32xf32, #tpu.memory_space<hbm>>) dst(%arg15 : memref<80x32xf32, #tpu.memory_space<vmem>>)
    %dma_wait3A_162 = arith.constant 0 : i32
    %dma_wait3A_163 = arith.constant 0 : i32
    %dma_wait3A_164 = tpu.memref_slice %arg8[%dma_wait3A_162, %dma_wait3A_163] : memref<80000x128xf32, #tpu.memory_space<hbm>> -> memref<20x128xf32, #tpu.memory_space<hbm>>
    %dma_wait3A_165 = arith.constant 0 : i32
    %dma_wait3A_166 = arith.constant 0 : i32
    %dma_wait3A_167 = tpu.memref_slice %arg8[%dma_wait3A_165, %dma_wait3A_166] : memref<80000x128xf32, #tpu.memory_space<hbm>> -> memref<20x128xf32, #tpu.memory_space<hbm>>
    tpu.wait_dma2 semaphore(%arg26 : memref<!tpu.dma_semaphore, #tpu.memory_space<semaphore_mem>>) src(%arg17 : memref<20x128xf32, #tpu.memory_space<vmem>>) dst(%dma_wait3A_167 : memref<20x128xf32, #tpu.memory_space<hbm>>)
    %dma_wait3A_168 = arith.constant 0 : i32
    %dma_wait3A_169 = arith.constant 0 : i32
    %dma_wait3A_170 = tpu.memref_slice %arg12[%dma_wait3A_168, %dma_wait3A_169] : memref<125x80xi32, #tpu.memory_space<vmem>> -> memref<1x80xi32, #tpu.memory_space<vmem>>
    %dma_wait3A_171 = tpu.memref_squeeze %dma_wait3A_170 : memref<1x80xi32, #tpu.memory_space<vmem>> -> memref<80xi32, #tpu.memory_space<vmem>>
    %dma_wait3A_172 = arith.constant 0 : i32
    %dma_wait3A_173 = arith.constant 0 : i32
    %dma_wait3A_174 = tpu.memref_slice %arg20[%dma_wait3A_172, %dma_wait3A_173] : memref<10000x16xf32, #tpu.memory_space<vmem_shared>> -> memref<10000x16xf32, #tpu.memory_space<vmem_shared>>
    tpu.wait_indirect_dma semaphore(%arg28 : memref<!tpu.dma_semaphore, #tpu.memory_space<semaphore_mem>>) src(%arg19 : memref<80x16xf32, #tpu.memory_space<vmem>>) dst(%dma_wait3A_174 : memref<10000x16xf32, #tpu.memory_space<vmem_shared>>)
    %dma_wait3A_175 = arith.constant 0 : i32
    %dma_wait3A_176 = arith.constant 0 : i32
    %dma_wait3A_177 = tpu.memref_slice %arg11[%dma_wait3A_175, %dma_wait3A_176] : memref<125x80xi32, #tpu.memory_space<vmem>> -> memref<1x80xi32, #tpu.memory_space<vmem>>
    %dma_wait3A_178 = tpu.memref_squeeze %dma_wait3A_177 : memref<1x80xi32, #tpu.memory_space<vmem>> -> memref<80xi32, #tpu.memory_space<vmem>>
    %dma_wait3A_179 = arith.constant 0 : i32
    %dma_wait3A_180 = arith.constant 0 : i32
    %dma_wait3A_181 = tpu.memref_slice %arg21[%dma_wait3A_179, %dma_wait3A_180] : memref<10000x16xf32, #tpu.memory_space<vmem_shared>> -> memref<10000x16xf32, #tpu.memory_space<vmem_shared>>
    tpu.wait_indirect_dma semaphore(%arg30 : memref<!tpu.dma_semaphore, #tpu.memory_space<semaphore_mem>>) src(%arg19 : memref<80x16xf32, #tpu.memory_space<vmem>>) dst(%dma_wait3A_181 : memref<10000x16xf32, #tpu.memory_space<vmem_shared>>)
    %scan3A_182 = arith.constant 0 : i32
    %scan3A_183 = arith.constant 0 : i32
    %scan3A_184 = arith.constant 20 : i32
    %scan3A_185 = arith.addi %scan3A_183, %scan3A_184 : i32
    %scan3A_186 = arith.constant 1 : i32
    scf.for %scan3A_389 = %scan3A_183 to %scan3A_185 step %scan3A_186  : i32 {
      %mul3A_390 = arith.constant 4 : i32
      %mul3A_391 = arith.muli %mul3A_390, %scan3A_389 : i32
      %add3A_392 = arith.constant 0 : i32
      %add3A_393 = arith.addi %mul3A_391, %add3A_392 : i32
      %get3A = arith.index_cast %add3A_393 : i32 to index
      %get3A_394 = arith.constant 0 : index
      %get3A_395 = tpu.vector_load %arg13[%get3A, %get3A_394] {strides = array<i32>} : memref<80x32xf32, #tpu.memory_space<vmem>>, vector<1x16xf32>,
      %get3A_396 = vector.shape_cast %get3A_395 : vector<1x16xf32> to vector<16xf32>
      %mul3A_397 = arith.constant 4 : i32
      %mul3A_398 = arith.muli %mul3A_397, %scan3A_389 : i32
      %add3A_399 = arith.constant 0 : i32
      %add3A_400 = arith.addi %mul3A_398, %add3A_399 : i32
      %get3A_401 = arith.index_cast %add3A_400 : i32 to index
      %get3A_402 = arith.constant 0 : index
      %get3A_403 = tpu.vector_load %arg15[%get3A_401, %get3A_402] {strides = array<i32>} : memref<80x32xf32, #tpu.memory_space<vmem>>, vector<1x16xf32>,
      %get3A_404 = vector.shape_cast %get3A_403 : vector<1x16xf32> to vector<16xf32>
      %add3A_405 = arith.addf %get3A_396, %get3A_404 : vector<16xf32>
      %swap3A = arith.index_cast %scan3A_389 : i32 to index
      %swap3A_406 = arith.constant 0 : index
      %swap3A_407 = tpu.vector_load %arg17[%swap3A, %swap3A_406] {strides = array<i32>} : memref<20x128xf32, #tpu.memory_space<vmem>>, vector<1x16xf32>,
      %swap3A_408 = vector.shape_cast %swap3A_407 : vector<1x16xf32> to vector<16xf32>
      %swap3A_409 = vector.shape_cast %add3A_405 : vector<16xf32> to vector<1x16xf32>
      tpu.vector_store %arg17[%swap3A, %swap3A_406], %swap3A_409 {strides = array<i32>} : memref<20x128xf32, #tpu.memory_space<vmem>>, vector<1x16xf32>,
      %mul3A_410 = arith.constant 4 : i32
      %mul3A_411 = arith.muli %mul3A_410, %scan3A_389 : i32
      %add3A_412 = arith.constant 0 : i32
      %add3A_413 = arith.addi %mul3A_411, %add3A_412 : i32
      %get3A_414 = arith.index_cast %add3A_413 : i32 to index
      %get3A_415 = arith.constant 16 : index
      %get3A_416 = tpu.vector_load %arg13[%get3A_414, %get3A_415] {strides = array<i32>} : memref<80x32xf32, #tpu.memory_space<vmem>>, vector<1x16xf32>,
      %get3A_417 = vector.shape_cast %get3A_416 : vector<1x16xf32> to vector<16xf32>
      %mul3A_418 = arith.constant 4 : i32
      %mul3A_419 = arith.muli %mul3A_418, %scan3A_389 : i32
      %add3A_420 = arith.constant 0 : i32
      %add3A_421 = arith.addi %mul3A_419, %add3A_420 : i32
      %get3A_422 = arith.index_cast %add3A_421 : i32 to index
      %get3A_423 = arith.constant 16 : index
      %get3A_424 = tpu.vector_load %arg15[%get3A_422, %get3A_423] {strides = array<i32>} : memref<80x32xf32, #tpu.memory_space<vmem>>, vector<1x16xf32>,
      %get3A_425 = vector.shape_cast %get3A_424 : vector<1x16xf32> to vector<16xf32>
      %add3A_426 = arith.addf %get3A_417, %get3A_425 : vector<16xf32>
      %swap3A_427 = arith.index_cast %scan3A_389 : i32 to index
      %swap3A_428 = arith.constant 16 : index
      %swap3A_429 = tpu.vector_load %arg17[%swap3A_427, %swap3A_428] {strides = array<i32>} : memref<20x128xf32, #tpu.memory_space<vmem>>, vector<1x16xf32>,
      %swap3A_430 = vector.shape_cast %swap3A_429 : vector<1x16xf32> to vector<16xf32>
      %swap3A_431 = vector.shape_cast %add3A_426 : vector<16xf32> to vector<1x16xf32>
      tpu.vector_store %arg17[%swap3A_427, %swap3A_428], %swap3A_431 {strides = array<i32>} : memref<20x128xf32, #tpu.memory_space<vmem>>, vector<1x16xf32>,
      %mul3A_432 = arith.constant 4 : i32
      %mul3A_433 = arith.muli %mul3A_432, %scan3A_389 : i32
      %add3A_434 = arith.constant 1 : i32
      %add3A_435 = arith.addi %mul3A_433, %add3A_434 : i32
      %get3A_436 = arith.index_cast %add3A_435 : i32 to index
      %get3A_437 = arith.constant 0 : index
      %get3A_438 = tpu.vector_load %arg13[%get3A_436, %get3A_437] {strides = array<i32>} : memref<80x32xf32, #tpu.memory_space<vmem>>, vector<1x16xf32>,
      %get3A_439 = vector.shape_cast %get3A_438 : vector<1x16xf32> to vector<16xf32>
      %mul3A_440 = arith.constant 4 : i32
      %mul3A_441 = arith.muli %mul3A_440, %scan3A_389 : i32
      %add3A_442 = arith.constant 1 : i32
      %add3A_443 = arith.addi %mul3A_441, %add3A_442 : i32
      %get3A_444 = arith.index_cast %add3A_443 : i32 to index
      %get3A_445 = arith.constant 0 : index
      %get3A_446 = tpu.vector_load %arg15[%get3A_444, %get3A_445] {strides = array<i32>} : memref<80x32xf32, #tpu.memory_space<vmem>>, vector<1x16xf32>,
      %get3A_447 = vector.shape_cast %get3A_446 : vector<1x16xf32> to vector<16xf32>
      %add3A_448 = arith.addf %get3A_439, %get3A_447 : vector<16xf32>
      %swap3A_449 = arith.index_cast %scan3A_389 : i32 to index
      %swap3A_450 = arith.constant 32 : index
      %swap3A_451 = tpu.vector_load %arg17[%swap3A_449, %swap3A_450] {strides = array<i32>} : memref<20x128xf32, #tpu.memory_space<vmem>>, vector<1x16xf32>,
      %swap3A_452 = vector.shape_cast %swap3A_451 : vector<1x16xf32> to vector<16xf32>
      %swap3A_453 = vector.shape_cast %add3A_448 : vector<16xf32> to vector<1x16xf32>
      tpu.vector_store %arg17[%swap3A_449, %swap3A_450], %swap3A_453 {strides = array<i32>} : memref<20x128xf32, #tpu.memory_space<vmem>>, vector<1x16xf32>,
      %mul3A_454 = arith.constant 4 : i32
      %mul3A_455 = arith.muli %mul3A_454, %scan3A_389 : i32
      %add3A_456 = arith.constant 1 : i32
      %add3A_457 = arith.addi %mul3A_455, %add3A_456 : i32
      %get3A_458 = arith.index_cast %add3A_457 : i32 to index
      %get3A_459 = arith.constant 16 : index
      %get3A_460 = tpu.vector_load %arg13[%get3A_458, %get3A_459] {strides = array<i32>} : memref<80x32xf32, #tpu.memory_space<vmem>>, vector<1x16xf32>,
      %get3A_461 = vector.shape_cast %get3A_460 : vector<1x16xf32> to vector<16xf32>
      %mul3A_462 = arith.constant 4 : i32
      %mul3A_463 = arith.muli %mul3A_462, %scan3A_389 : i32
      %add3A_464 = arith.constant 1 : i32
      %add3A_465 = arith.addi %mul3A_463, %add3A_464 : i32
      %get3A_466 = arith.index_cast %add3A_465 : i32 to index
      %get3A_467 = arith.constant 16 : index
      %get3A_468 = tpu.vector_load %arg15[%get3A_466, %get3A_467] {strides = array<i32>} : memref<80x32xf32, #tpu.memory_space<vmem>>, vector<1x16xf32>,
      %get3A_469 = vector.shape_cast %get3A_468 : vector<1x16xf32> to vector<16xf32>
      %add3A_470 = arith.addf %get3A_461, %get3A_469 : vector<16xf32>
      %swap3A_471 = arith.index_cast %scan3A_389 : i32 to index
      %swap3A_472 = arith.constant 48 : index
      %swap3A_473 = tpu.vector_load %arg17[%swap3A_471, %swap3A_472] {strides = array<i32>} : memref<20x128xf32, #tpu.memory_space<vmem>>, vector<1x16xf32>,
      %swap3A_474 = vector.shape_cast %swap3A_473 : vector<1x16xf32> to vector<16xf32>
      %swap3A_475 = vector.shape_cast %add3A_470 : vector<16xf32> to vector<1x16xf32>
      tpu.vector_store %arg17[%swap3A_471, %swap3A_472], %swap3A_475 {strides = array<i32>} : memref<20x128xf32, #tpu.memory_space<vmem>>, vector<1x16xf32>,
      %mul3A_476 = arith.constant 4 : i32
      %mul3A_477 = arith.muli %mul3A_476, %scan3A_389 : i32
      %add3A_478 = arith.constant 2 : i32
      %add3A_479 = arith.addi %mul3A_477, %add3A_478 : i32
      %get3A_480 = arith.index_cast %add3A_479 : i32 to index
      %get3A_481 = arith.constant 0 : index
      %get3A_482 = tpu.vector_load %arg13[%get3A_480, %get3A_481] {strides = array<i32>} : memref<80x32xf32, #tpu.memory_space<vmem>>, vector<1x16xf32>,
      %get3A_483 = vector.shape_cast %get3A_482 : vector<1x16xf32> to vector<16xf32>
      %mul3A_484 = arith.constant 4 : i32
      %mul3A_485 = arith.muli %mul3A_484, %scan3A_389 : i32
      %add3A_486 = arith.constant 2 : i32
      %add3A_487 = arith.addi %mul3A_485, %add3A_486 : i32
      %get3A_488 = arith.index_cast %add3A_487 : i32 to index
      %get3A_489 = arith.constant 0 : index
      %get3A_490 = tpu.vector_load %arg15[%get3A_488, %get3A_489] {strides = array<i32>} : memref<80x32xf32, #tpu.memory_space<vmem>>, vector<1x16xf32>,
      %get3A_491 = vector.shape_cast %get3A_490 : vector<1x16xf32> to vector<16xf32>
      %add3A_492 = arith.addf %get3A_483, %get3A_491 : vector<16xf32>
      %swap3A_493 = arith.index_cast %scan3A_389 : i32 to index
      %swap3A_494 = arith.constant 64 : index
      %swap3A_495 = tpu.vector_load %arg17[%swap3A_493, %swap3A_494] {strides = array<i32>} : memref<20x128xf32, #tpu.memory_space<vmem>>, vector<1x16xf32>,
      %swap3A_496 = vector.shape_cast %swap3A_495 : vector<1x16xf32> to vector<16xf32>
      %swap3A_497 = vector.shape_cast %add3A_492 : vector<16xf32> to vector<1x16xf32>
      tpu.vector_store %arg17[%swap3A_493, %swap3A_494], %swap3A_497 {strides = array<i32>} : memref<20x128xf32, #tpu.memory_space<vmem>>, vector<1x16xf32>,
      %mul3A_498 = arith.constant 4 : i32
      %mul3A_499 = arith.muli %mul3A_498, %scan3A_389 : i32
      %add3A_500 = arith.constant 2 : i32
      %add3A_501 = arith.addi %mul3A_499, %add3A_500 : i32
      %get3A_502 = arith.index_cast %add3A_501 : i32 to index
      %get3A_503 = arith.constant 16 : index
      %get3A_504 = tpu.vector_load %arg13[%get3A_502, %get3A_503] {strides = array<i32>} : memref<80x32xf32, #tpu.memory_space<vmem>>, vector<1x16xf32>,
      %get3A_505 = vector.shape_cast %get3A_504 : vector<1x16xf32> to vector<16xf32>
      %mul3A_506 = arith.constant 4 : i32
      %mul3A_507 = arith.muli %mul3A_506, %scan3A_389 : i32
      %add3A_508 = arith.constant 2 : i32
      %add3A_509 = arith.addi %mul3A_507, %add3A_508 : i32
      %get3A_510 = arith.index_cast %add3A_509 : i32 to index
      %get3A_511 = arith.constant 16 : index
      %get3A_512 = tpu.vector_load %arg15[%get3A_510, %get3A_511] {strides = array<i32>} : memref<80x32xf32, #tpu.memory_space<vmem>>, vector<1x16xf32>,
      %get3A_513 = vector.shape_cast %get3A_512 : vector<1x16xf32> to vector<16xf32>
      %add3A_514 = arith.addf %get3A_505, %get3A_513 : vector<16xf32>
      %swap3A_515 = arith.index_cast %scan3A_389 : i32 to index
      %swap3A_516 = arith.constant 80 : index
      %swap3A_517 = tpu.vector_load %arg17[%swap3A_515, %swap3A_516] {strides = array<i32>} : memref<20x128xf32, #tpu.memory_space<vmem>>, vector<1x16xf32>,
      %swap3A_518 = vector.shape_cast %swap3A_517 : vector<1x16xf32> to vector<16xf32>
      %swap3A_519 = vector.shape_cast %add3A_514 : vector<16xf32> to vector<1x16xf32>
      tpu.vector_store %arg17[%swap3A_515, %swap3A_516], %swap3A_519 {strides = array<i32>} : memref<20x128xf32, #tpu.memory_space<vmem>>, vector<1x16xf32>,
      %mul3A_520 = arith.constant 4 : i32
      %mul3A_521 = arith.muli %mul3A_520, %scan3A_389 : i32
      %add3A_522 = arith.constant 3 : i32
      %add3A_523 = arith.addi %mul3A_521, %add3A_522 : i32
      %get3A_524 = arith.index_cast %add3A_523 : i32 to index
      %get3A_525 = arith.constant 0 : index
      %get3A_526 = tpu.vector_load %arg13[%get3A_524, %get3A_525] {strides = array<i32>} : memref<80x32xf32, #tpu.memory_space<vmem>>, vector<1x16xf32>,
      %get3A_527 = vector.shape_cast %get3A_526 : vector<1x16xf32> to vector<16xf32>
      %mul3A_528 = arith.constant 4 : i32
      %mul3A_529 = arith.muli %mul3A_528, %scan3A_389 : i32
      %add3A_530 = arith.constant 3 : i32
      %add3A_531 = arith.addi %mul3A_529, %add3A_530 : i32
      %get3A_532 = arith.index_cast %add3A_531 : i32 to index
      %get3A_533 = arith.constant 0 : index
      %get3A_534 = tpu.vector_load %arg15[%get3A_532, %get3A_533] {strides = array<i32>} : memref<80x32xf32, #tpu.memory_space<vmem>>, vector<1x16xf32>,
      %get3A_535 = vector.shape_cast %get3A_534 : vector<1x16xf32> to vector<16xf32>
      %add3A_536 = arith.addf %get3A_527, %get3A_535 : vector<16xf32>
      %swap3A_537 = arith.index_cast %scan3A_389 : i32 to index
      %swap3A_538 = arith.constant 96 : index
      %swap3A_539 = tpu.vector_load %arg17[%swap3A_537, %swap3A_538] {strides = array<i32>} : memref<20x128xf32, #tpu.memory_space<vmem>>, vector<1x16xf32>,
      %swap3A_540 = vector.shape_cast %swap3A_539 : vector<1x16xf32> to vector<16xf32>
      %swap3A_541 = vector.shape_cast %add3A_536 : vector<16xf32> to vector<1x16xf32>
      tpu.vector_store %arg17[%swap3A_537, %swap3A_538], %swap3A_541 {strides = array<i32>} : memref<20x128xf32, #tpu.memory_space<vmem>>, vector<1x16xf32>,
      %mul3A_542 = arith.constant 4 : i32
      %mul3A_543 = arith.muli %mul3A_542, %scan3A_389 : i32
      %add3A_544 = arith.constant 3 : i32
      %add3A_545 = arith.addi %mul3A_543, %add3A_544 : i32
      %get3A_546 = arith.index_cast %add3A_545 : i32 to index
      %get3A_547 = arith.constant 16 : index
      %get3A_548 = tpu.vector_load %arg13[%get3A_546, %get3A_547] {strides = array<i32>} : memref<80x32xf32, #tpu.memory_space<vmem>>, vector<1x16xf32>,
      %get3A_549 = vector.shape_cast %get3A_548 : vector<1x16xf32> to vector<16xf32>
      %mul3A_550 = arith.constant 4 : i32
      %mul3A_551 = arith.muli %mul3A_550, %scan3A_389 : i32
      %add3A_552 = arith.constant 3 : i32
      %add3A_553 = arith.addi %mul3A_551, %add3A_552 : i32
      %get3A_554 = arith.index_cast %add3A_553 : i32 to index
      %get3A_555 = arith.constant 16 : index
      %get3A_556 = tpu.vector_load %arg15[%get3A_554, %get3A_555] {strides = array<i32>} : memref<80x32xf32, #tpu.memory_space<vmem>>, vector<1x16xf32>,
      %get3A_557 = vector.shape_cast %get3A_556 : vector<1x16xf32> to vector<16xf32>
      %add3A_558 = arith.addf %get3A_549, %get3A_557 : vector<16xf32>
      %swap3A_559 = arith.index_cast %scan3A_389 : i32 to index
      %swap3A_560 = arith.constant 112 : index
      %swap3A_561 = tpu.vector_load %arg17[%swap3A_559, %swap3A_560] {strides = array<i32>} : memref<20x128xf32, #tpu.memory_space<vmem>>, vector<1x16xf32>,
      %swap3A_562 = vector.shape_cast %swap3A_561 : vector<1x16xf32> to vector<16xf32>
      %swap3A_563 = vector.shape_cast %add3A_558 : vector<16xf32> to vector<1x16xf32>
      tpu.vector_store %arg17[%swap3A_559, %swap3A_560], %swap3A_563 {strides = array<i32>} : memref<20x128xf32, #tpu.memory_space<vmem>>, vector<1x16xf32>,
    }
    %scan3A_187 = arith.constant 20 : i32
    %mul3A_188 = arith.constant 2500 : i32
    %mul3A_189 = arith.muli %add3A, %mul3A_188 : i32
    %add3A_190 = arith.constant 2440 : i32
    %add3A_191 = arith.addi %mul3A_189, %add3A_190 : i32
    %dma_start3A_192 = arith.constant 0 : i32
    %dma_start3A_193 = tpu.memref_slice %arg8[%add3A_191, %dma_start3A_192] : memref<80000x128xf32, #tpu.memory_space<hbm>> -> memref<20x128xf32, #tpu.memory_space<hbm>>
    %dma_start3A_194 = arith.constant 0 : i32
    %dma_start3A_195 = tpu.memref_slice %arg8[%add3A_191, %dma_start3A_194] : memref<80000x128xf32, #tpu.memory_space<hbm>> -> memref<20x128xf32, #tpu.memory_space<hbm>>
    tpu.enqueue_dma source(%arg17 : memref<20x128xf32, #tpu.memory_space<vmem>>) target(%dma_start3A_195 : memref<20x128xf32, #tpu.memory_space<hbm>>) target_semaphore(%arg26 : memref<!tpu.dma_semaphore, #tpu.memory_space<semaphore_mem>>)
    %dma_start3A_196 = arith.constant 122 : i32
    %dma_start3A_197 = arith.constant 0 : i32
    %dma_start3A_198 = tpu.memref_slice %arg12[%dma_start3A_196, %dma_start3A_197] : memref<125x80xi32, #tpu.memory_space<vmem>> -> memref<1x80xi32, #tpu.memory_space<vmem>>
    %dma_start3A_199 = tpu.memref_squeeze %dma_start3A_198 : memref<1x80xi32, #tpu.memory_space<vmem>> -> memref<80xi32, #tpu.memory_space<vmem>>
    %dma_start3A_200 = arith.constant 0 : i32
    %dma_start3A_201 = arith.constant 0 : i32
    %dma_start3A_202 = tpu.memref_slice %arg20[%dma_start3A_200, %dma_start3A_201] : memref<10000x16xf32, #tpu.memory_space<vmem_shared>> -> memref<10000x16xf32, #tpu.memory_space<vmem_shared>>
    tpu.enqueue_indirect_dma source(%arg19 : memref<80x16xf32, #tpu.memory_space<vmem>>) target(%dma_start3A_202 : memref<10000x16xf32, #tpu.memory_space<vmem_shared>>) offsets(%dma_start3A_199 : memref<80xi32, #tpu.memory_space<vmem>>) semaphore(%arg28 : memref<!tpu.dma_semaphore, #tpu.memory_space<semaphore_mem>>) {add = true}
    %dma_start3A_203 = arith.constant 122 : i32
    %dma_start3A_204 = arith.constant 0 : i32
    %dma_start3A_205 = tpu.memref_slice %arg11[%dma_start3A_203, %dma_start3A_204] : memref<125x80xi32, #tpu.memory_space<vmem>> -> memref<1x80xi32, #tpu.memory_space<vmem>>
    %dma_start3A_206 = tpu.memref_squeeze %dma_start3A_205 : memref<1x80xi32, #tpu.memory_space<vmem>> -> memref<80xi32, #tpu.memory_space<vmem>>
    %dma_start3A_207 = arith.constant 0 : i32
    %dma_start3A_208 = arith.constant 0 : i32
    %dma_start3A_209 = tpu.memref_slice %arg21[%dma_start3A_207, %dma_start3A_208] : memref<10000x16xf32, #tpu.memory_space<vmem_shared>> -> memref<10000x16xf32, #tpu.memory_space<vmem_shared>>
    tpu.enqueue_indirect_dma source(%arg19 : memref<80x16xf32, #tpu.memory_space<vmem>>) target(%dma_start3A_209 : memref<10000x16xf32, #tpu.memory_space<vmem_shared>>) offsets(%dma_start3A_206 : memref<80xi32, #tpu.memory_space<vmem>>) semaphore(%arg30 : memref<!tpu.dma_semaphore, #tpu.memory_space<semaphore_mem>>) {add = true}
    %dma_start3A_210 = arith.constant 124 : i32
    %dma_start3A_211 = arith.constant 0 : i32
    %dma_start3A_212 = tpu.memref_slice %arg11[%dma_start3A_210, %dma_start3A_211] : memref<125x80xi32, #tpu.memory_space<vmem>> -> memref<1x80xi32, #tpu.memory_space<vmem>>
    %dma_start3A_213 = tpu.memref_squeeze %dma_start3A_212 : memref<1x80xi32, #tpu.memory_space<vmem>> -> memref<80xi32, #tpu.memory_space<vmem>>
    %dma_start3A_214 = arith.constant 0 : i32
    %dma_start3A_215 = arith.constant 0 : i32
    %dma_start3A_216 = tpu.memref_slice %arg2[%dma_start3A_214, %dma_start3A_215] : memref<10000x32xf32, #tpu.memory_space<hbm>> -> memref<10000x32xf32, #tpu.memory_space<hbm>>
    tpu.enqueue_indirect_dma source(%dma_start3A_216 : memref<10000x32xf32, #tpu.memory_space<hbm>>) target(%arg13 : memref<80x32xf32, #tpu.memory_space<vmem>>) offsets(%dma_start3A_213 : memref<80xi32, #tpu.memory_space<vmem>>) semaphore(%arg22 : memref<!tpu.dma_semaphore, #tpu.memory_space<semaphore_mem>>)
    %dma_start3A_217 = arith.constant 124 : i32
    %dma_start3A_218 = arith.constant 0 : i32
    %dma_start3A_219 = tpu.memref_slice %arg12[%dma_start3A_217, %dma_start3A_218] : memref<125x80xi32, #tpu.memory_space<vmem>> -> memref<1x80xi32, #tpu.memory_space<vmem>>
    %dma_start3A_220 = tpu.memref_squeeze %dma_start3A_219 : memref<1x80xi32, #tpu.memory_space<vmem>> -> memref<80xi32, #tpu.memory_space<vmem>>
    %dma_start3A_221 = arith.constant 0 : i32
    %dma_start3A_222 = arith.constant 0 : i32
    %dma_start3A_223 = tpu.memref_slice %arg3[%dma_start3A_221, %dma_start3A_222] : memref<10000x32xf32, #tpu.memory_space<hbm>> -> memref<10000x32xf32, #tpu.memory_space<hbm>>
    tpu.enqueue_indirect_dma source(%dma_start3A_223 : memref<10000x32xf32, #tpu.memory_space<hbm>>) target(%arg15 : memref<80x32xf32, #tpu.memory_space<vmem>>) offsets(%dma_start3A_220 : memref<80xi32, #tpu.memory_space<vmem>>) semaphore(%arg24 : memref<!tpu.dma_semaphore, #tpu.memory_space<semaphore_mem>>)
    %dma_wait3A_224 = arith.constant 0 : i32
    %dma_wait3A_225 = arith.constant 0 : i32
    %dma_wait3A_226 = tpu.memref_slice %arg11[%dma_wait3A_224, %dma_wait3A_225] : memref<125x80xi32, #tpu.memory_space<vmem>> -> memref<1x80xi32, #tpu.memory_space<vmem>>
    %dma_wait3A_227 = tpu.memref_squeeze %dma_wait3A_226 : memref<1x80xi32, #tpu.memory_space<vmem>> -> memref<80xi32, #tpu.memory_space<vmem>>
    %dma_wait3A_228 = arith.constant 0 : i32
    %dma_wait3A_229 = arith.constant 0 : i32
    %dma_wait3A_230 = tpu.memref_slice %arg2[%dma_wait3A_228, %dma_wait3A_229] : memref<10000x32xf32, #tpu.memory_space<hbm>> -> memref<10000x32xf32, #tpu.memory_space<hbm>>
    tpu.wait_indirect_dma semaphore(%arg23 : memref<!tpu.dma_semaphore, #tpu.memory_space<semaphore_mem>>) src(%dma_wait3A_230 : memref<10000x32xf32, #tpu.memory_space<hbm>>) dst(%arg14 : memref<80x32xf32, #tpu.memory_space<vmem>>)
    %dma_wait3A_231 = arith.constant 0 : i32
    %dma_wait3A_232 = arith.constant 0 : i32
    %dma_wait3A_233 = tpu.memref_slice %arg12[%dma_wait3A_231, %dma_wait3A_232] : memref<125x80xi32, #tpu.memory_space<vmem>> -> memref<1x80xi32, #tpu.memory_space<vmem>>
    %dma_wait3A_234 = tpu.memref_squeeze %dma_wait3A_233 : memref<1x80xi32, #tpu.memory_space<vmem>> -> memref<80xi32, #tpu.memory_space<vmem>>
    %dma_wait3A_235 = arith.constant 0 : i32
    %dma_wait3A_236 = arith.constant 0 : i32
    %dma_wait3A_237 = tpu.memref_slice %arg3[%dma_wait3A_235, %dma_wait3A_236] : memref<10000x32xf32, #tpu.memory_space<hbm>> -> memref<10000x32xf32, #tpu.memory_space<hbm>>
    tpu.wait_indirect_dma semaphore(%arg25 : memref<!tpu.dma_semaphore, #tpu.memory_space<semaphore_mem>>) src(%dma_wait3A_237 : memref<10000x32xf32, #tpu.memory_space<hbm>>) dst(%arg16 : memref<80x32xf32, #tpu.memory_space<vmem>>)
    %dma_wait3A_238 = arith.constant 0 : i32
    %dma_wait3A_239 = arith.constant 0 : i32
    %dma_wait3A_240 = tpu.memref_slice %arg8[%dma_wait3A_238, %dma_wait3A_239] : memref<80000x128xf32, #tpu.memory_space<hbm>> -> memref<20x128xf32, #tpu.memory_space<hbm>>
    %dma_wait3A_241 = arith.constant 0 : i32
    %dma_wait3A_242 = arith.constant 0 : i32
    %dma_wait3A_243 = tpu.memref_slice %arg8[%dma_wait3A_241, %dma_wait3A_242] : memref<80000x128xf32, #tpu.memory_space<hbm>> -> memref<20x128xf32, #tpu.memory_space<hbm>>
    tpu.wait_dma2 semaphore(%arg27 : memref<!tpu.dma_semaphore, #tpu.memory_space<semaphore_mem>>) src(%arg18 : memref<20x128xf32, #tpu.memory_space<vmem>>) dst(%dma_wait3A_243 : memref<20x128xf32, #tpu.memory_space<hbm>>)
    %dma_wait3A_244 = arith.constant 0 : i32
    %dma_wait3A_245 = arith.constant 0 : i32
    %dma_wait3A_246 = tpu.memref_slice %arg12[%dma_wait3A_244, %dma_wait3A_245] : memref<125x80xi32, #tpu.memory_space<vmem>> -> memref<1x80xi32, #tpu.memory_space<vmem>>
    %dma_wait3A_247 = tpu.memref_squeeze %dma_wait3A_246 : memref<1x80xi32, #tpu.memory_space<vmem>> -> memref<80xi32, #tpu.memory_space<vmem>>
    %dma_wait3A_248 = arith.constant 0 : i32
    %dma_wait3A_249 = arith.constant 0 : i32
    %dma_wait3A_250 = tpu.memref_slice %arg20[%dma_wait3A_248, %dma_wait3A_249] : memref<10000x16xf32, #tpu.memory_space<vmem_shared>> -> memref<10000x16xf32, #tpu.memory_space<vmem_shared>>
    tpu.wait_indirect_dma semaphore(%arg29 : memref<!tpu.dma_semaphore, #tpu.memory_space<semaphore_mem>>) src(%arg19 : memref<80x16xf32, #tpu.memory_space<vmem>>) dst(%dma_wait3A_250 : memref<10000x16xf32, #tpu.memory_space<vmem_shared>>)
    %dma_wait3A_251 = arith.constant 0 : i32
    %dma_wait3A_252 = arith.constant 0 : i32
    %dma_wait3A_253 = tpu.memref_slice %arg11[%dma_wait3A_251, %dma_wait3A_252] : memref<125x80xi32, #tpu.memory_space<vmem>> -> memref<1x80xi32, #tpu.memory_space<vmem>>
    %dma_wait3A_254 = tpu.memref_squeeze %dma_wait3A_253 : memref<1x80xi32, #tpu.memory_space<vmem>> -> memref<80xi32, #tpu.memory_space<vmem>>
    %dma_wait3A_255 = arith.constant 0 : i32
    %dma_wait3A_256 = arith.constant 0 : i32
    %dma_wait3A_257 = tpu.memref_slice %arg21[%dma_wait3A_255, %dma_wait3A_256] : memref<10000x16xf32, #tpu.memory_space<vmem_shared>> -> memref<10000x16xf32, #tpu.memory_space<vmem_shared>>
    tpu.wait_indirect_dma semaphore(%arg31 : memref<!tpu.dma_semaphore, #tpu.memory_space<semaphore_mem>>) src(%arg19 : memref<80x16xf32, #tpu.memory_space<vmem>>) dst(%dma_wait3A_257 : memref<10000x16xf32, #tpu.memory_space<vmem_shared>>)
    %scan3A_258 = arith.constant 0 : i32
    %scan3A_259 = arith.constant 0 : i32
    %scan3A_260 = arith.constant 20 : i32
    %scan3A_261 = arith.addi %scan3A_259, %scan3A_260 : i32
    %scan3A_262 = arith.constant 1 : i32
    scf.for %scan3A_389 = %scan3A_259 to %scan3A_261 step %scan3A_262  : i32 {
      %mul3A_390 = arith.constant 4 : i32
      %mul3A_391 = arith.muli %mul3A_390, %scan3A_389 : i32
      %add3A_392 = arith.constant 0 : i32
      %add3A_393 = arith.addi %mul3A_391, %add3A_392 : i32
      %get3A = arith.index_cast %add3A_393 : i32 to index
      %get3A_394 = arith.constant 0 : index
      %get3A_395 = tpu.vector_load %arg14[%get3A, %get3A_394] {strides = array<i32>} : memref<80x32xf32, #tpu.memory_space<vmem>>, vector<1x16xf32>,
      %get3A_396 = vector.shape_cast %get3A_395 : vector<1x16xf32> to vector<16xf32>
      %mul3A_397 = arith.constant 4 : i32
      %mul3A_398 = arith.muli %mul3A_397, %scan3A_389 : i32
      %add3A_399 = arith.constant 0 : i32
      %add3A_400 = arith.addi %mul3A_398, %add3A_399 : i32
      %get3A_401 = arith.index_cast %add3A_400 : i32 to index
      %get3A_402 = arith.constant 0 : index
      %get3A_403 = tpu.vector_load %arg16[%get3A_401, %get3A_402] {strides = array<i32>} : memref<80x32xf32, #tpu.memory_space<vmem>>, vector<1x16xf32>,
      %get3A_404 = vector.shape_cast %get3A_403 : vector<1x16xf32> to vector<16xf32>
      %add3A_405 = arith.addf %get3A_396, %get3A_404 : vector<16xf32>
      %swap3A = arith.index_cast %scan3A_389 : i32 to index
      %swap3A_406 = arith.constant 0 : index
      %swap3A_407 = tpu.vector_load %arg18[%swap3A, %swap3A_406] {strides = array<i32>} : memref<20x128xf32, #tpu.memory_space<vmem>>, vector<1x16xf32>,
      %swap3A_408 = vector.shape_cast %swap3A_407 : vector<1x16xf32> to vector<16xf32>
      %swap3A_409 = vector.shape_cast %add3A_405 : vector<16xf32> to vector<1x16xf32>
      tpu.vector_store %arg18[%swap3A, %swap3A_406], %swap3A_409 {strides = array<i32>} : memref<20x128xf32, #tpu.memory_space<vmem>>, vector<1x16xf32>,
      %mul3A_410 = arith.constant 4 : i32
      %mul3A_411 = arith.muli %mul3A_410, %scan3A_389 : i32
      %add3A_412 = arith.constant 0 : i32
      %add3A_413 = arith.addi %mul3A_411, %add3A_412 : i32
      %get3A_414 = arith.index_cast %add3A_413 : i32 to index
      %get3A_415 = arith.constant 16 : index
      %get3A_416 = tpu.vector_load %arg14[%get3A_414, %get3A_415] {strides = array<i32>} : memref<80x32xf32, #tpu.memory_space<vmem>>, vector<1x16xf32>,
      %get3A_417 = vector.shape_cast %get3A_416 : vector<1x16xf32> to vector<16xf32>
      %mul3A_418 = arith.constant 4 : i32
      %mul3A_419 = arith.muli %mul3A_418, %scan3A_389 : i32
      %add3A_420 = arith.constant 0 : i32
      %add3A_421 = arith.addi %mul3A_419, %add3A_420 : i32
      %get3A_422 = arith.index_cast %add3A_421 : i32 to index
      %get3A_423 = arith.constant 16 : index
      %get3A_424 = tpu.vector_load %arg16[%get3A_422, %get3A_423] {strides = array<i32>} : memref<80x32xf32, #tpu.memory_space<vmem>>, vector<1x16xf32>,
      %get3A_425 = vector.shape_cast %get3A_424 : vector<1x16xf32> to vector<16xf32>
      %add3A_426 = arith.addf %get3A_417, %get3A_425 : vector<16xf32>
      %swap3A_427 = arith.index_cast %scan3A_389 : i32 to index
      %swap3A_428 = arith.constant 16 : index
      %swap3A_429 = tpu.vector_load %arg18[%swap3A_427, %swap3A_428] {strides = array<i32>} : memref<20x128xf32, #tpu.memory_space<vmem>>, vector<1x16xf32>,
      %swap3A_430 = vector.shape_cast %swap3A_429 : vector<1x16xf32> to vector<16xf32>
      %swap3A_431 = vector.shape_cast %add3A_426 : vector<16xf32> to vector<1x16xf32>
      tpu.vector_store %arg18[%swap3A_427, %swap3A_428], %swap3A_431 {strides = array<i32>} : memref<20x128xf32, #tpu.memory_space<vmem>>, vector<1x16xf32>,
      %mul3A_432 = arith.constant 4 : i32
      %mul3A_433 = arith.muli %mul3A_432, %scan3A_389 : i32
      %add3A_434 = arith.constant 1 : i32
      %add3A_435 = arith.addi %mul3A_433, %add3A_434 : i32
      %get3A_436 = arith.index_cast %add3A_435 : i32 to index
      %get3A_437 = arith.constant 0 : index
      %get3A_438 = tpu.vector_load %arg14[%get3A_436, %get3A_437] {strides = array<i32>} : memref<80x32xf32, #tpu.memory_space<vmem>>, vector<1x16xf32>,
      %get3A_439 = vector.shape_cast %get3A_438 : vector<1x16xf32> to vector<16xf32>
      %mul3A_440 = arith.constant 4 : i32
      %mul3A_441 = arith.muli %mul3A_440, %scan3A_389 : i32
      %add3A_442 = arith.constant 1 : i32
      %add3A_443 = arith.addi %mul3A_441, %add3A_442 : i32
      %get3A_444 = arith.index_cast %add3A_443 : i32 to index
      %get3A_445 = arith.constant 0 : index
      %get3A_446 = tpu.vector_load %arg16[%get3A_444, %get3A_445] {strides = array<i32>} : memref<80x32xf32, #tpu.memory_space<vmem>>, vector<1x16xf32>,
      %get3A_447 = vector.shape_cast %get3A_446 : vector<1x16xf32> to vector<16xf32>
      %add3A_448 = arith.addf %get3A_439, %get3A_447 : vector<16xf32>
      %swap3A_449 = arith.index_cast %scan3A_389 : i32 to index
      %swap3A_450 = arith.constant 32 : index
      %swap3A_451 = tpu.vector_load %arg18[%swap3A_449, %swap3A_450] {strides = array<i32>} : memref<20x128xf32, #tpu.memory_space<vmem>>, vector<1x16xf32>,
      %swap3A_452 = vector.shape_cast %swap3A_451 : vector<1x16xf32> to vector<16xf32>
      %swap3A_453 = vector.shape_cast %add3A_448 : vector<16xf32> to vector<1x16xf32>
      tpu.vector_store %arg18[%swap3A_449, %swap3A_450], %swap3A_453 {strides = array<i32>} : memref<20x128xf32, #tpu.memory_space<vmem>>, vector<1x16xf32>,
      %mul3A_454 = arith.constant 4 : i32
      %mul3A_455 = arith.muli %mul3A_454, %scan3A_389 : i32
      %add3A_456 = arith.constant 1 : i32
      %add3A_457 = arith.addi %mul3A_455, %add3A_456 : i32
      %get3A_458 = arith.index_cast %add3A_457 : i32 to index
      %get3A_459 = arith.constant 16 : index
      %get3A_460 = tpu.vector_load %arg14[%get3A_458, %get3A_459] {strides = array<i32>} : memref<80x32xf32, #tpu.memory_space<vmem>>, vector<1x16xf32>,
      %get3A_461 = vector.shape_cast %get3A_460 : vector<1x16xf32> to vector<16xf32>
      %mul3A_462 = arith.constant 4 : i32
      %mul3A_463 = arith.muli %mul3A_462, %scan3A_389 : i32
      %add3A_464 = arith.constant 1 : i32
      %add3A_465 = arith.addi %mul3A_463, %add3A_464 : i32
      %get3A_466 = arith.index_cast %add3A_465 : i32 to index
      %get3A_467 = arith.constant 16 : index
      %get3A_468 = tpu.vector_load %arg16[%get3A_466, %get3A_467] {strides = array<i32>} : memref<80x32xf32, #tpu.memory_space<vmem>>, vector<1x16xf32>,
      %get3A_469 = vector.shape_cast %get3A_468 : vector<1x16xf32> to vector<16xf32>
      %add3A_470 = arith.addf %get3A_461, %get3A_469 : vector<16xf32>
      %swap3A_471 = arith.index_cast %scan3A_389 : i32 to index
      %swap3A_472 = arith.constant 48 : index
      %swap3A_473 = tpu.vector_load %arg18[%swap3A_471, %swap3A_472] {strides = array<i32>} : memref<20x128xf32, #tpu.memory_space<vmem>>, vector<1x16xf32>,
      %swap3A_474 = vector.shape_cast %swap3A_473 : vector<1x16xf32> to vector<16xf32>
      %swap3A_475 = vector.shape_cast %add3A_470 : vector<16xf32> to vector<1x16xf32>
      tpu.vector_store %arg18[%swap3A_471, %swap3A_472], %swap3A_475 {strides = array<i32>} : memref<20x128xf32, #tpu.memory_space<vmem>>, vector<1x16xf32>,
      %mul3A_476 = arith.constant 4 : i32
      %mul3A_477 = arith.muli %mul3A_476, %scan3A_389 : i32
      %add3A_478 = arith.constant 2 : i32
      %add3A_479 = arith.addi %mul3A_477, %add3A_478 : i32
      %get3A_480 = arith.index_cast %add3A_479 : i32 to index
      %get3A_481 = arith.constant 0 : index
      %get3A_482 = tpu.vector_load %arg14[%get3A_480, %get3A_481] {strides = array<i32>} : memref<80x32xf32, #tpu.memory_space<vmem>>, vector<1x16xf32>,
      %get3A_483 = vector.shape_cast %get3A_482 : vector<1x16xf32> to vector<16xf32>
      %mul3A_484 = arith.constant 4 : i32
      %mul3A_485 = arith.muli %mul3A_484, %scan3A_389 : i32
      %add3A_486 = arith.constant 2 : i32
      %add3A_487 = arith.addi %mul3A_485, %add3A_486 : i32
      %get3A_488 = arith.index_cast %add3A_487 : i32 to index
      %get3A_489 = arith.constant 0 : index
      %get3A_490 = tpu.vector_load %arg16[%get3A_488, %get3A_489] {strides = array<i32>} : memref<80x32xf32, #tpu.memory_space<vmem>>, vector<1x16xf32>,
      %get3A_491 = vector.shape_cast %get3A_490 : vector<1x16xf32> to vector<16xf32>
      %add3A_492 = arith.addf %get3A_483, %get3A_491 : vector<16xf32>
      %swap3A_493 = arith.index_cast %scan3A_389 : i32 to index
      %swap3A_494 = arith.constant 64 : index
      %swap3A_495 = tpu.vector_load %arg18[%swap3A_493, %swap3A_494] {strides = array<i32>} : memref<20x128xf32, #tpu.memory_space<vmem>>, vector<1x16xf32>,
      %swap3A_496 = vector.shape_cast %swap3A_495 : vector<1x16xf32> to vector<16xf32>
      %swap3A_497 = vector.shape_cast %add3A_492 : vector<16xf32> to vector<1x16xf32>
      tpu.vector_store %arg18[%swap3A_493, %swap3A_494], %swap3A_497 {strides = array<i32>} : memref<20x128xf32, #tpu.memory_space<vmem>>, vector<1x16xf32>,
      %mul3A_498 = arith.constant 4 : i32
      %mul3A_499 = arith.muli %mul3A_498, %scan3A_389 : i32
      %add3A_500 = arith.constant 2 : i32
      %add3A_501 = arith.addi %mul3A_499, %add3A_500 : i32
      %get3A_502 = arith.index_cast %add3A_501 : i32 to index
      %get3A_503 = arith.constant 16 : index
      %get3A_504 = tpu.vector_load %arg14[%get3A_502, %get3A_503] {strides = array<i32>} : memref<80x32xf32, #tpu.memory_space<vmem>>, vector<1x16xf32>,
      %get3A_505 = vector.shape_cast %get3A_504 : vector<1x16xf32> to vector<16xf32>
      %mul3A_506 = arith.constant 4 : i32
      %mul3A_507 = arith.muli %mul3A_506, %scan3A_389 : i32
      %add3A_508 = arith.constant 2 : i32
      %add3A_509 = arith.addi %mul3A_507, %add3A_508 : i32
      %get3A_510 = arith.index_cast %add3A_509 : i32 to index
      %get3A_511 = arith.constant 16 : index
      %get3A_512 = tpu.vector_load %arg16[%get3A_510, %get3A_511] {strides = array<i32>} : memref<80x32xf32, #tpu.memory_space<vmem>>, vector<1x16xf32>,
      %get3A_513 = vector.shape_cast %get3A_512 : vector<1x16xf32> to vector<16xf32>
      %add3A_514 = arith.addf %get3A_505, %get3A_513 : vector<16xf32>
      %swap3A_515 = arith.index_cast %scan3A_389 : i32 to index
      %swap3A_516 = arith.constant 80 : index
      %swap3A_517 = tpu.vector_load %arg18[%swap3A_515, %swap3A_516] {strides = array<i32>} : memref<20x128xf32, #tpu.memory_space<vmem>>, vector<1x16xf32>,
      %swap3A_518 = vector.shape_cast %swap3A_517 : vector<1x16xf32> to vector<16xf32>
      %swap3A_519 = vector.shape_cast %add3A_514 : vector<16xf32> to vector<1x16xf32>
      tpu.vector_store %arg18[%swap3A_515, %swap3A_516], %swap3A_519 {strides = array<i32>} : memref<20x128xf32, #tpu.memory_space<vmem>>, vector<1x16xf32>,
      %mul3A_520 = arith.constant 4 : i32
      %mul3A_521 = arith.muli %mul3A_520, %scan3A_389 : i32
      %add3A_522 = arith.constant 3 : i32
      %add3A_523 = arith.addi %mul3A_521, %add3A_522 : i32
      %get3A_524 = arith.index_cast %add3A_523 : i32 to index
      %get3A_525 = arith.constant 0 : index
      %get3A_526 = tpu.vector_load %arg14[%get3A_524, %get3A_525] {strides = array<i32>} : memref<80x32xf32, #tpu.memory_space<vmem>>, vector<1x16xf32>,
      %get3A_527 = vector.shape_cast %get3A_526 : vector<1x16xf32> to vector<16xf32>
      %mul3A_528 = arith.constant 4 : i32
      %mul3A_529 = arith.muli %mul3A_528, %scan3A_389 : i32
      %add3A_530 = arith.constant 3 : i32
      %add3A_531 = arith.addi %mul3A_529, %add3A_530 : i32
      %get3A_532 = arith.index_cast %add3A_531 : i32 to index
      %get3A_533 = arith.constant 0 : index
      %get3A_534 = tpu.vector_load %arg16[%get3A_532, %get3A_533] {strides = array<i32>} : memref<80x32xf32, #tpu.memory_space<vmem>>, vector<1x16xf32>,
      %get3A_535 = vector.shape_cast %get3A_534 : vector<1x16xf32> to vector<16xf32>
      %add3A_536 = arith.addf %get3A_527, %get3A_535 : vector<16xf32>
      %swap3A_537 = arith.index_cast %scan3A_389 : i32 to index
      %swap3A_538 = arith.constant 96 : index
      %swap3A_539 = tpu.vector_load %arg18[%swap3A_537, %swap3A_538] {strides = array<i32>} : memref<20x128xf32, #tpu.memory_space<vmem>>, vector<1x16xf32>,
      %swap3A_540 = vector.shape_cast %swap3A_539 : vector<1x16xf32> to vector<16xf32>
      %swap3A_541 = vector.shape_cast %add3A_536 : vector<16xf32> to vector<1x16xf32>
      tpu.vector_store %arg18[%swap3A_537, %swap3A_538], %swap3A_541 {strides = array<i32>} : memref<20x128xf32, #tpu.memory_space<vmem>>, vector<1x16xf32>,
      %mul3A_542 = arith.constant 4 : i32
      %mul3A_543 = arith.muli %mul3A_542, %scan3A_389 : i32
      %add3A_544 = arith.constant 3 : i32
      %add3A_545 = arith.addi %mul3A_543, %add3A_544 : i32
      %get3A_546 = arith.index_cast %add3A_545 : i32 to index
      %get3A_547 = arith.constant 16 : index
      %get3A_548 = tpu.vector_load %arg14[%get3A_546, %get3A_547] {strides = array<i32>} : memref<80x32xf32, #tpu.memory_space<vmem>>, vector<1x16xf32>,
      %get3A_549 = vector.shape_cast %get3A_548 : vector<1x16xf32> to vector<16xf32>
      %mul3A_550 = arith.constant 4 : i32
      %mul3A_551 = arith.muli %mul3A_550, %scan3A_389 : i32
      %add3A_552 = arith.constant 3 : i32
      %add3A_553 = arith.addi %mul3A_551, %add3A_552 : i32
      %get3A_554 = arith.index_cast %add3A_553 : i32 to index
      %get3A_555 = arith.constant 16 : index
      %get3A_556 = tpu.vector_load %arg16[%get3A_554, %get3A_555] {strides = array<i32>} : memref<80x32xf32, #tpu.memory_space<vmem>>, vector<1x16xf32>,
      %get3A_557 = vector.shape_cast %get3A_556 : vector<1x16xf32> to vector<16xf32>
      %add3A_558 = arith.addf %get3A_549, %get3A_557 : vector<16xf32>
      %swap3A_559 = arith.index_cast %scan3A_389 : i32 to index
      %swap3A_560 = arith.constant 112 : index
      %swap3A_561 = tpu.vector_load %arg18[%swap3A_559, %swap3A_560] {strides = array<i32>} : memref<20x128xf32, #tpu.memory_space<vmem>>, vector<1x16xf32>,
      %swap3A_562 = vector.shape_cast %swap3A_561 : vector<1x16xf32> to vector<16xf32>
      %swap3A_563 = vector.shape_cast %add3A_558 : vector<16xf32> to vector<1x16xf32>
      tpu.vector_store %arg18[%swap3A_559, %swap3A_560], %swap3A_563 {strides = array<i32>} : memref<20x128xf32, #tpu.memory_space<vmem>>, vector<1x16xf32>,
    }
    %scan3A_263 = arith.constant 20 : i32
    %mul3A_264 = arith.constant 2500 : i32
    %mul3A_265 = arith.muli %add3A, %mul3A_264 : i32
    %add3A_266 = arith.constant 2460 : i32
    %add3A_267 = arith.addi %mul3A_265, %add3A_266 : i32
    %dma_start3A_268 = arith.constant 0 : i32
    %dma_start3A_269 = tpu.memref_slice %arg8[%add3A_267, %dma_start3A_268] : memref<80000x128xf32, #tpu.memory_space<hbm>> -> memref<20x128xf32, #tpu.memory_space<hbm>>
    %dma_start3A_270 = arith.constant 0 : i32
    %dma_start3A_271 = tpu.memref_slice %arg8[%add3A_267, %dma_start3A_270] : memref<80000x128xf32, #tpu.memory_space<hbm>> -> memref<20x128xf32, #tpu.memory_space<hbm>>
    tpu.enqueue_dma source(%arg18 : memref<20x128xf32, #tpu.memory_space<vmem>>) target(%dma_start3A_271 : memref<20x128xf32, #tpu.memory_space<hbm>>) target_semaphore(%arg27 : memref<!tpu.dma_semaphore, #tpu.memory_space<semaphore_mem>>)
    %dma_start3A_272 = arith.constant 123 : i32
    %dma_start3A_273 = arith.constant 0 : i32
    %dma_start3A_274 = tpu.memref_slice %arg12[%dma_start3A_272, %dma_start3A_273] : memref<125x80xi32, #tpu.memory_space<vmem>> -> memref<1x80xi32, #tpu.memory_space<vmem>>
    %dma_start3A_275 = tpu.memref_squeeze %dma_start3A_274 : memref<1x80xi32, #tpu.memory_space<vmem>> -> memref<80xi32, #tpu.memory_space<vmem>>
    %dma_start3A_276 = arith.constant 0 : i32
    %dma_start3A_277 = arith.constant 0 : i32
    %dma_start3A_278 = tpu.memref_slice %arg20[%dma_start3A_276, %dma_start3A_277] : memref<10000x16xf32, #tpu.memory_space<vmem_shared>> -> memref<10000x16xf32, #tpu.memory_space<vmem_shared>>
    tpu.enqueue_indirect_dma source(%arg19 : memref<80x16xf32, #tpu.memory_space<vmem>>) target(%dma_start3A_278 : memref<10000x16xf32, #tpu.memory_space<vmem_shared>>) offsets(%dma_start3A_275 : memref<80xi32, #tpu.memory_space<vmem>>) semaphore(%arg29 : memref<!tpu.dma_semaphore, #tpu.memory_space<semaphore_mem>>) {add = true}
    %dma_start3A_279 = arith.constant 123 : i32
    %dma_start3A_280 = arith.constant 0 : i32
    %dma_start3A_281 = tpu.memref_slice %arg11[%dma_start3A_279, %dma_start3A_280] : memref<125x80xi32, #tpu.memory_space<vmem>> -> memref<1x80xi32, #tpu.memory_space<vmem>>
    %dma_start3A_282 = tpu.memref_squeeze %dma_start3A_281 : memref<1x80xi32, #tpu.memory_space<vmem>> -> memref<80xi32, #tpu.memory_space<vmem>>
    %dma_start3A_283 = arith.constant 0 : i32
    %dma_start3A_284 = arith.constant 0 : i32
    %dma_start3A_285 = tpu.memref_slice %arg21[%dma_start3A_283, %dma_start3A_284] : memref<10000x16xf32, #tpu.memory_space<vmem_shared>> -> memref<10000x16xf32, #tpu.memory_space<vmem_shared>>
    tpu.enqueue_indirect_dma source(%arg19 : memref<80x16xf32, #tpu.memory_space<vmem>>) target(%dma_start3A_285 : memref<10000x16xf32, #tpu.memory_space<vmem_shared>>) offsets(%dma_start3A_282 : memref<80xi32, #tpu.memory_space<vmem>>) semaphore(%arg31 : memref<!tpu.dma_semaphore, #tpu.memory_space<semaphore_mem>>) {add = true}
    %dma_wait3A_286 = arith.constant 0 : i32
    %dma_wait3A_287 = arith.constant 0 : i32
    %dma_wait3A_288 = tpu.memref_slice %arg11[%dma_wait3A_286, %dma_wait3A_287] : memref<125x80xi32, #tpu.memory_space<vmem>> -> memref<1x80xi32, #tpu.memory_space<vmem>>
    %dma_wait3A_289 = tpu.memref_squeeze %dma_wait3A_288 : memref<1x80xi32, #tpu.memory_space<vmem>> -> memref<80xi32, #tpu.memory_space<vmem>>
    %dma_wait3A_290 = arith.constant 0 : i32
    %dma_wait3A_291 = arith.constant 0 : i32
    %dma_wait3A_292 = tpu.memref_slice %arg2[%dma_wait3A_290, %dma_wait3A_291] : memref<10000x32xf32, #tpu.memory_space<hbm>> -> memref<10000x32xf32, #tpu.memory_space<hbm>>
    tpu.wait_indirect_dma semaphore(%arg22 : memref<!tpu.dma_semaphore, #tpu.memory_space<semaphore_mem>>) src(%dma_wait3A_292 : memref<10000x32xf32, #tpu.memory_space<hbm>>) dst(%arg13 : memref<80x32xf32, #tpu.memory_space<vmem>>)
    %dma_wait3A_293 = arith.constant 0 : i32
    %dma_wait3A_294 = arith.constant 0 : i32
    %dma_wait3A_295 = tpu.memref_slice %arg12[%dma_wait3A_293, %dma_wait3A_294] : memref<125x80xi32, #tpu.memory_space<vmem>> -> memref<1x80xi32, #tpu.memory_space<vmem>>
    %dma_wait3A_296 = tpu.memref_squeeze %dma_wait3A_295 : memref<1x80xi32, #tpu.memory_space<vmem>> -> memref<80xi32, #tpu.memory_space<vmem>>
    %dma_wait3A_297 = arith.constant 0 : i32
    %dma_wait3A_298 = arith.constant 0 : i32
    %dma_wait3A_299 = tpu.memref_slice %arg3[%dma_wait3A_297, %dma_wait3A_298] : memref<10000x32xf32, #tpu.memory_space<hbm>> -> memref<10000x32xf32, #tpu.memory_space<hbm>>
    tpu.wait_indirect_dma semaphore(%arg24 : memref<!tpu.dma_semaphore, #tpu.memory_space<semaphore_mem>>) src(%dma_wait3A_299 : memref<10000x32xf32, #tpu.memory_space<hbm>>) dst(%arg15 : memref<80x32xf32, #tpu.memory_space<vmem>>)
    %dma_wait3A_300 = arith.constant 0 : i32
    %dma_wait3A_301 = arith.constant 0 : i32
    %dma_wait3A_302 = tpu.memref_slice %arg8[%dma_wait3A_300, %dma_wait3A_301] : memref<80000x128xf32, #tpu.memory_space<hbm>> -> memref<20x128xf32, #tpu.memory_space<hbm>>
    %dma_wait3A_303 = arith.constant 0 : i32
    %dma_wait3A_304 = arith.constant 0 : i32
    %dma_wait3A_305 = tpu.memref_slice %arg8[%dma_wait3A_303, %dma_wait3A_304] : memref<80000x128xf32, #tpu.memory_space<hbm>> -> memref<20x128xf32, #tpu.memory_space<hbm>>
    tpu.wait_dma2 semaphore(%arg26 : memref<!tpu.dma_semaphore, #tpu.memory_space<semaphore_mem>>) src(%arg17 : memref<20x128xf32, #tpu.memory_space<vmem>>) dst(%dma_wait3A_305 : memref<20x128xf32, #tpu.memory_space<hbm>>)
    %dma_wait3A_306 = arith.constant 0 : i32
    %dma_wait3A_307 = arith.constant 0 : i32
    %dma_wait3A_308 = tpu.memref_slice %arg12[%dma_wait3A_306, %dma_wait3A_307] : memref<125x80xi32, #tpu.memory_space<vmem>> -> memref<1x80xi32, #tpu.memory_space<vmem>>
    %dma_wait3A_309 = tpu.memref_squeeze %dma_wait3A_308 : memref<1x80xi32, #tpu.memory_space<vmem>> -> memref<80xi32, #tpu.memory_space<vmem>>
    %dma_wait3A_310 = arith.constant 0 : i32
    %dma_wait3A_311 = arith.constant 0 : i32
    %dma_wait3A_312 = tpu.memref_slice %arg20[%dma_wait3A_310, %dma_wait3A_311] : memref<10000x16xf32, #tpu.memory_space<vmem_shared>> -> memref<10000x16xf32, #tpu.memory_space<vmem_shared>>
    tpu.wait_indirect_dma semaphore(%arg28 : memref<!tpu.dma_semaphore, #tpu.memory_space<semaphore_mem>>) src(%arg19 : memref<80x16xf32, #tpu.memory_space<vmem>>) dst(%dma_wait3A_312 : memref<10000x16xf32, #tpu.memory_space<vmem_shared>>)
    %dma_wait3A_313 = arith.constant 0 : i32
    %dma_wait3A_314 = arith.constant 0 : i32
    %dma_wait3A_315 = tpu.memref_slice %arg11[%dma_wait3A_313, %dma_wait3A_314] : memref<125x80xi32, #tpu.memory_space<vmem>> -> memref<1x80xi32, #tpu.memory_space<vmem>>
    %dma_wait3A_316 = tpu.memref_squeeze %dma_wait3A_315 : memref<1x80xi32, #tpu.memory_space<vmem>> -> memref<80xi32, #tpu.memory_space<vmem>>
    %dma_wait3A_317 = arith.constant 0 : i32
    %dma_wait3A_318 = arith.constant 0 : i32
    %dma_wait3A_319 = tpu.memref_slice %arg21[%dma_wait3A_317, %dma_wait3A_318] : memref<10000x16xf32, #tpu.memory_space<vmem_shared>> -> memref<10000x16xf32, #tpu.memory_space<vmem_shared>>
    tpu.wait_indirect_dma semaphore(%arg30 : memref<!tpu.dma_semaphore, #tpu.memory_space<semaphore_mem>>) src(%arg19 : memref<80x16xf32, #tpu.memory_space<vmem>>) dst(%dma_wait3A_319 : memref<10000x16xf32, #tpu.memory_space<vmem_shared>>)
    %scan3A_320 = arith.constant 0 : i32
    %scan3A_321 = arith.constant 0 : i32
    %scan3A_322 = arith.constant 20 : i32
    %scan3A_323 = arith.addi %scan3A_321, %scan3A_322 : i32
    %scan3A_324 = arith.constant 1 : i32
    scf.for %scan3A_389 = %scan3A_321 to %scan3A_323 step %scan3A_324  : i32 {
      %mul3A_390 = arith.constant 4 : i32
      %mul3A_391 = arith.muli %mul3A_390, %scan3A_389 : i32
      %add3A_392 = arith.constant 0 : i32
      %add3A_393 = arith.addi %mul3A_391, %add3A_392 : i32
      %get3A = arith.index_cast %add3A_393 : i32 to index
      %get3A_394 = arith.constant 0 : index
      %get3A_395 = tpu.vector_load %arg13[%get3A, %get3A_394] {strides = array<i32>} : memref<80x32xf32, #tpu.memory_space<vmem>>, vector<1x16xf32>,
      %get3A_396 = vector.shape_cast %get3A_395 : vector<1x16xf32> to vector<16xf32>
      %mul3A_397 = arith.constant 4 : i32
      %mul3A_398 = arith.muli %mul3A_397, %scan3A_389 : i32
      %add3A_399 = arith.constant 0 : i32
      %add3A_400 = arith.addi %mul3A_398, %add3A_399 : i32
      %get3A_401 = arith.index_cast %add3A_400 : i32 to index
      %get3A_402 = arith.constant 0 : index
      %get3A_403 = tpu.vector_load %arg15[%get3A_401, %get3A_402] {strides = array<i32>} : memref<80x32xf32, #tpu.memory_space<vmem>>, vector<1x16xf32>,
      %get3A_404 = vector.shape_cast %get3A_403 : vector<1x16xf32> to vector<16xf32>
      %add3A_405 = arith.addf %get3A_396, %get3A_404 : vector<16xf32>
      %swap3A = arith.index_cast %scan3A_389 : i32 to index
      %swap3A_406 = arith.constant 0 : index
      %swap3A_407 = tpu.vector_load %arg17[%swap3A, %swap3A_406] {strides = array<i32>} : memref<20x128xf32, #tpu.memory_space<vmem>>, vector<1x16xf32>,
      %swap3A_408 = vector.shape_cast %swap3A_407 : vector<1x16xf32> to vector<16xf32>
      %swap3A_409 = vector.shape_cast %add3A_405 : vector<16xf32> to vector<1x16xf32>
      tpu.vector_store %arg17[%swap3A, %swap3A_406], %swap3A_409 {strides = array<i32>} : memref<20x128xf32, #tpu.memory_space<vmem>>, vector<1x16xf32>,
      %mul3A_410 = arith.constant 4 : i32
      %mul3A_411 = arith.muli %mul3A_410, %scan3A_389 : i32
      %add3A_412 = arith.constant 0 : i32
      %add3A_413 = arith.addi %mul3A_411, %add3A_412 : i32
      %get3A_414 = arith.index_cast %add3A_413 : i32 to index
      %get3A_415 = arith.constant 16 : index
      %get3A_416 = tpu.vector_load %arg13[%get3A_414, %get3A_415] {strides = array<i32>} : memref<80x32xf32, #tpu.memory_space<vmem>>, vector<1x16xf32>,
      %get3A_417 = vector.shape_cast %get3A_416 : vector<1x16xf32> to vector<16xf32>
      %mul3A_418 = arith.constant 4 : i32
      %mul3A_419 = arith.muli %mul3A_418, %scan3A_389 : i32
      %add3A_420 = arith.constant 0 : i32
      %add3A_421 = arith.addi %mul3A_419, %add3A_420 : i32
      %get3A_422 = arith.index_cast %add3A_421 : i32 to index
      %get3A_423 = arith.constant 16 : index
      %get3A_424 = tpu.vector_load %arg15[%get3A_422, %get3A_423] {strides = array<i32>} : memref<80x32xf32, #tpu.memory_space<vmem>>, vector<1x16xf32>,
      %get3A_425 = vector.shape_cast %get3A_424 : vector<1x16xf32> to vector<16xf32>
      %add3A_426 = arith.addf %get3A_417, %get3A_425 : vector<16xf32>
      %swap3A_427 = arith.index_cast %scan3A_389 : i32 to index
      %swap3A_428 = arith.constant 16 : index
      %swap3A_429 = tpu.vector_load %arg17[%swap3A_427, %swap3A_428] {strides = array<i32>} : memref<20x128xf32, #tpu.memory_space<vmem>>, vector<1x16xf32>,
      %swap3A_430 = vector.shape_cast %swap3A_429 : vector<1x16xf32> to vector<16xf32>
      %swap3A_431 = vector.shape_cast %add3A_426 : vector<16xf32> to vector<1x16xf32>
      tpu.vector_store %arg17[%swap3A_427, %swap3A_428], %swap3A_431 {strides = array<i32>} : memref<20x128xf32, #tpu.memory_space<vmem>>, vector<1x16xf32>,
      %mul3A_432 = arith.constant 4 : i32
      %mul3A_433 = arith.muli %mul3A_432, %scan3A_389 : i32
      %add3A_434 = arith.constant 1 : i32
      %add3A_435 = arith.addi %mul3A_433, %add3A_434 : i32
      %get3A_436 = arith.index_cast %add3A_435 : i32 to index
      %get3A_437 = arith.constant 0 : index
      %get3A_438 = tpu.vector_load %arg13[%get3A_436, %get3A_437] {strides = array<i32>} : memref<80x32xf32, #tpu.memory_space<vmem>>, vector<1x16xf32>,
      %get3A_439 = vector.shape_cast %get3A_438 : vector<1x16xf32> to vector<16xf32>
      %mul3A_440 = arith.constant 4 : i32
      %mul3A_441 = arith.muli %mul3A_440, %scan3A_389 : i32
      %add3A_442 = arith.constant 1 : i32
      %add3A_443 = arith.addi %mul3A_441, %add3A_442 : i32
      %get3A_444 = arith.index_cast %add3A_443 : i32 to index
      %get3A_445 = arith.constant 0 : index
      %get3A_446 = tpu.vector_load %arg15[%get3A_444, %get3A_445] {strides = array<i32>} : memref<80x32xf32, #tpu.memory_space<vmem>>, vector<1x16xf32>,
      %get3A_447 = vector.shape_cast %get3A_446 : vector<1x16xf32> to vector<16xf32>
      %add3A_448 = arith.addf %get3A_439, %get3A_447 : vector<16xf32>
      %swap3A_449 = arith.index_cast %scan3A_389 : i32 to index
      %swap3A_450 = arith.constant 32 : index
      %swap3A_451 = tpu.vector_load %arg17[%swap3A_449, %swap3A_450] {strides = array<i32>} : memref<20x128xf32, #tpu.memory_space<vmem>>, vector<1x16xf32>,
      %swap3A_452 = vector.shape_cast %swap3A_451 : vector<1x16xf32> to vector<16xf32>
      %swap3A_453 = vector.shape_cast %add3A_448 : vector<16xf32> to vector<1x16xf32>
      tpu.vector_store %arg17[%swap3A_449, %swap3A_450], %swap3A_453 {strides = array<i32>} : memref<20x128xf32, #tpu.memory_space<vmem>>, vector<1x16xf32>,
      %mul3A_454 = arith.constant 4 : i32
      %mul3A_455 = arith.muli %mul3A_454, %scan3A_389 : i32
      %add3A_456 = arith.constant 1 : i32
      %add3A_457 = arith.addi %mul3A_455, %add3A_456 : i32
      %get3A_458 = arith.index_cast %add3A_457 : i32 to index
      %get3A_459 = arith.constant 16 : index
      %get3A_460 = tpu.vector_load %arg13[%get3A_458, %get3A_459] {strides = array<i32>} : memref<80x32xf32, #tpu.memory_space<vmem>>, vector<1x16xf32>,
      %get3A_461 = vector.shape_cast %get3A_460 : vector<1x16xf32> to vector<16xf32>
      %mul3A_462 = arith.constant 4 : i32
      %mul3A_463 = arith.muli %mul3A_462, %scan3A_389 : i32
      %add3A_464 = arith.constant 1 : i32
      %add3A_465 = arith.addi %mul3A_463, %add3A_464 : i32
      %get3A_466 = arith.index_cast %add3A_465 : i32 to index
      %get3A_467 = arith.constant 16 : index
      %get3A_468 = tpu.vector_load %arg15[%get3A_466, %get3A_467] {strides = array<i32>} : memref<80x32xf32, #tpu.memory_space<vmem>>, vector<1x16xf32>,
      %get3A_469 = vector.shape_cast %get3A_468 : vector<1x16xf32> to vector<16xf32>
      %add3A_470 = arith.addf %get3A_461, %get3A_469 : vector<16xf32>
      %swap3A_471 = arith.index_cast %scan3A_389 : i32 to index
      %swap3A_472 = arith.constant 48 : index
      %swap3A_473 = tpu.vector_load %arg17[%swap3A_471, %swap3A_472] {strides = array<i32>} : memref<20x128xf32, #tpu.memory_space<vmem>>, vector<1x16xf32>,
      %swap3A_474 = vector.shape_cast %swap3A_473 : vector<1x16xf32> to vector<16xf32>
      %swap3A_475 = vector.shape_cast %add3A_470 : vector<16xf32> to vector<1x16xf32>
      tpu.vector_store %arg17[%swap3A_471, %swap3A_472], %swap3A_475 {strides = array<i32>} : memref<20x128xf32, #tpu.memory_space<vmem>>, vector<1x16xf32>,
      %mul3A_476 = arith.constant 4 : i32
      %mul3A_477 = arith.muli %mul3A_476, %scan3A_389 : i32
      %add3A_478 = arith.constant 2 : i32
      %add3A_479 = arith.addi %mul3A_477, %add3A_478 : i32
      %get3A_480 = arith.index_cast %add3A_479 : i32 to index
      %get3A_481 = arith.constant 0 : index
      %get3A_482 = tpu.vector_load %arg13[%get3A_480, %get3A_481] {strides = array<i32>} : memref<80x32xf32, #tpu.memory_space<vmem>>, vector<1x16xf32>,
      %get3A_483 = vector.shape_cast %get3A_482 : vector<1x16xf32> to vector<16xf32>
      %mul3A_484 = arith.constant 4 : i32
      %mul3A_485 = arith.muli %mul3A_484, %scan3A_389 : i32
      %add3A_486 = arith.constant 2 : i32
      %add3A_487 = arith.addi %mul3A_485, %add3A_486 : i32
      %get3A_488 = arith.index_cast %add3A_487 : i32 to index
      %get3A_489 = arith.constant 0 : index
      %get3A_490 = tpu.vector_load %arg15[%get3A_488, %get3A_489] {strides = array<i32>} : memref<80x32xf32, #tpu.memory_space<vmem>>, vector<1x16xf32>,
      %get3A_491 = vector.shape_cast %get3A_490 : vector<1x16xf32> to vector<16xf32>
      %add3A_492 = arith.addf %get3A_483, %get3A_491 : vector<16xf32>
      %swap3A_493 = arith.index_cast %scan3A_389 : i32 to index
      %swap3A_494 = arith.constant 64 : index
      %swap3A_495 = tpu.vector_load %arg17[%swap3A_493, %swap3A_494] {strides = array<i32>} : memref<20x128xf32, #tpu.memory_space<vmem>>, vector<1x16xf32>,
      %swap3A_496 = vector.shape_cast %swap3A_495 : vector<1x16xf32> to vector<16xf32>
      %swap3A_497 = vector.shape_cast %add3A_492 : vector<16xf32> to vector<1x16xf32>
      tpu.vector_store %arg17[%swap3A_493, %swap3A_494], %swap3A_497 {strides = array<i32>} : memref<20x128xf32, #tpu.memory_space<vmem>>, vector<1x16xf32>,
      %mul3A_498 = arith.constant 4 : i32
      %mul3A_499 = arith.muli %mul3A_498, %scan3A_389 : i32
      %add3A_500 = arith.constant 2 : i32
      %add3A_501 = arith.addi %mul3A_499, %add3A_500 : i32
      %get3A_502 = arith.index_cast %add3A_501 : i32 to index
      %get3A_503 = arith.constant 16 : index
      %get3A_504 = tpu.vector_load %arg13[%get3A_502, %get3A_503] {strides = array<i32>} : memref<80x32xf32, #tpu.memory_space<vmem>>, vector<1x16xf32>,
      %get3A_505 = vector.shape_cast %get3A_504 : vector<1x16xf32> to vector<16xf32>
      %mul3A_506 = arith.constant 4 : i32
      %mul3A_507 = arith.muli %mul3A_506, %scan3A_389 : i32
      %add3A_508 = arith.constant 2 : i32
      %add3A_509 = arith.addi %mul3A_507, %add3A_508 : i32
      %get3A_510 = arith.index_cast %add3A_509 : i32 to index
      %get3A_511 = arith.constant 16 : index
      %get3A_512 = tpu.vector_load %arg15[%get3A_510, %get3A_511] {strides = array<i32>} : memref<80x32xf32, #tpu.memory_space<vmem>>, vector<1x16xf32>,
      %get3A_513 = vector.shape_cast %get3A_512 : vector<1x16xf32> to vector<16xf32>
      %add3A_514 = arith.addf %get3A_505, %get3A_513 : vector<16xf32>
      %swap3A_515 = arith.index_cast %scan3A_389 : i32 to index
      %swap3A_516 = arith.constant 80 : index
      %swap3A_517 = tpu.vector_load %arg17[%swap3A_515, %swap3A_516] {strides = array<i32>} : memref<20x128xf32, #tpu.memory_space<vmem>>, vector<1x16xf32>,
      %swap3A_518 = vector.shape_cast %swap3A_517 : vector<1x16xf32> to vector<16xf32>
      %swap3A_519 = vector.shape_cast %add3A_514 : vector<16xf32> to vector<1x16xf32>
      tpu.vector_store %arg17[%swap3A_515, %swap3A_516], %swap3A_519 {strides = array<i32>} : memref<20x128xf32, #tpu.memory_space<vmem>>, vector<1x16xf32>,
      %mul3A_520 = arith.constant 4 : i32
      %mul3A_521 = arith.muli %mul3A_520, %scan3A_389 : i32
      %add3A_522 = arith.constant 3 : i32
      %add3A_523 = arith.addi %mul3A_521, %add3A_522 : i32
      %get3A_524 = arith.index_cast %add3A_523 : i32 to index
      %get3A_525 = arith.constant 0 : index
      %get3A_526 = tpu.vector_load %arg13[%get3A_524, %get3A_525] {strides = array<i32>} : memref<80x32xf32, #tpu.memory_space<vmem>>, vector<1x16xf32>,
      %get3A_527 = vector.shape_cast %get3A_526 : vector<1x16xf32> to vector<16xf32>
      %mul3A_528 = arith.constant 4 : i32
      %mul3A_529 = arith.muli %mul3A_528, %scan3A_389 : i32
      %add3A_530 = arith.constant 3 : i32
      %add3A_531 = arith.addi %mul3A_529, %add3A_530 : i32
      %get3A_532 = arith.index_cast %add3A_531 : i32 to index
      %get3A_533 = arith.constant 0 : index
      %get3A_534 = tpu.vector_load %arg15[%get3A_532, %get3A_533] {strides = array<i32>} : memref<80x32xf32, #tpu.memory_space<vmem>>, vector<1x16xf32>,
      %get3A_535 = vector.shape_cast %get3A_534 : vector<1x16xf32> to vector<16xf32>
      %add3A_536 = arith.addf %get3A_527, %get3A_535 : vector<16xf32>
      %swap3A_537 = arith.index_cast %scan3A_389 : i32 to index
      %swap3A_538 = arith.constant 96 : index
      %swap3A_539 = tpu.vector_load %arg17[%swap3A_537, %swap3A_538] {strides = array<i32>} : memref<20x128xf32, #tpu.memory_space<vmem>>, vector<1x16xf32>,
      %swap3A_540 = vector.shape_cast %swap3A_539 : vector<1x16xf32> to vector<16xf32>
      %swap3A_541 = vector.shape_cast %add3A_536 : vector<16xf32> to vector<1x16xf32>
      tpu.vector_store %arg17[%swap3A_537, %swap3A_538], %swap3A_541 {strides = array<i32>} : memref<20x128xf32, #tpu.memory_space<vmem>>, vector<1x16xf32>,
      %mul3A_542 = arith.constant 4 : i32
      %mul3A_543 = arith.muli %mul3A_542, %scan3A_389 : i32
      %add3A_544 = arith.constant 3 : i32
      %add3A_545 = arith.addi %mul3A_543, %add3A_544 : i32
      %get3A_546 = arith.index_cast %add3A_545 : i32 to index
      %get3A_547 = arith.constant 16 : index
      %get3A_548 = tpu.vector_load %arg13[%get3A_546, %get3A_547] {strides = array<i32>} : memref<80x32xf32, #tpu.memory_space<vmem>>, vector<1x16xf32>,
      %get3A_549 = vector.shape_cast %get3A_548 : vector<1x16xf32> to vector<16xf32>
      %mul3A_550 = arith.constant 4 : i32
      %mul3A_551 = arith.muli %mul3A_550, %scan3A_389 : i32
      %add3A_552 = arith.constant 3 : i32
      %add3A_553 = arith.addi %mul3A_551, %add3A_552 : i32
      %get3A_554 = arith.index_cast %add3A_553 : i32 to index
      %get3A_555 = arith.constant 16 : index
      %get3A_556 = tpu.vector_load %arg15[%get3A_554, %get3A_555] {strides = array<i32>} : memref<80x32xf32, #tpu.memory_space<vmem>>, vector<1x16xf32>,
      %get3A_557 = vector.shape_cast %get3A_556 : vector<1x16xf32> to vector<16xf32>
      %add3A_558 = arith.addf %get3A_549, %get3A_557 : vector<16xf32>
      %swap3A_559 = arith.index_cast %scan3A_389 : i32 to index
      %swap3A_560 = arith.constant 112 : index
      %swap3A_561 = tpu.vector_load %arg17[%swap3A_559, %swap3A_560] {strides = array<i32>} : memref<20x128xf32, #tpu.memory_space<vmem>>, vector<1x16xf32>,
      %swap3A_562 = vector.shape_cast %swap3A_561 : vector<1x16xf32> to vector<16xf32>
      %swap3A_563 = vector.shape_cast %add3A_558 : vector<16xf32> to vector<1x16xf32>
      tpu.vector_store %arg17[%swap3A_559, %swap3A_560], %swap3A_563 {strides = array<i32>} : memref<20x128xf32, #tpu.memory_space<vmem>>, vector<1x16xf32>,
    }
    %scan3A_325 = arith.constant 20 : i32
    %mul3A_326 = arith.constant 2500 : i32
    %mul3A_327 = arith.muli %add3A, %mul3A_326 : i32
    %add3A_328 = arith.constant 2480 : i32
    %add3A_329 = arith.addi %mul3A_327, %add3A_328 : i32
    %dma_start3A_330 = arith.constant 0 : i32
    %dma_start3A_331 = tpu.memref_slice %arg8[%add3A_329, %dma_start3A_330] : memref<80000x128xf32, #tpu.memory_space<hbm>> -> memref<20x128xf32, #tpu.memory_space<hbm>>
    %dma_start3A_332 = arith.constant 0 : i32
    %dma_start3A_333 = tpu.memref_slice %arg8[%add3A_329, %dma_start3A_332] : memref<80000x128xf32, #tpu.memory_space<hbm>> -> memref<20x128xf32, #tpu.memory_space<hbm>>
    tpu.enqueue_dma source(%arg17 : memref<20x128xf32, #tpu.memory_space<vmem>>) target(%dma_start3A_333 : memref<20x128xf32, #tpu.memory_space<hbm>>) target_semaphore(%arg26 : memref<!tpu.dma_semaphore, #tpu.memory_space<semaphore_mem>>)
    %dma_start3A_334 = arith.constant 124 : i32
    %dma_start3A_335 = arith.constant 0 : i32
    %dma_start3A_336 = tpu.memref_slice %arg12[%dma_start3A_334, %dma_start3A_335] : memref<125x80xi32, #tpu.memory_space<vmem>> -> memref<1x80xi32, #tpu.memory_space<vmem>>
    %dma_start3A_337 = tpu.memref_squeeze %dma_start3A_336 : memref<1x80xi32, #tpu.memory_space<vmem>> -> memref<80xi32, #tpu.memory_space<vmem>>
    %dma_start3A_338 = arith.constant 0 : i32
    %dma_start3A_339 = arith.constant 0 : i32
    %dma_start3A_340 = tpu.memref_slice %arg20[%dma_start3A_338, %dma_start3A_339] : memref<10000x16xf32, #tpu.memory_space<vmem_shared>> -> memref<10000x16xf32, #tpu.memory_space<vmem_shared>>
    tpu.enqueue_indirect_dma source(%arg19 : memref<80x16xf32, #tpu.memory_space<vmem>>) target(%dma_start3A_340 : memref<10000x16xf32, #tpu.memory_space<vmem_shared>>) offsets(%dma_start3A_337 : memref<80xi32, #tpu.memory_space<vmem>>) semaphore(%arg28 : memref<!tpu.dma_semaphore, #tpu.memory_space<semaphore_mem>>) {add = true}
    %dma_start3A_341 = arith.constant 124 : i32
    %dma_start3A_342 = arith.constant 0 : i32
    %dma_start3A_343 = tpu.memref_slice %arg11[%dma_start3A_341, %dma_start3A_342] : memref<125x80xi32, #tpu.memory_space<vmem>> -> memref<1x80xi32, #tpu.memory_space<vmem>>
    %dma_start3A_344 = tpu.memref_squeeze %dma_start3A_343 : memref<1x80xi32, #tpu.memory_space<vmem>> -> memref<80xi32, #tpu.memory_space<vmem>>
    %dma_start3A_345 = arith.constant 0 : i32
    %dma_start3A_346 = arith.constant 0 : i32
    %dma_start3A_347 = tpu.memref_slice %arg21[%dma_start3A_345, %dma_start3A_346] : memref<10000x16xf32, #tpu.memory_space<vmem_shared>> -> memref<10000x16xf32, #tpu.memory_space<vmem_shared>>
    tpu.enqueue_indirect_dma source(%arg19 : memref<80x16xf32, #tpu.memory_space<vmem>>) target(%dma_start3A_347 : memref<10000x16xf32, #tpu.memory_space<vmem_shared>>) offsets(%dma_start3A_344 : memref<80xi32, #tpu.memory_space<vmem>>) semaphore(%arg30 : memref<!tpu.dma_semaphore, #tpu.memory_space<semaphore_mem>>) {add = true}
    %dma_wait3A_348 = arith.constant 0 : i32
    %dma_wait3A_349 = arith.constant 0 : i32
    %dma_wait3A_350 = tpu.memref_slice %arg8[%dma_wait3A_348, %dma_wait3A_349] : memref<80000x128xf32, #tpu.memory_space<hbm>> -> memref<20x128xf32, #tpu.memory_space<hbm>>
    %dma_wait3A_351 = arith.constant 0 : i32
    %dma_wait3A_352 = arith.constant 0 : i32
    %dma_wait3A_353 = tpu.memref_slice %arg8[%dma_wait3A_351, %dma_wait3A_352] : memref<80000x128xf32, #tpu.memory_space<hbm>> -> memref<20x128xf32, #tpu.memory_space<hbm>>
    tpu.wait_dma2 semaphore(%arg27 : memref<!tpu.dma_semaphore, #tpu.memory_space<semaphore_mem>>) src(%arg18 : memref<20x128xf32, #tpu.memory_space<vmem>>) dst(%dma_wait3A_353 : memref<20x128xf32, #tpu.memory_space<hbm>>)
    %dma_wait3A_354 = arith.constant 0 : i32
    %dma_wait3A_355 = arith.constant 0 : i32
    %dma_wait3A_356 = tpu.memref_slice %arg8[%dma_wait3A_354, %dma_wait3A_355] : memref<80000x128xf32, #tpu.memory_space<hbm>> -> memref<20x128xf32, #tpu.memory_space<hbm>>
    %dma_wait3A_357 = arith.constant 0 : i32
    %dma_wait3A_358 = arith.constant 0 : i32
    %dma_wait3A_359 = tpu.memref_slice %arg8[%dma_wait3A_357, %dma_wait3A_358] : memref<80000x128xf32, #tpu.memory_space<hbm>> -> memref<20x128xf32, #tpu.memory_space<hbm>>
    tpu.wait_dma2 semaphore(%arg26 : memref<!tpu.dma_semaphore, #tpu.memory_space<semaphore_mem>>) src(%arg17 : memref<20x128xf32, #tpu.memory_space<vmem>>) dst(%dma_wait3A_359 : memref<20x128xf32, #tpu.memory_space<hbm>>)
    %dma_wait3A_360 = arith.constant 0 : i32
    %dma_wait3A_361 = arith.constant 0 : i32
    %dma_wait3A_362 = tpu.memref_slice %arg12[%dma_wait3A_360, %dma_wait3A_361] : memref<125x80xi32, #tpu.memory_space<vmem>> -> memref<1x80xi32, #tpu.memory_space<vmem>>
    %dma_wait3A_363 = tpu.memref_squeeze %dma_wait3A_362 : memref<1x80xi32, #tpu.memory_space<vmem>> -> memref<80xi32, #tpu.memory_space<vmem>>
    %dma_wait3A_364 = arith.constant 0 : i32
    %dma_wait3A_365 = arith.constant 0 : i32
    %dma_wait3A_366 = tpu.memref_slice %arg20[%dma_wait3A_364, %dma_wait3A_365] : memref<10000x16xf32, #tpu.memory_space<vmem_shared>> -> memref<10000x16xf32, #tpu.memory_space<vmem_shared>>
    tpu.wait_indirect_dma semaphore(%arg29 : memref<!tpu.dma_semaphore, #tpu.memory_space<semaphore_mem>>) src(%arg19 : memref<80x16xf32, #tpu.memory_space<vmem>>) dst(%dma_wait3A_366 : memref<10000x16xf32, #tpu.memory_space<vmem_shared>>)
    %dma_wait3A_367 = arith.constant 0 : i32
    %dma_wait3A_368 = arith.constant 0 : i32
    %dma_wait3A_369 = tpu.memref_slice %arg11[%dma_wait3A_367, %dma_wait3A_368] : memref<125x80xi32, #tpu.memory_space<vmem>> -> memref<1x80xi32, #tpu.memory_space<vmem>>
    %dma_wait3A_370 = tpu.memref_squeeze %dma_wait3A_369 : memref<1x80xi32, #tpu.memory_space<vmem>> -> memref<80xi32, #tpu.memory_space<vmem>>
    %dma_wait3A_371 = arith.constant 0 : i32
    %dma_wait3A_372 = arith.constant 0 : i32
    %dma_wait3A_373 = tpu.memref_slice %arg21[%dma_wait3A_371, %dma_wait3A_372] : memref<10000x16xf32, #tpu.memory_space<vmem_shared>> -> memref<10000x16xf32, #tpu.memory_space<vmem_shared>>
    tpu.wait_indirect_dma semaphore(%arg31 : memref<!tpu.dma_semaphore, #tpu.memory_space<semaphore_mem>>) src(%arg19 : memref<80x16xf32, #tpu.memory_space<vmem>>) dst(%dma_wait3A_373 : memref<10000x16xf32, #tpu.memory_space<vmem_shared>>)
    %dma_wait3A_374 = arith.constant 0 : i32
    %dma_wait3A_375 = arith.constant 0 : i32
    %dma_wait3A_376 = tpu.memref_slice %arg12[%dma_wait3A_374, %dma_wait3A_375] : memref<125x80xi32, #tpu.memory_space<vmem>> -> memref<1x80xi32, #tpu.memory_space<vmem>>
    %dma_wait3A_377 = tpu.memref_squeeze %dma_wait3A_376 : memref<1x80xi32, #tpu.memory_space<vmem>> -> memref<80xi32, #tpu.memory_space<vmem>>
    %dma_wait3A_378 = arith.constant 0 : i32
    %dma_wait3A_379 = arith.constant 0 : i32
    %dma_wait3A_380 = tpu.memref_slice %arg20[%dma_wait3A_378, %dma_wait3A_379] : memref<10000x16xf32, #tpu.memory_space<vmem_shared>> -> memref<10000x16xf32, #tpu.memory_space<vmem_shared>>
    tpu.wait_indirect_dma semaphore(%arg28 : memref<!tpu.dma_semaphore, #tpu.memory_space<semaphore_mem>>) src(%arg19 : memref<80x16xf32, #tpu.memory_space<vmem>>) dst(%dma_wait3A_380 : memref<10000x16xf32, #tpu.memory_space<vmem_shared>>)
    %dma_wait3A_381 = arith.constant 0 : i32
    %dma_wait3A_382 = arith.constant 0 : i32
    %dma_wait3A_383 = tpu.memref_slice %arg11[%dma_wait3A_381, %dma_wait3A_382] : memref<125x80xi32, #tpu.memory_space<vmem>> -> memref<1x80xi32, #tpu.memory_space<vmem>>
    %dma_wait3A_384 = tpu.memref_squeeze %dma_wait3A_383 : memref<1x80xi32, #tpu.memory_space<vmem>> -> memref<80xi32, #tpu.memory_space<vmem>>
    %dma_wait3A_385 = arith.constant 0 : i32
    %dma_wait3A_386 = arith.constant 0 : i32
    %dma_wait3A_387 = tpu.memref_slice %arg21[%dma_wait3A_385, %dma_wait3A_386] : memref<10000x16xf32, #tpu.memory_space<vmem_shared>> -> memref<10000x16xf32, #tpu.memory_space<vmem_shared>>
    tpu.wait_indirect_dma semaphore(%arg30 : memref<!tpu.dma_semaphore, #tpu.memory_space<semaphore_mem>>) src(%arg19 : memref<80x16xf32, #tpu.memory_space<vmem>>) dst(%dma_wait3A_387 : memref<10000x16xf32, #tpu.memory_space<vmem_shared>>)
    %barrier3A_388 = arith.constant 0 : index
    tpu.barrier barrier_id(%barrier3A_388)
    "tpu.region"() ({
      %run_scoped3A = tpu.sem_alloc : memref<!tpu.dma_semaphore, #tpu.memory_space<semaphore_mem>>
      %dma_start3A_389 = arith.constant 0 : i32
      %dma_start3A_390 = arith.constant 0 : i32
      %dma_start3A_391 = tpu.memref_slice %arg9[%arg0, %dma_start3A_389, %dma_start3A_390] : memref<2x10000x16xf32, #tpu.memory_space<hbm>> -> memref<1x10000x16xf32, #tpu.memory_space<hbm>>
      %dma_start3A_392 = tpu.memref_squeeze %dma_start3A_391 : memref<1x10000x16xf32, #tpu.memory_space<hbm>> -> memref<10000x16xf32, #tpu.memory_space<hbm>>
      %dma_start3A_393 = arith.constant 0 : i32
      %dma_start3A_394 = tpu.memref_slice %dma_start3A_392[%mul3A_4, %dma_start3A_393] : memref<10000x16xf32, #tpu.memory_space<hbm>> -> memref<625x16xf32, #tpu.memory_space<hbm>>
      %dma_start3A_395 = arith.constant 0 : i32
      %dma_start3A_396 = tpu.memref_slice %arg20[%mul3A_4, %dma_start3A_395] : memref<10000x16xf32, #tpu.memory_space<vmem_shared>> -> memref<625x16xf32, #tpu.memory_space<vmem_shared>>
      tpu.enqueue_dma source(%dma_start3A_396 : memref<625x16xf32, #tpu.memory_space<vmem_shared>>) target(%dma_start3A_394 : memref<625x16xf32, #tpu.memory_space<hbm>>) target_semaphore(%run_scoped3A : memref<!tpu.dma_semaphore, #tpu.memory_space<semaphore_mem>>)
      %dma_wait3A_397 = arith.constant 0 : i32
      %dma_wait3A_398 = arith.constant 0 : i32
      %dma_wait3A_399 = tpu.memref_slice %arg9[%arg0, %dma_wait3A_397, %dma_wait3A_398] : memref<2x10000x16xf32, #tpu.memory_space<hbm>> -> memref<1x10000x16xf32, #tpu.memory_space<hbm>>
      %dma_wait3A_400 = tpu.memref_squeeze %dma_wait3A_399 : memref<1x10000x16xf32, #tpu.memory_space<hbm>> -> memref<10000x16xf32, #tpu.memory_space<hbm>>
      %dma_wait3A_401 = arith.constant 0 : i32
      %dma_wait3A_402 = tpu.memref_slice %dma_wait3A_400[%mul3A_4, %dma_wait3A_401] : memref<10000x16xf32, #tpu.memory_space<hbm>> -> memref<625x16xf32, #tpu.memory_space<hbm>>
      %dma_wait3A_403 = arith.constant 0 : i32
      %dma_wait3A_404 = tpu.memref_slice %arg20[%mul3A_4, %dma_wait3A_403] : memref<10000x16xf32, #tpu.memory_space<vmem_shared>> -> memref<625x16xf32, #tpu.memory_space<vmem_shared>>
      tpu.wait_dma2 semaphore(%run_scoped3A : memref<!tpu.dma_semaphore, #tpu.memory_space<semaphore_mem>>) src(%dma_wait3A_404 : memref<625x16xf32, #tpu.memory_space<vmem_shared>>) dst(%dma_wait3A_402 : memref<625x16xf32, #tpu.memory_space<hbm>>)
      tpu.yield
    }) : () -> ()
    "tpu.region"() ({
      %run_scoped3A = tpu.sem_alloc : memref<!tpu.dma_semaphore, #tpu.memory_space<semaphore_mem>>
      %dma_start3A_389 = arith.constant 0 : i32
      %dma_start3A_390 = arith.constant 0 : i32
      %dma_start3A_391 = tpu.memref_slice %arg10[%arg0, %dma_start3A_389, %dma_start3A_390] : memref<2x10000x16xf32, #tpu.memory_space<hbm>> -> memref<1x10000x16xf32, #tpu.memory_space<hbm>>
      %dma_start3A_392 = tpu.memref_squeeze %dma_start3A_391 : memref<1x10000x16xf32, #tpu.memory_space<hbm>> -> memref<10000x16xf32, #tpu.memory_space<hbm>>
      %dma_start3A_393 = arith.constant 0 : i32
      %dma_start3A_394 = tpu.memref_slice %dma_start3A_392[%mul3A_4, %dma_start3A_393] : memref<10000x16xf32, #tpu.memory_space<hbm>> -> memref<625x16xf32, #tpu.memory_space<hbm>>
      %dma_start3A_395 = arith.constant 0 : i32
      %dma_start3A_396 = tpu.memref_slice %arg21[%mul3A_4, %dma_start3A_395] : memref<10000x16xf32, #tpu.memory_space<vmem_shared>> -> memref<625x16xf32, #tpu.memory_space<vmem_shared>>
      tpu.enqueue_dma source(%dma_start3A_396 : memref<625x16xf32, #tpu.memory_space<vmem_shared>>) target(%dma_start3A_394 : memref<625x16xf32, #tpu.memory_space<hbm>>) target_semaphore(%run_scoped3A : memref<!tpu.dma_semaphore, #tpu.memory_space<semaphore_mem>>)
      %dma_wait3A_397 = arith.constant 0 : i32
      %dma_wait3A_398 = arith.constant 0 : i32
      %dma_wait3A_399 = tpu.memref_slice %arg10[%arg0, %dma_wait3A_397, %dma_wait3A_398] : memref<2x10000x16xf32, #tpu.memory_space<hbm>> -> memref<1x10000x16xf32, #tpu.memory_space<hbm>>
      %dma_wait3A_400 = tpu.memref_squeeze %dma_wait3A_399 : memref<1x10000x16xf32, #tpu.memory_space<hbm>> -> memref<10000x16xf32, #tpu.memory_space<hbm>>
      %dma_wait3A_401 = arith.constant 0 : i32
      %dma_wait3A_402 = tpu.memref_slice %dma_wait3A_400[%mul3A_4, %dma_wait3A_401] : memref<10000x16xf32, #tpu.memory_space<hbm>> -> memref<625x16xf32, #tpu.memory_space<hbm>>
      %dma_wait3A_403 = arith.constant 0 : i32
      %dma_wait3A_404 = tpu.memref_slice %arg21[%mul3A_4, %dma_wait3A_403] : memref<10000x16xf32, #tpu.memory_space<vmem_shared>> -> memref<625x16xf32, #tpu.memory_space<vmem_shared>>
      tpu.wait_dma2 semaphore(%run_scoped3A : memref<!tpu.dma_semaphore, #tpu.memory_space<semaphore_mem>>) src(%dma_wait3A_404 : memref<625x16xf32, #tpu.memory_space<vmem_shared>>) dst(%dma_wait3A_402 : memref<625x16xf32, #tpu.memory_space<hbm>>)
      tpu.yield
    }) : () -> ()
    return
  }
}

module attributes {stable_mosaic.version = 14 : i64} {
  func.func @_k1_body(%arg0: i32, %arg1: memref<1000x128xf32, #tpu.memory_space<vmem>>, %arg2: memref<1000x1xi32, #tpu.memory_space<vmem>>, %arg3: memref<128x32xf32, #tpu.memory_space<vmem>>, %arg4: memref<128x32xf32, #tpu.memory_space<vmem>>, %arg5: memref<32x32xf32, #tpu.memory_space<vmem>>, %arg6: memref<8x32xf32, #tpu.memory_space<vmem>>, %arg7: memref<1x32xf32, #tpu.memory_space<vmem>>, %arg8: memref<1000x32xf32, #tpu.memory_space<vmem>>, %arg9: memref<1000x32xf32, #tpu.memory_space<vmem>>) attributes {dimension_semantics = [#tpu.dimension_semantics<arbitrary>], iteration_bounds = array<i64: 10>, scalar_prefetch = 0 : i64, scratch_operands = 0 : i64, tpu.core_type = #tpu.core_type<tc>, window_params = [{transform_indices = @transform_0, window_bounds = array<i64: 1000, 128>}, {transform_indices = @transform_1, window_bounds = array<i64: 1000, 1>}, {pipeline_mode = #tpu.pipeline_mode<synchronous>, transform_indices = @transform_2, window_bounds = array<i64: 128, 32>}, {pipeline_mode = #tpu.pipeline_mode<synchronous>, transform_indices = @transform_3, window_bounds = array<i64: 128, 32>}, {pipeline_mode = #tpu.pipeline_mode<synchronous>, transform_indices = @transform_4, window_bounds = array<i64: 32, 32>}, {pipeline_mode = #tpu.pipeline_mode<synchronous>, transform_indices = @transform_5, window_bounds = array<i64: 8, 32>}, {pipeline_mode = #tpu.pipeline_mode<synchronous>, transform_indices = @transform_6, window_bounds = array<i64: 1, 32>}, {transform_indices = @transform_7, window_bounds = array<i64: 1000, 32>}, {transform_indices = @transform_8, window_bounds = array<i64: 1000, 32>}]} {
    %get3A = arith.constant 0 : index
    %get3A_0 = arith.constant 0 : index
    %get3A_1 = vector.load %arg1[%get3A, %get3A_0] : memref<1000x128xf32, #tpu.memory_space<vmem>>, vector<1000x128xf32>
    %get3A_2 = arith.constant 0 : index
    %get3A_3 = arith.constant 0 : index
    %get3A_4 = vector.load %arg2[%get3A_2, %get3A_3] : memref<1000x1xi32, #tpu.memory_space<vmem>>, vector<1000x1xi32>
    %iota3A = tpu.iota {dimensions = array<i32: 1>} : vector<1x8xi32>
    %eq3A = vector.broadcast %get3A_4 : vector<1000x1xi32> to vector<1000x8xi32>
    %eq3A_5 = vector.broadcast %iota3A : vector<1x8xi32> to vector<1000x8xi32>
    %eq3A_6 = arith.cmpi eq, %eq3A, %eq3A_5 : vector<1000x8xi32>
    %convert_element_type3A = arith.extui %eq3A_6 : vector<1000x8xi1> to vector<1000x8xi32>
    %convert_element_type3A_7 = arith.sitofp %convert_element_type3A : vector<1000x8xi32> to vector<1000x8xf32>
    %get3A_8 = arith.constant 0 : index
    %get3A_9 = arith.constant 0 : index
    %get3A_10 = vector.load %arg6[%get3A_8, %get3A_9] : memref<8x32xf32, #tpu.memory_space<vmem>>, vector<8x32xf32>
    %get3A_11 = arith.constant 0 : index
    %get3A_12 = arith.constant 0 : index
    %get3A_13 = vector.load %arg5[%get3A_11, %get3A_12] : memref<32x32xf32, #tpu.memory_space<vmem>>, vector<32x32xf32>
    %dot_general3A = arith.constant dense<0.000000e+00> : vector<8x32xf32>
    %dot_general3A_14 = tpu.matmul %get3A_10, %get3A_13, %dot_general3A {dimension_numbers = #tpu.dot_dimension_numbers<[1], [0], [0], [1], [0, 0, 1, 1], [], []>, transpose_lhs_hint = false} : vector<8x32xf32>, vector<32x32xf32>, vector<8x32xf32> -> vector<8x32xf32>
    %get3A_15 = arith.constant 0 : index
    %get3A_16 = arith.constant 0 : index
    %get3A_17 = vector.load %arg3[%get3A_15, %get3A_16] : memref<128x32xf32, #tpu.memory_space<vmem>>, vector<128x32xf32>
    %dot_general3A_18 = arith.constant dense<0.000000e+00> : vector<1000x32xf32>
    %dot_general3A_19 = tpu.matmul %get3A_1, %get3A_17, %dot_general3A_18 {dimension_numbers = #tpu.dot_dimension_numbers<[1], [0], [0], [1], [0, 0, 1, 1], [], []>, transpose_lhs_hint = false} : vector<1000x128xf32>, vector<128x32xf32>, vector<1000x32xf32> -> vector<1000x32xf32>
    %dot_general3A_20 = arith.constant dense<0.000000e+00> : vector<1000x32xf32>
    %dot_general3A_21 = tpu.matmul %convert_element_type3A_7, %dot_general3A_14, %dot_general3A_20 {dimension_numbers = #tpu.dot_dimension_numbers<[1], [0], [0], [1], [0, 0, 1, 1], [], []>, transpose_lhs_hint = false} : vector<1000x8xf32>, vector<8x32xf32>, vector<1000x32xf32> -> vector<1000x32xf32>
    %add3A = arith.addf %dot_general3A_19, %dot_general3A_21 : vector<1000x32xf32>
    %get3A_22 = arith.constant 0 : index
    %get3A_23 = arith.constant 0 : index
    %get3A_24 = vector.load %arg7[%get3A_22, %get3A_23] : memref<1x32xf32, #tpu.memory_space<vmem>>, vector<1x32xf32>
    %add3A_25 = vector.broadcast %get3A_24 : vector<1x32xf32> to vector<1000x32xf32>
    %add3A_26 = arith.addf %add3A, %add3A_25 : vector<1000x32xf32>
    %swap3A = arith.constant 0 : index
    %swap3A_27 = arith.constant 0 : index
    %swap3A_28 = vector.load %arg8[%swap3A, %swap3A_27] : memref<1000x32xf32, #tpu.memory_space<vmem>>, vector<1000x32xf32>
    tpu.vector_store %arg8[%swap3A, %swap3A_27], %add3A_26 {strides = array<i32>} : memref<1000x32xf32, #tpu.memory_space<vmem>>, vector<1000x32xf32>,
    %get3A_29 = arith.constant 0 : index
    %get3A_30 = arith.constant 0 : index
    %get3A_31 = vector.load %arg4[%get3A_29, %get3A_30] : memref<128x32xf32, #tpu.memory_space<vmem>>, vector<128x32xf32>
    %dot_general3A_32 = arith.constant dense<0.000000e+00> : vector<1000x32xf32>
    %dot_general3A_33 = tpu.matmul %get3A_1, %get3A_31, %dot_general3A_32 {dimension_numbers = #tpu.dot_dimension_numbers<[1], [0], [0], [1], [0, 0, 1, 1], [], []>, transpose_lhs_hint = false} : vector<1000x128xf32>, vector<128x32xf32>, vector<1000x32xf32> -> vector<1000x32xf32>
    %swap3A_34 = arith.constant 0 : index
    %swap3A_35 = arith.constant 0 : index
    %swap3A_36 = vector.load %arg9[%swap3A_34, %swap3A_35] : memref<1000x32xf32, #tpu.memory_space<vmem>>, vector<1000x32xf32>
    tpu.vector_store %arg9[%swap3A_34, %swap3A_35], %dot_general3A_33 {strides = array<i32>} : memref<1000x32xf32, #tpu.memory_space<vmem>>, vector<1000x32xf32>,
    return
  }
  func.func @transform_0(%arg0: i32) -> (i32, i32) {
    %c0_i32 = arith.constant 0 : i32
    %c0_i32_0 = arith.constant 0 : i32
    return %arg0, %c0_i32 : i32, i32
  }
  func.func @transform_1(%arg0: i32) -> (i32, i32) {
    %c0_i32 = arith.constant 0 : i32
    %c0_i32_0 = arith.constant 0 : i32
    return %arg0, %c0_i32 : i32, i32
  }
  func.func @transform_2(%arg0: i32) -> (i32, i32) {
    %c0_i32 = arith.constant 0 : i32
    %c0_i32_0 = arith.constant 0 : i32
    %c0_i32_1 = arith.constant 0 : i32
    return %c0_i32, %c0_i32_0 : i32, i32
  }
  func.func @transform_3(%arg0: i32) -> (i32, i32) {
    %c0_i32 = arith.constant 0 : i32
    %c0_i32_0 = arith.constant 0 : i32
    %c0_i32_1 = arith.constant 0 : i32
    return %c0_i32, %c0_i32_0 : i32, i32
  }
  func.func @transform_4(%arg0: i32) -> (i32, i32) {
    %c0_i32 = arith.constant 0 : i32
    %c0_i32_0 = arith.constant 0 : i32
    %c0_i32_1 = arith.constant 0 : i32
    return %c0_i32, %c0_i32_0 : i32, i32
  }
  func.func @transform_5(%arg0: i32) -> (i32, i32) {
    %c0_i32 = arith.constant 0 : i32
    %c0_i32_0 = arith.constant 0 : i32
    %c0_i32_1 = arith.constant 0 : i32
    return %c0_i32, %c0_i32_0 : i32, i32
  }
  func.func @transform_6(%arg0: i32) -> (i32, i32) {
    %c0_i32 = arith.constant 0 : i32
    %c0_i32_0 = arith.constant 0 : i32
    %c0_i32_1 = arith.constant 0 : i32
    return %c0_i32, %c0_i32_0 : i32, i32
  }
  func.func @transform_7(%arg0: i32) -> (i32, i32) {
    %c0_i32 = arith.constant 0 : i32
    %c0_i32_0 = arith.constant 0 : i32
    return %arg0, %c0_i32 : i32, i32
  }
  func.func @transform_8(%arg0: i32) -> (i32, i32) {
    %c0_i32 = arith.constant 0 : i32
    %c0_i32_0 = arith.constant 0 : i32
    return %arg0, %c0_i32 : i32, i32
  }
}

module attributes {stable_mosaic.version = 14 : i64} {
  func.func @_k3_body(%arg0: i32, %arg1: memref<4000x128xf32, #tpu.memory_space<vmem>>, %arg2: memref<4000x64xf32, #tpu.memory_space<vmem>>, %arg3: memref<64x128xf32, #tpu.memory_space<vmem>>, %arg4: memref<128x128xf32, #tpu.memory_space<vmem>>, %arg5: memref<1x128xf32, #tpu.memory_space<vmem>>, %arg6: memref<128x128xf32, #tpu.memory_space<vmem>>, %arg7: memref<1x128xf32, #tpu.memory_space<vmem>>, %arg8: memref<4000x128xf32, #tpu.memory_space<vmem>>) attributes {dimension_semantics = [#tpu.dimension_semantics<arbitrary>], iteration_bounds = array<i64: 20>, scalar_prefetch = 0 : i64, scratch_operands = 0 : i64, tpu.core_type = #tpu.core_type<tc>, window_params = [{transform_indices = @transform_0, window_bounds = array<i64: 4000, 128>}, {transform_indices = @transform_1, window_bounds = array<i64: 4000, 64>}, {pipeline_mode = #tpu.pipeline_mode<synchronous>, transform_indices = @transform_2, window_bounds = array<i64: 64, 128>}, {pipeline_mode = #tpu.pipeline_mode<synchronous>, transform_indices = @transform_3, window_bounds = array<i64: 128, 128>}, {pipeline_mode = #tpu.pipeline_mode<synchronous>, transform_indices = @transform_4, window_bounds = array<i64: 1, 128>}, {pipeline_mode = #tpu.pipeline_mode<synchronous>, transform_indices = @transform_5, window_bounds = array<i64: 128, 128>}, {pipeline_mode = #tpu.pipeline_mode<synchronous>, transform_indices = @transform_6, window_bounds = array<i64: 1, 128>}, {transform_indices = @transform_7, window_bounds = array<i64: 4000, 128>}]} {
    %get3A = arith.constant 0 : index
    %get3A_0 = arith.constant 0 : index
    %get3A_1 = vector.load %arg2[%get3A, %get3A_0] : memref<4000x64xf32, #tpu.memory_space<vmem>>, vector<4000x64xf32>
    %get3A_2 = arith.constant 0 : index
    %get3A_3 = arith.constant 0 : index
    %get3A_4 = vector.load %arg3[%get3A_2, %get3A_3] : memref<64x128xf32, #tpu.memory_space<vmem>>, vector<64x128xf32>
    %dot_general3A = arith.constant dense<0.000000e+00> : vector<4000x128xf32>
    %dot_general3A_5 = tpu.matmul %get3A_1, %get3A_4, %dot_general3A {dimension_numbers = #tpu.dot_dimension_numbers<[1], [0], [0], [1], [0, 0, 1, 1], [], []>, transpose_lhs_hint = false} : vector<4000x64xf32>, vector<64x128xf32>, vector<4000x128xf32> -> vector<4000x128xf32>
    %get3A_6 = arith.constant 0 : index
    %get3A_7 = arith.constant 0 : index
    %get3A_8 = vector.load %arg1[%get3A_6, %get3A_7] : memref<4000x128xf32, #tpu.memory_space<vmem>>, vector<4000x128xf32>
    %add3A = arith.addf %get3A_8, %dot_general3A_5 : vector<4000x128xf32>
    %custom_jvp_call3A = arith.constant 0.000000e+00 : f32
    %max3A = vector.broadcast %custom_jvp_call3A : f32 to vector<4000x128xf32>
    %max3A_9 = arith.maximumf %add3A, %max3A : vector<4000x128xf32>
    %sub3A = vector.broadcast %custom_jvp_call3A : f32 to vector<4000x128xf32>
    %sub3A_10 = arith.subf %add3A, %sub3A : vector<4000x128xf32>
    %ne3A = arith.cmpf one, %sub3A_10, %sub3A_10 : vector<4000x128xf32>
    %add3A_11 = vector.broadcast %custom_jvp_call3A : f32 to vector<4000x128xf32>
    %add3A_12 = arith.addf %add3A, %add3A_11 : vector<4000x128xf32>
    %abs3A = math.absf %sub3A_10 : vector<4000x128xf32>
    %neg3A = arith.constant 0.000000e+00 : f32
    %neg3A_13 = vector.broadcast %neg3A : f32 to vector<4000x128xf32>
    %neg3A_14 = arith.subf %neg3A_13, %abs3A : vector<4000x128xf32>
    %exp3A = math.exp %neg3A_14 : vector<4000x128xf32>
    %log1p3A = math.log1p %exp3A : vector<4000x128xf32>
    %add3A_15 = arith.addf %max3A_9, %log1p3A : vector<4000x128xf32>
    %select_n3A = arith.select %ne3A, %add3A_12, %add3A_15 : vector<4000x128xi1>, vector<4000x128xf32>
    %get3A_16 = arith.constant 0 : index
    %get3A_17 = arith.constant 0 : index
    %get3A_18 = vector.load %arg4[%get3A_16, %get3A_17] : memref<128x128xf32, #tpu.memory_space<vmem>>, vector<128x128xf32>
    %dot_general3A_19 = arith.constant dense<0.000000e+00> : vector<4000x128xf32>
    %dot_general3A_20 = tpu.matmul %select_n3A, %get3A_18, %dot_general3A_19 {dimension_numbers = #tpu.dot_dimension_numbers<[1], [0], [0], [1], [0, 0, 1, 1], [], []>, transpose_lhs_hint = false} : vector<4000x128xf32>, vector<128x128xf32>, vector<4000x128xf32> -> vector<4000x128xf32>
    %get3A_21 = arith.constant 0 : index
    %get3A_22 = arith.constant 0 : index
    %get3A_23 = vector.load %arg5[%get3A_21, %get3A_22] : memref<1x128xf32, #tpu.memory_space<vmem>>, vector<1x128xf32>
    %add3A_24 = vector.broadcast %get3A_23 : vector<1x128xf32> to vector<4000x128xf32>
    %add3A_25 = arith.addf %dot_general3A_20, %add3A_24 : vector<4000x128xf32>
    %custom_jvp_call3A_26 = arith.constant 0.000000e+00 : f32
    %max3A_27 = vector.broadcast %custom_jvp_call3A_26 : f32 to vector<4000x128xf32>
    %max3A_28 = arith.maximumf %add3A_25, %max3A_27 : vector<4000x128xf32>
    %sub3A_29 = vector.broadcast %custom_jvp_call3A_26 : f32 to vector<4000x128xf32>
    %sub3A_30 = arith.subf %add3A_25, %sub3A_29 : vector<4000x128xf32>
    %ne3A_31 = arith.cmpf one, %sub3A_30, %sub3A_30 : vector<4000x128xf32>
    %add3A_32 = vector.broadcast %custom_jvp_call3A_26 : f32 to vector<4000x128xf32>
    %add3A_33 = arith.addf %add3A_25, %add3A_32 : vector<4000x128xf32>
    %abs3A_34 = math.absf %sub3A_30 : vector<4000x128xf32>
    %neg3A_35 = arith.constant 0.000000e+00 : f32
    %neg3A_36 = vector.broadcast %neg3A_35 : f32 to vector<4000x128xf32>
    %neg3A_37 = arith.subf %neg3A_36, %abs3A_34 : vector<4000x128xf32>
    %exp3A_38 = math.exp %neg3A_37 : vector<4000x128xf32>
    %log1p3A_39 = math.log1p %exp3A_38 : vector<4000x128xf32>
    %add3A_40 = arith.addf %max3A_28, %log1p3A_39 : vector<4000x128xf32>
    %select_n3A_41 = arith.select %ne3A_31, %add3A_33, %add3A_40 : vector<4000x128xi1>, vector<4000x128xf32>
    %get3A_42 = arith.constant 0 : index
    %get3A_43 = arith.constant 0 : index
    %get3A_44 = vector.load %arg6[%get3A_42, %get3A_43] : memref<128x128xf32, #tpu.memory_space<vmem>>, vector<128x128xf32>
    %dot_general3A_45 = arith.constant dense<0.000000e+00> : vector<4000x128xf32>
    %dot_general3A_46 = tpu.matmul %select_n3A_41, %get3A_44, %dot_general3A_45 {dimension_numbers = #tpu.dot_dimension_numbers<[1], [0], [0], [1], [0, 0, 1, 1], [], []>, transpose_lhs_hint = false} : vector<4000x128xf32>, vector<128x128xf32>, vector<4000x128xf32> -> vector<4000x128xf32>
    %get3A_47 = arith.constant 0 : index
    %get3A_48 = arith.constant 0 : index
    %get3A_49 = vector.load %arg7[%get3A_47, %get3A_48] : memref<1x128xf32, #tpu.memory_space<vmem>>, vector<1x128xf32>
    %add3A_50 = vector.broadcast %get3A_49 : vector<1x128xf32> to vector<4000x128xf32>
    %add3A_51 = arith.addf %dot_general3A_46, %add3A_50 : vector<4000x128xf32>
    %swap3A = arith.constant 0 : index
    %swap3A_52 = arith.constant 0 : index
    %swap3A_53 = vector.load %arg8[%swap3A, %swap3A_52] : memref<4000x128xf32, #tpu.memory_space<vmem>>, vector<4000x128xf32>
    tpu.vector_store %arg8[%swap3A, %swap3A_52], %add3A_51 {strides = array<i32>} : memref<4000x128xf32, #tpu.memory_space<vmem>>, vector<4000x128xf32>,
    return
  }
  func.func @transform_0(%arg0: i32) -> (i32, i32) {
    %c0_i32 = arith.constant 0 : i32
    %c0_i32_0 = arith.constant 0 : i32
    return %arg0, %c0_i32 : i32, i32
  }
  func.func @transform_1(%arg0: i32) -> (i32, i32) {
    %c0_i32 = arith.constant 0 : i32
    %c0_i32_0 = arith.constant 0 : i32
    return %arg0, %c0_i32 : i32, i32
  }
  func.func @transform_2(%arg0: i32) -> (i32, i32) {
    %c0_i32 = arith.constant 0 : i32
    %c0_i32_0 = arith.constant 0 : i32
    %c0_i32_1 = arith.constant 0 : i32
    return %c0_i32, %c0_i32_0 : i32, i32
  }
  func.func @transform_3(%arg0: i32) -> (i32, i32) {
    %c0_i32 = arith.constant 0 : i32
    %c0_i32_0 = arith.constant 0 : i32
    %c0_i32_1 = arith.constant 0 : i32
    return %c0_i32, %c0_i32_0 : i32, i32
  }
  func.func @transform_4(%arg0: i32) -> (i32, i32) {
    %c0_i32 = arith.constant 0 : i32
    %c0_i32_0 = arith.constant 0 : i32
    %c0_i32_1 = arith.constant 0 : i32
    return %c0_i32, %c0_i32_0 : i32, i32
  }
  func.func @transform_5(%arg0: i32) -> (i32, i32) {
    %c0_i32 = arith.constant 0 : i32
    %c0_i32_0 = arith.constant 0 : i32
    %c0_i32_1 = arith.constant 0 : i32
    return %c0_i32, %c0_i32_0 : i32, i32
  }
  func.func @transform_6(%arg0: i32) -> (i32, i32) {
    %c0_i32 = arith.constant 0 : i32
    %c0_i32_0 = arith.constant 0 : i32
    %c0_i32_1 = arith.constant 0 : i32
    return %c0_i32, %c0_i32_0 : i32, i32
  }
  func.func @transform_7(%arg0: i32) -> (i32, i32) {
    %c0_i32 = arith.constant 0 : i32
    %c0_i32_0 = arith.constant 0 : i32
    return %arg0, %c0_i32 : i32, i32
  }
}

module attributes {stable_mosaic.version = 14 : i64} {
  func.func @_k5_body(%arg0: i32, %arg1: memref<1000x128xf32, #tpu.memory_space<vmem>>, %arg2: memref<1000x1xi32, #tpu.memory_space<vmem>>, %arg3: memref<2x1000x32xf32, #tpu.memory_space<vmem>>, %arg4: memref<2x1000x16xf32, #tpu.memory_space<vmem>>, %arg5: memref<2x1000x32xf32, #tpu.memory_space<vmem>>, %arg6: memref<2x1000x16xf32, #tpu.memory_space<vmem>>, %arg7: memref<128x32xf32, #tpu.memory_space<vmem>>, %arg8: memref<32x32xf32, #tpu.memory_space<vmem>>, %arg9: memref<32x32xf32, #tpu.memory_space<vmem>>, %arg10: memref<8x32xf32, #tpu.memory_space<vmem>>, %arg11: memref<1x32xf32, #tpu.memory_space<vmem>>, %arg12: memref<32x32xf32, #tpu.memory_space<vmem>>, %arg13: memref<1x32xf32, #tpu.memory_space<vmem>>, %arg14: memref<32x32xf32, #tpu.memory_space<vmem>>, %arg15: memref<1x32xf32, #tpu.memory_space<vmem>>, %arg16: memref<96x32xf32, #tpu.memory_space<vmem>>, %arg17: memref<1x32xf32, #tpu.memory_space<vmem>>, %arg18: memref<32x32xf32, #tpu.memory_space<vmem>>, %arg19: memref<1x32xf32, #tpu.memory_space<vmem>>, %arg20: memref<32x32xf32, #tpu.memory_space<vmem>>, %arg21: memref<1x32xf32, #tpu.memory_space<vmem>>, %arg22: memref<1000x32xf32, #tpu.memory_space<vmem>>, %arg23: memref<8x32xf32, #tpu.memory_space<vmem>>, %arg24: memref<8x32xf32, #tpu.memory_space<vmem>>, %arg25: memref<8x1xf32, #tpu.memory_space<vmem>>, %arg26: memref<8x32xf32, #tpu.memory_space<vmem>>, %arg27: memref<8x1xf32, #tpu.memory_space<vmem>>) attributes {dimension_semantics = [#tpu.dimension_semantics<arbitrary>], iteration_bounds = array<i64: 10>, scalar_prefetch = 0 : i64, scratch_operands = 4 : i64, tpu.core_type = #tpu.core_type<tc>, window_params = [{transform_indices = @transform_0, window_bounds = array<i64: 1000, 128>}, {transform_indices = @transform_1, window_bounds = array<i64: 1000, 1>}, {transform_indices = @transform_2, window_bounds = array<i64: 2, 1000, 32>}, {transform_indices = @transform_3, window_bounds = array<i64: 2, 1000, 16>}, {transform_indices = @transform_4, window_bounds = array<i64: 2, 1000, 32>}, {transform_indices = @transform_5, window_bounds = array<i64: 2, 1000, 16>}, {pipeline_mode = #tpu.pipeline_mode<synchronous>, transform_indices = @transform_6, window_bounds = array<i64: 128, 32>}, {pipeline_mode = #tpu.pipeline_mode<synchronous>, transform_indices = @transform_7, window_bounds = array<i64: 32, 32>}, {pipeline_mode = #tpu.pipeline_mode<synchronous>, transform_indices = @transform_8, window_bounds = array<i64: 32, 32>}, {pipeline_mode = #tpu.pipeline_mode<synchronous>, transform_indices = @transform_9, window_bounds = array<i64: 8, 32>}, {pipeline_mode = #tpu.pipeline_mode<synchronous>, transform_indices = @transform_10, window_bounds = array<i64: 1, 32>}, {pipeline_mode = #tpu.pipeline_mode<synchronous>, transform_indices = @transform_11, window_bounds = array<i64: 32, 32>}, {pipeline_mode = #tpu.pipeline_mode<synchronous>, transform_indices = @transform_12, window_bounds = array<i64: 1, 32>}, {pipeline_mode = #tpu.pipeline_mode<synchronous>, transform_indices = @transform_13, window_bounds = array<i64: 32, 32>}, {pipeline_mode = #tpu.pipeline_mode<synchronous>, transform_indices = @transform_14, window_bounds = array<i64: 1, 32>}, {pipeline_mode = #tpu.pipeline_mode<synchronous>, transform_indices = @transform_15, window_bounds = array<i64: 96, 32>}, {pipeline_mode = #tpu.pipeline_mode<synchronous>, transform_indices = @transform_16, window_bounds = array<i64: 1, 32>}, {pipeline_mode = #tpu.pipeline_mode<synchronous>, transform_indices = @transform_17, window_bounds = array<i64: 32, 32>}, {pipeline_mode = #tpu.pipeline_mode<synchronous>, transform_indices = @transform_18, window_bounds = array<i64: 1, 32>}, {pipeline_mode = #tpu.pipeline_mode<synchronous>, transform_indices = @transform_19, window_bounds = array<i64: 32, 32>}, {pipeline_mode = #tpu.pipeline_mode<synchronous>, transform_indices = @transform_20, window_bounds = array<i64: 1, 32>}, {transform_indices = @transform_21, window_bounds = array<i64: 1000, 32>}, {pipeline_mode = #tpu.pipeline_mode<synchronous>, transform_indices = @transform_22, window_bounds = array<i64: 8, 32>}]} {
    %eq3A = arith.constant 0 : i32
    %eq3A_0 = arith.cmpi eq, %arg0, %eq3A : i32
    %convert_element_type3A = arith.extui %eq3A_0 : i1 to i32
    %cond3A = arith.constant 0 : i32
    %cond3A_1 = arith.cmpi ne, %convert_element_type3A, %cond3A : i32
    scf.if %cond3A_1 {
      %broadcast_in_dim3A_260 = arith.constant 0.000000e+00 : f32
      %broadcast_in_dim3A_261 = vector.broadcast %broadcast_in_dim3A_260 : f32 to vector<8x32xf32>
      %swap3A_262 = arith.constant 0 : index
      %swap3A_263 = arith.constant 0 : index
      %swap3A_264 = vector.load %arg24[%swap3A_262, %swap3A_263] : memref<8x32xf32, #tpu.memory_space<vmem>>, vector<8x32xf32>
      tpu.vector_store %arg24[%swap3A_262, %swap3A_263], %broadcast_in_dim3A_261 {strides = array<i32>} : memref<8x32xf32, #tpu.memory_space<vmem>>, vector<8x32xf32>,
      %broadcast_in_dim3A_265 = arith.constant 0.000000e+00 : f32
      %broadcast_in_dim3A_266 = vector.broadcast %broadcast_in_dim3A_265 : f32 to vector<8x1xf32>
      %swap3A_267 = arith.constant 0 : index
      %swap3A_268 = arith.constant 0 : index
      %swap3A_269 = vector.load %arg25[%swap3A_267, %swap3A_268] : memref<8x1xf32, #tpu.memory_space<vmem>>, vector<8x1xf32>
      tpu.vector_store %arg25[%swap3A_267, %swap3A_268], %broadcast_in_dim3A_266 {strides = array<i32>} : memref<8x1xf32, #tpu.memory_space<vmem>>, vector<8x1xf32>,
      %broadcast_in_dim3A_270 = arith.constant 0.000000e+00 : f32
      %broadcast_in_dim3A_271 = vector.broadcast %broadcast_in_dim3A_270 : f32 to vector<8x32xf32>
      %swap3A_272 = arith.constant 0 : index
      %swap3A_273 = arith.constant 0 : index
      %swap3A_274 = vector.load %arg26[%swap3A_272, %swap3A_273] : memref<8x32xf32, #tpu.memory_space<vmem>>, vector<8x32xf32>
      tpu.vector_store %arg26[%swap3A_272, %swap3A_273], %broadcast_in_dim3A_271 {strides = array<i32>} : memref<8x32xf32, #tpu.memory_space<vmem>>, vector<8x32xf32>,
      %broadcast_in_dim3A_275 = arith.constant 0.000000e+00 : f32
      %broadcast_in_dim3A_276 = vector.broadcast %broadcast_in_dim3A_275 : f32 to vector<8x1xf32>
      %swap3A_277 = arith.constant 0 : index
      %swap3A_278 = arith.constant 0 : index
      %swap3A_279 = vector.load %arg27[%swap3A_277, %swap3A_278] : memref<8x1xf32, #tpu.memory_space<vmem>>, vector<8x1xf32>
      tpu.vector_store %arg27[%swap3A_277, %swap3A_278], %broadcast_in_dim3A_276 {strides = array<i32>} : memref<8x1xf32, #tpu.memory_space<vmem>>, vector<8x1xf32>,
    } else {
    }
    %get3A = arith.constant 0 : index
    %get3A_2 = arith.constant 0 : index
    %get3A_3 = vector.load %arg1[%get3A, %get3A_2] : memref<1000x128xf32, #tpu.memory_space<vmem>>, vector<1000x128xf32>
    %get3A_4 = arith.constant 0 : index
    %get3A_5 = arith.constant 0 : index
    %get3A_6 = vector.load %arg2[%get3A_4, %get3A_5] : memref<1000x1xi32, #tpu.memory_space<vmem>>, vector<1000x1xi32>
    %iota3A = tpu.iota {dimensions = array<i32: 1>} : vector<1x8xi32>
    %eq3A_7 = vector.broadcast %get3A_6 : vector<1000x1xi32> to vector<1000x8xi32>
    %eq3A_8 = vector.broadcast %iota3A : vector<1x8xi32> to vector<1000x8xi32>
    %eq3A_9 = arith.cmpi eq, %eq3A_7, %eq3A_8 : vector<1000x8xi32>
    %convert_element_type3A_10 = arith.extui %eq3A_9 : vector<1000x8xi1> to vector<1000x8xi32>
    %convert_element_type3A_11 = arith.sitofp %convert_element_type3A_10 : vector<1000x8xi32> to vector<1000x8xf32>
    %get3A_12 = arith.constant 0 : index
    %get3A_13 = arith.constant 0 : index
    %get3A_14 = arith.constant 0 : index
    %get3A_15 = vector.load %arg3[%get3A_12, %get3A_13, %get3A_14] : memref<2x1000x32xf32, #tpu.memory_space<vmem>>, vector<1x1000x32xf32>
    %get3A_16 = vector.shape_cast %get3A_15 : vector<1x1000x32xf32> to vector<1000x32xf32>
    %get3A_17 = arith.constant 1 : index
    %get3A_18 = arith.constant 0 : index
    %get3A_19 = arith.constant 0 : index
    %get3A_20 = vector.load %arg3[%get3A_17, %get3A_18, %get3A_19] : memref<2x1000x32xf32, #tpu.memory_space<vmem>>, vector<1x1000x32xf32>
    %get3A_21 = vector.shape_cast %get3A_20 : vector<1x1000x32xf32> to vector<1000x32xf32>
    %add3A = arith.addf %get3A_16, %get3A_21 : vector<1000x32xf32>
    %get3A_22 = arith.constant 0 : index
    %get3A_23 = arith.constant 0 : index
    %get3A_24 = arith.constant 0 : index
    %get3A_25 = vector.load %arg4[%get3A_22, %get3A_23, %get3A_24] : memref<2x1000x16xf32, #tpu.memory_space<vmem>>, vector<1x1000x16xf32>
    %get3A_26 = vector.shape_cast %get3A_25 : vector<1x1000x16xf32> to vector<1000x16xf32>
    %slice3A = vector.extract_strided_slice %get3A_26 {offsets = [0, 0], sizes = [1000, 1], strides = [1, 1]} : vector<1000x16xf32> to vector<1000x1xf32>
    %get3A_27 = arith.constant 1 : index
    %get3A_28 = arith.constant 0 : index
    %get3A_29 = arith.constant 0 : index
    %get3A_30 = vector.load %arg4[%get3A_27, %get3A_28, %get3A_29] : memref<2x1000x16xf32, #tpu.memory_space<vmem>>, vector<1x1000x16xf32>
    %get3A_31 = vector.shape_cast %get3A_30 : vector<1x1000x16xf32> to vector<1000x16xf32>
    %slice3A_32 = vector.extract_strided_slice %get3A_31 {offsets = [0, 0], sizes = [1000, 1], strides = [1, 1]} : vector<1000x16xf32> to vector<1000x1xf32>
    %add3A_33 = arith.addf %slice3A, %slice3A_32 : vector<1000x1xf32>
    %max3A = arith.constant 1.000000e+00 : f32
    %max3A_34 = vector.broadcast %max3A : f32 to vector<1000x1xf32>
    %max3A_35 = arith.maximumf %add3A_33, %max3A_34 : vector<1000x1xf32>
    %div3A = vector.broadcast %max3A_35 : vector<1000x1xf32> to vector<1000x32xf32>
    %div3A_36 = arith.divf %add3A, %div3A : vector<1000x32xf32>
    %get3A_37 = arith.constant 0 : index
    %get3A_38 = arith.constant 0 : index
    %get3A_39 = vector.load %arg10[%get3A_37, %get3A_38] : memref<8x32xf32, #tpu.memory_space<vmem>>, vector<8x32xf32>
    %get3A_40 = arith.constant 0 : index
    %get3A_41 = arith.constant 0 : index
    %get3A_42 = vector.load %arg9[%get3A_40, %get3A_41] : memref<32x32xf32, #tpu.memory_space<vmem>>, vector<32x32xf32>
    %dot_general3A = arith.constant dense<0.000000e+00> : vector<8x32xf32>
    %dot_general3A_43 = tpu.matmul %get3A_39, %get3A_42, %dot_general3A {dimension_numbers = #tpu.dot_dimension_numbers<[1], [0], [0], [1], [0, 0, 1, 1], [], []>, transpose_lhs_hint = false} : vector<8x32xf32>, vector<32x32xf32>, vector<8x32xf32> -> vector<8x32xf32>
    %get3A_44 = arith.constant 0 : index
    %get3A_45 = arith.constant 0 : index
    %get3A_46 = vector.load %arg7[%get3A_44, %get3A_45] : memref<128x32xf32, #tpu.memory_space<vmem>>, vector<128x32xf32>
    %dot_general3A_47 = arith.constant dense<0.000000e+00> : vector<1000x32xf32>
    %dot_general3A_48 = tpu.matmul %get3A_3, %get3A_46, %dot_general3A_47 {dimension_numbers = #tpu.dot_dimension_numbers<[1], [0], [0], [1], [0, 0, 1, 1], [], []>, transpose_lhs_hint = false} : vector<1000x128xf32>, vector<128x32xf32>, vector<1000x32xf32> -> vector<1000x32xf32>
    %get3A_49 = arith.constant 0 : index
    %get3A_50 = arith.constant 0 : index
    %get3A_51 = vector.load %arg8[%get3A_49, %get3A_50] : memref<32x32xf32, #tpu.memory_space<vmem>>, vector<32x32xf32>
    %dot_general3A_52 = arith.constant dense<0.000000e+00> : vector<1000x32xf32>
    %dot_general3A_53 = tpu.matmul %div3A_36, %get3A_51, %dot_general3A_52 {dimension_numbers = #tpu.dot_dimension_numbers<[1], [0], [0], [1], [0, 0, 1, 1], [], []>, transpose_lhs_hint = false} : vector<1000x32xf32>, vector<32x32xf32>, vector<1000x32xf32> -> vector<1000x32xf32>
    %add3A_54 = arith.addf %dot_general3A_48, %dot_general3A_53 : vector<1000x32xf32>
    %dot_general3A_55 = arith.constant dense<0.000000e+00> : vector<1000x32xf32>
    %dot_general3A_56 = tpu.matmul %convert_element_type3A_11, %dot_general3A_43, %dot_general3A_55 {dimension_numbers = #tpu.dot_dimension_numbers<[1], [0], [0], [1], [0, 0, 1, 1], [], []>, transpose_lhs_hint = false} : vector<1000x8xf32>, vector<8x32xf32>, vector<1000x32xf32> -> vector<1000x32xf32>
    %add3A_57 = arith.addf %add3A_54, %dot_general3A_56 : vector<1000x32xf32>
    %get3A_58 = arith.constant 0 : index
    %get3A_59 = arith.constant 0 : index
    %get3A_60 = vector.load %arg11[%get3A_58, %get3A_59] : memref<1x32xf32, #tpu.memory_space<vmem>>, vector<1x32xf32>
    %add3A_61 = vector.broadcast %get3A_60 : vector<1x32xf32> to vector<1000x32xf32>
    %add3A_62 = arith.addf %add3A_57, %add3A_61 : vector<1000x32xf32>
    %custom_jvp_call3A = arith.constant 0.000000e+00 : f32
    %max3A_63 = vector.broadcast %custom_jvp_call3A : f32 to vector<1000x32xf32>
    %max3A_64 = arith.maximumf %add3A_62, %max3A_63 : vector<1000x32xf32>
    %sub3A = vector.broadcast %custom_jvp_call3A : f32 to vector<1000x32xf32>
    %sub3A_65 = arith.subf %add3A_62, %sub3A : vector<1000x32xf32>
    %ne3A = arith.cmpf one, %sub3A_65, %sub3A_65 : vector<1000x32xf32>
    %add3A_66 = vector.broadcast %custom_jvp_call3A : f32 to vector<1000x32xf32>
    %add3A_67 = arith.addf %add3A_62, %add3A_66 : vector<1000x32xf32>
    %abs3A = math.absf %sub3A_65 : vector<1000x32xf32>
    %neg3A = arith.constant 0.000000e+00 : f32
    %neg3A_68 = vector.broadcast %neg3A : f32 to vector<1000x32xf32>
    %neg3A_69 = arith.subf %neg3A_68, %abs3A : vector<1000x32xf32>
    %exp3A = math.exp %neg3A_69 : vector<1000x32xf32>
    %log1p3A = math.log1p %exp3A : vector<1000x32xf32>
    %add3A_70 = arith.addf %max3A_64, %log1p3A : vector<1000x32xf32>
    %select_n3A = arith.select %ne3A, %add3A_67, %add3A_70 : vector<1000x32xi1>, vector<1000x32xf32>
    %get3A_71 = arith.constant 0 : index
    %get3A_72 = arith.constant 0 : index
    %get3A_73 = vector.load %arg12[%get3A_71, %get3A_72] : memref<32x32xf32, #tpu.memory_space<vmem>>, vector<32x32xf32>
    %dot_general3A_74 = arith.constant dense<0.000000e+00> : vector<1000x32xf32>
    %dot_general3A_75 = tpu.matmul %select_n3A, %get3A_73, %dot_general3A_74 {dimension_numbers = #tpu.dot_dimension_numbers<[1], [0], [0], [1], [0, 0, 1, 1], [], []>, transpose_lhs_hint = false} : vector<1000x32xf32>, vector<32x32xf32>, vector<1000x32xf32> -> vector<1000x32xf32>
    %get3A_76 = arith.constant 0 : index
    %get3A_77 = arith.constant 0 : index
    %get3A_78 = vector.load %arg13[%get3A_76, %get3A_77] : memref<1x32xf32, #tpu.memory_space<vmem>>, vector<1x32xf32>
    %add3A_79 = vector.broadcast %get3A_78 : vector<1x32xf32> to vector<1000x32xf32>
    %add3A_80 = arith.addf %dot_general3A_75, %add3A_79 : vector<1000x32xf32>
    %custom_jvp_call3A_81 = arith.constant 0.000000e+00 : f32
    %max3A_82 = vector.broadcast %custom_jvp_call3A_81 : f32 to vector<1000x32xf32>
    %max3A_83 = arith.maximumf %add3A_80, %max3A_82 : vector<1000x32xf32>
    %sub3A_84 = vector.broadcast %custom_jvp_call3A_81 : f32 to vector<1000x32xf32>
    %sub3A_85 = arith.subf %add3A_80, %sub3A_84 : vector<1000x32xf32>
    %ne3A_86 = arith.cmpf one, %sub3A_85, %sub3A_85 : vector<1000x32xf32>
    %add3A_87 = vector.broadcast %custom_jvp_call3A_81 : f32 to vector<1000x32xf32>
    %add3A_88 = arith.addf %add3A_80, %add3A_87 : vector<1000x32xf32>
    %abs3A_89 = math.absf %sub3A_85 : vector<1000x32xf32>
    %neg3A_90 = arith.constant 0.000000e+00 : f32
    %neg3A_91 = vector.broadcast %neg3A_90 : f32 to vector<1000x32xf32>
    %neg3A_92 = arith.subf %neg3A_91, %abs3A_89 : vector<1000x32xf32>
    %exp3A_93 = math.exp %neg3A_92 : vector<1000x32xf32>
    %log1p3A_94 = math.log1p %exp3A_93 : vector<1000x32xf32>
    %add3A_95 = arith.addf %max3A_83, %log1p3A_94 : vector<1000x32xf32>
    %select_n3A_96 = arith.select %ne3A_86, %add3A_88, %add3A_95 : vector<1000x32xi1>, vector<1000x32xf32>
    %get3A_97 = arith.constant 0 : index
    %get3A_98 = arith.constant 0 : index
    %get3A_99 = vector.load %arg14[%get3A_97, %get3A_98] : memref<32x32xf32, #tpu.memory_space<vmem>>, vector<32x32xf32>
    %dot_general3A_100 = arith.constant dense<0.000000e+00> : vector<1000x32xf32>
    %dot_general3A_101 = tpu.matmul %select_n3A_96, %get3A_99, %dot_general3A_100 {dimension_numbers = #tpu.dot_dimension_numbers<[1], [0], [0], [1], [0, 0, 1, 1], [], []>, transpose_lhs_hint = false} : vector<1000x32xf32>, vector<32x32xf32>, vector<1000x32xf32> -> vector<1000x32xf32>
    %get3A_102 = arith.constant 0 : index
    %get3A_103 = arith.constant 0 : index
    %get3A_104 = vector.load %arg15[%get3A_102, %get3A_103] : memref<1x32xf32, #tpu.memory_space<vmem>>, vector<1x32xf32>
    %add3A_105 = vector.broadcast %get3A_104 : vector<1x32xf32> to vector<1000x32xf32>
    %add3A_106 = arith.addf %dot_general3A_101, %add3A_105 : vector<1000x32xf32>
    %swap3A = arith.constant 0 : index
    %swap3A_107 = arith.constant 0 : index
    %swap3A_108 = vector.load %arg22[%swap3A, %swap3A_107] : memref<1000x32xf32, #tpu.memory_space<vmem>>, vector<1000x32xf32>
    tpu.vector_store %arg22[%swap3A, %swap3A_107], %add3A_106 {strides = array<i32>} : memref<1000x32xf32, #tpu.memory_space<vmem>>, vector<1000x32xf32>,
    %get3A_109 = arith.constant 0 : index
    %get3A_110 = arith.constant 0 : index
    %get3A_111 = arith.constant 0 : index
    %get3A_112 = vector.load %arg5[%get3A_109, %get3A_110, %get3A_111] : memref<2x1000x32xf32, #tpu.memory_space<vmem>>, vector<1x1000x32xf32>
    %get3A_113 = vector.shape_cast %get3A_112 : vector<1x1000x32xf32> to vector<1000x32xf32>
    %get3A_114 = arith.constant 1 : index
    %get3A_115 = arith.constant 0 : index
    %get3A_116 = arith.constant 0 : index
    %get3A_117 = vector.load %arg5[%get3A_114, %get3A_115, %get3A_116] : memref<2x1000x32xf32, #tpu.memory_space<vmem>>, vector<1x1000x32xf32>
    %get3A_118 = vector.shape_cast %get3A_117 : vector<1x1000x32xf32> to vector<1000x32xf32>
    %add3A_119 = arith.addf %get3A_113, %get3A_118 : vector<1000x32xf32>
    %get3A_120 = arith.constant 0 : index
    %get3A_121 = arith.constant 0 : index
    %get3A_122 = arith.constant 0 : index
    %get3A_123 = vector.load %arg6[%get3A_120, %get3A_121, %get3A_122] : memref<2x1000x16xf32, #tpu.memory_space<vmem>>, vector<1x1000x16xf32>
    %get3A_124 = vector.shape_cast %get3A_123 : vector<1x1000x16xf32> to vector<1000x16xf32>
    %slice3A_125 = vector.extract_strided_slice %get3A_124 {offsets = [0, 0], sizes = [1000, 1], strides = [1, 1]} : vector<1000x16xf32> to vector<1000x1xf32>
    %get3A_126 = arith.constant 1 : index
    %get3A_127 = arith.constant 0 : index
    %get3A_128 = arith.constant 0 : index
    %get3A_129 = vector.load %arg6[%get3A_126, %get3A_127, %get3A_128] : memref<2x1000x16xf32, #tpu.memory_space<vmem>>, vector<1x1000x16xf32>
    %get3A_130 = vector.shape_cast %get3A_129 : vector<1x1000x16xf32> to vector<1000x16xf32>
    %slice3A_131 = vector.extract_strided_slice %get3A_130 {offsets = [0, 0], sizes = [1000, 1], strides = [1, 1]} : vector<1000x16xf32> to vector<1000x1xf32>
    %add3A_132 = arith.addf %slice3A_125, %slice3A_131 : vector<1000x1xf32>
    %get3A_133 = arith.constant 0 : index
    %get3A_134 = arith.constant 0 : index
    %get3A_135 = vector.load %arg24[%get3A_133, %get3A_134] : memref<8x32xf32, #tpu.memory_space<vmem>>, vector<8x32xf32>
    %dot_general3A_136 = arith.constant dense<0.000000e+00> : vector<8x32xf32>
    %dot_general3A_137 = tpu.matmul %convert_element_type3A_11, %add3A_119, %dot_general3A_136 {dimension_numbers = #tpu.dot_dimension_numbers<[0], [0], [1], [1], [0, 1, 1, 1], [], []>, transpose_lhs_hint = false} : vector<1000x8xf32>, vector<1000x32xf32>, vector<8x32xf32> -> vector<8x32xf32>
    %add3A_138 = arith.addf %get3A_135, %dot_general3A_137 : vector<8x32xf32>
    %swap3A_139 = arith.constant 0 : index
    %swap3A_140 = arith.constant 0 : index
    %swap3A_141 = vector.load %arg24[%swap3A_139, %swap3A_140] : memref<8x32xf32, #tpu.memory_space<vmem>>, vector<8x32xf32>
    tpu.vector_store %arg24[%swap3A_139, %swap3A_140], %add3A_138 {strides = array<i32>} : memref<8x32xf32, #tpu.memory_space<vmem>>, vector<8x32xf32>,
    %get3A_142 = arith.constant 0 : index
    %get3A_143 = arith.constant 0 : index
    %get3A_144 = vector.load %arg25[%get3A_142, %get3A_143] : memref<8x1xf32, #tpu.memory_space<vmem>>, vector<8x1xf32>
    %dot_general3A_145 = arith.constant dense<0.000000e+00> : vector<8x1xf32>
    %dot_general3A_146 = tpu.matmul %convert_element_type3A_11, %add3A_132, %dot_general3A_145 {dimension_numbers = #tpu.dot_dimension_numbers<[0], [0], [1], [1], [0, 1, 1, 1], [], []>, transpose_lhs_hint = false} : vector<1000x8xf32>, vector<1000x1xf32>, vector<8x1xf32> -> vector<8x1xf32>
    %add3A_147 = arith.addf %get3A_144, %dot_general3A_146 : vector<8x1xf32>
    %swap3A_148 = arith.constant 0 : index
    %swap3A_149 = arith.constant 0 : index
    %swap3A_150 = vector.load %arg25[%swap3A_148, %swap3A_149] : memref<8x1xf32, #tpu.memory_space<vmem>>, vector<8x1xf32>
    tpu.vector_store %arg25[%swap3A_148, %swap3A_149], %add3A_147 {strides = array<i32>} : memref<8x1xf32, #tpu.memory_space<vmem>>, vector<8x1xf32>,
    %get3A_151 = arith.constant 0 : index
    %get3A_152 = arith.constant 0 : index
    %get3A_153 = vector.load %arg26[%get3A_151, %get3A_152] : memref<8x32xf32, #tpu.memory_space<vmem>>, vector<8x32xf32>
    %dot_general3A_154 = arith.constant dense<0.000000e+00> : vector<8x32xf32>
    %dot_general3A_155 = tpu.matmul %convert_element_type3A_11, %add3A_106, %dot_general3A_154 {dimension_numbers = #tpu.dot_dimension_numbers<[0], [0], [1], [1], [0, 1, 1, 1], [], []>, transpose_lhs_hint = false} : vector<1000x8xf32>, vector<1000x32xf32>, vector<8x32xf32> -> vector<8x32xf32>
    %add3A_156 = arith.addf %get3A_153, %dot_general3A_155 : vector<8x32xf32>
    %swap3A_157 = arith.constant 0 : index
    %swap3A_158 = arith.constant 0 : index
    %swap3A_159 = vector.load %arg26[%swap3A_157, %swap3A_158] : memref<8x32xf32, #tpu.memory_space<vmem>>, vector<8x32xf32>
    tpu.vector_store %arg26[%swap3A_157, %swap3A_158], %add3A_156 {strides = array<i32>} : memref<8x32xf32, #tpu.memory_space<vmem>>, vector<8x32xf32>,
    %get3A_160 = arith.constant 0 : index
    %get3A_161 = arith.constant 0 : index
    %get3A_162 = vector.load %arg27[%get3A_160, %get3A_161] : memref<8x1xf32, #tpu.memory_space<vmem>>, vector<8x1xf32>
    %broadcast_in_dim3A = arith.constant 1.000000e+00 : f32
    %broadcast_in_dim3A_163 = vector.broadcast %broadcast_in_dim3A : f32 to vector<1000x1xf32>
    %dot_general3A_164 = arith.constant dense<0.000000e+00> : vector<8x1xf32>
    %dot_general3A_165 = tpu.matmul %convert_element_type3A_11, %broadcast_in_dim3A_163, %dot_general3A_164 {dimension_numbers = #tpu.dot_dimension_numbers<[0], [0], [1], [1], [0, 1, 1, 1], [], []>, transpose_lhs_hint = false} : vector<1000x8xf32>, vector<1000x1xf32>, vector<8x1xf32> -> vector<8x1xf32>
    %add3A_166 = arith.addf %get3A_162, %dot_general3A_165 : vector<8x1xf32>
    %swap3A_167 = arith.constant 0 : index
    %swap3A_168 = arith.constant 0 : index
    %swap3A_169 = vector.load %arg27[%swap3A_167, %swap3A_168] : memref<8x1xf32, #tpu.memory_space<vmem>>, vector<8x1xf32>
    tpu.vector_store %arg27[%swap3A_167, %swap3A_168], %add3A_166 {strides = array<i32>} : memref<8x1xf32, #tpu.memory_space<vmem>>, vector<8x1xf32>,
    %get3A_170 = arith.constant 0 : index
    %get3A_171 = arith.constant 0 : index
    %get3A_172 = vector.load %arg24[%get3A_170, %get3A_171] : memref<8x32xf32, #tpu.memory_space<vmem>>, vector<8x32xf32>
    %get3A_173 = arith.constant 0 : index
    %get3A_174 = arith.constant 0 : index
    %get3A_175 = vector.load %arg25[%get3A_173, %get3A_174] : memref<8x1xf32, #tpu.memory_space<vmem>>, vector<8x1xf32>
    %max3A_176 = arith.constant 1.000000e+00 : f32
    %max3A_177 = vector.broadcast %max3A_176 : f32 to vector<8x1xf32>
    %max3A_178 = arith.maximumf %get3A_175, %max3A_177 : vector<8x1xf32>
    %div3A_179 = vector.broadcast %max3A_178 : vector<8x1xf32> to vector<8x32xf32>
    %div3A_180 = arith.divf %get3A_172, %div3A_179 : vector<8x32xf32>
    %get3A_181 = arith.constant 0 : index
    %get3A_182 = arith.constant 0 : index
    %get3A_183 = vector.load %arg26[%get3A_181, %get3A_182] : memref<8x32xf32, #tpu.memory_space<vmem>>, vector<8x32xf32>
    %get3A_184 = arith.constant 0 : index
    %get3A_185 = arith.constant 0 : index
    %get3A_186 = vector.load %arg27[%get3A_184, %get3A_185] : memref<8x1xf32, #tpu.memory_space<vmem>>, vector<8x1xf32>
    %max3A_187 = arith.constant 1.000000e+00 : f32
    %max3A_188 = vector.broadcast %max3A_187 : f32 to vector<8x1xf32>
    %max3A_189 = arith.maximumf %get3A_186, %max3A_188 : vector<8x1xf32>
    %div3A_190 = vector.broadcast %max3A_189 : vector<8x1xf32> to vector<8x32xf32>
    %div3A_191 = arith.divf %get3A_183, %div3A_190 : vector<8x32xf32>
    %get3A_192 = arith.constant 0 : index
    %get3A_193 = arith.constant 0 : index
    %get3A_194 = vector.load %arg10[%get3A_192, %get3A_193] : memref<8x32xf32, #tpu.memory_space<vmem>>, vector<8x32xf32>
    %concatenate3A = tpu.concatenate %div3A_180, %div3A_191, %get3A_194 in 1 : vector<8x32xf32>, vector<8x32xf32>, vector<8x32xf32> -> vector<8x96xf32>
    %get3A_195 = arith.constant 0 : index
    %get3A_196 = arith.constant 0 : index
    %get3A_197 = vector.load %arg16[%get3A_195, %get3A_196] : memref<96x32xf32, #tpu.memory_space<vmem>>, vector<96x32xf32>
    %dot_general3A_198 = arith.constant dense<0.000000e+00> : vector<8x32xf32>
    %dot_general3A_199 = tpu.matmul %concatenate3A, %get3A_197, %dot_general3A_198 {dimension_numbers = #tpu.dot_dimension_numbers<[1], [0], [0], [1], [0, 0, 1, 1], [], []>, transpose_lhs_hint = false} : vector<8x96xf32>, vector<96x32xf32>, vector<8x32xf32> -> vector<8x32xf32>
    %get3A_200 = arith.constant 0 : index
    %get3A_201 = arith.constant 0 : index
    %get3A_202 = vector.load %arg17[%get3A_200, %get3A_201] : memref<1x32xf32, #tpu.memory_space<vmem>>, vector<1x32xf32>
    %add3A_203 = vector.broadcast %get3A_202 : vector<1x32xf32> to vector<8x32xf32>
    %add3A_204 = arith.addf %dot_general3A_199, %add3A_203 : vector<8x32xf32>
    %custom_jvp_call3A_205 = arith.constant 0.000000e+00 : f32
    %max3A_206 = vector.broadcast %custom_jvp_call3A_205 : f32 to vector<8x32xf32>
    %max3A_207 = arith.maximumf %add3A_204, %max3A_206 : vector<8x32xf32>
    %sub3A_208 = vector.broadcast %custom_jvp_call3A_205 : f32 to vector<8x32xf32>
    %sub3A_209 = arith.subf %add3A_204, %sub3A_208 : vector<8x32xf32>
    %ne3A_210 = arith.cmpf one, %sub3A_209, %sub3A_209 : vector<8x32xf32>
    %add3A_211 = vector.broadcast %custom_jvp_call3A_205 : f32 to vector<8x32xf32>
    %add3A_212 = arith.addf %add3A_204, %add3A_211 : vector<8x32xf32>
    %abs3A_213 = math.absf %sub3A_209 : vector<8x32xf32>
    %neg3A_214 = arith.constant 0.000000e+00 : f32
    %neg3A_215 = vector.broadcast %neg3A_214 : f32 to vector<8x32xf32>
    %neg3A_216 = arith.subf %neg3A_215, %abs3A_213 : vector<8x32xf32>
    %exp3A_217 = math.exp %neg3A_216 : vector<8x32xf32>
    %log1p3A_218 = math.log1p %exp3A_217 : vector<8x32xf32>
    %add3A_219 = arith.addf %max3A_207, %log1p3A_218 : vector<8x32xf32>
    %select_n3A_220 = arith.select %ne3A_210, %add3A_212, %add3A_219 : vector<8x32xi1>, vector<8x32xf32>
    %get3A_221 = arith.constant 0 : index
    %get3A_222 = arith.constant 0 : index
    %get3A_223 = vector.load %arg18[%get3A_221, %get3A_222] : memref<32x32xf32, #tpu.memory_space<vmem>>, vector<32x32xf32>
    %dot_general3A_224 = arith.constant dense<0.000000e+00> : vector<8x32xf32>
    %dot_general3A_225 = tpu.matmul %select_n3A_220, %get3A_223, %dot_general3A_224 {dimension_numbers = #tpu.dot_dimension_numbers<[1], [0], [0], [1], [0, 0, 1, 1], [], []>, transpose_lhs_hint = false} : vector<8x32xf32>, vector<32x32xf32>, vector<8x32xf32> -> vector<8x32xf32>
    %get3A_226 = arith.constant 0 : index
    %get3A_227 = arith.constant 0 : index
    %get3A_228 = vector.load %arg19[%get3A_226, %get3A_227] : memref<1x32xf32, #tpu.memory_space<vmem>>, vector<1x32xf32>
    %add3A_229 = vector.broadcast %get3A_228 : vector<1x32xf32> to vector<8x32xf32>
    %add3A_230 = arith.addf %dot_general3A_225, %add3A_229 : vector<8x32xf32>
    %custom_jvp_call3A_231 = arith.constant 0.000000e+00 : f32
    %max3A_232 = vector.broadcast %custom_jvp_call3A_231 : f32 to vector<8x32xf32>
    %max3A_233 = arith.maximumf %add3A_230, %max3A_232 : vector<8x32xf32>
    %sub3A_234 = vector.broadcast %custom_jvp_call3A_231 : f32 to vector<8x32xf32>
    %sub3A_235 = arith.subf %add3A_230, %sub3A_234 : vector<8x32xf32>
    %ne3A_236 = arith.cmpf one, %sub3A_235, %sub3A_235 : vector<8x32xf32>
    %add3A_237 = vector.broadcast %custom_jvp_call3A_231 : f32 to vector<8x32xf32>
    %add3A_238 = arith.addf %add3A_230, %add3A_237 : vector<8x32xf32>
    %abs3A_239 = math.absf %sub3A_235 : vector<8x32xf32>
    %neg3A_240 = arith.constant 0.000000e+00 : f32
    %neg3A_241 = vector.broadcast %neg3A_240 : f32 to vector<8x32xf32>
    %neg3A_242 = arith.subf %neg3A_241, %abs3A_239 : vector<8x32xf32>
    %exp3A_243 = math.exp %neg3A_242 : vector<8x32xf32>
    %log1p3A_244 = math.log1p %exp3A_243 : vector<8x32xf32>
    %add3A_245 = arith.addf %max3A_233, %log1p3A_244 : vector<8x32xf32>
    %select_n3A_246 = arith.select %ne3A_236, %add3A_238, %add3A_245 : vector<8x32xi1>, vector<8x32xf32>
    %get3A_247 = arith.constant 0 : index
    %get3A_248 = arith.constant 0 : index
    %get3A_249 = vector.load %arg20[%get3A_247, %get3A_248] : memref<32x32xf32, #tpu.memory_space<vmem>>, vector<32x32xf32>
    %dot_general3A_250 = arith.constant dense<0.000000e+00> : vector<8x32xf32>
    %dot_general3A_251 = tpu.matmul %select_n3A_246, %get3A_249, %dot_general3A_250 {dimension_numbers = #tpu.dot_dimension_numbers<[1], [0], [0], [1], [0, 0, 1, 1], [], []>, transpose_lhs_hint = false} : vector<8x32xf32>, vector<32x32xf32>, vector<8x32xf32> -> vector<8x32xf32>
    %get3A_252 = arith.constant 0 : index
    %get3A_253 = arith.constant 0 : index
    %get3A_254 = vector.load %arg21[%get3A_252, %get3A_253] : memref<1x32xf32, #tpu.memory_space<vmem>>, vector<1x32xf32>
    %add3A_255 = vector.broadcast %get3A_254 : vector<1x32xf32> to vector<8x32xf32>
    %add3A_256 = arith.addf %dot_general3A_251, %add3A_255 : vector<8x32xf32>
    %swap3A_257 = arith.constant 0 : index
    %swap3A_258 = arith.constant 0 : index
    %swap3A_259 = vector.load %arg23[%swap3A_257, %swap3A_258] : memref<8x32xf32, #tpu.memory_space<vmem>>, vector<8x32xf32>
    tpu.vector_store %arg23[%swap3A_257, %swap3A_258], %add3A_256 {strides = array<i32>} : memref<8x32xf32, #tpu.memory_space<vmem>>, vector<8x32xf32>,
    return
  }
  func.func @transform_0(%arg0: i32) -> (i32, i32) {
    %c0_i32 = arith.constant 0 : i32
    %c0_i32_0 = arith.constant 0 : i32
    return %arg0, %c0_i32 : i32, i32
  }
  func.func @transform_1(%arg0: i32) -> (i32, i32) {
    %c0_i32 = arith.constant 0 : i32
    %c0_i32_0 = arith.constant 0 : i32
    return %arg0, %c0_i32 : i32, i32
  }
  func.func @transform_2(%arg0: i32) -> (i32, i32, i32) {
    %c0_i32 = arith.constant 0 : i32
    %c0_i32_0 = arith.constant 0 : i32
    %c0_i32_1 = arith.constant 0 : i32
    return %c0_i32, %arg0, %c0_i32_0 : i32, i32, i32
  }
  func.func @transform_3(%arg0: i32) -> (i32, i32, i32) {
    %c0_i32 = arith.constant 0 : i32
    %c0_i32_0 = arith.constant 0 : i32
    %c0_i32_1 = arith.constant 0 : i32
    return %c0_i32, %arg0, %c0_i32_0 : i32, i32, i32
  }
  func.func @transform_4(%arg0: i32) -> (i32, i32, i32) {
    %c0_i32 = arith.constant 0 : i32
    %c0_i32_0 = arith.constant 0 : i32
    %c0_i32_1 = arith.constant 0 : i32
    return %c0_i32, %arg0, %c0_i32_0 : i32, i32, i32
  }
  func.func @transform_5(%arg0: i32) -> (i32, i32, i32) {
    %c0_i32 = arith.constant 0 : i32
    %c0_i32_0 = arith.constant 0 : i32
    %c0_i32_1 = arith.constant 0 : i32
    return %c0_i32, %arg0, %c0_i32_0 : i32, i32, i32
  }
  func.func @transform_6(%arg0: i32) -> (i32, i32) {
    %c0_i32 = arith.constant 0 : i32
    %c0_i32_0 = arith.constant 0 : i32
    %c0_i32_1 = arith.constant 0 : i32
    return %c0_i32, %c0_i32_0 : i32, i32
  }
  func.func @transform_7(%arg0: i32) -> (i32, i32) {
    %c0_i32 = arith.constant 0 : i32
    %c0_i32_0 = arith.constant 0 : i32
    %c0_i32_1 = arith.constant 0 : i32
    return %c0_i32, %c0_i32_0 : i32, i32
  }
  func.func @transform_8(%arg0: i32) -> (i32, i32) {
    %c0_i32 = arith.constant 0 : i32
    %c0_i32_0 = arith.constant 0 : i32
    %c0_i32_1 = arith.constant 0 : i32
    return %c0_i32, %c0_i32_0 : i32, i32
  }
  func.func @transform_9(%arg0: i32) -> (i32, i32) {
    %c0_i32 = arith.constant 0 : i32
    %c0_i32_0 = arith.constant 0 : i32
    %c0_i32_1 = arith.constant 0 : i32
    return %c0_i32, %c0_i32_0 : i32, i32
  }
  func.func @transform_10(%arg0: i32) -> (i32, i32) {
    %c0_i32 = arith.constant 0 : i32
    %c0_i32_0 = arith.constant 0 : i32
    %c0_i32_1 = arith.constant 0 : i32
    return %c0_i32, %c0_i32_0 : i32, i32
  }
  func.func @transform_11(%arg0: i32) -> (i32, i32) {
    %c0_i32 = arith.constant 0 : i32
    %c0_i32_0 = arith.constant 0 : i32
    %c0_i32_1 = arith.constant 0 : i32
    return %c0_i32, %c0_i32_0 : i32, i32
  }
  func.func @transform_12(%arg0: i32) -> (i32, i32) {
    %c0_i32 = arith.constant 0 : i32
    %c0_i32_0 = arith.constant 0 : i32
    %c0_i32_1 = arith.constant 0 : i32
    return %c0_i32, %c0_i32_0 : i32, i32
  }
  func.func @transform_13(%arg0: i32) -> (i32, i32) {
    %c0_i32 = arith.constant 0 : i32
    %c0_i32_0 = arith.constant 0 : i32
    %c0_i32_1 = arith.constant 0 : i32
    return %c0_i32, %c0_i32_0 : i32, i32
  }
  func.func @transform_14(%arg0: i32) -> (i32, i32) {
    %c0_i32 = arith.constant 0 : i32
    %c0_i32_0 = arith.constant 0 : i32
    %c0_i32_1 = arith.constant 0 : i32
    return %c0_i32, %c0_i32_0 : i32, i32
  }
  func.func @transform_15(%arg0: i32) -> (i32, i32) {
    %c0_i32 = arith.constant 0 : i32
    %c0_i32_0 = arith.constant 0 : i32
    %c0_i32_1 = arith.constant 0 : i32
    return %c0_i32, %c0_i32_0 : i32, i32
  }
  func.func @transform_16(%arg0: i32) -> (i32, i32) {
    %c0_i32 = arith.constant 0 : i32
    %c0_i32_0 = arith.constant 0 : i32
    %c0_i32_1 = arith.constant 0 : i32
    return %c0_i32, %c0_i32_0 : i32, i32
  }
  func.func @transform_17(%arg0: i32) -> (i32, i32) {
    %c0_i32 = arith.constant 0 : i32
    %c0_i32_0 = arith.constant 0 : i32
    %c0_i32_1 = arith.constant 0 : i32
    return %c0_i32, %c0_i32_0 : i32, i32
  }
  func.func @transform_18(%arg0: i32) -> (i32, i32) {
    %c0_i32 = arith.constant 0 : i32
    %c0_i32_0 = arith.constant 0 : i32
    %c0_i32_1 = arith.constant 0 : i32
    return %c0_i32, %c0_i32_0 : i32, i32
  }
  func.func @transform_19(%arg0: i32) -> (i32, i32) {
    %c0_i32 = arith.constant 0 : i32
    %c0_i32_0 = arith.constant 0 : i32
    %c0_i32_1 = arith.constant 0 : i32
    return %c0_i32, %c0_i32_0 : i32, i32
  }
  func.func @transform_20(%arg0: i32) -> (i32, i32) {
    %c0_i32 = arith.constant 0 : i32
    %c0_i32_0 = arith.constant 0 : i32
    %c0_i32_1 = arith.constant 0 : i32
    return %c0_i32, %c0_i32_0 : i32, i32
  }
  func.func @transform_21(%arg0: i32) -> (i32, i32) {
    %c0_i32 = arith.constant 0 : i32
    %c0_i32_0 = arith.constant 0 : i32
    return %arg0, %c0_i32 : i32, i32
  }
  func.func @transform_22(%arg0: i32) -> (i32, i32) {
    %c0_i32 = arith.constant 0 : i32
    %c0_i32_0 = arith.constant 0 : i32
    %c0_i32_1 = arith.constant 0 : i32
    return %c0_i32, %c0_i32_0 : i32, i32
  }
}

</mosaic_0001>

<sc_bundles>
// kernel: kernel.10.cloned.1.call-start
scs
__scs_entry_jumppad:
0x0: {  	(pc) =	sbr.rel $0x88, $3  }
0x1: {  	(tag) =	ssettag $0x0;
	lr =	simm.s32 $0x1  }
0x2: {  	[smem:$0x3F8A] =	sst lr;
	_ =	strace $0xD0000000  }
0x3: {  	_ = 	snop  }
0x4: {  	_ = 	snop  }
0x5: {  	_ = 	snop  }
0x6: {  	_ = 	snop  }
0x7: {  	_ = 	snop  }
__scs_overlays_trampoline_lowered:
0x8: {  	[smem:$0x3F99] =	sst s0  }
0x9: {  	[smem:$0x3F9A] =	sst s1  }
0xa: {  	[smem:$0x3F9B] =	sst s2  }
0xb: {  	[smem:$0x3F9C] =	sst s3  }
0xc: {  	[smem:$0x3F9D] =	sst s4  }
0xd: {  	[smem:$0x3F9E] =	sst s5  }
0xe: {  	[smem:$0x3F9F] =	sst s6  }
0xf: {  	[smem:$0x3FA0] =	sst s7  }
0x10: {  	[smem:$0x3FA1] =	sst s8  }
0x11: {  	[smem:$0x3FA2] =	sst s9;
	s0 =	simm.s32 @!p0 $0x0  }
0x12: {  	s1 =	sld [smem:$0x3F88];
	s0 =	simm.s32 @p0 $0x1  }
0x13: {  	[smem:$0x3FA3] =	sst s0;
	s0 =	simm.s32 @!p1 $0x0  }
0x14: {  	s2 =	sld [smem:$0x3F87];
	s0 =	simm.s32 @p1 $0x1  }
0x15: {  	[smem:$0x3FA4] =	sst s0;
	s0 =	simm.s32 @!p2 $0x0  }
0x16: {  	s3 =	sld [smem:$0x3FDB];
	s0 =	simm.s32 @p2 $0x1  }
0x17: {  	s4 =	simm.s32 $0x1BF5;
	[smem:$0x3FA6] =	sst s0  }
0x18: {  	s0 =	sld [smem:$0x3F89];
	_ =	swait.ge [sflag:s4], $0x0  }
0x19: {  	s7 =	sld [smem:$0x3F8A]  }
0x1a: {  	s8 =	sadd.s32 $0xFFFFE003, lr  }
0x1b: {  	s9 =	sadd.s32 $0xFFFFFEF7, lr;
	s5 =	simm.s32 $0xFFFFFFFF;
	p2 =	slt.u32 s8, $0xFFFFF086  }
0x1c: {  	p1 =	slt.u32 s9, $0xF7A;
	s5 =	simm.s32 @!p2 $0x0  }
0x1d: {  	s5 =	simm.s32 @p1 $0x1;
	p0 =	seq.s32 s7, s2  }
0x1e: {  	s7 =	smul.u32 @!p0 $0xF7A, s2;
	p2 =	seq.s32 @!p0 s5, $0x0  }
0x1f: {  	s9 =	smul.u32 $0xF7A, s1;
	s8 =	simm.s32 @!p0 $0x1BF5;
	p2 =	por !p2, p0  }
0x20: {  	[sflag:s8] =	ssyncset.s32 @!p0 $0xFFFFF086;
	s6 =	sadd.s32 @!p0 s3, s7;
	s7 =	simm.s32 @!p0 $0x108  }
0x21: {  	s3 =	sadd.s32 s3, s9;
	s6 =	sadd.s32 @!p0 $0x88, s6;
	s7 =	simm.s32 @p2 $0x1082  }
0x22: {  	[simem:s7], [sflag:s8] =	dma.local @!p0 [hbm:s6], $0xF7A  }
0x23: {  	s9 =	sor.u32 $0xD0000000, s2;
	s6 =	simm.s32 $0x108;
	_ =	swait.ge @!p0 [sflag:s8], $0x0  }
0x24: {  	s3 =	sadd.s32 $0x88, s3;
	s6 =	simm.s32 @!p1 $0x1082;
	[sflag:s4] =	ssyncset.s32 $0xFFFFF086  }
0x25: {  	[simem:s6], [sflag:s4] =	dma.local [hbm:s3], $0xF7A  }
0x26: {  	[smem:$0x3F8A] =	sst s1;
	(tag) =	ssettag s2;
	_ =	strace s9  }
0x27: {  	s1 =	sld [smem:$0x3F9A]  }
0x28: {  	s2 =	sld [smem:$0x3F9B]  }
0x29: {  	s4 =	sld [smem:$0x3F9D]  }
0x2a: {  	p0 =	seq.s32 s5, $0x0;
	s5 =	sld [smem:$0x3F9E]  }
0x2b: {  	s6 =	sld [smem:$0x3F9F]  }
0x2c: {  	s7 =	sld [smem:$0x3FA0]  }
0x2d: {  	s3 =	simm.s32 $0x108;
	s8 =	sld [smem:$0x3FA1]  }
0x2e: {  	s3 =	simm.s32 @!p0 $0x1082;
	s9 =	sld [smem:$0x3FA2]  }
0x2f: {  	lr =	sadd.s32 s0, s3;
	s0 =	sld [smem:$0x3F99]  }
0x30: {  	s3 =	sld [smem:$0x3F9C]  }
0x31: {  	[smem:$0x3FA5] =	sst s10  }
0x32: {  	s10 =	sld [smem:$0x3FA3];
	_ =	sdelay $0x3  }
0x33: {  	p0 =	seq.s32 s10, $0x1;
	s10 =	sld [smem:$0x3FA5];
	_ =	sdelay $0x3  }
0x34: {  	[smem:$0x3FA5] =	sst s10  }
0x35: {  	s10 =	sld [smem:$0x3FA4];
	_ =	sdelay $0x3  }
0x36: {  	p1 =	seq.s32 s10, $0x1;
	s10 =	sld [smem:$0x3FA5];
	_ =	sdelay $0x3  }
0x37: {  	[smem:$0x3FA5] =	sst s10  }
0x38: {  	s10 =	sld [smem:$0x3FA6]  }
0x39: {  	_ = 	snop;
	(pc) =	sbr.ind lr, $3  }
0x3a: {  	_ = 	snop  }
0x3b: {  	_ = 	snop  }
0x3c: {  	p2 =	seq.s32 s10, $0x1;
	s10 =	sld [smem:$0x3FA5]  }
0x3d: {  	_ =	shalt  }
0x3e: {  	_ =	shalt  }
0x3f: {  	_ =	shalt  }
0x40: {  	_ =	shalt  }
0x41: {  	_ =	shalt  }
0x42: {  	_ =	shalt  }
0x43: {  	_ =	shalt  }
0x44: {  	_ =	shalt  }
0x45: {  	_ =	shalt  }
0x46: {  	_ =	shalt  }
0x47: {  	_ =	shalt  }
0x48: {  	_ =	shalt  }
0x49: {  	_ =	shalt  }
0x4a: {  	_ =	shalt  }
0x4b: {  	_ =	shalt  }
0x4c: {  	_ =	shalt  }
0x4d: {  	_ =	shalt  }
0x4e: {  	_ =	shalt  }
0x4f: {  	_ =	shalt  }
0x50: {  	_ =	shalt  }
0x51: {  	_ =	shalt  }
0x52: {  	_ =	shalt  }
0x53: {  	_ =	shalt  }
0x54: {  	_ =	shalt  }
0x55: {  	_ =	shalt  }
0x56: {  	_ =	shalt  }
0x57: {  	_ =	shalt  }
0x58: {  	_ =	shalt  }
0x59: {  	_ =	shalt  }
0x5a: {  	_ =	shalt  }
0x5b: {  	_ =	shalt  }
0x5c: {  	_ =	shalt  }
0x5d: {  	_ =	shalt  }
0x5e: {  	_ =	shalt  }
0x5f: {  	_ =	shalt  }
0x60: {  	_ =	shalt  }
0x61: {  	_ =	shalt  }
0x62: {  	_ =	shalt  }
0x63: {  	_ =	shalt  }
0x64: {  	_ =	shalt  }
0x65: {  	_ =	shalt  }
0x66: {  	_ =	shalt  }
0x67: {  	_ =	shalt  }
0x68: {  	_ =	shalt  }
0x69: {  	_ =	shalt  }
0x6a: {  	_ =	shalt  }
0x6b: {  	_ =	shalt  }
0x6c: {  	_ =	shalt  }
0x6d: {  	_ =	shalt  }
0x6e: {  	_ =	shalt  }
0x6f: {  	_ =	shalt  }
0x70: {  	_ =	shalt  }
0x71: {  	_ =	shalt  }
0x72: {  	_ =	shalt  }
0x73: {  	_ =	shalt  }
0x74: {  	_ =	shalt  }
0x75: {  	_ =	shalt  }
0x76: {  	_ =	shalt  }
0x77: {  	_ =	shalt  }
0x78: {  	_ =	shalt  }
0x79: {  	_ =	shalt  }
0x7a: {  	_ =	shalt  }
0x7b: {  	_ =	shalt  }
0x7c: {  	_ =	shalt  }
0x7d: {  	_ =	shalt  }
0x7e: {  	_ =	shalt  }
0x7f: {  	_ =	shalt  }
0x80: {  	_ =	shalt  }
0x81: {  	_ =	shalt  }
0x82: {  	_ =	shalt  }
0x83: {  	_ =	shalt  }
0x84: {  	_ =	shalt  }
0x85: {  	_ =	shalt  }
0x86: {  	_ =	shalt  }
0x87: {  	_ =	shalt  }
.Lfunc_end0:
.L_simem_size_0:
called_computation.2_lowered:
.L_overlay_start_0:
0x88: {  	s2 =	sld [smem:$0x3FD9]  }
0x89: {  	s3 =	sld [smem:$0x3FFE];
	_ =	sdelay $0x1  }
0x8a: {  	s1 =	srdreg.scid  }
0x8b: {  	s0 =	sand.u32 $0x1, s1  }
0x8c: {  	s14 =	sshll.u32 s0, $0xA;
	s2 =	sadd.s32 s3, s2  }
0x8d: {  	s2 =	sadd.s32 s2, s14  }
0x8e: {  	[smem:$0x3FB1] =	sst s2  }
0x8f: {  	_ = 	snop  }
0x90: {  	s2 =	sld [smem:$0x3FD0];
	_ =	sdelay $0x2  }
0x91: {  	s15 =	simm.s32 $0xB;
	s4 =	simm.s32 $0x10  }
0x92: {  	[smem:s4], [sflag:s15] =	dma.local [hbm:s2], $0x1  }
0x93: {  	_ =	swait.eq [sflag:s15], $0x1  }
0x94: {  	[sflag:s15] =	ssyncset.done $0x0  }
0x95: {  	[sflag:s15] =	ssyncadd.s32 $0xFFFFFFFF  }
0x96: {  	s16 =	sld [smem:$0x11];
	(tm) =	ssettm $0x1  }
0x97: {  	s17 =	sld [smem:$0x3FFB];
	_ =	sdelay $0x3  }
0x98: {  	_ =	strace s17  }
0x99: {  	s3 =	sld [smem:$0x3FFC];
	_ =	sdelay $0x3  }
0x9a: {  	_ =	strace s3  }
0x9b: {  	s3 =	sld [smem:$0x3FFD];
	_ =	sdelay $0x3  }
0x9c: {  	_ =	strace s3  }
0x9d: {  	_ =	strace $0x8FFFFFFF  }
0x9e: {  	s18 =	sld [smem:$0x3FDB];
	_ =	sdelay $0x1  }
0x9f: {  	s19 =	simm.s32 $_scs_section_size  }
0xa0: {  	s5 =	simm.s32 $_size__tile_overlayer_lowered;
	s6 =	simm.s32 $_tile_overlayer_lowered  }
0xa1: {  	s22 =	simm.s32 $0x1BFF;
	s21 =	sshll.u32 s6, $0x1;
	s3 =	sadd.s32 s19, s18  }
0xa2: {  	s7 =	simm.s32 $0x0;
	s20 =	sshll.u32 s5, $0x1;
	s5 =	sadd.s32 s21, s3  }
0xa3: {  	[timem:s7], [sflag:s22] =	dma.local [hbm:s5], s20  }
0xa4: {  	_ =	swait.ge [sflag:s22], s20  }
0xa5: {  	s4 =	ssub.s32 $0x0, s20;
	[sflag:s22] =	ssyncset.done $0x0  }
0xa6: {  	[sflag:s22] =	ssyncadd.s32 s4;
	_ =	sdelay $0x1  }
0xa7: {  	s23 =	simm.s32 $0x1B8B  }
0xa8: {  	_ =	swait.ge [sflag:s23], $0x1  }
0xa9: {  	[sflag:s23] =	ssyncset.done $0x0  }
0xaa: {  	s25 =	simm.s32 $0x1B8E;
	s24 =	sld [smem:$0x3FFE];
	[sflag:s23] =	ssyncadd.s32 $0xFFFFFFFF  }
0xab: {  	s26 =	simm.s32 $execute0_lowered;
	[smem:$0x3FD2] =	sst s25  }
0xac: {  	s5 =	sshll.u32 s26, $0x1;
	_ =	strace $0x80000049;
	[dreg:$0x1] =	wrdreg $0xFFFFFFFF  }
0xad: {  	s28 =	simm.s32 $_size_execute0_lowered;
	s3 =	sadd.s32 s3, s5;
	[dreg:$0x0] =	wrdreg $0x0  }
0xae: {  	s5 =	sshll.u32 s28, $0x1;
	[dreg:$0x2] =	wrdreg s3  }
0xaf: {  	[dreg:$0x3] =	wrdreg s5  }
0xb0: {  	[dreg:$0x4] =	wrdreg $0xC0  }
0xb1: {  	_ =	task [dreg:s7], $0x5FFFF  }
0xb2: {  	[dreg:$0x1] =	wrdreg $0xFFFFFFFF  }
0xb3: {  	[dreg:$0x0] =	wrdreg $0x60  }
0xb4: {  	[dreg:$0x2] =	wrdreg s24  }
0xb5: {  	[dreg:$0x3] =	wrdreg s16  }
0xb6: {  	[dreg:$0x4] =	wrdreg $0x76200  }
0xb7: {  	[dreg:$0x5] =	wrdreg $0xC4400  }
0xb8: {  	[dreg:$0x6] =	wrdreg $0xA  }
0xb9: {  	_ =	task.clear_ibuf [dreg:s7], $0x7FFFF;
	_ =	strace $0x90000049  }
0xba: {  	s29 =	simm.s32 $0xA;
	_ =	strace $0x8000004B  }
0xbb: {  	_ =	swait.ge [sflag:s29], $0x1  }
0xbc: {  	[sflag:s29] =	ssyncadd.s32 $0xFFFFFFFF  }
0xbd: {  	_ =	strace $0x9000004B  }
0xbe: {  	_ =	sfence  }
0xbf: {  	s30 =	sld [smem:$0x0];
	_ =	sdelay $0x2  }
0xc0: {  	s31 =	sshll.u32 s1, $0xD;
	s1 =	sshrl.u32 s1, $0x2  }
0xc1: {  	s3 =	sand.u32 $0x4000, s31;
	s1 =	sadd.s32 s1, s30  }
0xc2: {  	s0 =	sor.u32 s3, s0;
	s1 =	sshll.u32 s1, $0x11  }
0xc3: {  	s0 =	sor.u32 s1, s0  }
0xc4: {  	s0 =	sadd.s32 $0x8F2B, s0  }
0xc5: {  	[sflag:s0] =	ssyncadd.remote.s32 $0x1  }
0xc6: {  	_ =	sfence.sel $0xFFFF  }
0xc7: {  	[dreg:$0x0] =	wrdreg $0xFFFFFFFF;
	(pc) =	sbr.abs _section_cstart, $3  }
0xc8: {  	[dreg:$0x1] =	wrdreg $0xFFFFFFFF  }
0xc9: {  	_ =	task.clear_ibuf [dreg:s7], $0x2FFFF;
	_ =	strace $0x9FFFFFFF  }
0xca: {  	(tm) =	ssettm $0x7FFFFFFF  }
0xcb: {  	_ =	shalt  }
tec
execute0_lowered:
.L_overlay_start_1:
0x0: {  	(tag) =	ssettag $0x1  }
0x1: {  	s0 =	rddreg [dreg:$0x0]  }
0x2: {  	s6 =	rddreg [dreg:$0x1]  }
0x3: {  	s1 =	srdreg.scid;
	s2 =	rddreg [dreg:$0x2]  }
0x4: {  	s13 =	stileid.u32;
	s3 =	rddreg [dreg:$0x3];
	s28 =	simm.s32 $0x50  }
0x5: {  	s29 =	simm.s32 $0x6220;
	s30 =	simm.s32 $0x2;
	s31 =	simm.s32 $0x5  }
0x6: {  	s1 =	sand.u32 $0x1, s1;
	s10 =	smul.u32 $0x4E20, s13;
	s5 =	sadd.s32 $0x19D400, s0  }
0x7: {  	s16 =	sshll.u32 s13, $0x6;
	s4 =	sshll.u32 s1, $0x4;
	s8 =	smul.u32 $0x9C40, s1  }
0x8: {  	s1 =	ssub.s32 $0x2, s1;
	s9 =	sor.u32 s13, s4;
	s4 =	simm.s32 $0x0  }
0x9: {  	s14 =	sshrl.u32 s1, $0x1;
	s15 =	sadd.s32 s10, s2;
	s7 =	smul.u32 $0x4E2, s9  }
0xa: {  	s12 =	sshrl.u32 s10, $0x3;
	s18 =	sadd.s32 s10, s3;
	s17 =	smul.u32 $0x4E200, s9  }
0xb: {  	[smem:$0x7FF] =	sst s4;
	s1 =	ssub.s32 s1, s14;
	s20 =	smul.u32 $0x9C40, s9  }
0xc: {  	s9 =	smul.u32 $0x9C4, s9;
	_ =	strace $0x8000004A;
	[dreg:$0x5] =	wrdreg s15  }
0xd: {  	[dreg:$0x6] =	wrdreg s18;
	s1 =	smax.u32 s1, $0x1;
	s18 =	simm.s32 $0x2710  }
0xe: {  	s11 =	sadd.s32 s7, s0;
	s0 =	sadd.s32 s8, s0;
	s7 =	sadd.s32 s6, s12  }
0xf: {  	s8 =	sor.u32 $0x1C07, s16;
	s21 =	sshrl.u32 s17, $0x3;
	s6 =	sadd.s32 s5, s20  }
0x10: {  	s16 =	sadd.s32 $0x50, s9;
	s17 =	sadd.s32 $0x64, s9;
	[dreg:$0xe] =	wrdreg s1  }
0x11: {  	s20 =	simm.s32 $0x7;
	s19 =	sadd.s32 $0x42000, s11;
	[dreg:$0x9] =	wrdreg s6  }
0x12: {  	s11 =	sadd.s32 $0x38200, s11;
	s10 =	sadd.s32 s5, s21;
	[dreg:$0x7] =	wrdreg s19  }
0x13: {  	s1 =	simm.s32 $0x6C20;
	[dreg:$0x8] =	wrdreg s11;
	s22 =	sadd.s32 $0x140, s10  }
0x14: {  	s9 =	simm.s32 $0x6;
	s23 =	sadd.s32 $0x280, s10;
	[dreg:$0xa] =	wrdreg s22  }
0x15: {  	s26 =	sadd.s32 $0x4BE00, s0;
	s24 =	sadd.s32 $0x3C0, s10;
	[dreg:$0xb] =	wrdreg s23  }
0x16: {  	s0 =	sadd.s32 $0x5F800, s0;
	s25 =	sadd.s32 $0x9B00, s10;
	[dreg:$0xc] =	wrdreg s24  }
0x17: {  	s6 =	simm.s32 $0x4;
	s10 =	simm.s32 $0x0;
	[dreg:$0xd] =	wrdreg s25  }
0x18: {  	s22 =	simm.s32 $0x4E20;
	s23 =	sadd.s32 s12, s26;
	s24 =	sadd.s32 s12, s0  }
0x19: {  	s25 =	simm.s32 $0x5820;
	s26 =	simm.s32 $0x1;
	s0 =	simm.s32 $0x3  }
.LBB2_1:
0x1a: {  	s11 =	rddreg [dreg:$0x5]  }
0x1b: {  	s11 =	sshrl.u32 s11, $0x3  }
0x1c: {  	[spmem:s11], [sflag:s8] =	dma.local [hbm:s7], $0x9C4  }
0x1d: {  	_ =	swait.ge [sflag:s20], $0x9C4  }
0x1e: {  	[sflag:s20] =	ssyncset.done $0x0;
	s12 =	rddreg [dreg:$0x6]  }
0x1f: {  	[sflag:s20] =	ssyncadd.s32 $0xFFFFF63C;
	s12 =	sshrl.u32 s12, $0x3  }
0x20: {  	[spmem:s12], [sflag:s8] =	dma.local [hbm:s7], $0x9C4  }
0x21: {  	_ =	swait.ge [sflag:s20], $0x9C4  }
0x22: {  	[sflag:s20] =	ssyncset.done $0x0  }
0x23: {  	s13 =	rddreg [dreg:$0x7];
	[sflag:s20] =	ssyncadd.s32 $0xFFFFF63C  }
0x24: {  	[tilespmem:s4], [sflag:$0x7] =	stream.linear.gather [hbm4b:s13+s4], $0x2710, $0x38;
	[tilespmem:$0x11260] =	vst v63  }
0x25: {  	_ =	swait.ge [sflag:s20], $0x2710  }
0x26: {  	[sflag:s20] =	ssyncset.done $0x0  }
0x27: {  	s15 =	rddreg [dreg:$0x8];
	[sflag:s20] =	ssyncadd.s32 $0xFFFFD8F0  }
0x28: {  	[tilespmem:s18], [sflag:$0x7] =	stream.linear.gather [hbm4b:s15+s4], $0x2710, $0x38;
	[tilespmem:$0x11260] =	vst v63  }
0x29: {  	_ =	swait.ge [sflag:s20], $0x2710  }
0x2a: {  	[sflag:s20] =	ssyncset.done $0x0  }
0x2b: {  	[sflag:s20] =	ssyncadd.s32 $0xFFFFD8F0  }
0x2c: {  	[bflag:$0x0] =	sbarrier.arrive $0xFFFF  }
0x2d: {  	s19 =	rddreg [dreg:$0x9]  }
0x2e: {  	[tilespmem:s22], [sflag:$0x1] =	stream.linear.gather [hbm4b:s19+s4], $0xA00, $0x38;
	[tilespmem:$0x11260] =	vst v63  }
0x2f: {  	s21 =	rddreg [dreg:$0xa]  }
0x30: {  	[tilespmem:s25], [sflag:$0x2] =	stream.linear.gather [hbm4b:s21+s4], $0xA00, $0x38;
	[tilespmem:$0x11260] =	vst v63  }
0x31: {  	_ =	swait.ge [sflag:s26], $0xA00  }
0x32: {  	[sflag:s26] =	ssyncset.done $0x0  }
0x33: {  	s13 =	simm.s32 $0x0;
	[sflag:s26] =	ssyncadd.s32 $0xFFFFF600  }
0x34: {  	v3 =	vld [tilespmem:s13+$0x4E90]  }
0x35: {  	v4 =	vld [tilespmem:s13+$0x4E20]  }
0x36: {  	v5 =	vld [tilespmem:s13+$0x4E30]  }
0x37: {  	v2 =	vld [tilespmem:s13+$0x4E40]  }
0x38: {  	v0 =	vld [tilespmem:s13+$0x4E50]  }
0x39: {  	v1 =	vld [tilespmem:s13+$0x4E60];
	[tilespmem:s13+$0x6290] =	vst v3  }
0x3a: {  	[tilespmem:s13+$0x6220] =	vst v4;
	v3 =	vld [tilespmem:s13+$0x4E70]  }
0x3b: {  	s14 =	simm.s32 $0x80;
	s15 =	simm.s32 $0x400;
	[tilespmem:s13+$0x6230] =	vst v5;
	v4 =	vld [tilespmem:s13+$0x4E80]  }
.LBB2_2:
0x3c: {  	p0 =	sne.s32 s15, $0x2600;
	v5 =	vld [tilespmem:s14+$0x4E90];
	[tilespmem:s13+$0x6240] =	vst v2  }
0x3d: {  	v6 =	vld [tilespmem:s14+$0x4E20];
	[tilespmem:s13+$0x6250] =	vst v0  }
0x3e: {  	v7 =	vld [tilespmem:s14+$0x4E30];
	[tilespmem:s13+$0x6260] =	vst v1  }
.Ltmp0:
0x3f: {  	v2 =	vld [tilespmem:s14+$0x4E40];
	[tilespmem:s13+$0x6270] =	vst v3;
	(pc) =	sbr.rel @p0 .LBB2_2-.Ltmp0, $4  }
0x40: {  	v0 =	vld [tilespmem:s14+$0x4E50];
	[tilespmem:s13+$0x6280] =	vst v4;
	s13 =	smov.u32 s14  }
0x41: {  	v1 =	vld [tilespmem:s13+$0x4E60];
	[tilespmem:s13+$0x6290] =	vst v5  }
0x42: {  	[tilespmem:s13+$0x6220] =	vst v6;
	v3 =	vld [tilespmem:s13+$0x4E70]  }
0x43: {  	s14 =	sshra.s32 s15, $0x2;
	s15 =	sadd.s32 $0x200, s15;
	[tilespmem:s13+$0x6230] =	vst v7;
	v4 =	vld [tilespmem:s13+$0x4E80]  }
0x44: {  	v5 =	vld [tilespmem:s14+$0x4E90];
	[tilespmem:s13+$0x6240] =	vst v2  }
0x45: {  	v2 =	vld [tilespmem:s14+$0x4E20];
	[tilespmem:s13+$0x6250] =	vst v0  }
0x46: {  	v0 =	vld [tilespmem:s14+$0x4E30];
	[tilespmem:s13+$0x6260] =	vst v1  }
0x47: {  	v1 =	vld [tilespmem:s14+$0x4E40];
	[tilespmem:s13+$0x6270] =	vst v3  }
0x48: {  	v3 =	vld [tilespmem:s14+$0x4E50];
	[tilespmem:s13+$0x6280] =	vst v4  }
0x49: {  	v4 =	vld [tilespmem:s14+$0x4E60];
	[tilespmem:s14+$0x6290] =	vst v5  }
0x4a: {  	[tilespmem:s14+$0x6220] =	vst v2;
	v2 =	vld [tilespmem:s14+$0x4E70]  }
0x4b: {  	[tilespmem:s14+$0x6230] =	vst v0;
	v0 =	vld [tilespmem:s14+$0x4E80]  }
0x4c: {  	[tilespmem:s14+$0x6240] =	vst v1  }
0x4d: {  	[tilespmem:s14+$0x6250] =	vst v3  }
0x4e: {  	[tilespmem:s14+$0x6260] =	vst v4  }
0x4f: {  	[tilespmem:s14+$0x6270] =	vst v2  }
0x50: {  	[tilespmem:s14+$0x6280] =	vst v0  }
0x51: {  	[spmem:s2] =	stream.indirect.scatter.add.f32 [tilespmem:s29], [sflag:$0x3], $0x20, s18, s28, $0xb8;
	[tilespmem:$0x11260] =	vst v63  }
0x52: {  	s19 =	simm.s32 $0x0  }
0x53: {  	[spmem:s3] =	stream.indirect.scatter.add.f32 [tilespmem:s29], [sflag:$0x5], $0x20, s19, s28, $0xb8;
	[tilespmem:$0x11260] =	vst v63  }
0x54: {  	s21 =	rddreg [dreg:$0xb]  }
0x55: {  	[tilespmem:s22], [sflag:$0x1] =	stream.linear.gather [hbm4b:s21+s19], $0xA00, $0x38;
	[tilespmem:$0x11260] =	vst v63  }
0x56: {  	_ =	swait.ge [sflag:s30], $0xA00  }
0x57: {  	[sflag:s30] =	ssyncset.done $0x0  }
0x58: {  	s13 =	simm.s32 $0x0;
	[sflag:s30] =	ssyncadd.s32 $0xFFFFF600  }
0x59: {  	v3 =	vld [tilespmem:s13+$0x5890]  }
0x5a: {  	v4 =	vld [tilespmem:s13+$0x5820]  }
0x5b: {  	v5 =	vld [tilespmem:s13+$0x5830]  }
0x5c: {  	v2 =	vld [tilespmem:s13+$0x5840]  }
0x5d: {  	v0 =	vld [tilespmem:s13+$0x5850]  }
0x5e: {  	v1 =	vld [tilespmem:s13+$0x5860];
	[tilespmem:s13+$0x6C90] =	vst v3  }
0x5f: {  	[tilespmem:s13+$0x6C20] =	vst v4;
	v3 =	vld [tilespmem:s13+$0x5870]  }
0x60: {  	s15 =	simm.s32 $0x400;
	s14 =	simm.s32 $0x80;
	[tilespmem:s13+$0x6C30] =	vst v5;
	v4 =	vld [tilespmem:s13+$0x5880]  }
.LBB2_4:
0x61: {  	p0 =	sne.s32 s15, $0x2600;
	v5 =	vld [tilespmem:s14+$0x5890];
	[tilespmem:s13+$0x6C40] =	vst v2  }
0x62: {  	v6 =	vld [tilespmem:s14+$0x5820];
	[tilespmem:s13+$0x6C50] =	vst v0  }
0x63: {  	v7 =	vld [tilespmem:s14+$0x5830];
	[tilespmem:s13+$0x6C60] =	vst v1  }
.Ltmp1:
0x64: {  	v2 =	vld [tilespmem:s14+$0x5840];
	[tilespmem:s13+$0x6C70] =	vst v3;
	(pc) =	sbr.rel @p0 .LBB2_4-.Ltmp1, $4  }
0x65: {  	v0 =	vld [tilespmem:s14+$0x5850];
	[tilespmem:s13+$0x6C80] =	vst v4;
	s13 =	smov.u32 s14  }
0x66: {  	v1 =	vld [tilespmem:s13+$0x5860];
	[tilespmem:s13+$0x6C90] =	vst v5  }
0x67: {  	[tilespmem:s13+$0x6C20] =	vst v6;
	v3 =	vld [tilespmem:s13+$0x5870]  }
0x68: {  	s14 =	sshra.s32 s15, $0x2;
	s15 =	sadd.s32 $0x200, s15;
	[tilespmem:s13+$0x6C30] =	vst v7;
	v4 =	vld [tilespmem:s13+$0x5880]  }
0x69: {  	v5 =	vld [tilespmem:s14+$0x5890];
	[tilespmem:s13+$0x6C40] =	vst v2  }
0x6a: {  	v2 =	vld [tilespmem:s14+$0x5820];
	[tilespmem:s13+$0x6C50] =	vst v0  }
0x6b: {  	v0 =	vld [tilespmem:s14+$0x5830];
	[tilespmem:s13+$0x6C60] =	vst v1  }
0x6c: {  	v1 =	vld [tilespmem:s14+$0x5840];
	[tilespmem:s13+$0x6C70] =	vst v3  }
0x6d: {  	v3 =	vld [tilespmem:s14+$0x5850];
	[tilespmem:s13+$0x6C80] =	vst v4  }
0x6e: {  	v4 =	vld [tilespmem:s14+$0x5860];
	[tilespmem:s14+$0x6C90] =	vst v5  }
0x6f: {  	v62 =	vld [tilespmem:s14+$0x5870];
	[tilespmem:s14+$0x6C20] =	vst v2  }
0x70: {  	v63 =	vld [tilespmem:s14+$0x5880];
	[tilespmem:s14+$0x6C30] =	vst v0  }
0x71: {  	[tilespmem:s14+$0x6C40] =	vst v1  }
0x72: {  	[tilespmem:s14+$0x6C50] =	vst v3  }
0x73: {  	[tilespmem:s14+$0x6C60] =	vst v4  }
0x74: {  	[tilespmem:s14+$0x6C70] =	vst v62  }
0x75: {  	s18 =	simm.s32 $0x2760;
	[tilespmem:s14+$0x6C80] =	vst v63  }
0x76: {  	[spmem:s2] =	stream.indirect.scatter.add.f32 [tilespmem:s1], [sflag:$0x4], $0x20, s18, s28, $0xb8;
	[tilespmem:$0x11260] =	vst v63  }
0x77: {  	_ = 	snop  }
0x78: {  	[spmem:s3] =	stream.indirect.scatter.add.f32 [tilespmem:s1], [sflag:$0x6], $0x20, s28, s28, $0xb8;
	[tilespmem:$0x11260] =	vst v63  }
0x79: {  	s21 =	simm.s32 $0x0;
	s19 =	rddreg [dreg:$0xc]  }
0x7a: {  	[tilespmem:s25], [sflag:$0x2] =	stream.linear.gather [hbm4b:s19+s21], $0xA00, $0x38;
	[tilespmem:$0x11260] =	vst v63  }
.LBB2_6:
0x7b: {  	_ =	swait.ge [sflag:s26], $0xA00  }
0x7c: {  	[sflag:s26] =	ssyncset.done $0x0  }
0x7d: {  	[sflag:s26] =	ssyncadd.s32 $0xFFFFF600  }
0x7e: {  	_ =	swait.ge [sflag:s0], $0xA00  }
0x7f: {  	[sflag:s0] =	ssyncset.done $0x0  }
0x80: {  	[sflag:s0] =	ssyncadd.s32 $0xFFFFF600  }
0x81: {  	_ =	swait.ge [sflag:s31], $0xA00  }
0x82: {  	[sflag:s31] =	ssyncset.done $0x0  }
0x83: {  	s13 =	simm.s32 $0x0;
	[sflag:s31] =	ssyncadd.s32 $0xFFFFF600  }
0x84: {  	v3 =	vld [tilespmem:s13+$0x4E90]  }
0x85: {  	v4 =	vld [tilespmem:s13+$0x4E20]  }
0x86: {  	v5 =	vld [tilespmem:s13+$0x4E30]  }
0x87: {  	v2 =	vld [tilespmem:s13+$0x4E40]  }
0x88: {  	v0 =	vld [tilespmem:s13+$0x4E50]  }
0x89: {  	v1 =	vld [tilespmem:s13+$0x4E60];
	[tilespmem:s13+$0x6290] =	vst v3  }
0x8a: {  	[tilespmem:s13+$0x6220] =	vst v4;
	v3 =	vld [tilespmem:s13+$0x4E70]  }
0x8b: {  	s14 =	simm.s32 $0x80;
	s15 =	simm.s32 $0x400;
	[tilespmem:s13+$0x6230] =	vst v5;
	v4 =	vld [tilespmem:s13+$0x4E80]  }
.LBB2_7:
0x8c: {  	p0 =	sne.s32 s15, $0x2600;
	v5 =	vld [tilespmem:s14+$0x4E90];
	[tilespmem:s13+$0x6240] =	vst v2  }
0x8d: {  	v6 =	vld [tilespmem:s14+$0x4E20];
	[tilespmem:s13+$0x6250] =	vst v0  }
0x8e: {  	v7 =	vld [tilespmem:s14+$0x4E30];
	[tilespmem:s13+$0x6260] =	vst v1  }
.Ltmp2:
0x8f: {  	v2 =	vld [tilespmem:s14+$0x4E40];
	[tilespmem:s13+$0x6270] =	vst v3;
	(pc) =	sbr.rel @p0 .LBB2_7-.Ltmp2, $4  }
0x90: {  	v0 =	vld [tilespmem:s14+$0x4E50];
	[tilespmem:s13+$0x6280] =	vst v4;
	s13 =	smov.u32 s14  }
0x91: {  	v1 =	vld [tilespmem:s13+$0x4E60];
	[tilespmem:s13+$0x6290] =	vst v5  }
0x92: {  	[tilespmem:s13+$0x6220] =	vst v6;
	v3 =	vld [tilespmem:s13+$0x4E70]  }
0x93: {  	s14 =	sshra.s32 s15, $0x2;
	s15 =	sadd.s32 $0x200, s15;
	[tilespmem:s13+$0x6230] =	vst v7;
	v4 =	vld [tilespmem:s13+$0x4E80]  }
0x94: {  	v5 =	vld [tilespmem:s14+$0x4E90];
	[tilespmem:s13+$0x6240] =	vst v2  }
0x95: {  	v2 =	vld [tilespmem:s14+$0x4E20];
	[tilespmem:s13+$0x6250] =	vst v0  }
0x96: {  	v0 =	vld [tilespmem:s14+$0x4E30];
	[tilespmem:s13+$0x6260] =	vst v1  }
0x97: {  	v1 =	vld [tilespmem:s14+$0x4E40];
	[tilespmem:s13+$0x6270] =	vst v3  }
0x98: {  	v3 =	vld [tilespmem:s14+$0x4E50];
	[tilespmem:s13+$0x6280] =	vst v4  }
0x99: {  	v4 =	vld [tilespmem:s14+$0x4E60];
	[tilespmem:s14+$0x6290] =	vst v5  }
0x9a: {  	[tilespmem:s14+$0x6220] =	vst v2;
	v2 =	vld [tilespmem:s14+$0x4E70]  }
0x9b: {  	[tilespmem:s14+$0x6230] =	vst v0;
	v0 =	vld [tilespmem:s14+$0x4E80]  }
0x9c: {  	[tilespmem:s14+$0x6240] =	vst v1  }
0x9d: {  	[tilespmem:s14+$0x6250] =	vst v3  }
0x9e: {  	s13 =	smul.u32 $0xA0, s21;
	[tilespmem:s14+$0x6260] =	vst v4  }
0x9f: {  	[tilespmem:s14+$0x6270] =	vst v2  }
0xa0: {  	s18 =	sadd.s32 $0x27B0, s13;
	[tilespmem:s14+$0x6280] =	vst v0;
	s14 =	smul.u32 $0x28, s21  }
0xa1: {  	[spmem:s2] =	stream.indirect.scatter.add.f32 [tilespmem:s29], [sflag:$0x3], $0x20, s18, s28, $0xb8;
	[tilespmem:$0x11260] =	vst v63  }
0xa2: {  	s15 =	sadd.s32 $0xA0, s13;
	s19 =	sadd.s32 s14, s16  }
0xa3: {  	[spmem:s3] =	stream.indirect.scatter.add.f32 [tilespmem:s29], [sflag:$0x5], $0x20, s15, s28, $0xb8;
	[tilespmem:$0x11260] =	vst v63  }
0xa4: {  	s15 =	sshll.u32 s19, $0x4  }
0xa5: {  	s15 =	sand.u32 $0x1FFFFFC0, s15  }
0xa6: {  	s18 =	simm.s32 $0x0;
	s15 =	sadd.s32 s5, s15  }
0xa7: {  	[tilespmem:s22], [sflag:$0x1] =	stream.linear.gather [hbm4b:s15+s18], $0xA00, $0x38;
	[tilespmem:$0x11260] =	vst v63  }
0xa8: {  	_ =	swait.ge [sflag:s30], $0xA00  }
0xa9: {  	[sflag:s30] =	ssyncset.done $0x0  }
0xaa: {  	[sflag:s30] =	ssyncadd.s32 $0xFFFFF600  }
0xab: {  	_ =	swait.ge [sflag:s6], $0xA00  }
0xac: {  	[sflag:s6] =	ssyncset.done $0x0  }
0xad: {  	[sflag:s6] =	ssyncadd.s32 $0xFFFFF600  }
0xae: {  	_ =	swait.ge [sflag:s9], $0xA00  }
0xaf: {  	[sflag:s9] =	ssyncset.done $0x0  }
0xb0: {  	s15 =	simm.s32 $0x0;
	[sflag:s9] =	ssyncadd.s32 $0xFFFFF600  }
0xb1: {  	v3 =	vld [tilespmem:s15+$0x5890]  }
0xb2: {  	v4 =	vld [tilespmem:s15+$0x5820]  }
0xb3: {  	v5 =	vld [tilespmem:s15+$0x5830]  }
0xb4: {  	v2 =	vld [tilespmem:s15+$0x5840]  }
0xb5: {  	v0 =	vld [tilespmem:s15+$0x5850]  }
0xb6: {  	v1 =	vld [tilespmem:s15+$0x5860];
	[tilespmem:s15+$0x6C90] =	vst v3  }
0xb7: {  	[tilespmem:s15+$0x6C20] =	vst v4;
	v3 =	vld [tilespmem:s15+$0x5870]  }
0xb8: {  	s19 =	simm.s32 $0x400;
	s18 =	simm.s32 $0x80;
	[tilespmem:s15+$0x6C30] =	vst v5;
	v4 =	vld [tilespmem:s15+$0x5880]  }
.LBB2_9:
0xb9: {  	p0 =	sne.s32 s19, $0x2600;
	v5 =	vld [tilespmem:s18+$0x5890];
	[tilespmem:s15+$0x6C40] =	vst v2  }
0xba: {  	v6 =	vld [tilespmem:s18+$0x5820];
	[tilespmem:s15+$0x6C50] =	vst v0  }
0xbb: {  	v7 =	vld [tilespmem:s18+$0x5830];
	[tilespmem:s15+$0x6C60] =	vst v1  }
.Ltmp3:
0xbc: {  	v2 =	vld [tilespmem:s18+$0x5840];
	[tilespmem:s15+$0x6C70] =	vst v3;
	(pc) =	sbr.rel @p0 .LBB2_9-.Ltmp3, $4  }
0xbd: {  	v0 =	vld [tilespmem:s18+$0x5850];
	[tilespmem:s15+$0x6C80] =	vst v4;
	s15 =	smov.u32 s18  }
0xbe: {  	v1 =	vld [tilespmem:s15+$0x5860];
	[tilespmem:s15+$0x6C90] =	vst v5  }
0xbf: {  	[tilespmem:s15+$0x6C20] =	vst v6;
	v3 =	vld [tilespmem:s15+$0x5870]  }
0xc0: {  	s18 =	sshra.s32 s19, $0x2;
	s19 =	sadd.s32 $0x200, s19;
	[tilespmem:s15+$0x6C30] =	vst v7;
	v4 =	vld [tilespmem:s15+$0x5880]  }
0xc1: {  	v5 =	vld [tilespmem:s18+$0x5890];
	[tilespmem:s15+$0x6C40] =	vst v2  }
0xc2: {  	v2 =	vld [tilespmem:s18+$0x5820];
	[tilespmem:s15+$0x6C50] =	vst v0  }
0xc3: {  	v0 =	vld [tilespmem:s18+$0x5830];
	[tilespmem:s15+$0x6C60] =	vst v1  }
0xc4: {  	v1 =	vld [tilespmem:s18+$0x5840];
	[tilespmem:s15+$0x6C70] =	vst v3  }
0xc5: {  	v3 =	vld [tilespmem:s18+$0x5850];
	[tilespmem:s15+$0x6C80] =	vst v4  }
0xc6: {  	v4 =	vld [tilespmem:s18+$0x5860];
	[tilespmem:s18+$0x6C90] =	vst v5  }
0xc7: {  	v62 =	vld [tilespmem:s18+$0x5870];
	[tilespmem:s18+$0x6C20] =	vst v2  }
0xc8: {  	v63 =	vld [tilespmem:s18+$0x5880];
	[tilespmem:s18+$0x6C30] =	vst v0  }
0xc9: {  	[tilespmem:s18+$0x6C40] =	vst v1  }
0xca: {  	[tilespmem:s18+$0x6C50] =	vst v3  }
0xcb: {  	[tilespmem:s18+$0x6C60] =	vst v4  }
0xcc: {  	[tilespmem:s18+$0x6C70] =	vst v62  }
0xcd: {  	s19 =	sadd.s32 $0x2800, s13;
	s21 =	sadd.s32 $0x1, s21;
	[tilespmem:s18+$0x6C80] =	vst v63  }
0xce: {  	[spmem:s2] =	stream.indirect.scatter.add.f32 [tilespmem:s1], [sflag:$0x4], $0x20, s19, s28, $0xb8;
	[tilespmem:$0x11260] =	vst v63  }
0xcf: {  	p0 =	sne.s32 s21, $0x3C;
	s19 =	sadd.s32 s14, s17  }
.Ltmp4:
0xd0: {  	s18 =	sadd.s32 $0xF0, s13;
	s13 =	sshll.u32 s19, $0x4;
	(pc) =	sbr.rel @p0 .LBB2_6-.Ltmp4, $4  }
0xd1: {  	[spmem:s3] =	stream.indirect.scatter.add.f32 [tilespmem:s1], [sflag:$0x6], $0x20, s18, s28, $0xb8;
	[tilespmem:$0x11260] =	vst v63  }
0xd2: {  	s13 =	sand.u32 $0x1FFFFFC0, s13  }
0xd3: {  	s13 =	sadd.s32 s5, s13  }
0xd4: {  	[tilespmem:s25], [sflag:$0x2] =	stream.linear.gather [hbm4b:s13+s4], $0xA00, $0x38;
	[tilespmem:$0x11260] =	vst v63  }
0xd5: {  	_ =	swait.ge [sflag:s26], $0xA00  }
0xd6: {  	[sflag:s26] =	ssyncset.done $0x0  }
0xd7: {  	[sflag:s26] =	ssyncadd.s32 $0xFFFFF600  }
0xd8: {  	_ =	swait.ge [sflag:s0], $0xA00  }
0xd9: {  	[sflag:s0] =	ssyncset.done $0x0  }
0xda: {  	[sflag:s0] =	ssyncadd.s32 $0xFFFFF600  }
0xdb: {  	_ =	swait.ge [sflag:s31], $0xA00  }
0xdc: {  	[sflag:s31] =	ssyncset.done $0x0  }
0xdd: {  	s13 =	simm.s32 $0x0;
	[sflag:s31] =	ssyncadd.s32 $0xFFFFF600  }
0xde: {  	v3 =	vld [tilespmem:s13+$0x4E90]  }
0xdf: {  	v4 =	vld [tilespmem:s13+$0x4E20]  }
0xe0: {  	v5 =	vld [tilespmem:s13+$0x4E30]  }
0xe1: {  	v2 =	vld [tilespmem:s13+$0x4E40]  }
0xe2: {  	v0 =	vld [tilespmem:s13+$0x4E50]  }
0xe3: {  	v1 =	vld [tilespmem:s13+$0x4E60];
	[tilespmem:s13+$0x6290] =	vst v3  }
0xe4: {  	[tilespmem:s13+$0x6220] =	vst v4;
	v3 =	vld [tilespmem:s13+$0x4E70]  }
0xe5: {  	s14 =	simm.s32 $0x80;
	s15 =	simm.s32 $0x400;
	[tilespmem:s13+$0x6230] =	vst v5;
	v4 =	vld [tilespmem:s13+$0x4E80]  }
.LBB2_12:
0xe6: {  	p0 =	sne.s32 s15, $0x2600;
	v5 =	vld [tilespmem:s14+$0x4E90];
	[tilespmem:s13+$0x6240] =	vst v2  }
0xe7: {  	v6 =	vld [tilespmem:s14+$0x4E20];
	[tilespmem:s13+$0x6250] =	vst v0  }
0xe8: {  	v7 =	vld [tilespmem:s14+$0x4E30];
	[tilespmem:s13+$0x6260] =	vst v1  }
.Ltmp5:
0xe9: {  	v2 =	vld [tilespmem:s14+$0x4E40];
	[tilespmem:s13+$0x6270] =	vst v3;
	(pc) =	sbr.rel @p0 .LBB2_12-.Ltmp5, $4  }
0xea: {  	v0 =	vld [tilespmem:s14+$0x4E50];
	[tilespmem:s13+$0x6280] =	vst v4;
	s13 =	smov.u32 s14  }
0xeb: {  	v1 =	vld [tilespmem:s13+$0x4E60];
	[tilespmem:s13+$0x6290] =	vst v5  }
0xec: {  	[tilespmem:s13+$0x6220] =	vst v6;
	v3 =	vld [tilespmem:s13+$0x4E70]  }
0xed: {  	s14 =	sshra.s32 s15, $0x2;
	s15 =	sadd.s32 $0x200, s15;
	[tilespmem:s13+$0x6230] =	vst v7;
	v4 =	vld [tilespmem:s13+$0x4E80]  }
0xee: {  	v5 =	vld [tilespmem:s14+$0x4E90];
	[tilespmem:s13+$0x6240] =	vst v2  }
0xef: {  	v2 =	vld [tilespmem:s14+$0x4E20];
	[tilespmem:s13+$0x6250] =	vst v0  }
0xf0: {  	v0 =	vld [tilespmem:s14+$0x4E30];
	[tilespmem:s13+$0x6260] =	vst v1  }
0xf1: {  	v1 =	vld [tilespmem:s14+$0x4E40];
	[tilespmem:s13+$0x6270] =	vst v3  }
0xf2: {  	v3 =	vld [tilespmem:s14+$0x4E50];
	[tilespmem:s13+$0x6280] =	vst v4  }
0xf3: {  	v4 =	vld [tilespmem:s14+$0x4E60];
	[tilespmem:s14+$0x6290] =	vst v5  }
0xf4: {  	[tilespmem:s14+$0x6220] =	vst v2;
	v2 =	vld [tilespmem:s14+$0x4E70]  }
0xf5: {  	[tilespmem:s14+$0x6230] =	vst v0;
	v0 =	vld [tilespmem:s14+$0x4E80]  }
0xf6: {  	[tilespmem:s14+$0x6240] =	vst v1  }
0xf7: {  	[tilespmem:s14+$0x6250] =	vst v3  }
0xf8: {  	[tilespmem:s14+$0x6260] =	vst v4  }
0xf9: {  	[tilespmem:s14+$0x6270] =	vst v2  }
0xfa: {  	s15 =	simm.s32 $0x4D30;
	[tilespmem:s14+$0x6280] =	vst v0  }
0xfb: {  	[spmem:s2] =	stream.indirect.scatter.add.f32 [tilespmem:s29], [sflag:$0x3], $0x20, s15, s28, $0xb8;
	[tilespmem:$0x11260] =	vst v63  }
0xfc: {  	s18 =	simm.s32 $0x2620  }
0xfd: {  	[spmem:s3] =	stream.indirect.scatter.add.f32 [tilespmem:s29], [sflag:$0x5], $0x20, s18, s28, $0xb8;
	[tilespmem:$0x11260] =	vst v63  }
0xfe: {  	s19 =	simm.s32 $0x0;
	s21 =	rddreg [dreg:$0xd]  }
0xff: {  	[tilespmem:s22], [sflag:$0x1] =	stream.linear.gather [hbm4b:s21+s19], $0xA00, $0x38;
	[tilespmem:$0x11260] =	vst v63  }
0x100: {  	_ =	swait.ge [sflag:s30], $0xA00  }
0x101: {  	[sflag:s30] =	ssyncset.done $0x0  }
0x102: {  	[sflag:s30] =	ssyncadd.s32 $0xFFFFF600  }
0x103: {  	_ =	swait.ge [sflag:s6], $0xA00  }
0x104: {  	[sflag:s6] =	ssyncset.done $0x0  }
0x105: {  	[sflag:s6] =	ssyncadd.s32 $0xFFFFF600  }
0x106: {  	_ =	swait.ge [sflag:s9], $0xA00  }
0x107: {  	[sflag:s9] =	ssyncset.done $0x0  }
0x108: {  	s13 =	simm.s32 $0x0;
	[sflag:s9] =	ssyncadd.s32 $0xFFFFF600  }
0x109: {  	v3 =	vld [tilespmem:s13+$0x5890]  }
0x10a: {  	v4 =	vld [tilespmem:s13+$0x5820]  }
0x10b: {  	v5 =	vld [tilespmem:s13+$0x5830]  }
0x10c: {  	v2 =	vld [tilespmem:s13+$0x5840]  }
0x10d: {  	v0 =	vld [tilespmem:s13+$0x5850]  }
0x10e: {  	v1 =	vld [tilespmem:s13+$0x5860];
	[tilespmem:s13+$0x6C90] =	vst v3  }
0x10f: {  	[tilespmem:s13+$0x6C20] =	vst v4;
	v3 =	vld [tilespmem:s13+$0x5870]  }
0x110: {  	s14 =	simm.s32 $0x80;
	s15 =	simm.s32 $0x400;
	s18 =	simm.s32 $0x2710;
	[tilespmem:s13+$0x6C30] =	vst v5;
	v4 =	vld [tilespmem:s13+$0x5880]  }
.LBB2_14:
0x111: {  	p0 =	sne.s32 s15, $0x2600;
	v5 =	vld [tilespmem:s14+$0x5890];
	[tilespmem:s13+$0x6C40] =	vst v2  }
0x112: {  	v6 =	vld [tilespmem:s14+$0x5820];
	[tilespmem:s13+$0x6C50] =	vst v0  }
0x113: {  	v7 =	vld [tilespmem:s14+$0x5830];
	[tilespmem:s13+$0x6C60] =	vst v1  }
.Ltmp6:
0x114: {  	v2 =	vld [tilespmem:s14+$0x5840];
	[tilespmem:s13+$0x6C70] =	vst v3;
	(pc) =	sbr.rel @p0 .LBB2_14-.Ltmp6, $4  }
0x115: {  	v0 =	vld [tilespmem:s14+$0x5850];
	[tilespmem:s13+$0x6C80] =	vst v4;
	s13 =	smov.u32 s14  }
0x116: {  	v1 =	vld [tilespmem:s13+$0x5860];
	[tilespmem:s13+$0x6C90] =	vst v5  }
0x117: {  	[tilespmem:s13+$0x6C20] =	vst v6;
	v3 =	vld [tilespmem:s13+$0x5870]  }
0x118: {  	s14 =	sshra.s32 s15, $0x2;
	s15 =	sadd.s32 $0x200, s15;
	[tilespmem:s13+$0x6C30] =	vst v7;
	v4 =	vld [tilespmem:s13+$0x5880]  }
0x119: {  	v5 =	vld [tilespmem:s14+$0x5890];
	[tilespmem:s13+$0x6C40] =	vst v2  }
0x11a: {  	v2 =	vld [tilespmem:s14+$0x5820];
	[tilespmem:s13+$0x6C50] =	vst v0  }
0x11b: {  	v0 =	vld [tilespmem:s14+$0x5830];
	[tilespmem:s13+$0x6C60] =	vst v1  }
0x11c: {  	v1 =	vld [tilespmem:s14+$0x5840];
	[tilespmem:s13+$0x6C70] =	vst v3  }
0x11d: {  	v3 =	vld [tilespmem:s14+$0x5850];
	[tilespmem:s13+$0x6C80] =	vst v4  }
0x11e: {  	v4 =	vld [tilespmem:s14+$0x5860];
	[tilespmem:s14+$0x6C90] =	vst v5  }
0x11f: {  	[tilespmem:s14+$0x6C20] =	vst v2;
	v2 =	vld [tilespmem:s14+$0x5870]  }
0x120: {  	[tilespmem:s14+$0x6C30] =	vst v0;
	v0 =	vld [tilespmem:s14+$0x5880]  }
0x121: {  	[tilespmem:s14+$0x6C40] =	vst v1  }
0x122: {  	[tilespmem:s14+$0x6C50] =	vst v3  }
0x123: {  	[tilespmem:s14+$0x6C60] =	vst v4  }
0x124: {  	[tilespmem:s14+$0x6C70] =	vst v2  }
0x125: {  	s19 =	simm.s32 $0x4D80;
	[tilespmem:s14+$0x6C80] =	vst v0  }
0x126: {  	[spmem:s2] =	stream.indirect.scatter.add.f32 [tilespmem:s1], [sflag:$0x4], $0x20, s19, s28, $0xb8;
	[tilespmem:$0x11260] =	vst v63  }
0x127: {  	s21 =	simm.s32 $0x2670  }
0x128: {  	[spmem:s3] =	stream.indirect.scatter.add.f32 [tilespmem:s1], [sflag:$0x6], $0x20, s21, s28, $0xb8;
	[tilespmem:$0x11260] =	vst v63  }
0x129: {  	_ =	swait.ge [sflag:s26], $0xA00  }
0x12a: {  	[sflag:s26] =	ssyncset.done $0x0  }
0x12b: {  	[sflag:s26] =	ssyncadd.s32 $0xFFFFF600  }
0x12c: {  	_ =	swait.ge [sflag:s0], $0xA00  }
0x12d: {  	[sflag:s0] =	ssyncset.done $0x0  }
0x12e: {  	[sflag:s0] =	ssyncadd.s32 $0xFFFFF600  }
0x12f: {  	_ =	swait.ge [sflag:s31], $0xA00  }
0x130: {  	[sflag:s31] =	ssyncset.done $0x0  }
0x131: {  	s13 =	simm.s32 $0x0;
	[sflag:s31] =	ssyncadd.s32 $0xFFFFF600  }
0x132: {  	v3 =	vld [tilespmem:s13+$0x4E90]  }
0x133: {  	v4 =	vld [tilespmem:s13+$0x4E20]  }
0x134: {  	v5 =	vld [tilespmem:s13+$0x4E30]  }
0x135: {  	v2 =	vld [tilespmem:s13+$0x4E40]  }
0x136: {  	v0 =	vld [tilespmem:s13+$0x4E50]  }
0x137: {  	v1 =	vld [tilespmem:s13+$0x4E60];
	[tilespmem:s13+$0x6290] =	vst v3  }
0x138: {  	[tilespmem:s13+$0x6220] =	vst v4;
	v3 =	vld [tilespmem:s13+$0x4E70]  }
0x139: {  	s15 =	simm.s32 $0x400;
	s14 =	simm.s32 $0x80;
	[tilespmem:s13+$0x6230] =	vst v5;
	v4 =	vld [tilespmem:s13+$0x4E80]  }
.LBB2_16:
0x13a: {  	p0 =	sne.s32 s15, $0x2600;
	v5 =	vld [tilespmem:s14+$0x4E90];
	[tilespmem:s13+$0x6240] =	vst v2  }
0x13b: {  	v6 =	vld [tilespmem:s14+$0x4E20];
	[tilespmem:s13+$0x6250] =	vst v0  }
0x13c: {  	v7 =	vld [tilespmem:s14+$0x4E30];
	[tilespmem:s13+$0x6260] =	vst v1  }
.Ltmp7:
0x13d: {  	v2 =	vld [tilespmem:s14+$0x4E40];
	[tilespmem:s13+$0x6270] =	vst v3;
	(pc) =	sbr.rel @p0 .LBB2_16-.Ltmp7, $4  }
0x13e: {  	v0 =	vld [tilespmem:s14+$0x4E50];
	[tilespmem:s13+$0x6280] =	vst v4;
	s13 =	smov.u32 s14  }
0x13f: {  	v1 =	vld [tilespmem:s13+$0x4E60];
	[tilespmem:s13+$0x6290] =	vst v5  }
0x140: {  	[tilespmem:s13+$0x6220] =	vst v6;
	v3 =	vld [tilespmem:s13+$0x4E70]  }
0x141: {  	s14 =	sshra.s32 s15, $0x2;
	s15 =	sadd.s32 $0x200, s15;
	[tilespmem:s13+$0x6230] =	vst v7;
	v4 =	vld [tilespmem:s13+$0x4E80]  }
0x142: {  	v5 =	vld [tilespmem:s14+$0x4E90];
	[tilespmem:s13+$0x6240] =	vst v2  }
0x143: {  	v2 =	vld [tilespmem:s14+$0x4E20];
	[tilespmem:s13+$0x6250] =	vst v0  }
0x144: {  	v0 =	vld [tilespmem:s14+$0x4E30];
	[tilespmem:s13+$0x6260] =	vst v1  }
0x145: {  	v1 =	vld [tilespmem:s14+$0x4E40];
	[tilespmem:s13+$0x6270] =	vst v3  }
0x146: {  	v3 =	vld [tilespmem:s14+$0x4E50];
	[tilespmem:s13+$0x6280] =	vst v4  }
0x147: {  	v4 =	vld [tilespmem:s14+$0x4E60];
	[tilespmem:s14+$0x6290] =	vst v5  }
0x148: {  	v62 =	vld [tilespmem:s14+$0x4E70];
	[tilespmem:s14+$0x6220] =	vst v2  }
0x149: {  	v63 =	vld [tilespmem:s14+$0x4E80];
	[tilespmem:s14+$0x6230] =	vst v0  }
0x14a: {  	[tilespmem:s14+$0x6240] =	vst v1  }
0x14b: {  	[tilespmem:s14+$0x6250] =	vst v3  }
0x14c: {  	[tilespmem:s14+$0x6260] =	vst v4  }
0x14d: {  	[tilespmem:s14+$0x6270] =	vst v62  }
0x14e: {  	s15 =	simm.s32 $0x4DD0;
	[tilespmem:s14+$0x6280] =	vst v63  }
0x14f: {  	[spmem:s2] =	stream.indirect.scatter.add.f32 [tilespmem:s29], [sflag:$0x3], $0x20, s15, s28, $0xb8;
	[tilespmem:$0x11260] =	vst v63  }
0x150: {  	s19 =	simm.s32 $0x26C0  }
0x151: {  	[spmem:s3] =	stream.indirect.scatter.add.f32 [tilespmem:s29], [sflag:$0x5], $0x20, s19, s28, $0xb8;
	[tilespmem:$0x11260] =	vst v63  }
0x152: {  	_ =	swait.ge [sflag:s6], $0xA00  }
0x153: {  	[sflag:s6] =	ssyncset.done $0x0  }
0x154: {  	[sflag:s6] =	ssyncadd.s32 $0xFFFFF600  }
0x155: {  	_ =	swait.ge [sflag:s9], $0xA00  }
0x156: {  	[sflag:s9] =	ssyncset.done $0x0  }
0x157: {  	[sflag:s9] =	ssyncadd.s32 $0xFFFFF600  }
0x158: {  	_ =	swait.ge [sflag:s0], $0xA00  }
0x159: {  	[sflag:s0] =	ssyncset.done $0x0  }
0x15a: {  	[sflag:s0] =	ssyncadd.s32 $0xFFFFF600  }
0x15b: {  	_ =	swait.ge [sflag:s31], $0xA00  }
0x15c: {  	[sflag:s31] =	ssyncset.done $0x0  }
0x15d: {  	[sflag:s31] =	ssyncadd.s32 $0xFFFFF600  }
0x15e: {  	[bflag:$0x0] =	sbarrier.arrive $0xFFFF  }
0x15f: {  	[hbm:s23], [sflag:s8] =	dma.local [spmem:s11], $0x9C4  }
0x160: {  	_ =	swait.ge [sflag:s20], $0x9C4  }
0x161: {  	[sflag:s20] =	ssyncset.done $0x0  }
0x162: {  	[sflag:s20] =	ssyncadd.s32 $0xFFFFF63C  }
0x163: {  	[hbm:s24], [sflag:s8] =	dma.local [spmem:s12], $0x9C4  }
0x164: {  	_ =	swait.ge [sflag:s20], $0x9C4  }
0x165: {  	s10 =	sadd.s32 $0x1, s10;
	s21 =	rddreg [dreg:$0xe]  }
0x166: {  	p0 =	sne.s32 s10, s21  }
.Ltmp8:
0x167: {  	_ = 	snop;
	(pc) =	sbr.rel @p0 .LBB2_1-.Ltmp8, $3  }
0x168: {  	_ =	sdelay $0x1  }
0x169: {  	[sflag:s20] =	ssyncset.done $0x0  }
0x16a: {  	[sflag:s20] =	ssyncadd.s32 $0xFFFFF63C  }
0x16b: {  	_ =	sfence.sel $0x180000  }
0x16c: {  	[bflag:$0x0] =	sbarrier.arrive $0xFFFF  }
0x16d: {  	_ =	strace $0x9000004A  }
0x16e: {  	s0 =	stileid.u32;
	[bflag:$0x2] =	sbarrier.arrive $0xFFFF  }
0x16f: {  	p0 =	sne.s32 s0, $0x0;
	s0 =	rddreg [dreg:$0x4]  }
0x170: {  	s0 =	sadd.s32 @!p0 $0x100000, s0  }
0x171: {  	[sflag:s0] =	ssyncadd.tile.s32 @!p0 $0x1;
	_ =	shalt  }
.Lfunc_end2:
_tile_overlayer_lowered:
.L_overlay_start_2:
0x172: {  	(tag) =	ssettag $0x2  }
0x173: {  	s0 =	rddreg [dreg:$0x0];
	s2 =	stileid.u32  }
0x174: {  	s1 =	rddreg [dreg:$0x1];
	p0 =	sne.s32 s2, $0x0  }
0x175: {  	s3 =	rddreg [dreg:$0x2];
	[bflag:$0x3] =	sbarrier.arrive $0xFFFF;
	s2 =	simm.s32 @!p0 $0x1C07  }
0x176: {  	[timem:s3], [sflag:s2] =	dma.local @!p0 [hbm:s0], s1  }
0x177: {  	s0 =	simm.s32 @!p0 $0x7  }
0x178: {  	_ =	swait.ge @!p0 [sflag:s0], s1  }
0x179: {  	s1 =	ssub.s32 @!p0 $0x0, s1;
	[sflag:s0] =	ssyncset.done @!p0 $0x0  }
0x17a: {  	[sflag:s0] =	ssyncadd.s32 @!p0 s1  }
0x17b: {  	[bflag:$0x3] =	sbarrier.arrive $0xFFFF  }
0x17c: {  	_ =	shalt  }

// kernel: kernel.7.cloned.1.call-start
scs
__scs_entry_jumppad:
0x0: {  	(pc) =	sbr.rel $0x88, $3  }
0x1: {  	(tag) =	ssettag $0x0;
	lr =	simm.s32 $0x1  }
0x2: {  	[smem:$0x3F8A] =	sst lr;
	_ =	strace $0xD0000000  }
0x3: {  	_ = 	snop  }
0x4: {  	_ = 	snop  }
0x5: {  	_ = 	snop  }
0x6: {  	_ = 	snop  }
0x7: {  	_ = 	snop  }
__scs_overlays_trampoline_lowered:
0x8: {  	[smem:$0x3F99] =	sst s0  }
0x9: {  	[smem:$0x3F9A] =	sst s1  }
0xa: {  	[smem:$0x3F9B] =	sst s2  }
0xb: {  	[smem:$0x3F9C] =	sst s3  }
0xc: {  	[smem:$0x3F9D] =	sst s4  }
0xd: {  	[smem:$0x3F9E] =	sst s5  }
0xe: {  	[smem:$0x3F9F] =	sst s6  }
0xf: {  	[smem:$0x3FA0] =	sst s7  }
0x10: {  	[smem:$0x3FA1] =	sst s8  }
0x11: {  	[smem:$0x3FA2] =	sst s9;
	s0 =	simm.s32 @!p0 $0x0  }
0x12: {  	s1 =	sld [smem:$0x3F88];
	s0 =	simm.s32 @p0 $0x1  }
0x13: {  	[smem:$0x3FA3] =	sst s0;
	s0 =	simm.s32 @!p1 $0x0  }
0x14: {  	s2 =	sld [smem:$0x3F87];
	s0 =	simm.s32 @p1 $0x1  }
0x15: {  	[smem:$0x3FA4] =	sst s0;
	s0 =	simm.s32 @!p2 $0x0  }
0x16: {  	s3 =	sld [smem:$0x3FDB];
	s0 =	simm.s32 @p2 $0x1  }
0x17: {  	s4 =	simm.s32 $0x1BF5;
	[smem:$0x3FA6] =	sst s0  }
0x18: {  	s0 =	sld [smem:$0x3F89];
	_ =	swait.ge [sflag:s4], $0x0  }
0x19: {  	s7 =	sld [smem:$0x3F8A]  }
0x1a: {  	s8 =	sadd.s32 $0xFFFFE003, lr  }
0x1b: {  	s9 =	sadd.s32 $0xFFFFFEF7, lr;
	s5 =	simm.s32 $0xFFFFFFFF;
	p2 =	slt.u32 s8, $0xFFFFF086  }
0x1c: {  	p1 =	slt.u32 s9, $0xF7A;
	s5 =	simm.s32 @!p2 $0x0  }
0x1d: {  	s5 =	simm.s32 @p1 $0x1;
	p0 =	seq.s32 s7, s2  }
0x1e: {  	s7 =	smul.u32 @!p0 $0xF7A, s2;
	p2 =	seq.s32 @!p0 s5, $0x0  }
0x1f: {  	s9 =	smul.u32 $0xF7A, s1;
	s8 =	simm.s32 @!p0 $0x1BF5;
	p2 =	por !p2, p0  }
0x20: {  	[sflag:s8] =	ssyncset.s32 @!p0 $0xFFFFF086;
	s6 =	sadd.s32 @!p0 s3, s7;
	s7 =	simm.s32 @!p0 $0x108  }
0x21: {  	s3 =	sadd.s32 s3, s9;
	s6 =	sadd.s32 @!p0 $0x88, s6;
	s7 =	simm.s32 @p2 $0x1082  }
0x22: {  	[simem:s7], [sflag:s8] =	dma.local @!p0 [hbm:s6], $0xF7A  }
0x23: {  	s9 =	sor.u32 $0xD0000000, s2;
	s6 =	simm.s32 $0x108;
	_ =	swait.ge @!p0 [sflag:s8], $0x0  }
0x24: {  	s3 =	sadd.s32 $0x88, s3;
	s6 =	simm.s32 @!p1 $0x1082;
	[sflag:s4] =	ssyncset.s32 $0xFFFFF086  }
0x25: {  	[simem:s6], [sflag:s4] =	dma.local [hbm:s3], $0xF7A  }
0x26: {  	[smem:$0x3F8A] =	sst s1;
	(tag) =	ssettag s2;
	_ =	strace s9  }
0x27: {  	s1 =	sld [smem:$0x3F9A]  }
0x28: {  	s2 =	sld [smem:$0x3F9B]  }
0x29: {  	s4 =	sld [smem:$0x3F9D]  }
0x2a: {  	p0 =	seq.s32 s5, $0x0;
	s5 =	sld [smem:$0x3F9E]  }
0x2b: {  	s6 =	sld [smem:$0x3F9F]  }
0x2c: {  	s7 =	sld [smem:$0x3FA0]  }
0x2d: {  	s3 =	simm.s32 $0x108;
	s8 =	sld [smem:$0x3FA1]  }
0x2e: {  	s3 =	simm.s32 @!p0 $0x1082;
	s9 =	sld [smem:$0x3FA2]  }
0x2f: {  	lr =	sadd.s32 s0, s3;
	s0 =	sld [smem:$0x3F99]  }
0x30: {  	s3 =	sld [smem:$0x3F9C]  }
0x31: {  	[smem:$0x3FA5] =	sst s10  }
0x32: {  	s10 =	sld [smem:$0x3FA3];
	_ =	sdelay $0x3  }
0x33: {  	p0 =	seq.s32 s10, $0x1;
	s10 =	sld [smem:$0x3FA5];
	_ =	sdelay $0x3  }
0x34: {  	[smem:$0x3FA5] =	sst s10  }
0x35: {  	s10 =	sld [smem:$0x3FA4];
	_ =	sdelay $0x3  }
0x36: {  	p1 =	seq.s32 s10, $0x1;
	s10 =	sld [smem:$0x3FA5];
	_ =	sdelay $0x3  }
0x37: {  	[smem:$0x3FA5] =	sst s10  }
0x38: {  	s10 =	sld [smem:$0x3FA6]  }
0x39: {  	_ = 	snop;
	(pc) =	sbr.ind lr, $3  }
0x3a: {  	_ = 	snop  }
0x3b: {  	_ = 	snop  }
0x3c: {  	p2 =	seq.s32 s10, $0x1;
	s10 =	sld [smem:$0x3FA5]  }
0x3d: {  	_ =	shalt  }
0x3e: {  	_ =	shalt  }
0x3f: {  	_ =	shalt  }
0x40: {  	_ =	shalt  }
0x41: {  	_ =	shalt  }
0x42: {  	_ =	shalt  }
0x43: {  	_ =	shalt  }
0x44: {  	_ =	shalt  }
0x45: {  	_ =	shalt  }
0x46: {  	_ =	shalt  }
0x47: {  	_ =	shalt  }
0x48: {  	_ =	shalt  }
0x49: {  	_ =	shalt  }
0x4a: {  	_ =	shalt  }
0x4b: {  	_ =	shalt  }
0x4c: {  	_ =	shalt  }
0x4d: {  	_ =	shalt  }
0x4e: {  	_ =	shalt  }
0x4f: {  	_ =	shalt  }
0x50: {  	_ =	shalt  }
0x51: {  	_ =	shalt  }
0x52: {  	_ =	shalt  }
0x53: {  	_ =	shalt  }
0x54: {  	_ =	shalt  }
0x55: {  	_ =	shalt  }
0x56: {  	_ =	shalt  }
0x57: {  	_ =	shalt  }
0x58: {  	_ =	shalt  }
0x59: {  	_ =	shalt  }
0x5a: {  	_ =	shalt  }
0x5b: {  	_ =	shalt  }
0x5c: {  	_ =	shalt  }
0x5d: {  	_ =	shalt  }
0x5e: {  	_ =	shalt  }
0x5f: {  	_ =	shalt  }
0x60: {  	_ =	shalt  }
0x61: {  	_ =	shalt  }
0x62: {  	_ =	shalt  }
0x63: {  	_ =	shalt  }
0x64: {  	_ =	shalt  }
0x65: {  	_ =	shalt  }
0x66: {  	_ =	shalt  }
0x67: {  	_ =	shalt  }
0x68: {  	_ =	shalt  }
0x69: {  	_ =	shalt  }
0x6a: {  	_ =	shalt  }
0x6b: {  	_ =	shalt  }
0x6c: {  	_ =	shalt  }
0x6d: {  	_ =	shalt  }
0x6e: {  	_ =	shalt  }
0x6f: {  	_ =	shalt  }
0x70: {  	_ =	shalt  }
0x71: {  	_ =	shalt  }
0x72: {  	_ =	shalt  }
0x73: {  	_ =	shalt  }
0x74: {  	_ =	shalt  }
0x75: {  	_ =	shalt  }
0x76: {  	_ =	shalt  }
0x77: {  	_ =	shalt  }
0x78: {  	_ =	shalt  }
0x79: {  	_ =	shalt  }
0x7a: {  	_ =	shalt  }
0x7b: {  	_ =	shalt  }
0x7c: {  	_ =	shalt  }
0x7d: {  	_ =	shalt  }
0x7e: {  	_ =	shalt  }
0x7f: {  	_ =	shalt  }
0x80: {  	_ =	shalt  }
0x81: {  	_ =	shalt  }
0x82: {  	_ =	shalt  }
0x83: {  	_ =	shalt  }
0x84: {  	_ =	shalt  }
0x85: {  	_ =	shalt  }
0x86: {  	_ =	shalt  }
0x87: {  	_ =	shalt  }
.Lfunc_end0:
.L_simem_size_0:
called_computation.1_lowered:
.L_overlay_start_0:
0x88: {  	s2 =	sld [smem:$0x3FD9]  }
0x89: {  	s3 =	sld [smem:$0x3FFE];
	_ =	sdelay $0x1  }
0x8a: {  	s1 =	srdreg.scid  }
0x8b: {  	s0 =	sand.u32 $0x1, s1  }
0x8c: {  	s14 =	sshll.u32 s0, $0xA;
	s2 =	sadd.s32 s3, s2  }
0x8d: {  	s2 =	sadd.s32 s2, s14  }
0x8e: {  	[smem:$0x3FB1] =	sst s2  }
0x8f: {  	_ = 	snop  }
0x90: {  	s2 =	sld [smem:$0x3FD0];
	_ =	sdelay $0x2  }
0x91: {  	s15 =	simm.s32 $0xB;
	s4 =	simm.s32 $0x10  }
0x92: {  	[smem:s4], [sflag:s15] =	dma.local [hbm:s2], $0x1  }
0x93: {  	_ =	swait.eq [sflag:s15], $0x1  }
0x94: {  	[sflag:s15] =	ssyncset.done $0x0  }
0x95: {  	[sflag:s15] =	ssyncadd.s32 $0xFFFFFFFF  }
0x96: {  	s16 =	sld [smem:$0x11];
	(tm) =	ssettm $0x1  }
0x97: {  	s17 =	sld [smem:$0x3FFB];
	_ =	sdelay $0x3  }
0x98: {  	_ =	strace s17  }
0x99: {  	s3 =	sld [smem:$0x3FFC];
	_ =	sdelay $0x3  }
0x9a: {  	_ =	strace s3  }
0x9b: {  	s3 =	sld [smem:$0x3FFD];
	_ =	sdelay $0x3  }
0x9c: {  	_ =	strace s3  }
0x9d: {  	_ =	strace $0x8FFFFFFF  }
0x9e: {  	s18 =	sld [smem:$0x3FDB];
	_ =	sdelay $0x1  }
0x9f: {  	s19 =	simm.s32 $_scs_section_size  }
0xa0: {  	s5 =	simm.s32 $_size__tile_overlayer_lowered;
	s6 =	simm.s32 $_tile_overlayer_lowered  }
0xa1: {  	s22 =	simm.s32 $0x1BFF;
	s21 =	sshll.u32 s6, $0x1;
	s3 =	sadd.s32 s19, s18  }
0xa2: {  	s7 =	simm.s32 $0x0;
	s20 =	sshll.u32 s5, $0x1;
	s5 =	sadd.s32 s21, s3  }
0xa3: {  	[timem:s7], [sflag:s22] =	dma.local [hbm:s5], s20  }
0xa4: {  	_ =	swait.ge [sflag:s22], s20  }
0xa5: {  	s4 =	ssub.s32 $0x0, s20;
	[sflag:s22] =	ssyncset.done $0x0  }
0xa6: {  	[sflag:s22] =	ssyncadd.s32 s4;
	_ =	sdelay $0x1  }
0xa7: {  	s23 =	simm.s32 $0x1B8B  }
0xa8: {  	_ =	swait.ge [sflag:s23], $0x1  }
0xa9: {  	[sflag:s23] =	ssyncset.done $0x0  }
0xaa: {  	s25 =	simm.s32 $0x1B8E;
	s24 =	sld [smem:$0x3FFE];
	[sflag:s23] =	ssyncadd.s32 $0xFFFFFFFF  }
0xab: {  	s26 =	simm.s32 $execute0_lowered;
	[smem:$0x3FD2] =	sst s25  }
0xac: {  	s5 =	sshll.u32 s26, $0x1;
	_ =	strace $0x80000046;
	[dreg:$0x1] =	wrdreg $0xFFFFFFFF  }
0xad: {  	s28 =	simm.s32 $_size_execute0_lowered;
	s3 =	sadd.s32 s3, s5;
	[dreg:$0x0] =	wrdreg $0x0  }
0xae: {  	s5 =	sshll.u32 s28, $0x1;
	[dreg:$0x2] =	wrdreg s3  }
0xaf: {  	[dreg:$0x3] =	wrdreg s5  }
0xb0: {  	[dreg:$0x4] =	wrdreg $0xC0  }
0xb1: {  	_ =	task [dreg:s7], $0x5FFFF  }
0xb2: {  	[dreg:$0x1] =	wrdreg $0xFFFFFFFF  }
0xb3: {  	[dreg:$0x0] =	wrdreg $0x60  }
0xb4: {  	[dreg:$0x2] =	wrdreg s16  }
0xb5: {  	[dreg:$0x3] =	wrdreg s24  }
0xb6: {  	[dreg:$0x4] =	wrdreg $0x8F200  }
0xb7: {  	[dreg:$0x5] =	wrdreg $0xB6300  }
0xb8: {  	[dreg:$0x6] =	wrdreg $0x9  }
0xb9: {  	_ =	task.clear_ibuf [dreg:s7], $0x7FFFF;
	_ =	strace $0x90000046  }
0xba: {  	s29 =	simm.s32 $0x9;
	_ =	strace $0x80000048  }
0xbb: {  	_ =	swait.ge [sflag:s29], $0x1  }
0xbc: {  	[sflag:s29] =	ssyncadd.s32 $0xFFFFFFFF  }
0xbd: {  	_ =	strace $0x90000048  }
0xbe: {  	_ =	sfence  }
0xbf: {  	s30 =	sld [smem:$0x0];
	_ =	sdelay $0x2  }
0xc0: {  	s31 =	sshll.u32 s1, $0xD;
	s1 =	sshrl.u32 s1, $0x2  }
0xc1: {  	s3 =	sand.u32 $0x4000, s31;
	s1 =	sadd.s32 s1, s30  }
0xc2: {  	s0 =	sor.u32 s3, s0;
	s1 =	sshll.u32 s1, $0x11  }
0xc3: {  	s0 =	sor.u32 s1, s0  }
0xc4: {  	s0 =	sadd.s32 $0x8F2B, s0  }
0xc5: {  	[sflag:s0] =	ssyncadd.remote.s32 $0x1  }
0xc6: {  	_ =	sfence.sel $0xFFFF  }
0xc7: {  	[dreg:$0x0] =	wrdreg $0xFFFFFFFF;
	(pc) =	sbr.abs _section_cstart, $3  }
0xc8: {  	[dreg:$0x1] =	wrdreg $0xFFFFFFFF  }
0xc9: {  	_ =	task.clear_ibuf [dreg:s7], $0x2FFFF;
	_ =	strace $0x9FFFFFFF  }
0xca: {  	(tm) =	ssettm $0x7FFFFFFF  }
0xcb: {  	_ =	shalt  }
tec
execute0_lowered:
.L_overlay_start_1:
0x0: {  	(tag) =	ssettag $0x1  }
0x1: {  	s0 =	rddreg [dreg:$0x0]  }
0x2: {  	s2 =	rddreg [dreg:$0x1]  }
0x3: {  	s1 =	srdreg.scid;
	s3 =	rddreg [dreg:$0x2]  }
0x4: {  	s15 =	stileid.u32;
	s4 =	rddreg [dreg:$0x3]  }
0x5: {  	s28 =	simm.s32 $0x50;
	s29 =	simm.s32 $0x4E20;
	s30 =	simm.s32 $0x6220  }
0x6: {  	s31 =	simm.s32 $0x5820;
	s1 =	sand.u32 $0x1, s1;
	s9 =	smul.u32 $0x2710, s15  }
0x7: {  	s6 =	sadd.s32 $0x2E400, s2;
	s25 =	sadd.s32 $0x50E00, s2;
	s5 =	sshll.u32 s1, $0x4  }
0x8: {  	s12 =	smul.u32 $0x4E20, s1;
	s1 =	ssub.s32 $0x2, s1;
	s7 =	sor.u32 s15, s5  }
0x9: {  	s5 =	simm.s32 $0x0;
	s11 =	sshrl.u32 s9, $0x3;
	s14 =	sshrl.u32 s1, $0x1  }
0xa: {  	s26 =	sadd.s32 s9, s3;
	s9 =	sadd.s32 s9, s4;
	s8 =	smul.u32 $0x4E2, s7  }
0xb: {  	[smem:$0x7FF] =	sst s5;
	s1 =	ssub.s32 s1, s14;
	s14 =	sshll.u32 s15, $0x6  }
0xc: {  	s15 =	smul.u32 $0x4E200, s7;
	_ =	strace $0x80000047;
	[dreg:$0x5] =	wrdreg s25  }
0xd: {  	s13 =	sadd.s32 s11, s2;
	s17 =	smul.u32 $0x9C40, s7;
	[dreg:$0x6] =	wrdreg s26  }
0xe: {  	s13 =	sadd.s32 $0x4BE00, s13;
	s22 =	sor.u32 $0x1C0B, s14;
	[dreg:$0x9] =	wrdreg s9  }
0xf: {  	s1 =	smax.u32 s1, $0x1;
	s14 =	simm.s32 $0x4;
	s10 =	sadd.s32 s8, s2  }
0x10: {  	s8 =	sadd.s32 $0x51000, s2;
	s2 =	sadd.s32 s12, s2;
	[dreg:$0x7] =	wrdreg s13  }
0x11: {  	s18 =	sshrl.u32 s15, $0x3;
	s15 =	smul.u32 $0x9C4, s7;
	[dreg:$0x11] =	wrdreg s1  }
0x12: {  	s1 =	simm.s32 $0x6C20;
	s12 =	simm.s32 $0x7620;
	s13 =	simm.s32 $0x2  }
0x13: {  	[dreg:$0x8] =	wrdreg s22;
	s16 =	sadd.s32 $0x42000, s10;
	s10 =	sadd.s32 $0x38200, s10  }
0x14: {  	s19 =	sadd.s32 s8, s18;
	s9 =	sadd.s32 s8, s17;
	[dreg:$0xa] =	wrdreg s16  }
0x15: {  	s24 =	sadd.s32 $0x189800, s2;
	s2 =	sadd.s32 $0x193600, s2;
	[dreg:$0xb] =	wrdreg s10  }
0x16: {  	s17 =	simm.s32 $0x7;
	s18 =	simm.s32 $0x9;
	[dreg:$0xc] =	wrdreg s9  }
0x17: {  	s20 =	sadd.s32 $0x140, s19;
	s21 =	sadd.s32 $0x9880, s19;
	s23 =	sadd.s32 $0x99C0, s19  }
0x18: {  	s7 =	sadd.s32 $0x9B00, s19;
	s25 =	sadd.s32 s11, s24;
	[dreg:$0xd] =	wrdreg s20  }
0x19: {  	s26 =	sadd.s32 s11, s2;
	s24 =	simm.s32 $0x2710;
	[dreg:$0xe] =	wrdreg s21  }
0x1a: {  	s9 =	simm.s32 $0x3;
	s2 =	simm.s32 $0x8020;
	[dreg:$0xf] =	wrdreg s23  }
0x1b: {  	s16 =	simm.s32 $0x5;
	s19 =	simm.s32 $0x6;
	[dreg:$0x10] =	wrdreg s7  }
0x1c: {  	s11 =	simm.s32 $0x0;
	s23 =	simm.s32 $0xB;
	[dreg:$0x12] =	wrdreg s25  }
0x1d: {  	[dreg:$0x13] =	wrdreg s26;
	s25 =	simm.s32 $0x8A20;
	s26 =	simm.s32 $0x2760  }
0x1e: {  	s7 =	simm.s32 $0x1;
	s20 =	simm.s32 $0x8;
	s21 =	simm.s32 $0xA  }
.LBB2_1:
0x1f: {  	[dreg:$0x14] =	wrdreg s11  }
0x20: {  	s10 =	rddreg [dreg:$0x6]  }
0x21: {  	s11 =	sshrl.u32 s10, $0x3;
	s10 =	rddreg [dreg:$0x7]  }
0x22: {  	[dreg:$0x15] =	wrdreg s11  }
0x23: {  	[spmem:s11], [sflag:s22] =	dma.local [hbm:s10], $0x4E2  }
0x24: {  	_ =	swait.ge [sflag:s23], $0x4E2  }
0x25: {  	s11 =	rddreg [dreg:$0x9]  }
0x26: {  	[sflag:s23] =	ssyncset.done $0x0;
	s11 =	sshrl.u32 s11, $0x3  }
0x27: {  	[sflag:s23] =	ssyncadd.s32 $0xFFFFFB1E;
	[dreg:$0x16] =	wrdreg s11  }
0x28: {  	[spmem:s11], [sflag:s22] =	dma.local [hbm:s10], $0x4E2  }
0x29: {  	_ =	swait.ge [sflag:s23], $0x4E2  }
0x2a: {  	[sflag:s23] =	ssyncset.done $0x0  }
0x2b: {  	s22 =	rddreg [dreg:$0x5];
	[sflag:s23] =	ssyncadd.s32 $0xFFFFFB1E  }
0x2c: {  	[tilespmem:s25], [sflag:$0xB] =	stream.linear.gather [hbm4b:s22+s5], $0x500, $0x38;
	[tilespmem:$0xDD40] =	vst v63  }
0x2d: {  	_ =	swait.ge [sflag:s23], $0x500  }
0x2e: {  	[sflag:s23] =	ssyncset.done $0x0  }
0x2f: {  	s11 =	rddreg [dreg:$0xa];
	[sflag:s23] =	ssyncadd.s32 $0xFFFFFB00  }
0x30: {  	[tilespmem:s5], [sflag:$0xB] =	stream.linear.gather [hbm4b:s11+s5], $0x2710, $0x38;
	[tilespmem:$0xDD40] =	vst v63  }
0x31: {  	_ =	swait.ge [sflag:s23], $0x2710  }
0x32: {  	[sflag:s23] =	ssyncset.done $0x0  }
0x33: {  	s22 =	rddreg [dreg:$0xb];
	[sflag:s23] =	ssyncadd.s32 $0xFFFFD8F0  }
0x34: {  	[tilespmem:s24], [sflag:$0xB] =	stream.linear.gather [hbm4b:s22+s5], $0x2710, $0x38;
	[tilespmem:$0xDD40] =	vst v63  }
0x35: {  	_ =	swait.ge [sflag:s23], $0x2710  }
0x36: {  	[sflag:s23] =	ssyncset.done $0x0  }
0x37: {  	[sflag:s23] =	ssyncadd.s32 $0xFFFFD8F0  }
0x38: {  	[bflag:$0x0] =	sbarrier.arrive $0xFFFF  }
0x39: {  	[tilespmem:s29], [sflag:$0x1] =	stream.indirect.gather [hbm4b:s0+s28], $0x20, s5, s28, $0xb8;
	[tilespmem:$0xDD40] =	vst v63  }
0x3a: {  	_ = 	snop  }
0x3b: {  	[tilespmem:s30], [sflag:$0x3] =	stream.indirect.gather [hbm4b:s6+s28], $0x20, s24, s28, $0xb8;
	[tilespmem:$0xDD40] =	vst v63  }
0x3c: {  	_ = 	snop  }
0x3d: {  	[tilespmem:s31], [sflag:$0x2] =	stream.indirect.gather [hbm4b:s0+s28], $0x20, s28, s28, $0xb8;
	[tilespmem:$0xDD40] =	vst v63  }
0x3e: {  	_ = 	snop  }
0x3f: {  	[tilespmem:s1], [sflag:$0x4] =	stream.indirect.gather [hbm4b:s6+s28], $0x20, s26, s28, $0xb8;
	[tilespmem:$0xDD40] =	vst v63  }
0x40: {  	_ =	swait.ge [sflag:s7], $0xA00  }
0x41: {  	[sflag:s7] =	ssyncset.done $0x0  }
0x42: {  	[sflag:s7] =	ssyncadd.s32 $0xFFFFF600  }
0x43: {  	_ =	swait.ge [sflag:s9], $0xA00  }
0x44: {  	[sflag:s9] =	ssyncset.done $0x0  }
0x45: {  	s10 =	simm.s32 $0x0;
	[sflag:s9] =	ssyncadd.s32 $0xFFFFF600  }
0x46: {  	v0 =	vld [tilespmem:s10+$0x4E90]  }
0x47: {  	v1 =	vld [tilespmem:s10+$0x6290]  }
0x48: {  	v2 =	vld [tilespmem:s10+$0x4E20]  }
0x49: {  	v3 =	vld [tilespmem:s10+$0x6220]  }
0x4a: {  	v4 =	vld [tilespmem:s10+$0x4E30]  }
0x4b: {  	v5 =	vld [tilespmem:s10+$0x6230]  }
0x4c: {  	v6 =	vld [tilespmem:s10+$0x4E40]  }
0x4d: {  	v7 =	vld [tilespmem:s10+$0x4E50]  }
0x4e: {  	v0 =	vadd.f32 v1, v0;
	v1 =	vld [tilespmem:s10+$0x6240]  }
0x4f: {  	v8 =	vld [tilespmem:s10+$0x6250]  }
0x50: {  	v9 =	vld [tilespmem:s10+$0x6260];
	v2 =	vadd.f32 v3, v2  }
0x51: {  	[tilespmem:s10+$0x7690] =	vst v0;
	v0 =	vadd.f32 v5, v4;
	v5 =	vld [tilespmem:s10+$0x4E60]  }
0x52: {  	v3 =	vld [tilespmem:s10+$0x6270];
	[tilespmem:s10+$0x7620] =	vst v2  }
0x53: {  	v2 =	vld [tilespmem:s10+$0x4E70];
	[tilespmem:s10+$0x7630] =	vst v0;
	v0 =	vadd.f32 v1, v6  }
0x54: {  	v4 =	vld [tilespmem:s10+$0x6280];
	v6 =	vadd.f32 v8, v7  }
0x55: {  	s11 =	simm.s32 $0x80;
	[tilespmem:s10+$0x7640] =	vst v0;
	v0 =	vld [tilespmem:s10+$0x4E80]  }
0x56: {  	s23 =	simm.s32 $0x400;
	v5 =	vadd.f32 v9, v5;
	v1 =	vld [tilespmem:s11+$0x4E90];
	[tilespmem:s10+$0x7650] =	vst v6  }
.LBB2_2:
0x57: {  	p0 =	sne.s32 s23, $0x2600;
	v6 =	vld [tilespmem:s11+$0x6290]  }
0x58: {  	v7 =	vld [tilespmem:s11+$0x4E20];
	[tilespmem:s10+$0x7660] =	vst v5;
	v2 =	vadd.f32 v3, v2  }
0x59: {  	v3 =	vld [tilespmem:s11+$0x6220]  }
0x5a: {  	v5 =	vld [tilespmem:s11+$0x4E30];
	[tilespmem:s10+$0x7670] =	vst v2;
	v0 =	vadd.f32 v4, v0  }
0x5b: {  	v2 =	vld [tilespmem:s11+$0x6230]  }
0x5c: {  	v4 =	vld [tilespmem:s11+$0x4E40];
	v1 =	vadd.f32 v6, v1;
	[tilespmem:s10+$0x7680] =	vst v0;
	s10 =	smov.u32 s11  }
0x5d: {  	v0 =	vld [tilespmem:s10+$0x6240]  }
0x5e: {  	v3 =	vadd.f32 v3, v7;
	v6 =	vld [tilespmem:s10+$0x4E50];
	[tilespmem:s10+$0x7690] =	vst v1  }
0x5f: {  	v1 =	vld [tilespmem:s10+$0x6250]  }
0x60: {  	[tilespmem:s10+$0x7620] =	vst v3;
	v2 =	vadd.f32 v2, v5;
	v5 =	vld [tilespmem:s10+$0x4E60]  }
0x61: {  	v7 =	vld [tilespmem:s10+$0x6260]  }
.Ltmp0:
0x62: {  	[tilespmem:s10+$0x7630] =	vst v2;
	v0 =	vadd.f32 v0, v4;
	v2 =	vld [tilespmem:s10+$0x4E70];
	(pc) =	sbr.rel @p0 .LBB2_2-.Ltmp0, $4  }
0x63: {  	v3 =	vld [tilespmem:s10+$0x6270]  }
0x64: {  	[tilespmem:s10+$0x7640] =	vst v0;
	v6 =	vadd.f32 v1, v6;
	v0 =	vld [tilespmem:s10+$0x4E80]  }
0x65: {  	s11 =	sshra.s32 s23, $0x2;
	v4 =	vld [tilespmem:s10+$0x6280]  }
0x66: {  	s23 =	sadd.s32 $0x200, s23;
	v1 =	vld [tilespmem:s11+$0x4E90];
	[tilespmem:s10+$0x7650] =	vst v6;
	v5 =	vadd.f32 v7, v5  }
0x67: {  	v6 =	vld [tilespmem:s11+$0x6290]  }
0x68: {  	v7 =	vld [tilespmem:s11+$0x4E20];
	[tilespmem:s10+$0x7660] =	vst v5;
	v2 =	vadd.f32 v3, v2  }
0x69: {  	v3 =	vld [tilespmem:s11+$0x6220]  }
0x6a: {  	v5 =	vld [tilespmem:s11+$0x4E30];
	[tilespmem:s10+$0x7670] =	vst v2;
	v0 =	vadd.f32 v4, v0  }
0x6b: {  	v2 =	vld [tilespmem:s11+$0x6230]  }
0x6c: {  	v4 =	vld [tilespmem:s11+$0x4E40];
	[tilespmem:s10+$0x7680] =	vst v0  }
0x6d: {  	v0 =	vadd.f32 v6, v1;
	v1 =	vld [tilespmem:s11+$0x6240]  }
0x6e: {  	v6 =	vld [tilespmem:s11+$0x4E50]  }
0x6f: {  	v3 =	vadd.f32 v3, v7;
	[tilespmem:s11+$0x7690] =	vst v0;
	v0 =	vld [tilespmem:s11+$0x6250]  }
0x70: {  	v7 =	vld [tilespmem:s11+$0x6280]  }
0x71: {  	[tilespmem:s11+$0x7620] =	vst v3;
	v2 =	vadd.f32 v2, v5;
	v3 =	vld [tilespmem:s11+$0x4E60]  }
0x72: {  	v5 =	vld [tilespmem:s11+$0x6260]  }
0x73: {  	[tilespmem:s11+$0x7630] =	vst v2;
	v1 =	vadd.f32 v1, v4;
	v2 =	vld [tilespmem:s11+$0x4E70]  }
0x74: {  	v4 =	vld [tilespmem:s11+$0x6270]  }
0x75: {  	[tilespmem:s11+$0x7640] =	vst v1;
	v1 =	vld [tilespmem:s11+$0x4E80];
	_ =	sdelay $0x1  }
0x76: {  	v0 =	vadd.f32 v0, v6  }
0x77: {  	v3 =	vadd.f32 v5, v3  }
0x78: {  	[tilespmem:s11+$0x7650] =	vst v0;
	v0 =	vadd.f32 v4, v2  }
0x79: {  	[tilespmem:s11+$0x7660] =	vst v3;
	v1 =	vadd.f32 v7, v1  }
0x7a: {  	[tilespmem:s11+$0x7670] =	vst v0  }
0x7b: {  	s23 =	simm.s32 $0x0;
	s22 =	rddreg [dreg:$0xc];
	[tilespmem:s11+$0x7680] =	vst v1  }
0x7c: {  	[hbm4b:s22+s23] =	stream.linear.scatter [tilespmem:s12], [sflag:$0x5], $0xA00, $0x38;
	[tilespmem:$0xDD40] =	vst v63  }
0x7d: {  	_ = 	snop  }
0x7e: {  	[spmem:s3] =	stream.indirect.scatter.add.f32 [tilespmem:s25], [sflag:$0x7], $0x10, s24, s28, $0xb8;
	[tilespmem:$0xDD40] =	vst v63  }
0x7f: {  	_ = 	snop  }
0x80: {  	[spmem:s4] =	stream.indirect.scatter.add.f32 [tilespmem:s25], [sflag:$0x9], $0x10, s23, s28, $0xb8;
	[tilespmem:$0xDD40] =	vst v63  }
0x81: {  	s23 =	simm.s32 $0xA0  }
0x82: {  	[tilespmem:s29], [sflag:$0x1] =	stream.indirect.gather [hbm4b:s0+s28], $0x20, s23, s28, $0xb8;
	[tilespmem:$0xDD40] =	vst v63  }
0x83: {  	s24 =	simm.s32 $0x27B0  }
0x84: {  	[tilespmem:s30], [sflag:$0x3] =	stream.indirect.gather [hbm4b:s6+s28], $0x20, s24, s28, $0xb8;
	[tilespmem:$0xDD40] =	vst v63  }
0x85: {  	_ =	swait.ge [sflag:s13], $0xA00  }
0x86: {  	[sflag:s13] =	ssyncset.done $0x0  }
0x87: {  	[sflag:s13] =	ssyncadd.s32 $0xFFFFF600  }
0x88: {  	_ =	swait.ge [sflag:s14], $0xA00  }
0x89: {  	[sflag:s14] =	ssyncset.done $0x0  }
0x8a: {  	s10 =	simm.s32 $0x0;
	[sflag:s14] =	ssyncadd.s32 $0xFFFFF600  }
0x8b: {  	v0 =	vld [tilespmem:s10+$0x5890]  }
0x8c: {  	v1 =	vld [tilespmem:s10+$0x6C90]  }
0x8d: {  	v2 =	vld [tilespmem:s10+$0x5820]  }
0x8e: {  	v3 =	vld [tilespmem:s10+$0x6C20]  }
0x8f: {  	v4 =	vld [tilespmem:s10+$0x5830]  }
0x90: {  	v5 =	vld [tilespmem:s10+$0x6C30]  }
0x91: {  	v6 =	vld [tilespmem:s10+$0x5840]  }
0x92: {  	v7 =	vld [tilespmem:s10+$0x5850]  }
0x93: {  	v0 =	vadd.f32 v1, v0;
	v1 =	vld [tilespmem:s10+$0x6C40]  }
0x94: {  	v8 =	vld [tilespmem:s10+$0x6C50]  }
0x95: {  	v9 =	vld [tilespmem:s10+$0x6C60];
	v2 =	vadd.f32 v3, v2  }
0x96: {  	[tilespmem:s10+$0x8090] =	vst v0;
	v0 =	vadd.f32 v5, v4;
	v5 =	vld [tilespmem:s10+$0x5860]  }
0x97: {  	v3 =	vld [tilespmem:s10+$0x6C70];
	[tilespmem:s10+$0x8020] =	vst v2  }
0x98: {  	v2 =	vld [tilespmem:s10+$0x5870];
	[tilespmem:s10+$0x8030] =	vst v0;
	v0 =	vadd.f32 v1, v6  }
0x99: {  	v4 =	vld [tilespmem:s10+$0x6C80];
	v6 =	vadd.f32 v8, v7  }
0x9a: {  	s11 =	simm.s32 $0x80;
	[tilespmem:s10+$0x8040] =	vst v0;
	v0 =	vld [tilespmem:s10+$0x5880]  }
0x9b: {  	s23 =	simm.s32 $0x400;
	v5 =	vadd.f32 v9, v5;
	v1 =	vld [tilespmem:s11+$0x5890];
	[tilespmem:s10+$0x8050] =	vst v6  }
.LBB2_4:
0x9c: {  	p0 =	sne.s32 s23, $0x2600;
	v6 =	vld [tilespmem:s11+$0x6C90]  }
0x9d: {  	v7 =	vld [tilespmem:s11+$0x5820];
	[tilespmem:s10+$0x8060] =	vst v5;
	v2 =	vadd.f32 v3, v2  }
0x9e: {  	v3 =	vld [tilespmem:s11+$0x6C20]  }
0x9f: {  	v5 =	vld [tilespmem:s11+$0x5830];
	[tilespmem:s10+$0x8070] =	vst v2;
	v0 =	vadd.f32 v4, v0  }
0xa0: {  	v2 =	vld [tilespmem:s11+$0x6C30]  }
0xa1: {  	v4 =	vld [tilespmem:s11+$0x5840];
	v1 =	vadd.f32 v6, v1;
	[tilespmem:s10+$0x8080] =	vst v0;
	s10 =	smov.u32 s11  }
0xa2: {  	v0 =	vld [tilespmem:s10+$0x6C40]  }
0xa3: {  	v3 =	vadd.f32 v3, v7;
	v6 =	vld [tilespmem:s10+$0x5850];
	[tilespmem:s10+$0x8090] =	vst v1  }
0xa4: {  	v1 =	vld [tilespmem:s10+$0x6C50]  }
0xa5: {  	[tilespmem:s10+$0x8020] =	vst v3;
	v2 =	vadd.f32 v2, v5;
	v5 =	vld [tilespmem:s10+$0x5860]  }
0xa6: {  	v7 =	vld [tilespmem:s10+$0x6C60]  }
.Ltmp1:
0xa7: {  	[tilespmem:s10+$0x8030] =	vst v2;
	v0 =	vadd.f32 v0, v4;
	v2 =	vld [tilespmem:s10+$0x5870];
	(pc) =	sbr.rel @p0 .LBB2_4-.Ltmp1, $4  }
0xa8: {  	v3 =	vld [tilespmem:s10+$0x6C70]  }
0xa9: {  	[tilespmem:s10+$0x8040] =	vst v0;
	v6 =	vadd.f32 v1, v6;
	v0 =	vld [tilespmem:s10+$0x5880]  }
0xaa: {  	s11 =	sshra.s32 s23, $0x2;
	v4 =	vld [tilespmem:s10+$0x6C80]  }
0xab: {  	s23 =	sadd.s32 $0x200, s23;
	v1 =	vld [tilespmem:s11+$0x5890];
	[tilespmem:s10+$0x8050] =	vst v6;
	v5 =	vadd.f32 v7, v5  }
0xac: {  	v6 =	vld [tilespmem:s11+$0x6C90]  }
0xad: {  	v7 =	vld [tilespmem:s11+$0x5820];
	[tilespmem:s10+$0x8060] =	vst v5;
	v2 =	vadd.f32 v3, v2  }
0xae: {  	v51 =	vld [tilespmem:s11+$0x6C20]  }
0xaf: {  	v5 =	vld [tilespmem:s11+$0x5830];
	[tilespmem:s10+$0x8070] =	vst v2;
	v0 =	vadd.f32 v4, v0  }
0xb0: {  	v2 =	vld [tilespmem:s11+$0x6C30]  }
0xb1: {  	v52 =	vld [tilespmem:s11+$0x5840];
	[tilespmem:s10+$0x8080] =	vst v0  }
0xb2: {  	v54 =	vld [tilespmem:s11+$0x6C40]  }
0xb3: {  	v55 =	vld [tilespmem:s11+$0x5850]  }
0xb4: {  	v56 =	vld [tilespmem:s11+$0x6C50]  }
0xb5: {  	v57 =	vld [tilespmem:s11+$0x5860]  }
0xb6: {  	v58 =	vld [tilespmem:s11+$0x6C60]  }
0xb7: {  	v59 =	vld [tilespmem:s11+$0x5870]  }
0xb8: {  	v53 =	vadd.f32 v6, v1;
	v60 =	vld [tilespmem:s11+$0x6C70]  }
0xb9: {  	v61 =	vld [tilespmem:s11+$0x5880];
	v3 =	vadd.f32 v51, v7  }
0xba: {  	v62 =	vld [tilespmem:s11+$0x6C80];
	[tilespmem:s11+$0x8090] =	vst v53;
	v2 =	vadd.f32 v2, v5  }
0xbb: {  	[tilespmem:s11+$0x8020] =	vst v3;
	v1 =	vadd.f32 v54, v52  }
0xbc: {  	[tilespmem:s11+$0x8030] =	vst v2;
	v0 =	vadd.f32 v56, v55  }
0xbd: {  	v3 =	vadd.f32 v58, v57;
	[tilespmem:s11+$0x8040] =	vst v1  }
0xbe: {  	v63 =	vadd.f32 v60, v59;
	[tilespmem:s11+$0x8050] =	vst v0  }
0xbf: {  	[tilespmem:s11+$0x8060] =	vst v3;
	v1 =	vadd.f32 v62, v61  }
0xc0: {  	[tilespmem:s11+$0x8070] =	vst v63  }
0xc1: {  	s23 =	rddreg [dreg:$0xd];
	s10 =	simm.s32 $0x0;
	[tilespmem:s11+$0x8080] =	vst v1  }
0xc2: {  	[hbm4b:s23+s10] =	stream.linear.scatter [tilespmem:s2], [sflag:$0x6], $0xA00, $0x38;
	[tilespmem:$0xDD40] =	vst v63  }
0xc3: {  	_ = 	snop  }
0xc4: {  	[spmem:s3] =	stream.indirect.scatter.add.f32 [tilespmem:s25], [sflag:$0x8], $0x10, s26, s28, $0xb8;
	[tilespmem:$0xDD40] =	vst v63  }
0xc5: {  	_ = 	snop  }
0xc6: {  	[spmem:s4] =	stream.indirect.scatter.add.f32 [tilespmem:s25], [sflag:$0xA], $0x10, s28, s28, $0xb8;
	[tilespmem:$0xDD40] =	vst v63  }
0xc7: {  	s24 =	simm.s32 $0xF0  }
0xc8: {  	[tilespmem:s31], [sflag:$0x2] =	stream.indirect.gather [hbm4b:s0+s28], $0x20, s24, s28, $0xb8;
	[tilespmem:$0xDD40] =	vst v63  }
0xc9: {  	s26 =	simm.s32 $0x2800  }
0xca: {  	[tilespmem:s1], [sflag:$0x4] =	stream.indirect.gather [hbm4b:s6+s28], $0x20, s26, s28, $0xb8;
	[tilespmem:$0xDD40] =	vst v63  }
.LBB2_6:
0xcb: {  	_ =	swait.ge [sflag:s7], $0xA00  }
0xcc: {  	[sflag:s7] =	ssyncset.done $0x0  }
0xcd: {  	[sflag:s7] =	ssyncadd.s32 $0xFFFFF600  }
0xce: {  	_ =	swait.ge [sflag:s9], $0xA00  }
0xcf: {  	[sflag:s9] =	ssyncset.done $0x0  }
0xd0: {  	[sflag:s9] =	ssyncadd.s32 $0xFFFFF600  }
0xd1: {  	_ =	swait.ge [sflag:s16], $0xA00  }
0xd2: {  	[sflag:s16] =	ssyncset.done $0x0  }
0xd3: {  	[sflag:s16] =	ssyncadd.s32 $0xFFFFF600  }
0xd4: {  	_ =	swait.ge [sflag:s17], $0x500  }
0xd5: {  	[sflag:s17] =	ssyncset.done $0x0  }
0xd6: {  	[sflag:s17] =	ssyncadd.s32 $0xFFFFFB00  }
0xd7: {  	_ =	swait.ge [sflag:s18], $0x500  }
0xd8: {  	[sflag:s18] =	ssyncset.done $0x0  }
0xd9: {  	s24 =	simm.s32 $0x0;
	[sflag:s18] =	ssyncadd.s32 $0xFFFFFB00  }
0xda: {  	v0 =	vld [tilespmem:s24+$0x4E90]  }
0xdb: {  	v1 =	vld [tilespmem:s24+$0x6290]  }
0xdc: {  	v2 =	vld [tilespmem:s24+$0x4E20]  }
0xdd: {  	v3 =	vld [tilespmem:s24+$0x6220]  }
0xde: {  	v4 =	vld [tilespmem:s24+$0x4E30]  }
0xdf: {  	v5 =	vld [tilespmem:s24+$0x6230]  }
0xe0: {  	v6 =	vld [tilespmem:s24+$0x4E40]  }
0xe1: {  	v7 =	vld [tilespmem:s24+$0x4E50]  }
0xe2: {  	v0 =	vadd.f32 v1, v0;
	v1 =	vld [tilespmem:s24+$0x6240]  }
0xe3: {  	v8 =	vld [tilespmem:s24+$0x6250]  }
0xe4: {  	v9 =	vld [tilespmem:s24+$0x6260];
	v2 =	vadd.f32 v3, v2  }
0xe5: {  	[tilespmem:s24+$0x7690] =	vst v0;
	v0 =	vadd.f32 v5, v4;
	v5 =	vld [tilespmem:s24+$0x4E60]  }
0xe6: {  	v3 =	vld [tilespmem:s24+$0x6270];
	[tilespmem:s24+$0x7620] =	vst v2  }
0xe7: {  	v2 =	vld [tilespmem:s24+$0x4E70];
	[tilespmem:s24+$0x7630] =	vst v0;
	v0 =	vadd.f32 v1, v6  }
0xe8: {  	v4 =	vld [tilespmem:s24+$0x6280];
	v6 =	vadd.f32 v8, v7  }
0xe9: {  	s11 =	simm.s32 $0x80;
	[tilespmem:s24+$0x7640] =	vst v0;
	v0 =	vld [tilespmem:s24+$0x4E80]  }
0xea: {  	s23 =	simm.s32 $0x400;
	v5 =	vadd.f32 v9, v5;
	v1 =	vld [tilespmem:s11+$0x4E90];
	[tilespmem:s24+$0x7650] =	vst v6  }
.LBB2_7:
0xeb: {  	p0 =	sne.s32 s23, $0x2600;
	v6 =	vld [tilespmem:s11+$0x6290]  }
0xec: {  	v7 =	vld [tilespmem:s11+$0x4E20];
	[tilespmem:s24+$0x7660] =	vst v5;
	v2 =	vadd.f32 v3, v2  }
0xed: {  	v3 =	vld [tilespmem:s11+$0x6220]  }
0xee: {  	v5 =	vld [tilespmem:s11+$0x4E30];
	[tilespmem:s24+$0x7670] =	vst v2;
	v0 =	vadd.f32 v4, v0  }
0xef: {  	v2 =	vld [tilespmem:s11+$0x6230]  }
0xf0: {  	v4 =	vld [tilespmem:s11+$0x4E40];
	v1 =	vadd.f32 v6, v1;
	[tilespmem:s24+$0x7680] =	vst v0;
	s24 =	smov.u32 s11  }
0xf1: {  	v0 =	vld [tilespmem:s24+$0x6240]  }
0xf2: {  	v3 =	vadd.f32 v3, v7;
	v6 =	vld [tilespmem:s24+$0x4E50];
	[tilespmem:s24+$0x7690] =	vst v1  }
0xf3: {  	v1 =	vld [tilespmem:s24+$0x6250]  }
0xf4: {  	[tilespmem:s24+$0x7620] =	vst v3;
	v2 =	vadd.f32 v2, v5;
	v5 =	vld [tilespmem:s24+$0x4E60]  }
0xf5: {  	v7 =	vld [tilespmem:s24+$0x6260]  }
.Ltmp2:
0xf6: {  	[tilespmem:s24+$0x7630] =	vst v2;
	v0 =	vadd.f32 v0, v4;
	v2 =	vld [tilespmem:s24+$0x4E70];
	(pc) =	sbr.rel @p0 .LBB2_7-.Ltmp2, $4  }
0xf7: {  	v3 =	vld [tilespmem:s24+$0x6270]  }
0xf8: {  	[tilespmem:s24+$0x7640] =	vst v0;
	v6 =	vadd.f32 v1, v6;
	v0 =	vld [tilespmem:s24+$0x4E80]  }
0xf9: {  	s11 =	sshra.s32 s23, $0x2;
	v4 =	vld [tilespmem:s24+$0x6280]  }
0xfa: {  	s23 =	sadd.s32 $0x200, s23;
	v1 =	vld [tilespmem:s11+$0x4E90];
	[tilespmem:s24+$0x7650] =	vst v6;
	v5 =	vadd.f32 v7, v5  }
0xfb: {  	v6 =	vld [tilespmem:s11+$0x6290]  }
0xfc: {  	v7 =	vld [tilespmem:s11+$0x4E20];
	[tilespmem:s24+$0x7660] =	vst v5;
	v2 =	vadd.f32 v3, v2  }
0xfd: {  	v3 =	vld [tilespmem:s11+$0x6220]  }
0xfe: {  	v5 =	vld [tilespmem:s11+$0x4E30];
	[tilespmem:s24+$0x7670] =	vst v2;
	v0 =	vadd.f32 v4, v0  }
0xff: {  	v2 =	vld [tilespmem:s11+$0x6230]  }
0x100: {  	v4 =	vld [tilespmem:s11+$0x4E40];
	[tilespmem:s24+$0x7680] =	vst v0  }
0x101: {  	v0 =	vadd.f32 v6, v1;
	v1 =	vld [tilespmem:s11+$0x6240]  }
0x102: {  	v6 =	vld [tilespmem:s11+$0x4E50]  }
0x103: {  	v3 =	vadd.f32 v3, v7;
	[tilespmem:s11+$0x7690] =	vst v0;
	v0 =	vld [tilespmem:s11+$0x6250]  }
0x104: {  	v7 =	vld [tilespmem:s11+$0x6280]  }
0x105: {  	[tilespmem:s11+$0x7620] =	vst v3;
	v2 =	vadd.f32 v2, v5;
	v3 =	vld [tilespmem:s11+$0x4E60]  }
0x106: {  	v5 =	vld [tilespmem:s11+$0x6260]  }
0x107: {  	[tilespmem:s11+$0x7630] =	vst v2;
	v1 =	vadd.f32 v1, v4;
	v2 =	vld [tilespmem:s11+$0x4E70]  }
0x108: {  	v4 =	vld [tilespmem:s11+$0x6270]  }
0x109: {  	s26 =	sshll.u32 s10, $0x1;
	[tilespmem:s11+$0x7640] =	vst v1;
	v1 =	vld [tilespmem:s11+$0x4E80]  }
0x10a: {  	s22 =	sadd.s32 $0x2, s26  }
0x10b: {  	s23 =	smul.u32 $0x14, s22;
	v0 =	vadd.f32 v0, v6  }
0x10c: {  	v3 =	vadd.f32 v5, v3  }
0x10d: {  	s23 =	sadd.s32 s15, s23;
	[tilespmem:s11+$0x7650] =	vst v0;
	v0 =	vadd.f32 v4, v2  }
0x10e: {  	s23 =	sshll.u32 s23, $0x4;
	[tilespmem:s11+$0x7660] =	vst v3;
	v1 =	vadd.f32 v7, v1  }
0x10f: {  	s23 =	sand.u32 $0x1FFFFFC0, s23;
	[tilespmem:s11+$0x7670] =	vst v0  }
0x110: {  	s22 =	smul.u32 $0x50, s22;
	s24 =	simm.s32 $0x0;
	s23 =	sadd.s32 s8, s23;
	[tilespmem:s11+$0x7680] =	vst v1  }
0x111: {  	[hbm4b:s23+s24] =	stream.linear.scatter [tilespmem:s12], [sflag:$0x5], $0xA00, $0x38;
	[tilespmem:$0xDD40] =	vst v63  }
0x112: {  	s24 =	sadd.s32 $0x2710, s22  }
0x113: {  	[spmem:s3] =	stream.indirect.scatter.add.f32 [tilespmem:s25], [sflag:$0x7], $0x10, s24, s28, $0xb8;
	[tilespmem:$0xDD40] =	vst v63  }
0x114: {  	s24 =	smul.u32 $0xA0, s10  }
0x115: {  	[spmem:s4] =	stream.indirect.scatter.add.f32 [tilespmem:s25], [sflag:$0x9], $0x10, s22, s28, $0xb8;
	[tilespmem:$0xDD40] =	vst v63  }
0x116: {  	s22 =	sadd.s32 $0x140, s24  }
0x117: {  	[tilespmem:s29], [sflag:$0x1] =	stream.indirect.gather [hbm4b:s0+s28], $0x20, s22, s28, $0xb8;
	[tilespmem:$0xDD40] =	vst v63  }
0x118: {  	s23 =	sadd.s32 $0x2850, s24  }
0x119: {  	[tilespmem:s30], [sflag:$0x3] =	stream.indirect.gather [hbm4b:s6+s28], $0x20, s23, s28, $0xb8;
	[tilespmem:$0xDD40] =	vst v63  }
0x11a: {  	_ =	swait.ge [sflag:s13], $0xA00  }
0x11b: {  	[sflag:s13] =	ssyncset.done $0x0  }
0x11c: {  	[sflag:s13] =	ssyncadd.s32 $0xFFFFF600  }
0x11d: {  	_ =	swait.ge [sflag:s14], $0xA00  }
0x11e: {  	[sflag:s14] =	ssyncset.done $0x0  }
0x11f: {  	[sflag:s14] =	ssyncadd.s32 $0xFFFFF600  }
0x120: {  	_ =	swait.ge [sflag:s19], $0xA00  }
0x121: {  	[sflag:s19] =	ssyncset.done $0x0  }
0x122: {  	[sflag:s19] =	ssyncadd.s32 $0xFFFFF600  }
0x123: {  	_ =	swait.ge [sflag:s20], $0x500  }
0x124: {  	[sflag:s20] =	ssyncset.done $0x0  }
0x125: {  	[sflag:s20] =	ssyncadd.s32 $0xFFFFFB00  }
0x126: {  	_ =	swait.ge [sflag:s21], $0x500  }
0x127: {  	[sflag:s21] =	ssyncset.done $0x0  }
0x128: {  	s11 =	simm.s32 $0x0;
	[sflag:s21] =	ssyncadd.s32 $0xFFFFFB00  }
0x129: {  	v0 =	vld [tilespmem:s11+$0x5890]  }
0x12a: {  	v1 =	vld [tilespmem:s11+$0x6C90]  }
0x12b: {  	v2 =	vld [tilespmem:s11+$0x5820]  }
0x12c: {  	v3 =	vld [tilespmem:s11+$0x6C20]  }
0x12d: {  	v4 =	vld [tilespmem:s11+$0x5830]  }
0x12e: {  	v5 =	vld [tilespmem:s11+$0x6C30]  }
0x12f: {  	v6 =	vld [tilespmem:s11+$0x5840]  }
0x130: {  	v7 =	vld [tilespmem:s11+$0x5850]  }
0x131: {  	v0 =	vadd.f32 v1, v0;
	v1 =	vld [tilespmem:s11+$0x6C40]  }
0x132: {  	v8 =	vld [tilespmem:s11+$0x6C50]  }
0x133: {  	v9 =	vld [tilespmem:s11+$0x6C60];
	v2 =	vadd.f32 v3, v2  }
0x134: {  	[tilespmem:s11+$0x8090] =	vst v0;
	v0 =	vadd.f32 v5, v4;
	v5 =	vld [tilespmem:s11+$0x5860]  }
0x135: {  	v3 =	vld [tilespmem:s11+$0x6C70];
	[tilespmem:s11+$0x8020] =	vst v2  }
0x136: {  	v2 =	vld [tilespmem:s11+$0x5870];
	[tilespmem:s11+$0x8030] =	vst v0;
	v0 =	vadd.f32 v1, v6  }
0x137: {  	v4 =	vld [tilespmem:s11+$0x6C80];
	v6 =	vadd.f32 v8, v7  }
0x138: {  	s23 =	simm.s32 $0x80;
	[tilespmem:s11+$0x8040] =	vst v0;
	v0 =	vld [tilespmem:s11+$0x5880]  }
0x139: {  	s22 =	simm.s32 $0x400;
	v5 =	vadd.f32 v9, v5;
	v1 =	vld [tilespmem:s23+$0x5890];
	[tilespmem:s11+$0x8050] =	vst v6  }
.LBB2_9:
0x13a: {  	p0 =	sne.s32 s22, $0x2600;
	v6 =	vld [tilespmem:s23+$0x6C90]  }
0x13b: {  	v7 =	vld [tilespmem:s23+$0x5820];
	[tilespmem:s11+$0x8060] =	vst v5;
	v2 =	vadd.f32 v3, v2  }
0x13c: {  	v3 =	vld [tilespmem:s23+$0x6C20]  }
0x13d: {  	v5 =	vld [tilespmem:s23+$0x5830];
	[tilespmem:s11+$0x8070] =	vst v2;
	v0 =	vadd.f32 v4, v0  }
0x13e: {  	v2 =	vld [tilespmem:s23+$0x6C30]  }
0x13f: {  	v4 =	vld [tilespmem:s23+$0x5840];
	v1 =	vadd.f32 v6, v1;
	[tilespmem:s11+$0x8080] =	vst v0;
	s11 =	smov.u32 s23  }
0x140: {  	v0 =	vld [tilespmem:s11+$0x6C40]  }
0x141: {  	v3 =	vadd.f32 v3, v7;
	v6 =	vld [tilespmem:s11+$0x5850];
	[tilespmem:s11+$0x8090] =	vst v1  }
0x142: {  	v1 =	vld [tilespmem:s11+$0x6C50]  }
0x143: {  	[tilespmem:s11+$0x8020] =	vst v3;
	v2 =	vadd.f32 v2, v5;
	v5 =	vld [tilespmem:s11+$0x5860]  }
0x144: {  	v7 =	vld [tilespmem:s11+$0x6C60]  }
.Ltmp3:
0x145: {  	[tilespmem:s11+$0x8030] =	vst v2;
	v0 =	vadd.f32 v0, v4;
	v2 =	vld [tilespmem:s11+$0x5870];
	(pc) =	sbr.rel @p0 .LBB2_9-.Ltmp3, $4  }
0x146: {  	v3 =	vld [tilespmem:s11+$0x6C70]  }
0x147: {  	[tilespmem:s11+$0x8040] =	vst v0;
	v6 =	vadd.f32 v1, v6;
	v0 =	vld [tilespmem:s11+$0x5880]  }
0x148: {  	s23 =	sshra.s32 s22, $0x2;
	v4 =	vld [tilespmem:s11+$0x6C80]  }
0x149: {  	s22 =	sadd.s32 $0x200, s22;
	v1 =	vld [tilespmem:s23+$0x5890];
	[tilespmem:s11+$0x8050] =	vst v6;
	v5 =	vadd.f32 v7, v5  }
0x14a: {  	v6 =	vld [tilespmem:s23+$0x6C90]  }
0x14b: {  	v7 =	vld [tilespmem:s23+$0x5820];
	[tilespmem:s11+$0x8060] =	vst v5;
	v2 =	vadd.f32 v3, v2  }
0x14c: {  	v51 =	vld [tilespmem:s23+$0x6C20]  }
0x14d: {  	v5 =	vld [tilespmem:s23+$0x5830];
	[tilespmem:s11+$0x8070] =	vst v2;
	v0 =	vadd.f32 v4, v0  }
0x14e: {  	v2 =	vld [tilespmem:s23+$0x6C30]  }
0x14f: {  	v52 =	vld [tilespmem:s23+$0x5840];
	[tilespmem:s11+$0x8080] =	vst v0  }
0x150: {  	v54 =	vld [tilespmem:s23+$0x6C40]  }
0x151: {  	v55 =	vld [tilespmem:s23+$0x5850]  }
0x152: {  	v56 =	vld [tilespmem:s23+$0x6C50]  }
0x153: {  	v57 =	vld [tilespmem:s23+$0x5860]  }
0x154: {  	v58 =	vld [tilespmem:s23+$0x6C60]  }
0x155: {  	v59 =	vld [tilespmem:s23+$0x5870]  }
0x156: {  	v53 =	vadd.f32 v6, v1;
	v60 =	vld [tilespmem:s23+$0x6C70]  }
0x157: {  	v61 =	vld [tilespmem:s23+$0x5880];
	v3 =	vadd.f32 v51, v7  }
0x158: {  	v62 =	vld [tilespmem:s23+$0x6C80];
	[tilespmem:s23+$0x8090] =	vst v53;
	v2 =	vadd.f32 v2, v5  }
0x159: {  	s26 =	sadd.s32 $0x3, s26;
	[tilespmem:s23+$0x8020] =	vst v3;
	v1 =	vadd.f32 v54, v52  }
0x15a: {  	s22 =	smul.u32 $0x14, s26;
	[tilespmem:s23+$0x8030] =	vst v2;
	v0 =	vadd.f32 v56, v55  }
0x15b: {  	v3 =	vadd.f32 v58, v57;
	[tilespmem:s23+$0x8040] =	vst v1  }
0x15c: {  	s22 =	sadd.s32 s15, s22;
	v63 =	vadd.f32 v60, v59;
	[tilespmem:s23+$0x8050] =	vst v0  }
0x15d: {  	s22 =	sshll.u32 s22, $0x4;
	[tilespmem:s23+$0x8060] =	vst v3;
	v1 =	vadd.f32 v62, v61  }
0x15e: {  	s22 =	sand.u32 $0x1FFFFFC0, s22;
	[tilespmem:s23+$0x8070] =	vst v63  }
0x15f: {  	s11 =	smul.u32 $0x50, s26;
	s22 =	sadd.s32 s8, s22;
	[tilespmem:s23+$0x8080] =	vst v1  }
0x160: {  	[hbm4b:s22+s5] =	stream.linear.scatter [tilespmem:s2], [sflag:$0x6], $0xA00, $0x38;
	[tilespmem:$0xDD40] =	vst v63  }
0x161: {  	s10 =	sadd.s32 $0x1, s10;
	s26 =	sadd.s32 $0x2710, s11  }
0x162: {  	[spmem:s3] =	stream.indirect.scatter.add.f32 [tilespmem:s25], [sflag:$0x8], $0x10, s26, s28, $0xb8;
	[tilespmem:$0xDD40] =	vst v63  }
0x163: {  	p0 =	sne.s32 s10, $0x3C  }
0x164: {  	[spmem:s4] =	stream.indirect.scatter.add.f32 [tilespmem:s25], [sflag:$0xA], $0x10, s11, s28, $0xb8;
	[tilespmem:$0xDD40] =	vst v63  }
.Ltmp4:
0x165: {  	_ = 	snop;
	(pc) =	sbr.rel @p0 .LBB2_6-.Ltmp4, $4  }
0x166: {  	s23 =	sadd.s32 $0x190, s24  }
0x167: {  	[tilespmem:s31], [sflag:$0x2] =	stream.indirect.gather [hbm4b:s0+s28], $0x20, s23, s28, $0xb8;
	[tilespmem:$0xDD40] =	vst v63  }
0x168: {  	s26 =	sadd.s32 $0x28A0, s24  }
0x169: {  	[tilespmem:s1], [sflag:$0x4] =	stream.indirect.gather [hbm4b:s6+s28], $0x20, s26, s28, $0xb8;
	[tilespmem:$0xDD40] =	vst v63  }
0x16a: {  	_ =	swait.ge [sflag:s7], $0xA00  }
0x16b: {  	[sflag:s7] =	ssyncset.done $0x0  }
0x16c: {  	[sflag:s7] =	ssyncadd.s32 $0xFFFFF600  }
0x16d: {  	_ =	swait.ge [sflag:s9], $0xA00  }
0x16e: {  	[sflag:s9] =	ssyncset.done $0x0  }
0x16f: {  	[sflag:s9] =	ssyncadd.s32 $0xFFFFF600  }
0x170: {  	_ =	swait.ge [sflag:s16], $0xA00  }
0x171: {  	[sflag:s16] =	ssyncset.done $0x0  }
0x172: {  	[sflag:s16] =	ssyncadd.s32 $0xFFFFF600  }
0x173: {  	_ =	swait.ge [sflag:s17], $0x500  }
0x174: {  	[sflag:s17] =	ssyncset.done $0x0  }
0x175: {  	[sflag:s17] =	ssyncadd.s32 $0xFFFFFB00  }
0x176: {  	_ =	swait.ge [sflag:s18], $0x500  }
0x177: {  	[sflag:s18] =	ssyncset.done $0x0  }
0x178: {  	s10 =	simm.s32 $0x0;
	[sflag:s18] =	ssyncadd.s32 $0xFFFFFB00  }
0x179: {  	v0 =	vld [tilespmem:s10+$0x4E90]  }
0x17a: {  	v1 =	vld [tilespmem:s10+$0x6290]  }
0x17b: {  	v2 =	vld [tilespmem:s10+$0x4E20]  }
0x17c: {  	v3 =	vld [tilespmem:s10+$0x6220]  }
0x17d: {  	v4 =	vld [tilespmem:s10+$0x4E30]  }
0x17e: {  	v5 =	vld [tilespmem:s10+$0x6230]  }
0x17f: {  	v6 =	vld [tilespmem:s10+$0x4E40]  }
0x180: {  	v7 =	vld [tilespmem:s10+$0x4E50]  }
0x181: {  	v0 =	vadd.f32 v1, v0;
	v1 =	vld [tilespmem:s10+$0x6240]  }
0x182: {  	v8 =	vld [tilespmem:s10+$0x6250]  }
0x183: {  	v9 =	vld [tilespmem:s10+$0x6260];
	v2 =	vadd.f32 v3, v2  }
0x184: {  	[tilespmem:s10+$0x7690] =	vst v0;
	v0 =	vadd.f32 v5, v4;
	v5 =	vld [tilespmem:s10+$0x4E60]  }
0x185: {  	v3 =	vld [tilespmem:s10+$0x6270];
	[tilespmem:s10+$0x7620] =	vst v2  }
0x186: {  	v2 =	vld [tilespmem:s10+$0x4E70];
	[tilespmem:s10+$0x7630] =	vst v0;
	v0 =	vadd.f32 v1, v6  }
0x187: {  	v4 =	vld [tilespmem:s10+$0x6280];
	v6 =	vadd.f32 v8, v7  }
0x188: {  	s11 =	simm.s32 $0x80;
	[tilespmem:s10+$0x7640] =	vst v0;
	v0 =	vld [tilespmem:s10+$0x4E80]  }
0x189: {  	s22 =	simm.s32 $0x400;
	v5 =	vadd.f32 v9, v5;
	v1 =	vld [tilespmem:s11+$0x4E90];
	[tilespmem:s10+$0x7650] =	vst v6  }
.LBB2_12:
0x18a: {  	p0 =	sne.s32 s22, $0x2600;
	v6 =	vld [tilespmem:s11+$0x6290]  }
0x18b: {  	v7 =	vld [tilespmem:s11+$0x4E20];
	[tilespmem:s10+$0x7660] =	vst v5;
	v2 =	vadd.f32 v3, v2  }
0x18c: {  	v3 =	vld [tilespmem:s11+$0x6220]  }
0x18d: {  	v5 =	vld [tilespmem:s11+$0x4E30];
	[tilespmem:s10+$0x7670] =	vst v2;
	v0 =	vadd.f32 v4, v0  }
0x18e: {  	v2 =	vld [tilespmem:s11+$0x6230]  }
0x18f: {  	v4 =	vld [tilespmem:s11+$0x4E40];
	v1 =	vadd.f32 v6, v1;
	[tilespmem:s10+$0x7680] =	vst v0;
	s10 =	smov.u32 s11  }
0x190: {  	v0 =	vld [tilespmem:s10+$0x6240]  }
0x191: {  	v3 =	vadd.f32 v3, v7;
	v6 =	vld [tilespmem:s10+$0x4E50];
	[tilespmem:s10+$0x7690] =	vst v1  }
0x192: {  	v1 =	vld [tilespmem:s10+$0x6250]  }
0x193: {  	[tilespmem:s10+$0x7620] =	vst v3;
	v2 =	vadd.f32 v2, v5;
	v5 =	vld [tilespmem:s10+$0x4E60]  }
0x194: {  	v7 =	vld [tilespmem:s10+$0x6260]  }
.Ltmp5:
0x195: {  	[tilespmem:s10+$0x7630] =	vst v2;
	v0 =	vadd.f32 v0, v4;
	v2 =	vld [tilespmem:s10+$0x4E70];
	(pc) =	sbr.rel @p0 .LBB2_12-.Ltmp5, $4  }
0x196: {  	v3 =	vld [tilespmem:s10+$0x6270]  }
0x197: {  	[tilespmem:s10+$0x7640] =	vst v0;
	v6 =	vadd.f32 v1, v6;
	v0 =	vld [tilespmem:s10+$0x4E80]  }
0x198: {  	s11 =	sshra.s32 s22, $0x2;
	v4 =	vld [tilespmem:s10+$0x6280]  }
0x199: {  	s22 =	sadd.s32 $0x200, s22;
	v1 =	vld [tilespmem:s11+$0x4E90];
	[tilespmem:s10+$0x7650] =	vst v6;
	v5 =	vadd.f32 v7, v5  }
0x19a: {  	v6 =	vld [tilespmem:s11+$0x6290]  }
0x19b: {  	v7 =	vld [tilespmem:s11+$0x4E20];
	[tilespmem:s10+$0x7660] =	vst v5;
	v2 =	vadd.f32 v3, v2  }
0x19c: {  	v3 =	vld [tilespmem:s11+$0x6220]  }
0x19d: {  	v5 =	vld [tilespmem:s11+$0x4E30];
	[tilespmem:s10+$0x7670] =	vst v2;
	v0 =	vadd.f32 v4, v0  }
0x19e: {  	v2 =	vld [tilespmem:s11+$0x6230]  }
0x19f: {  	v4 =	vld [tilespmem:s11+$0x4E40];
	[tilespmem:s10+$0x7680] =	vst v0  }
0x1a0: {  	v0 =	vadd.f32 v6, v1;
	v1 =	vld [tilespmem:s11+$0x6240]  }
0x1a1: {  	v6 =	vld [tilespmem:s11+$0x4E50]  }
0x1a2: {  	v3 =	vadd.f32 v3, v7;
	[tilespmem:s11+$0x7690] =	vst v0;
	v0 =	vld [tilespmem:s11+$0x6250]  }
0x1a3: {  	v7 =	vld [tilespmem:s11+$0x6280]  }
0x1a4: {  	[tilespmem:s11+$0x7620] =	vst v3;
	v2 =	vadd.f32 v2, v5;
	v3 =	vld [tilespmem:s11+$0x4E60]  }
0x1a5: {  	v5 =	vld [tilespmem:s11+$0x6260]  }
0x1a6: {  	[tilespmem:s11+$0x7630] =	vst v2;
	v1 =	vadd.f32 v1, v4;
	v2 =	vld [tilespmem:s11+$0x4E70]  }
0x1a7: {  	v4 =	vld [tilespmem:s11+$0x6270]  }
0x1a8: {  	[tilespmem:s11+$0x7640] =	vst v1;
	v1 =	vld [tilespmem:s11+$0x4E80];
	_ =	sdelay $0x1  }
0x1a9: {  	v0 =	vadd.f32 v0, v6  }
0x1aa: {  	v3 =	vadd.f32 v5, v3  }
0x1ab: {  	[tilespmem:s11+$0x7650] =	vst v0;
	v0 =	vadd.f32 v4, v2  }
0x1ac: {  	[tilespmem:s11+$0x7660] =	vst v3;
	v1 =	vadd.f32 v7, v1  }
0x1ad: {  	[tilespmem:s11+$0x7670] =	vst v0  }
0x1ae: {  	s24 =	simm.s32 $0x0;
	s26 =	rddreg [dreg:$0xe];
	[tilespmem:s11+$0x7680] =	vst v1  }
0x1af: {  	[hbm4b:s26+s24] =	stream.linear.scatter [tilespmem:s12], [sflag:$0x5], $0xA00, $0x38;
	[tilespmem:$0xDD40] =	vst v63  }
0x1b0: {  	s22 =	simm.s32 $0x4D30  }
0x1b1: {  	[spmem:s3] =	stream.indirect.scatter.add.f32 [tilespmem:s25], [sflag:$0x7], $0x10, s22, s28, $0xb8;
	[tilespmem:$0xDD40] =	vst v63  }
0x1b2: {  	s23 =	simm.s32 $0x2620  }
0x1b3: {  	[spmem:s4] =	stream.indirect.scatter.add.f32 [tilespmem:s25], [sflag:$0x9], $0x10, s23, s28, $0xb8;
	[tilespmem:$0xDD40] =	vst v63  }
0x1b4: {  	s24 =	simm.s32 $0x26C0  }
0x1b5: {  	[tilespmem:s29], [sflag:$0x1] =	stream.indirect.gather [hbm4b:s0+s28], $0x20, s24, s28, $0xb8;
	[tilespmem:$0xDD40] =	vst v63  }
0x1b6: {  	s26 =	simm.s32 $0x4DD0  }
0x1b7: {  	[tilespmem:s30], [sflag:$0x3] =	stream.indirect.gather [hbm4b:s6+s28], $0x20, s26, s28, $0xb8;
	[tilespmem:$0xDD40] =	vst v63  }
0x1b8: {  	_ =	swait.ge [sflag:s13], $0xA00  }
0x1b9: {  	[sflag:s13] =	ssyncset.done $0x0  }
0x1ba: {  	[sflag:s13] =	ssyncadd.s32 $0xFFFFF600  }
0x1bb: {  	_ =	swait.ge [sflag:s14], $0xA00  }
0x1bc: {  	[sflag:s14] =	ssyncset.done $0x0  }
0x1bd: {  	[sflag:s14] =	ssyncadd.s32 $0xFFFFF600  }
0x1be: {  	_ =	swait.ge [sflag:s19], $0xA00  }
0x1bf: {  	[sflag:s19] =	ssyncset.done $0x0  }
0x1c0: {  	[sflag:s19] =	ssyncadd.s32 $0xFFFFF600  }
0x1c1: {  	_ =	swait.ge [sflag:s20], $0x500  }
0x1c2: {  	[sflag:s20] =	ssyncset.done $0x0  }
0x1c3: {  	[sflag:s20] =	ssyncadd.s32 $0xFFFFFB00  }
0x1c4: {  	_ =	swait.ge [sflag:s21], $0x500  }
0x1c5: {  	[sflag:s21] =	ssyncset.done $0x0  }
0x1c6: {  	s10 =	simm.s32 $0x0;
	[sflag:s21] =	ssyncadd.s32 $0xFFFFFB00  }
0x1c7: {  	v0 =	vld [tilespmem:s10+$0x5890]  }
0x1c8: {  	v1 =	vld [tilespmem:s10+$0x6C90]  }
0x1c9: {  	v2 =	vld [tilespmem:s10+$0x5820]  }
0x1ca: {  	v3 =	vld [tilespmem:s10+$0x6C20]  }
0x1cb: {  	v4 =	vld [tilespmem:s10+$0x5830]  }
0x1cc: {  	v5 =	vld [tilespmem:s10+$0x6C30]  }
0x1cd: {  	v6 =	vld [tilespmem:s10+$0x5840]  }
0x1ce: {  	v7 =	vld [tilespmem:s10+$0x5850]  }
0x1cf: {  	v0 =	vadd.f32 v1, v0;
	v1 =	vld [tilespmem:s10+$0x6C40]  }
0x1d0: {  	v8 =	vld [tilespmem:s10+$0x6C50]  }
0x1d1: {  	v9 =	vld [tilespmem:s10+$0x6C60];
	v2 =	vadd.f32 v3, v2  }
0x1d2: {  	[tilespmem:s10+$0x8090] =	vst v0;
	v0 =	vadd.f32 v5, v4;
	v5 =	vld [tilespmem:s10+$0x5860]  }
0x1d3: {  	v3 =	vld [tilespmem:s10+$0x6C70];
	[tilespmem:s10+$0x8020] =	vst v2  }
0x1d4: {  	v2 =	vld [tilespmem:s10+$0x5870];
	[tilespmem:s10+$0x8030] =	vst v0;
	v0 =	vadd.f32 v1, v6  }
0x1d5: {  	v4 =	vld [tilespmem:s10+$0x6C80];
	v6 =	vadd.f32 v8, v7  }
0x1d6: {  	s11 =	simm.s32 $0x80;
	[tilespmem:s10+$0x8040] =	vst v0;
	v0 =	vld [tilespmem:s10+$0x5880]  }
0x1d7: {  	s22 =	simm.s32 $0x400;
	s23 =	simm.s32 $0xB;
	s26 =	simm.s32 $0x2760;
	v5 =	vadd.f32 v9, v5;
	v1 =	vld [tilespmem:s11+$0x5890];
	[tilespmem:s10+$0x8050] =	vst v6  }
.LBB2_14:
0x1d8: {  	p0 =	sne.s32 s22, $0x2600;
	v6 =	vld [tilespmem:s11+$0x6C90]  }
0x1d9: {  	v7 =	vld [tilespmem:s11+$0x5820];
	[tilespmem:s10+$0x8060] =	vst v5;
	v2 =	vadd.f32 v3, v2  }
0x1da: {  	v3 =	vld [tilespmem:s11+$0x6C20]  }
0x1db: {  	v5 =	vld [tilespmem:s11+$0x5830];
	[tilespmem:s10+$0x8070] =	vst v2;
	v0 =	vadd.f32 v4, v0  }
0x1dc: {  	v2 =	vld [tilespmem:s11+$0x6C30]  }
0x1dd: {  	v4 =	vld [tilespmem:s11+$0x5840];
	v1 =	vadd.f32 v6, v1;
	[tilespmem:s10+$0x8080] =	vst v0;
	s10 =	smov.u32 s11  }
0x1de: {  	v0 =	vld [tilespmem:s10+$0x6C40]  }
0x1df: {  	v3 =	vadd.f32 v3, v7;
	v6 =	vld [tilespmem:s10+$0x5850];
	[tilespmem:s10+$0x8090] =	vst v1  }
0x1e0: {  	v1 =	vld [tilespmem:s10+$0x6C50]  }
0x1e1: {  	[tilespmem:s10+$0x8020] =	vst v3;
	v2 =	vadd.f32 v2, v5;
	v5 =	vld [tilespmem:s10+$0x5860]  }
0x1e2: {  	v7 =	vld [tilespmem:s10+$0x6C60]  }
.Ltmp6:
0x1e3: {  	[tilespmem:s10+$0x8030] =	vst v2;
	v0 =	vadd.f32 v0, v4;
	v2 =	vld [tilespmem:s10+$0x5870];
	(pc) =	sbr.rel @p0 .LBB2_14-.Ltmp6, $4  }
0x1e4: {  	v3 =	vld [tilespmem:s10+$0x6C70]  }
0x1e5: {  	[tilespmem:s10+$0x8040] =	vst v0;
	v6 =	vadd.f32 v1, v6;
	v0 =	vld [tilespmem:s10+$0x5880]  }
0x1e6: {  	s11 =	sshra.s32 s22, $0x2;
	v4 =	vld [tilespmem:s10+$0x6C80]  }
0x1e7: {  	s22 =	sadd.s32 $0x200, s22;
	v1 =	vld [tilespmem:s11+$0x5890];
	[tilespmem:s10+$0x8050] =	vst v6;
	v5 =	vadd.f32 v7, v5  }
0x1e8: {  	v6 =	vld [tilespmem:s11+$0x6C90]  }
0x1e9: {  	v7 =	vld [tilespmem:s11+$0x5820];
	[tilespmem:s10+$0x8060] =	vst v5;
	v2 =	vadd.f32 v3, v2  }
0x1ea: {  	v3 =	vld [tilespmem:s11+$0x6C20]  }
0x1eb: {  	v5 =	vld [tilespmem:s11+$0x5830];
	[tilespmem:s10+$0x8070] =	vst v2;
	v0 =	vadd.f32 v4, v0  }
0x1ec: {  	v2 =	vld [tilespmem:s11+$0x6C30]  }
0x1ed: {  	v4 =	vld [tilespmem:s11+$0x5840];
	[tilespmem:s10+$0x8080] =	vst v0  }
0x1ee: {  	v0 =	vadd.f32 v6, v1;
	v1 =	vld [tilespmem:s11+$0x6C40]  }
0x1ef: {  	v6 =	vld [tilespmem:s11+$0x5850]  }
0x1f0: {  	v3 =	vadd.f32 v3, v7;
	[tilespmem:s11+$0x8090] =	vst v0;
	v0 =	vld [tilespmem:s11+$0x6C50]  }
0x1f1: {  	v7 =	vld [tilespmem:s11+$0x6C80]  }
0x1f2: {  	[tilespmem:s11+$0x8020] =	vst v3;
	v2 =	vadd.f32 v2, v5;
	v3 =	vld [tilespmem:s11+$0x5860]  }
0x1f3: {  	v5 =	vld [tilespmem:s11+$0x6C60]  }
0x1f4: {  	[tilespmem:s11+$0x8030] =	vst v2;
	v1 =	vadd.f32 v1, v4;
	v2 =	vld [tilespmem:s11+$0x5870]  }
0x1f5: {  	v4 =	vld [tilespmem:s11+$0x6C70]  }
0x1f6: {  	[tilespmem:s11+$0x8040] =	vst v1;
	v1 =	vld [tilespmem:s11+$0x5880];
	_ =	sdelay $0x1  }
0x1f7: {  	v0 =	vadd.f32 v0, v6  }
0x1f8: {  	v3 =	vadd.f32 v5, v3  }
0x1f9: {  	[tilespmem:s11+$0x8050] =	vst v0;
	v0 =	vadd.f32 v4, v2  }
0x1fa: {  	[tilespmem:s11+$0x8060] =	vst v3;
	v1 =	vadd.f32 v7, v1  }
0x1fb: {  	[tilespmem:s11+$0x8070] =	vst v0  }
0x1fc: {  	s22 =	simm.s32 $0x0;
	s24 =	rddreg [dreg:$0xf];
	[tilespmem:s11+$0x8080] =	vst v1  }
0x1fd: {  	[hbm4b:s24+s22] =	stream.linear.scatter [tilespmem:s2], [sflag:$0x6], $0xA00, $0x38;
	[tilespmem:$0xDD40] =	vst v63  }
0x1fe: {  	s22 =	simm.s32 $0x4D80  }
0x1ff: {  	[spmem:s3] =	stream.indirect.scatter.add.f32 [tilespmem:s25], [sflag:$0x8], $0x10, s22, s28, $0xb8;
	[tilespmem:$0xDD40] =	vst v63  }
0x200: {  	s24 =	simm.s32 $0x2670  }
0x201: {  	[spmem:s4] =	stream.indirect.scatter.add.f32 [tilespmem:s25], [sflag:$0xA], $0x10, s24, s28, $0xb8;
	[tilespmem:$0xDD40] =	vst v63  }
0x202: {  	_ =	swait.ge [sflag:s7], $0xA00  }
0x203: {  	[sflag:s7] =	ssyncset.done $0x0  }
0x204: {  	[sflag:s7] =	ssyncadd.s32 $0xFFFFF600  }
0x205: {  	_ =	swait.ge [sflag:s9], $0xA00  }
0x206: {  	[sflag:s9] =	ssyncset.done $0x0  }
0x207: {  	[sflag:s9] =	ssyncadd.s32 $0xFFFFF600  }
0x208: {  	_ =	swait.ge [sflag:s16], $0xA00  }
0x209: {  	[sflag:s16] =	ssyncset.done $0x0  }
0x20a: {  	[sflag:s16] =	ssyncadd.s32 $0xFFFFF600  }
0x20b: {  	_ =	swait.ge [sflag:s17], $0x500  }
0x20c: {  	[sflag:s17] =	ssyncset.done $0x0  }
0x20d: {  	[sflag:s17] =	ssyncadd.s32 $0xFFFFFB00  }
0x20e: {  	_ =	swait.ge [sflag:s18], $0x500  }
0x20f: {  	[sflag:s18] =	ssyncset.done $0x0  }
0x210: {  	s10 =	simm.s32 $0x0;
	[sflag:s18] =	ssyncadd.s32 $0xFFFFFB00  }
0x211: {  	v0 =	vld [tilespmem:s10+$0x4E90]  }
0x212: {  	v1 =	vld [tilespmem:s10+$0x6290]  }
0x213: {  	v2 =	vld [tilespmem:s10+$0x4E20]  }
0x214: {  	v3 =	vld [tilespmem:s10+$0x6220]  }
0x215: {  	v4 =	vld [tilespmem:s10+$0x4E30]  }
0x216: {  	v5 =	vld [tilespmem:s10+$0x6230]  }
0x217: {  	v6 =	vld [tilespmem:s10+$0x4E40]  }
0x218: {  	v7 =	vld [tilespmem:s10+$0x4E50]  }
0x219: {  	v0 =	vadd.f32 v1, v0;
	v1 =	vld [tilespmem:s10+$0x6240]  }
0x21a: {  	v8 =	vld [tilespmem:s10+$0x6250]  }
0x21b: {  	v9 =	vld [tilespmem:s10+$0x6260];
	v2 =	vadd.f32 v3, v2  }
0x21c: {  	[tilespmem:s10+$0x7690] =	vst v0;
	v0 =	vadd.f32 v5, v4;
	v5 =	vld [tilespmem:s10+$0x4E60]  }
0x21d: {  	v3 =	vld [tilespmem:s10+$0x6270];
	[tilespmem:s10+$0x7620] =	vst v2  }
0x21e: {  	v2 =	vld [tilespmem:s10+$0x4E70];
	[tilespmem:s10+$0x7630] =	vst v0;
	v0 =	vadd.f32 v1, v6  }
0x21f: {  	v4 =	vld [tilespmem:s10+$0x6280];
	v6 =	vadd.f32 v8, v7  }
0x220: {  	s11 =	simm.s32 $0x80;
	[tilespmem:s10+$0x7640] =	vst v0;
	v0 =	vld [tilespmem:s10+$0x4E80]  }
0x221: {  	s22 =	simm.s32 $0x400;
	s24 =	simm.s32 $0x2710;
	v5 =	vadd.f32 v9, v5;
	v1 =	vld [tilespmem:s11+$0x4E90];
	[tilespmem:s10+$0x7650] =	vst v6  }
.LBB2_16:
0x222: {  	p0 =	sne.s32 s22, $0x2600;
	v6 =	vld [tilespmem:s11+$0x6290]  }
0x223: {  	v7 =	vld [tilespmem:s11+$0x4E20];
	[tilespmem:s10+$0x7660] =	vst v5;
	v2 =	vadd.f32 v3, v2  }
0x224: {  	v3 =	vld [tilespmem:s11+$0x6220]  }
0x225: {  	v5 =	vld [tilespmem:s11+$0x4E30];
	[tilespmem:s10+$0x7670] =	vst v2;
	v0 =	vadd.f32 v4, v0  }
0x226: {  	v2 =	vld [tilespmem:s11+$0x6230]  }
0x227: {  	v4 =	vld [tilespmem:s11+$0x4E40];
	v1 =	vadd.f32 v6, v1;
	[tilespmem:s10+$0x7680] =	vst v0;
	s10 =	smov.u32 s11  }
0x228: {  	v0 =	vld [tilespmem:s10+$0x6240]  }
0x229: {  	v3 =	vadd.f32 v3, v7;
	v6 =	vld [tilespmem:s10+$0x4E50];
	[tilespmem:s10+$0x7690] =	vst v1  }
0x22a: {  	v1 =	vld [tilespmem:s10+$0x6250]  }
0x22b: {  	[tilespmem:s10+$0x7620] =	vst v3;
	v2 =	vadd.f32 v2, v5;
	v5 =	vld [tilespmem:s10+$0x4E60]  }
0x22c: {  	v7 =	vld [tilespmem:s10+$0x6260]  }
.Ltmp7:
0x22d: {  	[tilespmem:s10+$0x7630] =	vst v2;
	v0 =	vadd.f32 v0, v4;
	v2 =	vld [tilespmem:s10+$0x4E70];
	(pc) =	sbr.rel @p0 .LBB2_16-.Ltmp7, $4  }
0x22e: {  	v3 =	vld [tilespmem:s10+$0x6270]  }
0x22f: {  	[tilespmem:s10+$0x7640] =	vst v0;
	v6 =	vadd.f32 v1, v6;
	v0 =	vld [tilespmem:s10+$0x4E80]  }
0x230: {  	s11 =	sshra.s32 s22, $0x2;
	v4 =	vld [tilespmem:s10+$0x6280]  }
0x231: {  	s22 =	sadd.s32 $0x200, s22;
	v1 =	vld [tilespmem:s11+$0x4E90];
	[tilespmem:s10+$0x7650] =	vst v6;
	v5 =	vadd.f32 v7, v5  }
0x232: {  	v6 =	vld [tilespmem:s11+$0x6290]  }
0x233: {  	v7 =	vld [tilespmem:s11+$0x4E20];
	[tilespmem:s10+$0x7660] =	vst v5;
	v2 =	vadd.f32 v3, v2  }
0x234: {  	v51 =	vld [tilespmem:s11+$0x6220]  }
0x235: {  	v5 =	vld [tilespmem:s11+$0x4E30];
	[tilespmem:s10+$0x7670] =	vst v2;
	v0 =	vadd.f32 v4, v0  }
0x236: {  	v2 =	vld [tilespmem:s11+$0x6230]  }
0x237: {  	v52 =	vld [tilespmem:s11+$0x4E40];
	[tilespmem:s10+$0x7680] =	vst v0  }
0x238: {  	v54 =	vld [tilespmem:s11+$0x6240]  }
0x239: {  	v55 =	vld [tilespmem:s11+$0x4E50]  }
0x23a: {  	v56 =	vld [tilespmem:s11+$0x6250]  }
0x23b: {  	v57 =	vld [tilespmem:s11+$0x4E60]  }
0x23c: {  	v58 =	vld [tilespmem:s11+$0x6260]  }
0x23d: {  	v59 =	vld [tilespmem:s11+$0x4E70]  }
0x23e: {  	v53 =	vadd.f32 v6, v1;
	v60 =	vld [tilespmem:s11+$0x6270]  }
0x23f: {  	v61 =	vld [tilespmem:s11+$0x4E80];
	v3 =	vadd.f32 v51, v7  }
0x240: {  	v62 =	vld [tilespmem:s11+$0x6280];
	[tilespmem:s11+$0x7690] =	vst v53;
	v2 =	vadd.f32 v2, v5  }
0x241: {  	[tilespmem:s11+$0x7620] =	vst v3;
	v1 =	vadd.f32 v54, v52  }
0x242: {  	[tilespmem:s11+$0x7630] =	vst v2;
	v0 =	vadd.f32 v56, v55  }
0x243: {  	v3 =	vadd.f32 v58, v57;
	[tilespmem:s11+$0x7640] =	vst v1  }
0x244: {  	v63 =	vadd.f32 v60, v59;
	[tilespmem:s11+$0x7650] =	vst v0  }
0x245: {  	[tilespmem:s11+$0x7660] =	vst v3;
	v1 =	vadd.f32 v62, v61  }
0x246: {  	[tilespmem:s11+$0x7670] =	vst v63  }
0x247: {  	s22 =	rddreg [dreg:$0x10];
	[tilespmem:s11+$0x7680] =	vst v1  }
0x248: {  	[hbm4b:s22+s5] =	stream.linear.scatter [tilespmem:s12], [sflag:$0x5], $0xA00, $0x38;
	[tilespmem:$0xDD40] =	vst v63  }
0x249: {  	s11 =	simm.s32 $0x4DD0  }
0x24a: {  	[spmem:s3] =	stream.indirect.scatter.add.f32 [tilespmem:s25], [sflag:$0x7], $0x10, s11, s28, $0xb8;
	[tilespmem:$0xDD40] =	vst v63  }
0x24b: {  	s22 =	simm.s32 $0x26C0  }
0x24c: {  	[spmem:s4] =	stream.indirect.scatter.add.f32 [tilespmem:s25], [sflag:$0x9], $0x10, s22, s28, $0xb8;
	[tilespmem:$0xDD40] =	vst v63  }
0x24d: {  	_ =	swait.ge [sflag:s19], $0xA00  }
0x24e: {  	[sflag:s19] =	ssyncset.done $0x0  }
0x24f: {  	[sflag:s19] =	ssyncadd.s32 $0xFFFFF600  }
0x250: {  	_ =	swait.ge [sflag:s16], $0xA00  }
0x251: {  	[sflag:s16] =	ssyncset.done $0x0  }
0x252: {  	[sflag:s16] =	ssyncadd.s32 $0xFFFFF600  }
0x253: {  	_ =	swait.ge [sflag:s20], $0x500  }
0x254: {  	[sflag:s20] =	ssyncset.done $0x0  }
0x255: {  	[sflag:s20] =	ssyncadd.s32 $0xFFFFFB00  }
0x256: {  	_ =	swait.ge [sflag:s21], $0x500  }
0x257: {  	[sflag:s21] =	ssyncset.done $0x0  }
0x258: {  	[sflag:s21] =	ssyncadd.s32 $0xFFFFFB00  }
0x259: {  	_ =	swait.ge [sflag:s17], $0x500  }
0x25a: {  	[sflag:s17] =	ssyncset.done $0x0  }
0x25b: {  	[sflag:s17] =	ssyncadd.s32 $0xFFFFFB00  }
0x25c: {  	_ =	swait.ge [sflag:s18], $0x500  }
0x25d: {  	[sflag:s18] =	ssyncset.done $0x0  }
0x25e: {  	[sflag:s18] =	ssyncadd.s32 $0xFFFFFB00  }
0x25f: {  	[bflag:$0x0] =	sbarrier.arrive $0xFFFF  }
0x260: {  	s22 =	rddreg [dreg:$0x8]  }
0x261: {  	s10 =	rddreg [dreg:$0x12]  }
0x262: {  	s11 =	rddreg [dreg:$0x15]  }
0x263: {  	[hbm:s10], [sflag:s22] =	dma.local [spmem:s11], $0x4E2  }
0x264: {  	_ =	swait.ge [sflag:s23], $0x4E2  }
0x265: {  	[sflag:s23] =	ssyncset.done $0x0;
	s10 =	rddreg [dreg:$0x13]  }
0x266: {  	s11 =	rddreg [dreg:$0x16];
	[sflag:s23] =	ssyncadd.s32 $0xFFFFFB1E  }
0x267: {  	[hbm:s10], [sflag:s22] =	dma.local [spmem:s11], $0x4E2  }
0x268: {  	_ =	swait.ge [sflag:s23], $0x4E2  }
0x269: {  	s10 =	rddreg [dreg:$0x14]  }
0x26a: {  	s11 =	sadd.s32 $0x1, s10;
	s10 =	rddreg [dreg:$0x11]  }
0x26b: {  	p0 =	sne.s32 s11, s10  }
.Ltmp8:
0x26c: {  	_ = 	snop;
	(pc) =	sbr.rel @p0 .LBB2_1-.Ltmp8, $3  }
0x26d: {  	_ =	sdelay $0x1  }
0x26e: {  	[sflag:s23] =	ssyncset.done $0x0  }
0x26f: {  	[sflag:s23] =	ssyncadd.s32 $0xFFFFFB1E  }
0x270: {  	_ =	sfence.sel $0x180000  }
0x271: {  	[bflag:$0x0] =	sbarrier.arrive $0xFFFF  }
0x272: {  	_ =	strace $0x90000047  }
0x273: {  	s0 =	stileid.u32;
	[bflag:$0x2] =	sbarrier.arrive $0xFFFF  }
0x274: {  	p0 =	sne.s32 s0, $0x0;
	s0 =	rddreg [dreg:$0x4]  }
0x275: {  	s0 =	sadd.s32 @!p0 $0x100000, s0  }
0x276: {  	[sflag:s0] =	ssyncadd.tile.s32 @!p0 $0x1;
	_ =	shalt  }
.Lfunc_end2:
_tile_overlayer_lowered:
.L_overlay_start_2:
0x277: {  	(tag) =	ssettag $0x2  }
0x278: {  	s0 =	rddreg [dreg:$0x0];
	s2 =	stileid.u32  }
0x279: {  	s1 =	rddreg [dreg:$0x1];
	p0 =	sne.s32 s2, $0x0  }
0x27a: {  	s3 =	rddreg [dreg:$0x2];
	[bflag:$0x3] =	sbarrier.arrive $0xFFFF;
	s2 =	simm.s32 @!p0 $0x1C0B  }
0x27b: {  	[timem:s3], [sflag:s2] =	dma.local @!p0 [hbm:s0], s1  }
0x27c: {  	s0 =	simm.s32 @!p0 $0xB  }
0x27d: {  	_ =	swait.ge @!p0 [sflag:s0], s1  }
0x27e: {  	s1 =	ssub.s32 @!p0 $0x0, s1;
	[sflag:s0] =	ssyncset.done @!p0 $0x0  }
0x27f: {  	[sflag:s0] =	ssyncadd.s32 @!p0 s1  }
0x280: {  	[bflag:$0x3] =	sbarrier.arrive $0xFFFF  }
0x281: {  	_ =	shalt  }

// kernel: sparse-core-data-format-call.cloned.1.call-start
scs
called_computation_lowered:
.L_overlay_start_0:
0x0: {  	s2 =	sld [smem:$0x3FD9]  }
0x1: {  	s3 =	sld [smem:$0x3FFE];
	_ =	sdelay $0x1  }
0x2: {  	s1 =	srdreg.scid  }
0x3: {  	s0 =	sand.u32 $0x1, s1  }
0x4: {  	s16 =	sshll.u32 s0, $0xA;
	s2 =	sadd.s32 s3, s2  }
0x5: {  	s2 =	sadd.s32 s2, s16  }
0x6: {  	[smem:$0x3FB1] =	sst s2  }
0x7: {  	_ = 	snop  }
0x8: {  	s2 =	sld [smem:$0x3FD0];
	_ =	sdelay $0x2  }
0x9: {  	s17 =	simm.s32 $0xB;
	s4 =	simm.s32 $0x10  }
0xa: {  	[smem:s4], [sflag:s17] =	dma.local [hbm:s2], $0x1  }
0xb: {  	_ =	swait.eq [sflag:s17], $0x1  }
0xc: {  	[sflag:s17] =	ssyncset.done $0x0  }
0xd: {  	[sflag:s17] =	ssyncadd.s32 $0xFFFFFFFF  }
0xe: {  	s18 =	sld [smem:$0x10];
	(tm) =	ssettm $0x1  }
0xf: {  	s19 =	sld [smem:$0x3FFB];
	_ =	sdelay $0x3  }
0x10: {  	_ =	strace s19  }
0x11: {  	s2 =	sld [smem:$0x3FFC];
	_ =	sdelay $0x3  }
0x12: {  	_ =	strace s2  }
0x13: {  	s2 =	sld [smem:$0x3FFD];
	_ =	sdelay $0x3  }
0x14: {  	_ =	strace s2  }
0x15: {  	_ =	strace $0x8FFFFFFF  }
0x16: {  	s20 =	sld [smem:$0x3FDB];
	_ =	sdelay $0x1  }
0x17: {  	s21 =	simm.s32 $_scs_section_size  }
0x18: {  	s5 =	simm.s32 $_size__tile_overlayer_lowered;
	s6 =	simm.s32 $_tile_overlayer_lowered  }
0x19: {  	s7 =	simm.s32 $0x1BFF;
	s22 =	sshll.u32 s6, $0x1;
	s4 =	sadd.s32 s21, s20  }
0x1a: {  	s23 =	simm.s32 $0x0;
	s5 =	sshll.u32 s5, $0x1;
	s6 =	sadd.s32 s22, s4  }
0x1b: {  	[timem:s23], [sflag:s7] =	dma.local [hbm:s6], s5  }
0x1c: {  	_ =	swait.ge [sflag:s7], s5  }
0x1d: {  	s5 =	ssub.s32 $0x0, s5;
	[sflag:s7] =	ssyncset.done $0x0  }
0x1e: {  	[sflag:s7] =	ssyncadd.s32 s5;
	_ =	sdelay $0x1  }
0x1f: {  	s24 =	simm.s32 $0x1B8B  }
0x20: {  	_ =	swait.ge [sflag:s24], $0x1  }
0x21: {  	[sflag:s24] =	ssyncset.done $0x0  }
0x22: {  	[sflag:s24] =	ssyncadd.s32 $0xFFFFFFFF  }
0x23: {  	s5 =	sld [smem:$0x0]  }
0x24: {  	s6 =	sand.u32 $0xFFFFFFFE, s1  }
0x25: {  	p0 =	sne.s32 s1, s6  }
0x26: {  	s6 =	sshll.u32 @p0 s6, $0xE  }
0x27: {  	s6 =	sadd.s32 @p0 $0x11B8D, s6;
	s7 =	sshll.u32 @p0 s5, $0x11  }
0x28: {  	s6 =	sor.u32 @p0 s7, s6  }
0x29: {  	[sflag:s6] =	ssyncadd.remote.s32 @p0 $0x1;
	_ =	sdelay $0x1  }
0x2a: {  	s6 =	simm.s32 @p0 $0x1B8D  }
0x2b: {  	_ =	swait.eq @p0 [sflag:s6], $0x1  }
0x2c: {  	[sflag:s6] =	ssyncadd.s32 @p0 $0xFFFFFFFF  }
0x2d: {  	s7 =	sshll.u32 @!p0 s1, $0xE  }
0x2e: {  	s7 =	sor.u32 @!p0 $0x4000, s7;
	s6 =	simm.s32 @!p0 $0x1B8D  }
0x2f: {  	s5 =	sshll.u32 @!p0 s5, $0x11;
	s7 =	sadd.s32 @!p0 $0x11B8D, s7;
	_ =	swait.eq @!p0 [sflag:s6], $0x1  }
0x30: {  	s5 =	sor.u32 @!p0 s5, s7;
	[sflag:s6] =	ssyncadd.s32 @!p0 $0xFFFFFFFF  }
0x31: {  	s26 =	simm.s32 $0x1B8E;
	s25 =	sld [smem:$0x3FFE];
	[sflag:s5] =	ssyncadd.remote.s32 @!p0 $0x1  }
0x32: {  	s27 =	simm.s32 $execute0_lowered;
	[smem:$0x3FD2] =	sst s26  }
0x33: {  	s6 =	sshll.u32 s27, $0x1;
	_ =	strace $0x8000004C;
	[dreg:$0x1] =	wrdreg $0xFFFFFFFF  }
0x34: {  	s28 =	simm.s32 $_size_execute0_lowered;
	s4 =	sadd.s32 s4, s6;
	[dreg:$0x0] =	wrdreg $0x0  }
0x35: {  	s6 =	sshll.u32 s28, $0x1;
	[dreg:$0x2] =	wrdreg s4  }
0x36: {  	[dreg:$0x3] =	wrdreg s6  }
0x37: {  	[dreg:$0x4] =	wrdreg $0xC0  }
0x38: {  	_ =	task [dreg:s23], $0x5FFFF  }
0x39: {  	[dreg:$0x1] =	wrdreg $0xFFFFFFFF  }
0x3a: {  	[dreg:$0x0] =	wrdreg $0x60  }
0x3b: {  	[dreg:$0x2] =	wrdreg s25  }
0x3c: {  	[dreg:$0x3] =	wrdreg s18  }
0x3d: {  	[dreg:$0x4] =	wrdreg $0x9  }
0x3e: {  	_ =	task.clear_ibuf [dreg:s23], $0x5FFFF;
	_ =	strace $0x9000004C  }
0x3f: {  	s29 =	simm.s32 $0x9;
	_ =	strace $0x8000004E  }
0x40: {  	_ =	swait.ge [sflag:s29], $0x1  }
0x41: {  	[sflag:s29] =	ssyncadd.s32 $0xFFFFFFFF  }
0x42: {  	_ =	strace $0x9000004E  }
0x43: {  	_ =	sfence  }
0x44: {  	s30 =	sld [smem:$0x0];
	_ =	sdelay $0x2  }
0x45: {  	s31 =	sshll.u32 s1, $0xD;
	s1 =	sshrl.u32 s1, $0x2  }
0x46: {  	s4 =	sand.u32 $0x4000, s31;
	s1 =	sadd.s32 s1, s30  }
0x47: {  	s0 =	sor.u32 s4, s0;
	s1 =	sshll.u32 s1, $0x11  }
0x48: {  	s0 =	sor.u32 s1, s0  }
0x49: {  	s0 =	sadd.s32 $0x8F2B, s0  }
0x4a: {  	[sflag:s0] =	ssyncadd.remote.s32 $0x1  }
0x4b: {  	_ =	sfence.sel $0xFFFF  }
0x4c: {  	[dreg:$0x0] =	wrdreg $0xFFFFFFFF;
	(pc) =	sbr.abs _section_cstart, $3  }
0x4d: {  	[dreg:$0x1] =	wrdreg $0xFFFFFFFF  }
0x4e: {  	_ =	task.clear_ibuf [dreg:s23], $0x2FFFF;
	_ =	strace $0x9FFFFFFF  }
0x4f: {  	(tm) =	ssettm $0x7FFFFFFF  }
tec
execute0_lowered:
.L_overlay_start_1:
0x0: {  	(tag) =	ssettag $0x1  }
0x1: {  	s0 =	srdreg.scid  }
0x2: {  	s1 =	sshll.u32 s0, $0x4  }
0x3: {  	s4 =	rddreg [dreg:$0x0];
	s0 =	stileid.u32;
	s1 =	sand.u32 $0x10, s1  }
0x4: {  	s2 =	rddreg [dreg:$0x1];
	s7 =	simm.s32 $0x1;
	s1 =	sor.u32 s0, s1  }
0x5: {  	s8 =	simm.s32 $0x2;
	s11 =	simm.s32 $0x0;
	s3 =	sshll.u32 s1, $0x7  }
0x6: {  	s10 =	simm.s32 $0x0;
	s4 =	sadd.s32 $0x2D5C00, s4;
	s6 =	ssub.s32 $0x4E200, s3  }
.Ltmp0:
0x7: {  	s1 =	rddreg [dreg:$0x2];
	s5 =	sand.u32 $0xF80, s6;
	(pc) =	sbr.rel .LBB1_1-.Ltmp0, $4  }
0x8: {  	_ =	strace $0x8000004D;
	s9 =	smov.u32 s3;
	p0 =	sne.s32 s5, $0x0  }
0x9: {  	s6 =	sshrl.u32 s6, $0xC;
	s5 =	simm.s32 $0x1;
	s7 =	simm.s32 @!p0 $0x0  }
0xa: {  	[sflag:s5] =	ssyncpa.u1 $0x0;
	p0 =	por $0x0, $0x0;
	s6 =	sadd.s32 s7, s6  }
0xb: {  	[sflag:s8] =	ssyncpa.u1 $0x0;
	s8 =	simm.s32 $0x271000;
	s7 =	sadd.s32 $0x1, s6  }
.LBB1_4:
0xc: {  	s14 =	sshll.u32 s11, $0x3  }
0xd: {  	s30 =	sand.u32 $0x7F, s11;
	s14 =	sand.u32 $0xFFFFFC00, s14  }
0xe: {  	s11 =	sor.u32 s30, s14  }
0xf: {  	s15 =	smulhi.u32 $0xD1B71759, s11;
	_ =	sdelay $0x1  }
0x10: {  	s14 =	smulhi.u32 $0xD1B71759, s14;
	s15 =	sshrl.u32 s15, $0x12  }
0x11: {  	s15 =	smul.u32 $0x4E200, s15  }
0x12: {  	s14 =	sshrl.u32 s14, $0x12  }
0x13: {  	s14 =	sand.u32 $0x1F, s14;
	s11 =	ssub.s32 s11, s15  }
0x14: {  	s14 =	smul.u32 $0x9C40, s14;
	s15 =	sshrl.u32 s11, $0x3;
	s11 =	sand.u32 $0x7, s11  }
0x15: {  	s15 =	sadd.s32 s2, s15;
	s11 =	sshll.u32 s11, $0x12  }
0x16: {  	[tilespmem:s13+$0x0 ss:$0x81] =	vst.msk $0xffff, v0;
	s31 =	sadd.s32 s14, s15;
	s11 =	sor.u32 $0x400, s11  }
0x17: {  	[hbm4b:s31+s11] =	stream.strided.scatter [tilespmem:s12], [sflag:$0x2], $0x1000, s8, s11, $0x20;
	[tilespmem:$0x4040] =	vst v63  }
.LBB1_5:
0x18: {  	s13 =	sadd.s32 $0x1000, s9  }
0x19: {  	p2 =	sgt.s32 s13, $0x4E1FF  }
0x1a: {  	s13 =	smov.u32 @p2 s3;
	p2 =	sne.s32 s10, s7  }
.Ltmp1:
0x1b: {  	p1 =	slt.u32 s10, $0x2;
	(pc) =	sbr.rel @!p2 .LBB1_6-.Ltmp1, $4  }
0x1c: {  	s12 =	simm.s32 @!p1 $0x2  }
0x1d: {  	s14 =	sadd.s32 $0x1, s10;
	_ =	swait.ge @!p1 [sflag:s12], $0x1000  }
0x1e: {  	s11 =	smov.u32 s9;
	p0 =	por !p0, !p0;
	[sflag:s12] =	ssyncset.done @!p1 $0x0  }
0x1f: {  	s10 =	smov.u32 s14;
	s9 =	smov.u32 s13;
	[sflag:s12] =	ssyncadd.s32 @!p1 $0xFFFFF000  }
.LBB1_1:
0x20: {  	p1 =	sge.u32 s10, s6  }
0x21: {  	s12 =	sand.u32 @!p1 $0x1FFFFFF, s9  }
0x22: {  	s13 =	smulhi.u32 @!p1 $0x1A36E2F, s12;
	_ =	sdelay $0x1  }
0x23: {  	s13 =	sshrl.u32 @!p1 s13, $0xB  }
0x24: {  	s13 =	smul.u32 @!p1 $0x4E200, s13;
	_ =	sdelay $0x1  }
0x25: {  	s31 =	sadd.s32 $0xFFFFFFFF, s10;
	s14 =	sxor.u32 @!p1 $0xFFFFFFFF, s10;
	s12 =	ssub.s32 @!p1 s12, s13  }
0x26: {  	s15 =	simm.s32 @!p1 $0x80;
	s14 =	sshll.u32 @!p1 s14, $0xC;
	s12 =	sshll.u32 @!p1 s12, $0x4  }
0x27: {  	s13 =	sand.u32 @!p1 $0x1000, s14;
	s14 =	simm.s32 @!p1 $0x20;
	s12 =	sadd.s32 @!p1 s4, s12  }
0x28: {  	[tilespmem:s13], [sflag:$0x1] =	stream.strided.gather @!p1 [hbm4b:s12+s14], $0x1000, s15, s14, $0x38;
	[tilespmem:$0x4040] =	vst v63  }
0x29: {  	p1 =	sge.u32 s31, s6  }
.Ltmp2:
0x2a: {  	_ = 	snop;
	(pc) =	sbr.rel @p1 .LBB1_5-.Ltmp2, $1  }
0x2b: {  	_ =	sdelay $0x3  }
0x2c: {  	s12 =	simm.s32 $0x1  }
0x2d: {  	_ =	swait.ge [sflag:s5], $0x1000;
	s12 =	simm.s32 @!p0 $0x0  }
0x2e: {  	[sflag:s5] =	ssyncset.done $0x0;
	s13 =	sshll.u32 s12, $0xC  }
0x2f: {  	[sflag:s5] =	ssyncadd.s32 $0xFFFFF000;
	s16 =	sor.u32 $0x10, s13  }
0x30: {  	s12 =	smul.u32 $0x4080, s12;
	v1 =	vld [tilespmem:s16+$0x0]  }
0x31: {  	s30 =	sand.u32 $0x1, s10;
	v0 =	vld [tilespmem:s16+$0xFFFFFFF0]  }
0x32: {  	s13 =	smul.u32 $0x4080, s30;
	s12 =	sshrl.u32 s12, $0x2  }
0x33: {  	s14 =	sor.u32 $0x2000, s12  }
0x34: {  	s31 =	sshrl.u32 s13, $0x2;
	s13 =	sadd.s32 $0x0, s14  }
0x35: {  	s15 =	simm.s32 $0x4;
	s16 =	sadd.s32 $0x20, s16;
	s12 =	sor.u32 $0x2000, s31;
	[tilespmem:s13+$0x810 ss:$0x81] =	vst.msk $0xffff, v1  }
.LBB1_3:
0x36: {  	v1 =	vld [tilespmem:s16+$0x0];
	p1 =	sne.s32 s15, $0x1FC;
	[tilespmem:s13+$0x0 ss:$0x81] =	vst.msk $0xffff, v0;
	s13 =	smov.u32 s15;
	s15 =	sadd.s32 $0x4, s15  }
.Ltmp3:
0x37: {  	v0 =	vld [tilespmem:s16+$0xFFFFFFF0];
	(pc) =	sbr.rel @p1 .LBB1_3-.Ltmp3, $4  }
0x38: {  	_ = 	snop  }
0x39: {  	s13 =	sshra.s32 s13, $0x2  }
0x3a: {  	s13 =	sadd.s32 s13, s14  }
0x3b: {  	s16 =	sadd.s32 $0x20, s16;
	[tilespmem:s13+$0x810 ss:$0x81] =	vst.msk $0xffff, v1  }
.Ltmp4:
0x3c: {  	_ = 	snop;
	(pc) =	sbr.rel .LBB1_4-.Ltmp4, $1  }
0x3d: {  	_ =	sdelay $0x3  }
.LBB1_6:
0x3e: {  	_ =	sfence.sel $0x180000  }
0x3f: {  	s2 =	simm.s32 $0x1;
	[bflag:$0x0] =	sbarrier.arrive $0xFFFF  }
0x40: {  	s31 =	simm.s32 $0x2;
	[sflag:s2] =	ssyncpa.u1 $0x1  }
0x41: {  	[sflag:s31] =	ssyncpa.u1 $0x1  }
0x42: {  	p0 =	sne.s32 s0, $0x0;
	_ =	strace $0x9000004D  }
0x43: {  	s0 =	sadd.s32 @!p0 $0x100000, s1;
	[bflag:$0x2] =	sbarrier.arrive $0xFFFF  }
0x44: {  	[sflag:s0] =	ssyncadd.tile.s32 @!p0 $0x1;
	_ =	shalt  }
.Lfunc_end1:
_tile_overlayer_lowered:
.L_overlay_start_2:
0x45: {  	(tag) =	ssettag $0x2  }
0x46: {  	s0 =	rddreg [dreg:$0x0];
	s2 =	stileid.u32  }
0x47: {  	s1 =	rddreg [dreg:$0x1];
	p0 =	sne.s32 s2, $0x0  }
0x48: {  	s3 =	rddreg [dreg:$0x2];
	[bflag:$0x3] =	sbarrier.arrive $0xFFFF;
	s2 =	simm.s32 @!p0 $0x1C01  }
0x49: {  	[timem:s3], [sflag:s2] =	dma.local @!p0 [hbm:s0], s1  }
0x4a: {  	s0 =	simm.s32 @!p0 $0x1  }
0x4b: {  	_ =	swait.ge @!p0 [sflag:s0], s1  }
0x4c: {  	s1 =	ssub.s32 @!p0 $0x0, s1;
	[sflag:s0] =	ssyncset.done @!p0 $0x0  }
0x4d: {  	[sflag:s0] =	ssyncadd.s32 @!p0 s1  }
0x4e: {  	[bflag:$0x3] =	sbarrier.arrive $0xFFFF  }
0x4f: {  	_ =	shalt  }

</sc_bundles>
